<compile_context>
chip_gen: v7x
topology: tpu7x:2x2x1
jax: 0.10.2.dev20260603
libtpu: 0.0.44.dev20260713+nightly
codegen_flags: <defaults>
</compile_context>

<pallas_src>
import functools

import jax
import jax.numpy as jnp
from jax import lax
from jax.experimental import pallas as pl
from jax.experimental.pallas import tpu as pltpu
from jax.experimental.pallas import tpu_sc as plsc

NSAMP = 64
NSTEP = 4
NPER = 16
BASEVAR = 64.0
NRAYS = 65536
L = 16
NC, NS = 2, 16
NWORK = NC * NS
GROUPS = NRAYS // L
GPW = GROUPS // NWORK
RPW = GPW * L
CH = 16
NCHUNK = GPW // CH
SOUT = NSAMP + NSTEP * NPER
NOUT = SOUT + 1


def _sqrtv(a):
    i = lax.bitcast_convert_type(a, jnp.int32)
    x = lax.bitcast_convert_type(jnp.int32(0x5F3759DF) - (i >> 1), jnp.float32)
    for _ in range(3):
        x = x * (1.5 - 0.5 * a * x * x)
    return a * x


def _search_right(ref, v, length, lane):
    pos = jnp.zeros((L,), jnp.int32)
    step = 64
    while step >= 1:
        cand = jnp.minimum(pos + step, length - 1)
        av = plsc.load_gather(ref, [cand * L + lane])
        pos = jnp.where(av <= v, cand, pos)
        step //= 2
    return pos + 1


def _sc_body(org_hbm, dir_hbm, near_hbm, far_hbm, out_hbm,
             org_v, dir_v, near_v, far_v, outc_v,
             spb_a, sdf_a, spb_b, sdf_b, cdf, delta, ubin, sdf0, sem):
    cid = lax.axis_index("c")
    sid = lax.axis_index("s")
    wid = sid * NC + cid
    lane = lax.iota(jnp.int32, L)
    zf = jnp.zeros((L,), jnp.float32)
    zi = jnp.zeros((L,), jnp.int32)
    onei = jnp.ones((L,), jnp.int32)

    pltpu.sync_copy(org_hbm.at[pl.ds(wid * (RPW * 3), RPW * 3)], org_v)
    pltpu.sync_copy(dir_hbm.at[pl.ds(wid * (RPW * 3), RPW * 3)], dir_v)
    pltpu.sync_copy(near_hbm.at[pl.ds(wid * RPW, RPW)], near_v)
    pltpu.sync_copy(far_hbm.at[pl.ds(wid * RPW, RPW)], far_v)

    def row(ref, i):
        return ref[pl.ds(i * L, L)]

    def setrow(ref, i, v):
        ref[pl.ds(i * L, L)] = v

    @plsc.parallel_loop(0, NOUT)
    def _(i):
        setrow(delta, i, zi)

    @plsc.parallel_loop(0, NSAMP + 1)
    def _(j):
        setrow(ubin, j, jnp.broadcast_to(
            lax.convert_element_type(j, jnp.float32) * (1.0 / NSAMP), (L,)))

    def do_group(g, gi, obase):
        r3 = (g * L + lane) * 3
        ox = plsc.load_gather(org_v, [r3])
        oy = plsc.load_gather(org_v, [r3 + 1])
        oz = plsc.load_gather(org_v, [r3 + 2])
        dx = plsc.load_gather(dir_v, [r3])
        dy = plsc.load_gather(dir_v, [r3 + 1])
        dz = plsc.load_gather(dir_v, [r3 + 2])
        near = row(near_v, g)
        far = row(far_v, g)
        fmn = far - near

        def sdf_at(x):
            t = near + x * fmn
            px = ox + dx * t
            py = oy + dy * t
            pz = oz + dz * t
            return _sqrtv(px * px + py * py + pz * pz) - 1.0

        @plsc.parallel_loop(0, NSAMP)
        def _(j):
            setrow(sdf0, j, sdf_at(row(ubin, j)))

        setrow(cdf, 0, zf)
        oray = obase + gi * (L * NOUT) + lane * NOUT

        srcs = [(ubin, sdf0), (spb_b, sdf_b), (spb_a, sdf_a), (spb_b, sdf_b)]
        dsts = [(spb_b, sdf_b), (spb_a, sdf_a), (spb_b, sdf_b), (None, None)]
        for it in range(NSTEP):
            S = NSAMP + NPER * it
            spb_src, sdf_src = srcs[it]
            spb_dst, sdf_dst = dsts[it]
            last = it == NSTEP - 1
            inv_s = BASEVAR * (2.0 ** it)

            def passA(s, carry):
                trans, pcraw, c = carry
                sdf_s = row(sdf_src, s)
                spb_s = row(spb_src, s)
                sdf_n = row(sdf_src, s + 1)
                spb_n = row(spb_src, s + 1)
                dlt = (spb_n - spb_s) * fmn
                cos = (sdf_n - sdf_s) / (dlt + 1e-5)
                cv = jnp.clip(jnp.minimum(pcraw, cos), -1e3, 0.0)
                mid = (sdf_s + sdf_n) * 0.5
                h = cv * dlt * 0.5
                ea = jnp.exp(jnp.minimum((h - mid) * inv_s, 40.0))
                eb = jnp.exp(jnp.minimum((-h - mid) * inv_s, 40.0))
                q = 1e-5 * ((1.0 + ea) * (1.0 + eb))
                alpha = (eb - ea + q) / (1.0 + eb + q)
                c = c + alpha * trans + 1e-5
                trans = trans * ((1.0 + 1e-7) - alpha)
                setrow(cdf, s + 1, c)
                return (trans, cos, c)

            carry0 = (jnp.ones((L,), jnp.float32), zf, zf)
            _, _, c_end = plsc.parallel_loop(0, S - 1, carry=carry0)(passA)
            ws = c_end + 1e-5
            setrow(cdf, S, ws)

            def sample_one(kf):
                u = jnp.broadcast_to(kf * (1.0 / 17.0) + (1.0 / 34.0), (L,)) * ws
                inds = _search_right(cdf, u, S + 1, lane)
                below = (inds - 1) * L + lane
                above = inds * L + lane
                g0 = plsc.load_gather(cdf, [below])
                g1 = plsc.load_gather(cdf, [above])
                b0 = plsc.load_gather(spb_src, [below])
                b1 = plsc.load_gather(spb_src, [above])
                t = jnp.clip((u - g0) / (g1 - g0), 0.0, 1.0)
                return b0 + t * (b1 - b0), inds

            @plsc.parallel_loop(0, NPER)
            def _(k):
                bv, pb = sample_one(lax.convert_element_type(k, jnp.float32))
                plsc.addupdate_scatter(delta, [pb * L + lane], onei)
                rb = pb + jnp.broadcast_to(k, (L,)).astype(jnp.int32)
                if last:
                    plsc.store_scatter(outc_v, [oray + rb], near + bv * fmn)
                else:
                    plsc.store_scatter(spb_dst, [rb * L + lane], bv)
                    plsc.store_scatter(sdf_dst, [rb * L + lane], sdf_at(bv))
            end_b, _ = sample_one(jnp.float32(NPER))

            def apass(i, cnt):
                dv = row(delta, i)
                setrow(delta, i, zi)
                cnt = cnt + dv
                r = cnt + jnp.broadcast_to(i, (L,)).astype(jnp.int32)
                av = row(spb_src, i)
                if last:
                    plsc.store_scatter(outc_v, [oray + r], near + av * fmn)
                else:
                    plsc.store_scatter(spb_dst, [r * L + lane], av)
                    plsc.store_scatter(sdf_dst, [r * L + lane], row(sdf_src, i))
                return cnt

            plsc.parallel_loop(0, S, carry=zi)(apass)
            setrow(delta, S, zi)

            endv = jnp.maximum(row(spb_src, S), end_b)
            if last:
                plsc.store_scatter(
                    outc_v, [oray + jnp.broadcast_to(SOUT, (L,)).astype(jnp.int32)],
                    near + endv * fmn)
            else:
                setrow(spb_dst, S + NPER, endv)

    CHSZ = CH * L * NOUT

    def chunk_body(c, _):
        obase = lax.rem(c, 2) * CHSZ

        @pl.when(c >= 2)
        def _():
            pltpu.make_async_copy(out_hbm.at[pl.ds(0, CHSZ)],
                                  outc_v.at[pl.ds(0, CHSZ)], sem).wait()

        def group_body(gg, _):
            do_group(c * CH + gg, gg, obase)
            return 0

        lax.fori_loop(0, CH, group_body, 0)
        pltpu.async_copy(
            outc_v.at[pl.ds(obase, CHSZ)],
            out_hbm.at[pl.ds((wid * GPW + c * CH) * (L * NOUT), CHSZ)], sem)
        return 0

    lax.fori_loop(0, NCHUNK, chunk_body, 0)
    for _ in range(2):
        pltpu.make_async_copy(out_hbm.at[pl.ds(0, CHSZ)],
                              outc_v.at[pl.ds(0, CHSZ)], sem).wait()


_mesh = plsc.VectorSubcoreMesh(core_axis_name="c", subcore_axis_name="s")

_sc_sampler = functools.partial(
    pl.kernel,
    out_type=jax.ShapeDtypeStruct((NRAYS * NOUT,), jnp.float32),
    mesh=_mesh,
    compiler_params=pltpu.CompilerParams(needs_layout_passes=False),
    scratch_types=[
        pltpu.VMEM((RPW * 3,), jnp.float32),
        pltpu.VMEM((RPW * 3,), jnp.float32),
        pltpu.VMEM((RPW,), jnp.float32),
        pltpu.VMEM((RPW,), jnp.float32),
        pltpu.VMEM((2 * CH * L * NOUT,), jnp.float32),
        pltpu.VMEM((NOUT * L,), jnp.float32),
        pltpu.VMEM((SOUT * L,), jnp.float32),
        pltpu.VMEM((NOUT * L,), jnp.float32),
        pltpu.VMEM((SOUT * L,), jnp.float32),
        pltpu.VMEM((NOUT * L,), jnp.float32),
        pltpu.VMEM((NOUT * L,), jnp.int32),
        pltpu.VMEM(((NSAMP + 1) * L,), jnp.float32),
        pltpu.VMEM((NSAMP * L,), jnp.float32),
        pltpu.SemaphoreType.DMA,
    ],
)(_sc_body)


def kernel(origins, directions, nears, fars):
    out = _sc_sampler(origins.reshape(-1), directions.reshape(-1),
                      nears.reshape(-1), fars.reshape(-1))
    return out.reshape(NRAYS, NOUT)

# --- scband reference (transcript-rebuilt; emitter-appended) ---
"""Pipeline reference for scband-neu-ssampler-67551245631717 (READ-ONLY COPY).

The authoritative reference and input builder live on the scoring server;
editing this copy changes nothing except your own understanding.
"""

import jax, jax.numpy as jnp
import numpy as np

NUM_SAMPLES = 64
NUM_SAMPLES_IMPORTANCE = 64
NUM_UPSAMPLE_STEPS = 4
BASE_VARIANCE = 64.0
N_RAYS = 65536


def setup_inputs(seed: int = 0) -> dict:
    key = jax.random.key(seed)
    k1, k2, k3 = jax.random.split(key, 3)
    origins = jax.random.normal(k1, (N_RAYS, 3), dtype=jnp.float32)
    directions = jax.random.normal(k2, (N_RAYS, 3), dtype=jnp.float32)
    nears = jax.random.uniform(k3, (N_RAYS, 1), dtype=jnp.float32)
    fars = jnp.ones((N_RAYS, 1), dtype=jnp.float32)
    return {"origins": origins, "directions": directions, "nears": nears, "fars": fars}


def _sdf_fn(origins, directions, euclid_starts):
    # sphere SDF stand-in for the callable sdf_fn passed to NeuSSampler.forward,
    # evaluated at the frustum start positions (as nerfstudio's NeuS model does).
    pos = origins[:, None, :] + directions[:, None, :] * euclid_starts[..., None]
    return jnp.linalg.norm(pos, axis=-1) - 1.0


def _rendering_sdf_fixed_inv_s(deltas_full, sdf, inv_s):
    n = sdf.shape[0]
    prev_sdf, next_sdf = sdf[:, :-1], sdf[:, 1:]
    deltas = deltas_full[:, :-1]
    mid_sdf = (prev_sdf + next_sdf) * 0.5
    cos_val = (next_sdf - prev_sdf) / (deltas + 1e-5)
    prev_cos_val = jnp.concatenate([jnp.zeros((n, 1), sdf.dtype), cos_val[:, :-1]], -1)
    cos_val = jnp.minimum(prev_cos_val, cos_val)
    cos_val = jnp.clip(cos_val, -1e3, 0.0)
    prev_esti = mid_sdf - cos_val * deltas * 0.5
    next_esti = mid_sdf + cos_val * deltas * 0.5
    prev_cdf = jax.nn.sigmoid(prev_esti * inv_s)
    next_cdf = jax.nn.sigmoid(next_esti * inv_s)
    return (prev_cdf - next_cdf + 1e-5) / (prev_cdf + 1e-5)


def _weights_from_alphas(alphas):
    n = alphas.shape[0]
    trans = jnp.cumprod(jnp.concatenate([jnp.ones((n, 1), alphas.dtype), 1.0 - alphas + 1e-7], -1), -1)
    return alphas * trans[:, :-1]


def _pdf_sample(spacing_starts, spacing_ends, weights, num_samples, eps=1e-5, histogram_padding=1e-5):
    # PDFSampler.generate_ray_samples, eval (deterministic) path, include_original=False
    num_bins = num_samples + 1
    w = weights + histogram_padding
    ws = jnp.sum(w, -1, keepdims=True)
    padding = jax.nn.relu(eps - ws)
    w = w + padding / w.shape[-1]
    ws = ws + padding
    pdf = w / ws
    cdf = jnp.minimum(jnp.ones_like(pdf), jnp.cumsum(pdf, -1))
    cdf = jnp.concatenate([jnp.zeros_like(cdf[:, :1]), cdf], -1)
    u = jnp.linspace(0.0, 1.0 - 1.0 / num_bins, num_bins, dtype=cdf.dtype) + 1.0 / (2 * num_bins)
    u = jnp.broadcast_to(u, (cdf.shape[0], num_bins))
    existing_bins = jnp.concatenate([spacing_starts, spacing_ends[:, -1:]], -1)
    inds = jax.vmap(lambda c, uu: jnp.searchsorted(c, uu, side='right'))(cdf, u)
    hi = existing_bins.shape[-1] - 1
    below = jnp.clip(inds - 1, 0, hi)
    above = jnp.clip(inds, 0, hi)
    cdf_g0 = jnp.take_along_axis(cdf, below, -1)
    bins_g0 = jnp.take_along_axis(existing_bins, below, -1)
    cdf_g1 = jnp.take_along_axis(cdf, above, -1)
    bins_g1 = jnp.take_along_axis(existing_bins, above, -1)
    t = jnp.clip(jnp.nan_to_num((u - cdf_g0) / (cdf_g1 - cdf_g0), nan=0.0), 0.0, 1.0)
    bins = bins_g0 + t * (bins_g1 - bins_g0)
    return jax.lax.stop_gradient(bins)


def reference(origins, directions, nears, fars):
    s_near, s_far = nears, fars  # UniformSampler: spacing_fn = identity

    def sp2e(x):
        return x * s_far + (1.0 - x) * s_near

    n = origins.shape[0]
    # UniformSampler, eval (deterministic) path
    bins = jnp.broadcast_to(jnp.linspace(0.0, 1.0, NUM_SAMPLES + 1, dtype=jnp.float32), (n, NUM_SAMPLES + 1))
    euclid = sp2e(bins)
    sp_starts, sp_ends = bins[:, :-1], bins[:, 1:]
    eu_starts, eu_ends = euclid[:, :-1], euclid[:, 1:]

    sdf = None
    sorted_index = None
    new_eu_starts = eu_starts
    n_per_step = NUM_SAMPLES_IMPORTANCE // NUM_UPSAMPLE_STEPS

    for it in range(NUM_UPSAMPLE_STEPS):
        new_sdf = jax.lax.stop_gradient(_sdf_fn(origins, directions, new_eu_starts))  # torch.no_grad
        if sorted_index is not None:
            sdf_merge = jnp.concatenate([sdf, new_sdf], -1)
            sdf = jnp.take_along_axis(sdf_merge, sorted_index, -1)
        else:
            sdf = new_sdf
        deltas = eu_ends - eu_starts
        alphas = _rendering_sdf_fixed_inv_s(deltas, sdf, BASE_VARIANCE * (2.0 ** it))
        weights = _weights_from_alphas(alphas)
        weights = jnp.concatenate([weights, jnp.zeros_like(weights[:, :1])], -1)
        new_bins = _pdf_sample(sp_starts, sp_ends, weights, n_per_step)
        new_sp_starts = new_bins[:, :-1]
        new_sp_ends = new_bins[:, 1:]
        new_eu_starts = sp2e(new_bins)[:, :-1]

        # merge_ray_samples
        ends = jnp.maximum(sp_ends[:, -1:], new_sp_ends[:, -1:])
        cat = jnp.concatenate([sp_starts, new_sp_starts], -1)
        sorted_index = jnp.argsort(cat, -1)
        merged = jnp.take_along_axis(cat, sorted_index, -1)
        merged_bins = jax.lax.stop_gradient(jnp.concatenate([merged, ends], -1))
        m_euclid = sp2e(merged_bins)
        sp_starts, sp_ends = merged_bins[:, :-1], merged_bins[:, 1:]
        eu_starts, eu_ends = m_euclid[:, :-1], m_euclid[:, 1:]

    final_bins = jnp.concatenate([sp_starts, sp_ends[:, -1:]], -1)
    return sp2e(final_bins)  # euclidean bin edges of final ray samples, [N, 129]

if __name__ == "__main__":
    import jax
    _d = setup_inputs()
    print(jax.jit(kernel)(*tuple(_d.values())))

</pallas_src>

<mosaic_0001>
#map = affine_map<(d0, d1) -> (0)>
module attributes {stable_mosaic.version = 14 : i64} {
  func.func @_sc_body(%arg0: i32, %arg1: i32, %arg2: memref<196608xf32, #tpu.memory_space<hbm>>, %arg3: memref<196608xf32, #tpu.memory_space<hbm>>, %arg4: memref<65536xf32, #tpu.memory_space<hbm>>, %arg5: memref<65536xf32, #tpu.memory_space<hbm>>, %arg6: memref<8454144xf32, #tpu.memory_space<hbm>>, %arg7: memref<6144xf32, #tpu.memory_space<vmem>>, %arg8: memref<6144xf32, #tpu.memory_space<vmem>>, %arg9: memref<2048xf32, #tpu.memory_space<vmem>>, %arg10: memref<2048xf32, #tpu.memory_space<vmem>>, %arg11: memref<66048xf32, #tpu.memory_space<vmem>>, %arg12: memref<2064xf32, #tpu.memory_space<vmem>>, %arg13: memref<2048xf32, #tpu.memory_space<vmem>>, %arg14: memref<2064xf32, #tpu.memory_space<vmem>>, %arg15: memref<2048xf32, #tpu.memory_space<vmem>>, %arg16: memref<2064xf32, #tpu.memory_space<vmem>>, %arg17: memref<2064xi32, #tpu.memory_space<vmem>>, %arg18: memref<1040xf32, #tpu.memory_space<vmem>>, %arg19: memref<1024xf32, #tpu.memory_space<vmem>>, %arg20: memref<!tpu.dma_semaphore, #tpu.memory_space<semaphore_mem>>) attributes {dimension_semantics = [#tpu.dimension_semantics<core_parallel>, #tpu.dimension_semantics<subcore_parallel>], iteration_bounds = array<i64: 2, 16>, scalar_prefetch = 0 : i64, scratch_operands = 14 : i64, tpu.core_type = #tpu.core_type<sc_vector_subcore>, window_params = [{transform_indices = #map}, {transform_indices = #map}, {transform_indices = #map}, {transform_indices = #map}, {transform_indices = #map}]} {
    %mul3A = arith.constant 2 : i32
    %mul3A_0 = arith.muli %arg1, %mul3A : i32
    %add3A = arith.addi %mul3A_0, %arg0 : i32
    %iota3A = tpu.iota {dimensions = array<i32: 0>} : vector<16xi32>
    %broadcast_in_dim3A = arith.constant 0.000000e+00 : f32
    %broadcast_in_dim3A_1 = vector.broadcast %broadcast_in_dim3A : f32 to vector<16xf32>
    %broadcast_in_dim3A_2 = arith.constant 0 : i32
    %broadcast_in_dim3A_3 = vector.broadcast %broadcast_in_dim3A_2 : i32 to vector<16xi32>
    %broadcast_in_dim3A_4 = arith.constant 1 : i32
    %broadcast_in_dim3A_5 = vector.broadcast %broadcast_in_dim3A_4 : i32 to vector<16xi32>
    %mul3A_6 = arith.constant 6144 : i32
    %mul3A_7 = arith.muli %add3A, %mul3A_6 : i32
    "tpu.region"() ({
      %run_scoped3A = tpu.sem_alloc : memref<!tpu.dma_semaphore, #tpu.memory_space<semaphore_mem>>
      %dma_start3A = tpu.memref_slice %arg2[%mul3A_7] : memref<196608xf32, #tpu.memory_space<hbm>> -> memref<6144xf32, #tpu.memory_space<hbm>>
      %dma_start3A_40 = tpu.memref_slice %arg2[%mul3A_7] : memref<196608xf32, #tpu.memory_space<hbm>> -> memref<6144xf32, #tpu.memory_space<hbm>>
      tpu.enqueue_dma source(%dma_start3A_40 : memref<6144xf32, #tpu.memory_space<hbm>>) target(%arg7 : memref<6144xf32, #tpu.memory_space<vmem>>) target_semaphore(%run_scoped3A : memref<!tpu.dma_semaphore, #tpu.memory_space<semaphore_mem>>)
      %dma_wait3A_41 = tpu.memref_slice %arg2[%mul3A_7] : memref<196608xf32, #tpu.memory_space<hbm>> -> memref<6144xf32, #tpu.memory_space<hbm>>
      %dma_wait3A_42 = tpu.memref_slice %arg2[%mul3A_7] : memref<196608xf32, #tpu.memory_space<hbm>> -> memref<6144xf32, #tpu.memory_space<hbm>>
      tpu.wait_dma2 semaphore(%run_scoped3A : memref<!tpu.dma_semaphore, #tpu.memory_space<semaphore_mem>>) src(%dma_wait3A_42 : memref<6144xf32, #tpu.memory_space<hbm>>) dst(%arg7 : memref<6144xf32, #tpu.memory_space<vmem>>)
      tpu.yield
    }) : () -> ()
    %mul3A_8 = arith.constant 6144 : i32
    %mul3A_9 = arith.muli %add3A, %mul3A_8 : i32
    "tpu.region"() ({
      %run_scoped3A = tpu.sem_alloc : memref<!tpu.dma_semaphore, #tpu.memory_space<semaphore_mem>>
      %dma_start3A = tpu.memref_slice %arg3[%mul3A_9] : memref<196608xf32, #tpu.memory_space<hbm>> -> memref<6144xf32, #tpu.memory_space<hbm>>
      %dma_start3A_40 = tpu.memref_slice %arg3[%mul3A_9] : memref<196608xf32, #tpu.memory_space<hbm>> -> memref<6144xf32, #tpu.memory_space<hbm>>
      tpu.enqueue_dma source(%dma_start3A_40 : memref<6144xf32, #tpu.memory_space<hbm>>) target(%arg8 : memref<6144xf32, #tpu.memory_space<vmem>>) target_semaphore(%run_scoped3A : memref<!tpu.dma_semaphore, #tpu.memory_space<semaphore_mem>>)
      %dma_wait3A_41 = tpu.memref_slice %arg3[%mul3A_9] : memref<196608xf32, #tpu.memory_space<hbm>> -> memref<6144xf32, #tpu.memory_space<hbm>>
      %dma_wait3A_42 = tpu.memref_slice %arg3[%mul3A_9] : memref<196608xf32, #tpu.memory_space<hbm>> -> memref<6144xf32, #tpu.memory_space<hbm>>
      tpu.wait_dma2 semaphore(%run_scoped3A : memref<!tpu.dma_semaphore, #tpu.memory_space<semaphore_mem>>) src(%dma_wait3A_42 : memref<6144xf32, #tpu.memory_space<hbm>>) dst(%arg8 : memref<6144xf32, #tpu.memory_space<vmem>>)
      tpu.yield
    }) : () -> ()
    %mul3A_10 = arith.constant 2048 : i32
    %mul3A_11 = arith.muli %add3A, %mul3A_10 : i32
    "tpu.region"() ({
      %run_scoped3A = tpu.sem_alloc : memref<!tpu.dma_semaphore, #tpu.memory_space<semaphore_mem>>
      %dma_start3A = tpu.memref_slice %arg4[%mul3A_11] : memref<65536xf32, #tpu.memory_space<hbm>> -> memref<2048xf32, #tpu.memory_space<hbm>>
      %dma_start3A_40 = tpu.memref_slice %arg4[%mul3A_11] : memref<65536xf32, #tpu.memory_space<hbm>> -> memref<2048xf32, #tpu.memory_space<hbm>>
      tpu.enqueue_dma source(%dma_start3A_40 : memref<2048xf32, #tpu.memory_space<hbm>>) target(%arg9 : memref<2048xf32, #tpu.memory_space<vmem>>) target_semaphore(%run_scoped3A : memref<!tpu.dma_semaphore, #tpu.memory_space<semaphore_mem>>)
      %dma_wait3A_41 = tpu.memref_slice %arg4[%mul3A_11] : memref<65536xf32, #tpu.memory_space<hbm>> -> memref<2048xf32, #tpu.memory_space<hbm>>
      %dma_wait3A_42 = tpu.memref_slice %arg4[%mul3A_11] : memref<65536xf32, #tpu.memory_space<hbm>> -> memref<2048xf32, #tpu.memory_space<hbm>>
      tpu.wait_dma2 semaphore(%run_scoped3A : memref<!tpu.dma_semaphore, #tpu.memory_space<semaphore_mem>>) src(%dma_wait3A_42 : memref<2048xf32, #tpu.memory_space<hbm>>) dst(%arg9 : memref<2048xf32, #tpu.memory_space<vmem>>)
      tpu.yield
    }) : () -> ()
    %mul3A_12 = arith.constant 2048 : i32
    %mul3A_13 = arith.muli %add3A, %mul3A_12 : i32
    "tpu.region"() ({
      %run_scoped3A = tpu.sem_alloc : memref<!tpu.dma_semaphore, #tpu.memory_space<semaphore_mem>>
      %dma_start3A = tpu.memref_slice %arg5[%mul3A_13] : memref<65536xf32, #tpu.memory_space<hbm>> -> memref<2048xf32, #tpu.memory_space<hbm>>
      %dma_start3A_40 = tpu.memref_slice %arg5[%mul3A_13] : memref<65536xf32, #tpu.memory_space<hbm>> -> memref<2048xf32, #tpu.memory_space<hbm>>
      tpu.enqueue_dma source(%dma_start3A_40 : memref<2048xf32, #tpu.memory_space<hbm>>) target(%arg10 : memref<2048xf32, #tpu.memory_space<vmem>>) target_semaphore(%run_scoped3A : memref<!tpu.dma_semaphore, #tpu.memory_space<semaphore_mem>>)
      %dma_wait3A_41 = tpu.memref_slice %arg5[%mul3A_13] : memref<65536xf32, #tpu.memory_space<hbm>> -> memref<2048xf32, #tpu.memory_space<hbm>>
      %dma_wait3A_42 = tpu.memref_slice %arg5[%mul3A_13] : memref<65536xf32, #tpu.memory_space<hbm>> -> memref<2048xf32, #tpu.memory_space<hbm>>
      tpu.wait_dma2 semaphore(%run_scoped3A : memref<!tpu.dma_semaphore, #tpu.memory_space<semaphore_mem>>) src(%dma_wait3A_42 : memref<2048xf32, #tpu.memory_space<hbm>>) dst(%arg10 : memref<2048xf32, #tpu.memory_space<vmem>>)
      tpu.yield
    }) : () -> ()
    %parallel_loop3A = arith.constant 0 : i32
    %parallel_loop3A_14 = arith.constant 129 : i32
    %parallel_loop3A_15 = arith.constant 1 : i32
    scf.for %parallel_loop3A_40 = %parallel_loop3A to %parallel_loop3A_14 step %parallel_loop3A_15  : i32 {
      %parallel_loop3A_41 = arith.constant 16 : i32
      %parallel_loop3A_42 = arith.muli %parallel_loop3A_40, %parallel_loop3A_41 : i32
      %parallel_loop3A_43 = arith.index_cast %parallel_loop3A_42 : i32 to index
      %parallel_loop3A_44 = tpu.vector_load %arg17[%parallel_loop3A_43] {strides = array<i32>} : memref<2064xi32, #tpu.memory_space<vmem>>, vector<16xi32>,
      tpu.vector_store %arg17[%parallel_loop3A_43], %broadcast_in_dim3A_3 {strides = array<i32>} : memref<2064xi32, #tpu.memory_space<vmem>>, vector<16xi32>,
    } {sc.loop_unroll_factor = 1 : i64, sc.parallel_access}
    %parallel_loop3A_16 = arith.constant 0 : i32
    %parallel_loop3A_17 = arith.constant 65 : i32
    %parallel_loop3A_18 = arith.constant 1 : i32
    scf.for %parallel_loop3A_40 = %parallel_loop3A_16 to %parallel_loop3A_17 step %parallel_loop3A_18  : i32 {
      %parallel_loop3A_41 = arith.sitofp %parallel_loop3A_40 : i32 to f32
      %parallel_loop3A_42 = arith.constant 1.562500e-02 : f32
      %parallel_loop3A_43 = arith.mulf %parallel_loop3A_41, %parallel_loop3A_42 : f32
      %parallel_loop3A_44 = vector.broadcast %parallel_loop3A_43 : f32 to vector<16xf32>
      %parallel_loop3A_45 = arith.constant 16 : i32
      %parallel_loop3A_46 = arith.muli %parallel_loop3A_40, %parallel_loop3A_45 : i32
      %parallel_loop3A_47 = arith.index_cast %parallel_loop3A_46 : i32 to index
      %parallel_loop3A_48 = tpu.vector_load %arg18[%parallel_loop3A_47] {strides = array<i32>} : memref<1040xf32, #tpu.memory_space<vmem>>, vector<16xf32>,
      tpu.vector_store %arg18[%parallel_loop3A_47], %parallel_loop3A_44 {strides = array<i32>} : memref<1040xf32, #tpu.memory_space<vmem>>, vector<16xf32>,
    } {sc.loop_unroll_factor = 1 : i64, sc.parallel_access}
    %scan3A = arith.constant 0 : i32
    %scan3A_19 = arith.constant 0 : i32
    %scan3A_20 = arith.constant 8 : i32
    %scan3A_21 = arith.addi %scan3A_19, %scan3A_20 : i32
    %scan3A_22 = arith.constant 1 : i32
    %scan3A_23 = scf.for %scan3A_40 = %scan3A_19 to %scan3A_21 step %scan3A_22 iter_args(%scan3A_41 = %scan3A) -> (i32)  : i32 {
      %rem3A = arith.constant 2 : i32
      %rem3A_42 = arith.remsi %scan3A_40, %rem3A : i32
      %mul3A_43 = arith.constant 33024 : i32
      %mul3A_44 = arith.muli %rem3A_42, %mul3A_43 : i32
      %ge3A = arith.constant 2 : i32
      %ge3A_45 = arith.cmpi sge, %scan3A_40, %ge3A : i32
      %convert_element_type3A = arith.extui %ge3A_45 : i1 to i32
      %cond3A = arith.constant 0 : i32
      %cond3A_46 = arith.cmpi ne, %convert_element_type3A, %cond3A : i32
      scf.if %cond3A_46 {
        %dma_wait3A_65 = arith.constant 0 : i32
        %dma_wait3A_66 = tpu.memref_slice %arg11[%dma_wait3A_65] : memref<66048xf32, #tpu.memory_space<vmem>> -> memref<33024xf32, #tpu.memory_space<vmem>>
        %dma_wait3A_67 = arith.constant 0 : i32
        %dma_wait3A_68 = tpu.memref_slice %arg6[%dma_wait3A_67] : memref<8454144xf32, #tpu.memory_space<hbm>> -> memref<33024xf32, #tpu.memory_space<hbm>>
        %dma_wait3A_69 = arith.constant 0 : i32
        %dma_wait3A_70 = tpu.memref_slice %arg11[%dma_wait3A_69] : memref<66048xf32, #tpu.memory_space<vmem>> -> memref<33024xf32, #tpu.memory_space<vmem>>
        %dma_wait3A_71 = arith.constant 0 : i32
        %dma_wait3A_72 = tpu.memref_slice %arg6[%dma_wait3A_71] : memref<8454144xf32, #tpu.memory_space<hbm>> -> memref<33024xf32, #tpu.memory_space<hbm>>
        tpu.wait_dma2 semaphore(%arg20 : memref<!tpu.dma_semaphore, #tpu.memory_space<semaphore_mem>>) src(%dma_wait3A_72 : memref<33024xf32, #tpu.memory_space<hbm>>) dst(%dma_wait3A_70 : memref<33024xf32, #tpu.memory_space<vmem>>)
      } else {
      }
      %scan3A_47 = arith.constant 0 : i32
      %scan3A_48 = arith.constant 0 : i32
      %scan3A_49 = arith.constant 16 : i32
      %scan3A_50 = arith.addi %scan3A_48, %scan3A_49 : i32
      %scan3A_51 = arith.constant 1 : i32
      %scan3A_52 = scf.for %scan3A_65 = %scan3A_48 to %scan3A_50 step %scan3A_51 iter_args(%scan3A_66 = %scan3A_47) -> (i32)  : i32 {
        %mul3A_67 = arith.constant 16 : i32
        %mul3A_68 = arith.muli %scan3A_40, %mul3A_67 : i32
        %add3A_69 = arith.addi %mul3A_68, %scan3A_65 : i32
        %mul3A_70 = arith.constant 16 : i32
        %mul3A_71 = arith.muli %add3A_69, %mul3A_70 : i32
        %add3A_72 = vector.broadcast %mul3A_71 : i32 to vector<16xi32>
        %add3A_73 = arith.addi %add3A_72, %iota3A : vector<16xi32>
        %mul3A_74 = arith.constant 3 : i32
        %mul3A_75 = vector.broadcast %mul3A_74 : i32 to vector<16xi32>
        %mul3A_76 = arith.muli %add3A_73, %mul3A_75 : vector<16xi32>
        %gather3A = tpu.vector_load_idx %arg7[%mul3A_76] : memref<6144xf32, #tpu.memory_space<vmem>>[vector<16xi32>], vector<16xf32>,
        %add3A_77 = arith.constant 1 : i32
        %add3A_78 = vector.broadcast %add3A_77 : i32 to vector<16xi32>
        %add3A_79 = arith.addi %mul3A_76, %add3A_78 : vector<16xi32>
        %gather3A_80 = tpu.vector_load_idx %arg7[%add3A_79] : memref<6144xf32, #tpu.memory_space<vmem>>[vector<16xi32>], vector<16xf32>,
        %add3A_81 = arith.constant 2 : i32
        %add3A_82 = vector.broadcast %add3A_81 : i32 to vector<16xi32>
        %add3A_83 = arith.addi %mul3A_76, %add3A_82 : vector<16xi32>
        %gather3A_84 = tpu.vector_load_idx %arg7[%add3A_83] : memref<6144xf32, #tpu.memory_space<vmem>>[vector<16xi32>], vector<16xf32>,
        %gather3A_85 = tpu.vector_load_idx %arg8[%mul3A_76] : memref<6144xf32, #tpu.memory_space<vmem>>[vector<16xi32>], vector<16xf32>,
        %add3A_86 = arith.constant 1 : i32
        %add3A_87 = vector.broadcast %add3A_86 : i32 to vector<16xi32>
        %add3A_88 = arith.addi %mul3A_76, %add3A_87 : vector<16xi32>
        %gather3A_89 = tpu.vector_load_idx %arg8[%add3A_88] : memref<6144xf32, #tpu.memory_space<vmem>>[vector<16xi32>], vector<16xf32>,
        %add3A_90 = arith.constant 2 : i32
        %add3A_91 = vector.broadcast %add3A_90 : i32 to vector<16xi32>
        %add3A_92 = arith.addi %mul3A_76, %add3A_91 : vector<16xi32>
        %gather3A_93 = tpu.vector_load_idx %arg8[%add3A_92] : memref<6144xf32, #tpu.memory_space<vmem>>[vector<16xi32>], vector<16xf32>,
        %mul3A_94 = arith.constant 16 : i32
        %mul3A_95 = arith.muli %add3A_69, %mul3A_94 : i32
        %get3A = arith.index_cast %mul3A_95 : i32 to index
        %get3A_96 = tpu.vector_load %arg9[%get3A] {strides = array<i32>} : memref<2048xf32, #tpu.memory_space<vmem>>, vector<16xf32>,
        %mul3A_97 = arith.constant 16 : i32
        %mul3A_98 = arith.muli %add3A_69, %mul3A_97 : i32
        %get3A_99 = arith.index_cast %mul3A_98 : i32 to index
        %get3A_100 = tpu.vector_load %arg10[%get3A_99] {strides = array<i32>} : memref<2048xf32, #tpu.memory_space<vmem>>, vector<16xf32>,
        %sub3A = arith.subf %get3A_100, %get3A_96 : vector<16xf32>
        %parallel_loop3A_101 = arith.constant 0 : i32
        %parallel_loop3A_102 = arith.constant 64 : i32
        %parallel_loop3A_103 = arith.constant 1 : i32
        scf.for %parallel_loop3A_731 = %parallel_loop3A_101 to %parallel_loop3A_102 step %parallel_loop3A_103  : i32 {
          %parallel_loop3A_732 = arith.constant 16 : i32
          %parallel_loop3A_733 = arith.muli %parallel_loop3A_731, %parallel_loop3A_732 : i32
          %parallel_loop3A_734 = arith.index_cast %parallel_loop3A_733 : i32 to index
          %parallel_loop3A_735 = tpu.vector_load %arg18[%parallel_loop3A_734] {strides = array<i32>} : memref<1040xf32, #tpu.memory_space<vmem>>, vector<16xf32>,
          %parallel_loop3A_736 = arith.mulf %parallel_loop3A_735, %sub3A : vector<16xf32>
          %parallel_loop3A_737 = arith.addf %get3A_96, %parallel_loop3A_736 : vector<16xf32>
          %parallel_loop3A_738 = arith.mulf %gather3A_85, %parallel_loop3A_737 : vector<16xf32>
          %parallel_loop3A_739 = arith.addf %gather3A, %parallel_loop3A_738 : vector<16xf32>
          %parallel_loop3A_740 = arith.mulf %gather3A_89, %parallel_loop3A_737 : vector<16xf32>
          %parallel_loop3A_741 = arith.addf %gather3A_80, %parallel_loop3A_740 : vector<16xf32>
          %parallel_loop3A_742 = arith.mulf %gather3A_93, %parallel_loop3A_737 : vector<16xf32>
          %parallel_loop3A_743 = arith.addf %gather3A_84, %parallel_loop3A_742 : vector<16xf32>
          %parallel_loop3A_744 = arith.mulf %parallel_loop3A_739, %parallel_loop3A_739 : vector<16xf32>
          %parallel_loop3A_745 = arith.mulf %parallel_loop3A_741, %parallel_loop3A_741 : vector<16xf32>
          %parallel_loop3A_746 = arith.addf %parallel_loop3A_744, %parallel_loop3A_745 : vector<16xf32>
          %parallel_loop3A_747 = arith.mulf %parallel_loop3A_743, %parallel_loop3A_743 : vector<16xf32>
          %parallel_loop3A_748 = arith.addf %parallel_loop3A_746, %parallel_loop3A_747 : vector<16xf32>
          %parallel_loop3A_749 = tpu.bitcast %parallel_loop3A_748 : vector<16xf32> -> vector<16xi32>
          %parallel_loop3A_750 = arith.constant 1 : i32
          %parallel_loop3A_751 = vector.broadcast %parallel_loop3A_750 : i32 to vector<16xi32>
          %parallel_loop3A_752 = arith.shrsi %parallel_loop3A_749, %parallel_loop3A_751 : vector<16xi32>
          %parallel_loop3A_753 = arith.constant 1597463007 : i32
          %parallel_loop3A_754 = vector.broadcast %parallel_loop3A_753 : i32 to vector<16xi32>
          %parallel_loop3A_755 = arith.subi %parallel_loop3A_754, %parallel_loop3A_752 : vector<16xi32>
          %parallel_loop3A_756 = tpu.bitcast %parallel_loop3A_755 : vector<16xi32> -> vector<16xf32>
          %parallel_loop3A_757 = arith.constant 5.000000e-01 : f32
          %parallel_loop3A_758 = vector.broadcast %parallel_loop3A_757 : f32 to vector<16xf32>
          %parallel_loop3A_759 = arith.mulf %parallel_loop3A_758, %parallel_loop3A_748 : vector<16xf32>
          %parallel_loop3A_760 = arith.mulf %parallel_loop3A_759, %parallel_loop3A_756 : vector<16xf32>
          %parallel_loop3A_761 = arith.mulf %parallel_loop3A_760, %parallel_loop3A_756 : vector<16xf32>
          %parallel_loop3A_762 = arith.constant 1.500000e+00 : f32
          %parallel_loop3A_763 = vector.broadcast %parallel_loop3A_762 : f32 to vector<16xf32>
          %parallel_loop3A_764 = arith.subf %parallel_loop3A_763, %parallel_loop3A_761 : vector<16xf32>
          %parallel_loop3A_765 = arith.mulf %parallel_loop3A_756, %parallel_loop3A_764 : vector<16xf32>
          %parallel_loop3A_766 = arith.constant 5.000000e-01 : f32
          %parallel_loop3A_767 = vector.broadcast %parallel_loop3A_766 : f32 to vector<16xf32>
          %parallel_loop3A_768 = arith.mulf %parallel_loop3A_767, %parallel_loop3A_748 : vector<16xf32>
          %parallel_loop3A_769 = arith.mulf %parallel_loop3A_768, %parallel_loop3A_765 : vector<16xf32>
          %parallel_loop3A_770 = arith.mulf %parallel_loop3A_769, %parallel_loop3A_765 : vector<16xf32>
          %parallel_loop3A_771 = arith.constant 1.500000e+00 : f32
          %parallel_loop3A_772 = vector.broadcast %parallel_loop3A_771 : f32 to vector<16xf32>
          %parallel_loop3A_773 = arith.subf %parallel_loop3A_772, %parallel_loop3A_770 : vector<16xf32>
          %parallel_loop3A_774 = arith.mulf %parallel_loop3A_765, %parallel_loop3A_773 : vector<16xf32>
          %parallel_loop3A_775 = arith.constant 5.000000e-01 : f32
          %parallel_loop3A_776 = vector.broadcast %parallel_loop3A_775 : f32 to vector<16xf32>
          %parallel_loop3A_777 = arith.mulf %parallel_loop3A_776, %parallel_loop3A_748 : vector<16xf32>
          %parallel_loop3A_778 = arith.mulf %parallel_loop3A_777, %parallel_loop3A_774 : vector<16xf32>
          %parallel_loop3A_779 = arith.mulf %parallel_loop3A_778, %parallel_loop3A_774 : vector<16xf32>
          %parallel_loop3A_780 = arith.constant 1.500000e+00 : f32
          %parallel_loop3A_781 = vector.broadcast %parallel_loop3A_780 : f32 to vector<16xf32>
          %parallel_loop3A_782 = arith.subf %parallel_loop3A_781, %parallel_loop3A_779 : vector<16xf32>
          %parallel_loop3A_783 = arith.mulf %parallel_loop3A_774, %parallel_loop3A_782 : vector<16xf32>
          %parallel_loop3A_784 = arith.mulf %parallel_loop3A_748, %parallel_loop3A_783 : vector<16xf32>
          %parallel_loop3A_785 = arith.constant 1.000000e+00 : f32
          %parallel_loop3A_786 = vector.broadcast %parallel_loop3A_785 : f32 to vector<16xf32>
          %parallel_loop3A_787 = arith.subf %parallel_loop3A_784, %parallel_loop3A_786 : vector<16xf32>
          %parallel_loop3A_788 = arith.constant 16 : i32
          %parallel_loop3A_789 = arith.muli %parallel_loop3A_731, %parallel_loop3A_788 : i32
          %parallel_loop3A_790 = arith.index_cast %parallel_loop3A_789 : i32 to index
          %parallel_loop3A_791 = tpu.vector_load %arg19[%parallel_loop3A_790] {strides = array<i32>} : memref<1024xf32, #tpu.memory_space<vmem>>, vector<16xf32>,
          tpu.vector_store %arg19[%parallel_loop3A_790], %parallel_loop3A_787 {strides = array<i32>} : memref<1024xf32, #tpu.memory_space<vmem>>, vector<16xf32>,
        } {sc.loop_unroll_factor = 1 : i64, sc.parallel_access}
        %swap3A = arith.constant 0 : index
        %swap3A_104 = tpu.vector_load %arg16[%swap3A] {strides = array<i32>} : memref<2064xf32, #tpu.memory_space<vmem>>, vector<16xf32>,
        tpu.vector_store %arg16[%swap3A], %broadcast_in_dim3A_1 {strides = array<i32>} : memref<2064xf32, #tpu.memory_space<vmem>>, vector<16xf32>,
        %mul3A_105 = arith.constant 2064 : i32
        %mul3A_106 = arith.muli %scan3A_65, %mul3A_105 : i32
        %add3A_107 = arith.addi %mul3A_44, %mul3A_106 : i32
        %mul3A_108 = arith.constant 129 : i32
        %mul3A_109 = vector.broadcast %mul3A_108 : i32 to vector<16xi32>
        %mul3A_110 = arith.muli %iota3A, %mul3A_109 : vector<16xi32>
        %add3A_111 = vector.broadcast %add3A_107 : i32 to vector<16xi32>
        %add3A_112 = arith.addi %add3A_111, %mul3A_110 : vector<16xi32>
        %broadcast_in_dim3A_113 = arith.constant 1.000000e+00 : f32
        %broadcast_in_dim3A_114 = vector.broadcast %broadcast_in_dim3A_113 : f32 to vector<16xf32>
        %parallel_loop3A_115 = arith.constant 0 : i32
        %parallel_loop3A_116 = arith.constant 63 : i32
        %parallel_loop3A_117 = arith.constant 1 : i32
        %parallel_loop3A_118:3 = scf.for %parallel_loop3A_731 = %parallel_loop3A_115 to %parallel_loop3A_116 step %parallel_loop3A_117 iter_args(%parallel_loop3A_732 = %broadcast_in_dim3A_114, %parallel_loop3A_733 = %broadcast_in_dim3A_1, %parallel_loop3A_734 = %broadcast_in_dim3A_1) -> (vector<16xf32>, vector<16xf32>, vector<16xf32>)  : i32 {
          %parallel_loop3A_735 = arith.constant 16 : i32
          %parallel_loop3A_736 = arith.muli %parallel_loop3A_731, %parallel_loop3A_735 : i32
          %parallel_loop3A_737 = arith.index_cast %parallel_loop3A_736 : i32 to index
          %parallel_loop3A_738 = tpu.vector_load %arg19[%parallel_loop3A_737] {strides = array<i32>} : memref<1024xf32, #tpu.memory_space<vmem>>, vector<16xf32>,
          %parallel_loop3A_739 = arith.constant 16 : i32
          %parallel_loop3A_740 = arith.muli %parallel_loop3A_731, %parallel_loop3A_739 : i32
          %parallel_loop3A_741 = arith.index_cast %parallel_loop3A_740 : i32 to index
          %parallel_loop3A_742 = tpu.vector_load %arg18[%parallel_loop3A_741] {strides = array<i32>} : memref<1040xf32, #tpu.memory_space<vmem>>, vector<16xf32>,
          %parallel_loop3A_743 = arith.constant 1 : i32
          %parallel_loop3A_744 = arith.addi %parallel_loop3A_731, %parallel_loop3A_743 : i32
          %parallel_loop3A_745 = arith.constant 16 : i32
          %parallel_loop3A_746 = arith.muli %parallel_loop3A_744, %parallel_loop3A_745 : i32
          %parallel_loop3A_747 = arith.index_cast %parallel_loop3A_746 : i32 to index
          %parallel_loop3A_748 = tpu.vector_load %arg19[%parallel_loop3A_747] {strides = array<i32>} : memref<1024xf32, #tpu.memory_space<vmem>>, vector<16xf32>,
          %parallel_loop3A_749 = arith.constant 1 : i32
          %parallel_loop3A_750 = arith.addi %parallel_loop3A_731, %parallel_loop3A_749 : i32
          %parallel_loop3A_751 = arith.constant 16 : i32
          %parallel_loop3A_752 = arith.muli %parallel_loop3A_750, %parallel_loop3A_751 : i32
          %parallel_loop3A_753 = arith.index_cast %parallel_loop3A_752 : i32 to index
          %parallel_loop3A_754 = tpu.vector_load %arg18[%parallel_loop3A_753] {strides = array<i32>} : memref<1040xf32, #tpu.memory_space<vmem>>, vector<16xf32>,
          %parallel_loop3A_755 = arith.subf %parallel_loop3A_754, %parallel_loop3A_742 : vector<16xf32>
          %parallel_loop3A_756 = arith.mulf %parallel_loop3A_755, %sub3A : vector<16xf32>
          %parallel_loop3A_757 = arith.subf %parallel_loop3A_748, %parallel_loop3A_738 : vector<16xf32>
          %parallel_loop3A_758 = arith.constant 9.99999974E-6 : f32
          %parallel_loop3A_759 = vector.broadcast %parallel_loop3A_758 : f32 to vector<16xf32>
          %parallel_loop3A_760 = arith.addf %parallel_loop3A_756, %parallel_loop3A_759 : vector<16xf32>
          %parallel_loop3A_761 = arith.divf %parallel_loop3A_757, %parallel_loop3A_760 : vector<16xf32>
          %parallel_loop3A_762 = arith.minimumf %parallel_loop3A_733, %parallel_loop3A_761 : vector<16xf32>
          %parallel_loop3A_763 = arith.constant -1.000000e+03 : f32
          %parallel_loop3A_764 = arith.constant 0.000000e+00 : f32
          %parallel_loop3A_765 = vector.broadcast %parallel_loop3A_763 : f32 to vector<16xf32>
          %parallel_loop3A_766 = arith.maximumf %parallel_loop3A_765, %parallel_loop3A_762 : vector<16xf32>
          %parallel_loop3A_767 = vector.broadcast %parallel_loop3A_764 : f32 to vector<16xf32>
          %parallel_loop3A_768 = arith.minimumf %parallel_loop3A_767, %parallel_loop3A_766 : vector<16xf32>
          %parallel_loop3A_769 = arith.addf %parallel_loop3A_738, %parallel_loop3A_748 : vector<16xf32>
          %parallel_loop3A_770 = arith.constant 5.000000e-01 : f32
          %parallel_loop3A_771 = vector.broadcast %parallel_loop3A_770 : f32 to vector<16xf32>
          %parallel_loop3A_772 = arith.mulf %parallel_loop3A_769, %parallel_loop3A_771 : vector<16xf32>
          %parallel_loop3A_773 = arith.mulf %parallel_loop3A_768, %parallel_loop3A_756 : vector<16xf32>
          %parallel_loop3A_774 = arith.constant 5.000000e-01 : f32
          %parallel_loop3A_775 = vector.broadcast %parallel_loop3A_774 : f32 to vector<16xf32>
          %parallel_loop3A_776 = arith.mulf %parallel_loop3A_773, %parallel_loop3A_775 : vector<16xf32>
          %parallel_loop3A_777 = arith.subf %parallel_loop3A_776, %parallel_loop3A_772 : vector<16xf32>
          %parallel_loop3A_778 = arith.constant 6.400000e+01 : f32
          %parallel_loop3A_779 = vector.broadcast %parallel_loop3A_778 : f32 to vector<16xf32>
          %parallel_loop3A_780 = arith.mulf %parallel_loop3A_777, %parallel_loop3A_779 : vector<16xf32>
          %parallel_loop3A_781 = arith.constant 4.000000e+01 : f32
          %parallel_loop3A_782 = vector.broadcast %parallel_loop3A_781 : f32 to vector<16xf32>
          %parallel_loop3A_783 = arith.minimumf %parallel_loop3A_780, %parallel_loop3A_782 : vector<16xf32>
          %parallel_loop3A_784 = math.exp %parallel_loop3A_783 : vector<16xf32>
          %parallel_loop3A_785 = arith.constant 0.000000e+00 : f32
          %parallel_loop3A_786 = vector.broadcast %parallel_loop3A_785 : f32 to vector<16xf32>
          %parallel_loop3A_787 = arith.subf %parallel_loop3A_786, %parallel_loop3A_776 : vector<16xf32>
          %parallel_loop3A_788 = arith.subf %parallel_loop3A_787, %parallel_loop3A_772 : vector<16xf32>
          %parallel_loop3A_789 = arith.constant 6.400000e+01 : f32
          %parallel_loop3A_790 = vector.broadcast %parallel_loop3A_789 : f32 to vector<16xf32>
          %parallel_loop3A_791 = arith.mulf %parallel_loop3A_788, %parallel_loop3A_790 : vector<16xf32>
          %parallel_loop3A_792 = arith.constant 4.000000e+01 : f32
          %parallel_loop3A_793 = vector.broadcast %parallel_loop3A_792 : f32 to vector<16xf32>
          %parallel_loop3A_794 = arith.minimumf %parallel_loop3A_791, %parallel_loop3A_793 : vector<16xf32>
          %parallel_loop3A_795 = math.exp %parallel_loop3A_794 : vector<16xf32>
          %parallel_loop3A_796 = arith.constant 1.000000e+00 : f32
          %parallel_loop3A_797 = vector.broadcast %parallel_loop3A_796 : f32 to vector<16xf32>
          %parallel_loop3A_798 = arith.addf %parallel_loop3A_797, %parallel_loop3A_784 : vector<16xf32>
          %parallel_loop3A_799 = arith.constant 1.000000e+00 : f32
          %parallel_loop3A_800 = vector.broadcast %parallel_loop3A_799 : f32 to vector<16xf32>
          %parallel_loop3A_801 = arith.addf %parallel_loop3A_800, %parallel_loop3A_795 : vector<16xf32>
          %parallel_loop3A_802 = arith.mulf %parallel_loop3A_798, %parallel_loop3A_801 : vector<16xf32>
          %parallel_loop3A_803 = arith.constant 9.99999974E-6 : f32
          %parallel_loop3A_804 = vector.broadcast %parallel_loop3A_803 : f32 to vector<16xf32>
          %parallel_loop3A_805 = arith.mulf %parallel_loop3A_804, %parallel_loop3A_802 : vector<16xf32>
          %parallel_loop3A_806 = arith.subf %parallel_loop3A_795, %parallel_loop3A_784 : vector<16xf32>
          %parallel_loop3A_807 = arith.addf %parallel_loop3A_806, %parallel_loop3A_805 : vector<16xf32>
          %parallel_loop3A_808 = arith.constant 1.000000e+00 : f32
          %parallel_loop3A_809 = vector.broadcast %parallel_loop3A_808 : f32 to vector<16xf32>
          %parallel_loop3A_810 = arith.addf %parallel_loop3A_809, %parallel_loop3A_795 : vector<16xf32>
          %parallel_loop3A_811 = arith.addf %parallel_loop3A_810, %parallel_loop3A_805 : vector<16xf32>
          %parallel_loop3A_812 = arith.divf %parallel_loop3A_807, %parallel_loop3A_811 : vector<16xf32>
          %parallel_loop3A_813 = arith.mulf %parallel_loop3A_812, %parallel_loop3A_732 : vector<16xf32>
          %parallel_loop3A_814 = arith.addf %parallel_loop3A_734, %parallel_loop3A_813 : vector<16xf32>
          %parallel_loop3A_815 = arith.constant 9.99999974E-6 : f32
          %parallel_loop3A_816 = vector.broadcast %parallel_loop3A_815 : f32 to vector<16xf32>
          %parallel_loop3A_817 = arith.addf %parallel_loop3A_814, %parallel_loop3A_816 : vector<16xf32>
          %parallel_loop3A_818 = arith.constant 1.00000012 : f32
          %parallel_loop3A_819 = vector.broadcast %parallel_loop3A_818 : f32 to vector<16xf32>
          %parallel_loop3A_820 = arith.subf %parallel_loop3A_819, %parallel_loop3A_812 : vector<16xf32>
          %parallel_loop3A_821 = arith.mulf %parallel_loop3A_732, %parallel_loop3A_820 : vector<16xf32>
          %parallel_loop3A_822 = arith.constant 1 : i32
          %parallel_loop3A_823 = arith.addi %parallel_loop3A_731, %parallel_loop3A_822 : i32
          %parallel_loop3A_824 = arith.constant 16 : i32
          %parallel_loop3A_825 = arith.muli %parallel_loop3A_823, %parallel_loop3A_824 : i32
          %parallel_loop3A_826 = arith.index_cast %parallel_loop3A_825 : i32 to index
          %parallel_loop3A_827 = tpu.vector_load %arg16[%parallel_loop3A_826] {strides = array<i32>} : memref<2064xf32, #tpu.memory_space<vmem>>, vector<16xf32>,
          tpu.vector_store %arg16[%parallel_loop3A_826], %parallel_loop3A_817 {strides = array<i32>} : memref<2064xf32, #tpu.memory_space<vmem>>, vector<16xf32>,
          scf.yield %parallel_loop3A_821, %parallel_loop3A_761, %parallel_loop3A_817 : vector<16xf32>, vector<16xf32>, vector<16xf32>
        } {sc.loop_unroll_factor = 1 : i64, sc.parallel_access}
        %add3A_119 = arith.constant 9.99999974E-6 : f32
        %add3A_120 = vector.broadcast %add3A_119 : f32 to vector<16xf32>
        %add3A_121 = arith.addf %parallel_loop3A_118#2, %add3A_120 : vector<16xf32>
        %swap3A_122 = arith.constant 1024 : index
        %swap3A_123 = tpu.vector_load %arg16[%swap3A_122] {strides = array<i32>} : memref<2064xf32, #tpu.memory_space<vmem>>, vector<16xf32>,
        tpu.vector_store %arg16[%swap3A_122], %add3A_121 {strides = array<i32>} : memref<2064xf32, #tpu.memory_space<vmem>>, vector<16xf32>,
        %parallel_loop3A_124 = arith.constant 0 : i32
        %parallel_loop3A_125 = arith.constant 16 : i32
        %parallel_loop3A_126 = arith.constant 1 : i32
        scf.for %parallel_loop3A_731 = %parallel_loop3A_124 to %parallel_loop3A_125 step %parallel_loop3A_126  : i32 {
          %parallel_loop3A_732 = arith.sitofp %parallel_loop3A_731 : i32 to f32
          %parallel_loop3A_733 = arith.constant 0.0588235296 : f32
          %parallel_loop3A_734 = arith.mulf %parallel_loop3A_732, %parallel_loop3A_733 : f32
          %parallel_loop3A_735 = arith.constant 0.0294117648 : f32
          %parallel_loop3A_736 = arith.addf %parallel_loop3A_734, %parallel_loop3A_735 : f32
          %parallel_loop3A_737 = vector.broadcast %parallel_loop3A_736 : f32 to vector<16xf32>
          %parallel_loop3A_738 = arith.mulf %parallel_loop3A_737, %add3A_121 : vector<16xf32>
          %parallel_loop3A_739 = arith.constant 0 : i32
          %parallel_loop3A_740 = vector.broadcast %parallel_loop3A_739 : i32 to vector<16xi32>
          %parallel_loop3A_741 = arith.constant 64 : i32
          %parallel_loop3A_742 = vector.broadcast %parallel_loop3A_741 : i32 to vector<16xi32>
          %parallel_loop3A_743 = arith.addi %parallel_loop3A_740, %parallel_loop3A_742 : vector<16xi32>
          %parallel_loop3A_744 = arith.constant 64 : i32
          %parallel_loop3A_745 = vector.broadcast %parallel_loop3A_744 : i32 to vector<16xi32>
          %parallel_loop3A_746 = arith.minsi %parallel_loop3A_743, %parallel_loop3A_745 : vector<16xi32>
          %parallel_loop3A_747 = arith.constant 16 : i32
          %parallel_loop3A_748 = vector.broadcast %parallel_loop3A_747 : i32 to vector<16xi32>
          %parallel_loop3A_749 = arith.muli %parallel_loop3A_746, %parallel_loop3A_748 : vector<16xi32>
          %parallel_loop3A_750 = arith.addi %parallel_loop3A_749, %iota3A : vector<16xi32>
          %parallel_loop3A_751 = tpu.vector_load_idx %arg16[%parallel_loop3A_750] : memref<2064xf32, #tpu.memory_space<vmem>>[vector<16xi32>], vector<16xf32>,
          %parallel_loop3A_752 = arith.cmpf ole, %parallel_loop3A_751, %parallel_loop3A_738 : vector<16xf32>
          %parallel_loop3A_753 = arith.select %parallel_loop3A_752, %parallel_loop3A_746, %parallel_loop3A_740 : vector<16xi1>, vector<16xi32>
          %parallel_loop3A_754 = arith.constant 32 : i32
          %parallel_loop3A_755 = vector.broadcast %parallel_loop3A_754 : i32 to vector<16xi32>
          %parallel_loop3A_756 = arith.addi %parallel_loop3A_753, %parallel_loop3A_755 : vector<16xi32>
          %parallel_loop3A_757 = arith.constant 64 : i32
          %parallel_loop3A_758 = vector.broadcast %parallel_loop3A_757 : i32 to vector<16xi32>
          %parallel_loop3A_759 = arith.minsi %parallel_loop3A_756, %parallel_loop3A_758 : vector<16xi32>
          %parallel_loop3A_760 = arith.constant 16 : i32
          %parallel_loop3A_761 = vector.broadcast %parallel_loop3A_760 : i32 to vector<16xi32>
          %parallel_loop3A_762 = arith.muli %parallel_loop3A_759, %parallel_loop3A_761 : vector<16xi32>
          %parallel_loop3A_763 = arith.addi %parallel_loop3A_762, %iota3A : vector<16xi32>
          %parallel_loop3A_764 = tpu.vector_load_idx %arg16[%parallel_loop3A_763] : memref<2064xf32, #tpu.memory_space<vmem>>[vector<16xi32>], vector<16xf32>,
          %parallel_loop3A_765 = arith.cmpf ole, %parallel_loop3A_764, %parallel_loop3A_738 : vector<16xf32>
          %parallel_loop3A_766 = arith.select %parallel_loop3A_765, %parallel_loop3A_759, %parallel_loop3A_753 : vector<16xi1>, vector<16xi32>
          %parallel_loop3A_767 = arith.constant 16 : i32
          %parallel_loop3A_768 = vector.broadcast %parallel_loop3A_767 : i32 to vector<16xi32>
          %parallel_loop3A_769 = arith.addi %parallel_loop3A_766, %parallel_loop3A_768 : vector<16xi32>
          %parallel_loop3A_770 = arith.constant 64 : i32
          %parallel_loop3A_771 = vector.broadcast %parallel_loop3A_770 : i32 to vector<16xi32>
          %parallel_loop3A_772 = arith.minsi %parallel_loop3A_769, %parallel_loop3A_771 : vector<16xi32>
          %parallel_loop3A_773 = arith.constant 16 : i32
          %parallel_loop3A_774 = vector.broadcast %parallel_loop3A_773 : i32 to vector<16xi32>
          %parallel_loop3A_775 = arith.muli %parallel_loop3A_772, %parallel_loop3A_774 : vector<16xi32>
          %parallel_loop3A_776 = arith.addi %parallel_loop3A_775, %iota3A : vector<16xi32>
          %parallel_loop3A_777 = tpu.vector_load_idx %arg16[%parallel_loop3A_776] : memref<2064xf32, #tpu.memory_space<vmem>>[vector<16xi32>], vector<16xf32>,
          %parallel_loop3A_778 = arith.cmpf ole, %parallel_loop3A_777, %parallel_loop3A_738 : vector<16xf32>
          %parallel_loop3A_779 = arith.select %parallel_loop3A_778, %parallel_loop3A_772, %parallel_loop3A_766 : vector<16xi1>, vector<16xi32>
          %parallel_loop3A_780 = arith.constant 8 : i32
          %parallel_loop3A_781 = vector.broadcast %parallel_loop3A_780 : i32 to vector<16xi32>
          %parallel_loop3A_782 = arith.addi %parallel_loop3A_779, %parallel_loop3A_781 : vector<16xi32>
          %parallel_loop3A_783 = arith.constant 64 : i32
          %parallel_loop3A_784 = vector.broadcast %parallel_loop3A_783 : i32 to vector<16xi32>
          %parallel_loop3A_785 = arith.minsi %parallel_loop3A_782, %parallel_loop3A_784 : vector<16xi32>
          %parallel_loop3A_786 = arith.constant 16 : i32
          %parallel_loop3A_787 = vector.broadcast %parallel_loop3A_786 : i32 to vector<16xi32>
          %parallel_loop3A_788 = arith.muli %parallel_loop3A_785, %parallel_loop3A_787 : vector<16xi32>
          %parallel_loop3A_789 = arith.addi %parallel_loop3A_788, %iota3A : vector<16xi32>
          %parallel_loop3A_790 = tpu.vector_load_idx %arg16[%parallel_loop3A_789] : memref<2064xf32, #tpu.memory_space<vmem>>[vector<16xi32>], vector<16xf32>,
          %parallel_loop3A_791 = arith.cmpf ole, %parallel_loop3A_790, %parallel_loop3A_738 : vector<16xf32>
          %parallel_loop3A_792 = arith.select %parallel_loop3A_791, %parallel_loop3A_785, %parallel_loop3A_779 : vector<16xi1>, vector<16xi32>
          %parallel_loop3A_793 = arith.constant 4 : i32
          %parallel_loop3A_794 = vector.broadcast %parallel_loop3A_793 : i32 to vector<16xi32>
          %parallel_loop3A_795 = arith.addi %parallel_loop3A_792, %parallel_loop3A_794 : vector<16xi32>
          %parallel_loop3A_796 = arith.constant 64 : i32
          %parallel_loop3A_797 = vector.broadcast %parallel_loop3A_796 : i32 to vector<16xi32>
          %parallel_loop3A_798 = arith.minsi %parallel_loop3A_795, %parallel_loop3A_797 : vector<16xi32>
          %parallel_loop3A_799 = arith.constant 16 : i32
          %parallel_loop3A_800 = vector.broadcast %parallel_loop3A_799 : i32 to vector<16xi32>
          %parallel_loop3A_801 = arith.muli %parallel_loop3A_798, %parallel_loop3A_800 : vector<16xi32>
          %parallel_loop3A_802 = arith.addi %parallel_loop3A_801, %iota3A : vector<16xi32>
          %parallel_loop3A_803 = tpu.vector_load_idx %arg16[%parallel_loop3A_802] : memref<2064xf32, #tpu.memory_space<vmem>>[vector<16xi32>], vector<16xf32>,
          %parallel_loop3A_804 = arith.cmpf ole, %parallel_loop3A_803, %parallel_loop3A_738 : vector<16xf32>
          %parallel_loop3A_805 = arith.select %parallel_loop3A_804, %parallel_loop3A_798, %parallel_loop3A_792 : vector<16xi1>, vector<16xi32>
          %parallel_loop3A_806 = arith.constant 2 : i32
          %parallel_loop3A_807 = vector.broadcast %parallel_loop3A_806 : i32 to vector<16xi32>
          %parallel_loop3A_808 = arith.addi %parallel_loop3A_805, %parallel_loop3A_807 : vector<16xi32>
          %parallel_loop3A_809 = arith.constant 64 : i32
          %parallel_loop3A_810 = vector.broadcast %parallel_loop3A_809 : i32 to vector<16xi32>
          %parallel_loop3A_811 = arith.minsi %parallel_loop3A_808, %parallel_loop3A_810 : vector<16xi32>
          %parallel_loop3A_812 = arith.constant 16 : i32
          %parallel_loop3A_813 = vector.broadcast %parallel_loop3A_812 : i32 to vector<16xi32>
          %parallel_loop3A_814 = arith.muli %parallel_loop3A_811, %parallel_loop3A_813 : vector<16xi32>
          %parallel_loop3A_815 = arith.addi %parallel_loop3A_814, %iota3A : vector<16xi32>
          %parallel_loop3A_816 = tpu.vector_load_idx %arg16[%parallel_loop3A_815] : memref<2064xf32, #tpu.memory_space<vmem>>[vector<16xi32>], vector<16xf32>,
          %parallel_loop3A_817 = arith.cmpf ole, %parallel_loop3A_816, %parallel_loop3A_738 : vector<16xf32>
          %parallel_loop3A_818 = arith.select %parallel_loop3A_817, %parallel_loop3A_811, %parallel_loop3A_805 : vector<16xi1>, vector<16xi32>
          %parallel_loop3A_819 = arith.constant 1 : i32
          %parallel_loop3A_820 = vector.broadcast %parallel_loop3A_819 : i32 to vector<16xi32>
          %parallel_loop3A_821 = arith.addi %parallel_loop3A_818, %parallel_loop3A_820 : vector<16xi32>
          %parallel_loop3A_822 = arith.constant 64 : i32
          %parallel_loop3A_823 = vector.broadcast %parallel_loop3A_822 : i32 to vector<16xi32>
          %parallel_loop3A_824 = arith.minsi %parallel_loop3A_821, %parallel_loop3A_823 : vector<16xi32>
          %parallel_loop3A_825 = arith.constant 16 : i32
          %parallel_loop3A_826 = vector.broadcast %parallel_loop3A_825 : i32 to vector<16xi32>
          %parallel_loop3A_827 = arith.muli %parallel_loop3A_824, %parallel_loop3A_826 : vector<16xi32>
          %parallel_loop3A_828 = arith.addi %parallel_loop3A_827, %iota3A : vector<16xi32>
          %parallel_loop3A_829 = tpu.vector_load_idx %arg16[%parallel_loop3A_828] : memref<2064xf32, #tpu.memory_space<vmem>>[vector<16xi32>], vector<16xf32>,
          %parallel_loop3A_830 = arith.cmpf ole, %parallel_loop3A_829, %parallel_loop3A_738 : vector<16xf32>
          %parallel_loop3A_831 = arith.select %parallel_loop3A_830, %parallel_loop3A_824, %parallel_loop3A_818 : vector<16xi1>, vector<16xi32>
          %parallel_loop3A_832 = arith.constant 1 : i32
          %parallel_loop3A_833 = vector.broadcast %parallel_loop3A_832 : i32 to vector<16xi32>
          %parallel_loop3A_834 = arith.addi %parallel_loop3A_831, %parallel_loop3A_833 : vector<16xi32>
          %parallel_loop3A_835 = arith.constant 1 : i32
          %parallel_loop3A_836 = vector.broadcast %parallel_loop3A_835 : i32 to vector<16xi32>
          %parallel_loop3A_837 = arith.subi %parallel_loop3A_834, %parallel_loop3A_836 : vector<16xi32>
          %parallel_loop3A_838 = arith.constant 16 : i32
          %parallel_loop3A_839 = vector.broadcast %parallel_loop3A_838 : i32 to vector<16xi32>
          %parallel_loop3A_840 = arith.muli %parallel_loop3A_837, %parallel_loop3A_839 : vector<16xi32>
          %parallel_loop3A_841 = arith.addi %parallel_loop3A_840, %iota3A : vector<16xi32>
          %parallel_loop3A_842 = arith.constant 16 : i32
          %parallel_loop3A_843 = vector.broadcast %parallel_loop3A_842 : i32 to vector<16xi32>
          %parallel_loop3A_844 = arith.muli %parallel_loop3A_834, %parallel_loop3A_843 : vector<16xi32>
          %parallel_loop3A_845 = arith.addi %parallel_loop3A_844, %iota3A : vector<16xi32>
          %parallel_loop3A_846 = tpu.vector_load_idx %arg16[%parallel_loop3A_841] : memref<2064xf32, #tpu.memory_space<vmem>>[vector<16xi32>], vector<16xf32>,
          %parallel_loop3A_847 = tpu.vector_load_idx %arg16[%parallel_loop3A_845] : memref<2064xf32, #tpu.memory_space<vmem>>[vector<16xi32>], vector<16xf32>,
          %parallel_loop3A_848 = tpu.vector_load_idx %arg18[%parallel_loop3A_841] : memref<1040xf32, #tpu.memory_space<vmem>>[vector<16xi32>], vector<16xf32>,
          %parallel_loop3A_849 = tpu.vector_load_idx %arg18[%parallel_loop3A_845] : memref<1040xf32, #tpu.memory_space<vmem>>[vector<16xi32>], vector<16xf32>,
          %parallel_loop3A_850 = arith.subf %parallel_loop3A_738, %parallel_loop3A_846 : vector<16xf32>
          %parallel_loop3A_851 = arith.subf %parallel_loop3A_847, %parallel_loop3A_846 : vector<16xf32>
          %parallel_loop3A_852 = arith.divf %parallel_loop3A_850, %parallel_loop3A_851 : vector<16xf32>
          %parallel_loop3A_853 = arith.constant 0.000000e+00 : f32
          %parallel_loop3A_854 = arith.constant 1.000000e+00 : f32
          %parallel_loop3A_855 = vector.broadcast %parallel_loop3A_853 : f32 to vector<16xf32>
          %parallel_loop3A_856 = arith.maximumf %parallel_loop3A_855, %parallel_loop3A_852 : vector<16xf32>
          %parallel_loop3A_857 = vector.broadcast %parallel_loop3A_854 : f32 to vector<16xf32>
          %parallel_loop3A_858 = arith.minimumf %parallel_loop3A_857, %parallel_loop3A_856 : vector<16xf32>
          %parallel_loop3A_859 = arith.subf %parallel_loop3A_849, %parallel_loop3A_848 : vector<16xf32>
          %parallel_loop3A_860 = arith.mulf %parallel_loop3A_858, %parallel_loop3A_859 : vector<16xf32>
          %parallel_loop3A_861 = arith.addf %parallel_loop3A_848, %parallel_loop3A_860 : vector<16xf32>
          %parallel_loop3A_862 = arith.constant 16 : i32
          %parallel_loop3A_863 = vector.broadcast %parallel_loop3A_862 : i32 to vector<16xi32>
          %parallel_loop3A_864 = arith.muli %parallel_loop3A_834, %parallel_loop3A_863 : vector<16xi32>
          %parallel_loop3A_865 = arith.addi %parallel_loop3A_864, %iota3A : vector<16xi32>
          tpu.vector_store_idx %arg17[%parallel_loop3A_865], %broadcast_in_dim3A_5 {add = true} : memref<2064xi32, #tpu.memory_space<vmem>>[vector<16xi32>], vector<16xi32>,
          %parallel_loop3A_866 = vector.broadcast %parallel_loop3A_731 : i32 to vector<16xi32>
          %parallel_loop3A_867 = arith.addi %parallel_loop3A_834, %parallel_loop3A_866 : vector<16xi32>
          %parallel_loop3A_868 = arith.constant 16 : i32
          %parallel_loop3A_869 = vector.broadcast %parallel_loop3A_868 : i32 to vector<16xi32>
          %parallel_loop3A_870 = arith.muli %parallel_loop3A_867, %parallel_loop3A_869 : vector<16xi32>
          %parallel_loop3A_871 = arith.addi %parallel_loop3A_870, %iota3A : vector<16xi32>
          tpu.vector_store_idx %arg14[%parallel_loop3A_871], %parallel_loop3A_861 : memref<2064xf32, #tpu.memory_space<vmem>>[vector<16xi32>], vector<16xf32>,
          %parallel_loop3A_872 = arith.constant 16 : i32
          %parallel_loop3A_873 = vector.broadcast %parallel_loop3A_872 : i32 to vector<16xi32>
          %parallel_loop3A_874 = arith.muli %parallel_loop3A_867, %parallel_loop3A_873 : vector<16xi32>
          %parallel_loop3A_875 = arith.addi %parallel_loop3A_874, %iota3A : vector<16xi32>
          %parallel_loop3A_876 = arith.mulf %parallel_loop3A_861, %sub3A : vector<16xf32>
          %parallel_loop3A_877 = arith.addf %get3A_96, %parallel_loop3A_876 : vector<16xf32>
          %parallel_loop3A_878 = arith.mulf %gather3A_85, %parallel_loop3A_877 : vector<16xf32>
          %parallel_loop3A_879 = arith.addf %gather3A, %parallel_loop3A_878 : vector<16xf32>
          %parallel_loop3A_880 = arith.mulf %gather3A_89, %parallel_loop3A_877 : vector<16xf32>
          %parallel_loop3A_881 = arith.addf %gather3A_80, %parallel_loop3A_880 : vector<16xf32>
          %parallel_loop3A_882 = arith.mulf %gather3A_93, %parallel_loop3A_877 : vector<16xf32>
          %parallel_loop3A_883 = arith.addf %gather3A_84, %parallel_loop3A_882 : vector<16xf32>
          %parallel_loop3A_884 = arith.mulf %parallel_loop3A_879, %parallel_loop3A_879 : vector<16xf32>
          %parallel_loop3A_885 = arith.mulf %parallel_loop3A_881, %parallel_loop3A_881 : vector<16xf32>
          %parallel_loop3A_886 = arith.addf %parallel_loop3A_884, %parallel_loop3A_885 : vector<16xf32>
          %parallel_loop3A_887 = arith.mulf %parallel_loop3A_883, %parallel_loop3A_883 : vector<16xf32>
          %parallel_loop3A_888 = arith.addf %parallel_loop3A_886, %parallel_loop3A_887 : vector<16xf32>
          %parallel_loop3A_889 = tpu.bitcast %parallel_loop3A_888 : vector<16xf32> -> vector<16xi32>
          %parallel_loop3A_890 = arith.constant 1 : i32
          %parallel_loop3A_891 = vector.broadcast %parallel_loop3A_890 : i32 to vector<16xi32>
          %parallel_loop3A_892 = arith.shrsi %parallel_loop3A_889, %parallel_loop3A_891 : vector<16xi32>
          %parallel_loop3A_893 = arith.constant 1597463007 : i32
          %parallel_loop3A_894 = vector.broadcast %parallel_loop3A_893 : i32 to vector<16xi32>
          %parallel_loop3A_895 = arith.subi %parallel_loop3A_894, %parallel_loop3A_892 : vector<16xi32>
          %parallel_loop3A_896 = tpu.bitcast %parallel_loop3A_895 : vector<16xi32> -> vector<16xf32>
          %parallel_loop3A_897 = arith.constant 5.000000e-01 : f32
          %parallel_loop3A_898 = vector.broadcast %parallel_loop3A_897 : f32 to vector<16xf32>
          %parallel_loop3A_899 = arith.mulf %parallel_loop3A_898, %parallel_loop3A_888 : vector<16xf32>
          %parallel_loop3A_900 = arith.mulf %parallel_loop3A_899, %parallel_loop3A_896 : vector<16xf32>
          %parallel_loop3A_901 = arith.mulf %parallel_loop3A_900, %parallel_loop3A_896 : vector<16xf32>
          %parallel_loop3A_902 = arith.constant 1.500000e+00 : f32
          %parallel_loop3A_903 = vector.broadcast %parallel_loop3A_902 : f32 to vector<16xf32>
          %parallel_loop3A_904 = arith.subf %parallel_loop3A_903, %parallel_loop3A_901 : vector<16xf32>
          %parallel_loop3A_905 = arith.mulf %parallel_loop3A_896, %parallel_loop3A_904 : vector<16xf32>
          %parallel_loop3A_906 = arith.constant 5.000000e-01 : f32
          %parallel_loop3A_907 = vector.broadcast %parallel_loop3A_906 : f32 to vector<16xf32>
          %parallel_loop3A_908 = arith.mulf %parallel_loop3A_907, %parallel_loop3A_888 : vector<16xf32>
          %parallel_loop3A_909 = arith.mulf %parallel_loop3A_908, %parallel_loop3A_905 : vector<16xf32>
          %parallel_loop3A_910 = arith.mulf %parallel_loop3A_909, %parallel_loop3A_905 : vector<16xf32>
          %parallel_loop3A_911 = arith.constant 1.500000e+00 : f32
          %parallel_loop3A_912 = vector.broadcast %parallel_loop3A_911 : f32 to vector<16xf32>
          %parallel_loop3A_913 = arith.subf %parallel_loop3A_912, %parallel_loop3A_910 : vector<16xf32>
          %parallel_loop3A_914 = arith.mulf %parallel_loop3A_905, %parallel_loop3A_913 : vector<16xf32>
          %parallel_loop3A_915 = arith.constant 5.000000e-01 : f32
          %parallel_loop3A_916 = vector.broadcast %parallel_loop3A_915 : f32 to vector<16xf32>
          %parallel_loop3A_917 = arith.mulf %parallel_loop3A_916, %parallel_loop3A_888 : vector<16xf32>
          %parallel_loop3A_918 = arith.mulf %parallel_loop3A_917, %parallel_loop3A_914 : vector<16xf32>
          %parallel_loop3A_919 = arith.mulf %parallel_loop3A_918, %parallel_loop3A_914 : vector<16xf32>
          %parallel_loop3A_920 = arith.constant 1.500000e+00 : f32
          %parallel_loop3A_921 = vector.broadcast %parallel_loop3A_920 : f32 to vector<16xf32>
          %parallel_loop3A_922 = arith.subf %parallel_loop3A_921, %parallel_loop3A_919 : vector<16xf32>
          %parallel_loop3A_923 = arith.mulf %parallel_loop3A_914, %parallel_loop3A_922 : vector<16xf32>
          %parallel_loop3A_924 = arith.mulf %parallel_loop3A_888, %parallel_loop3A_923 : vector<16xf32>
          %parallel_loop3A_925 = arith.constant 1.000000e+00 : f32
          %parallel_loop3A_926 = vector.broadcast %parallel_loop3A_925 : f32 to vector<16xf32>
          %parallel_loop3A_927 = arith.subf %parallel_loop3A_924, %parallel_loop3A_926 : vector<16xf32>
          tpu.vector_store_idx %arg15[%parallel_loop3A_875], %parallel_loop3A_927 : memref<2048xf32, #tpu.memory_space<vmem>>[vector<16xi32>], vector<16xf32>,
        } {sc.loop_unroll_factor = 1 : i64, sc.parallel_access}
        %mul3A_127 = arith.constant 1.600000e+01 : f32
        %mul3A_128 = arith.constant 0.0588235296 : f32
        %mul3A_129 = arith.mulf %mul3A_127, %mul3A_128 : f32
        %add3A_130 = arith.constant 0.0294117648 : f32
        %add3A_131 = arith.addf %mul3A_129, %add3A_130 : f32
        %broadcast_in_dim3A_132 = vector.broadcast %add3A_131 : f32 to vector<16xf32>
        %mul3A_133 = arith.mulf %broadcast_in_dim3A_132, %add3A_121 : vector<16xf32>
        %broadcast_in_dim3A_134 = arith.constant 0 : i32
        %broadcast_in_dim3A_135 = vector.broadcast %broadcast_in_dim3A_134 : i32 to vector<16xi32>
        %add3A_136 = arith.constant 64 : i32
        %add3A_137 = vector.broadcast %add3A_136 : i32 to vector<16xi32>
        %add3A_138 = arith.addi %broadcast_in_dim3A_135, %add3A_137 : vector<16xi32>
        %min3A = arith.constant 64 : i32
        %min3A_139 = vector.broadcast %min3A : i32 to vector<16xi32>
        %min3A_140 = arith.minsi %add3A_138, %min3A_139 : vector<16xi32>
        %mul3A_141 = arith.constant 16 : i32
        %mul3A_142 = vector.broadcast %mul3A_141 : i32 to vector<16xi32>
        %mul3A_143 = arith.muli %min3A_140, %mul3A_142 : vector<16xi32>
        %add3A_144 = arith.addi %mul3A_143, %iota3A : vector<16xi32>
        %gather3A_145 = tpu.vector_load_idx %arg16[%add3A_144] : memref<2064xf32, #tpu.memory_space<vmem>>[vector<16xi32>], vector<16xf32>,
        %le3A = arith.cmpf ole, %gather3A_145, %mul3A_133 : vector<16xf32>
        %select_n3A = arith.select %le3A, %min3A_140, %broadcast_in_dim3A_135 : vector<16xi1>, vector<16xi32>
        %add3A_146 = arith.constant 32 : i32
        %add3A_147 = vector.broadcast %add3A_146 : i32 to vector<16xi32>
        %add3A_148 = arith.addi %select_n3A, %add3A_147 : vector<16xi32>
        %min3A_149 = arith.constant 64 : i32
        %min3A_150 = vector.broadcast %min3A_149 : i32 to vector<16xi32>
        %min3A_151 = arith.minsi %add3A_148, %min3A_150 : vector<16xi32>
        %mul3A_152 = arith.constant 16 : i32
        %mul3A_153 = vector.broadcast %mul3A_152 : i32 to vector<16xi32>
        %mul3A_154 = arith.muli %min3A_151, %mul3A_153 : vector<16xi32>
        %add3A_155 = arith.addi %mul3A_154, %iota3A : vector<16xi32>
        %gather3A_156 = tpu.vector_load_idx %arg16[%add3A_155] : memref<2064xf32, #tpu.memory_space<vmem>>[vector<16xi32>], vector<16xf32>,
        %le3A_157 = arith.cmpf ole, %gather3A_156, %mul3A_133 : vector<16xf32>
        %select_n3A_158 = arith.select %le3A_157, %min3A_151, %select_n3A : vector<16xi1>, vector<16xi32>
        %add3A_159 = arith.constant 16 : i32
        %add3A_160 = vector.broadcast %add3A_159 : i32 to vector<16xi32>
        %add3A_161 = arith.addi %select_n3A_158, %add3A_160 : vector<16xi32>
        %min3A_162 = arith.constant 64 : i32
        %min3A_163 = vector.broadcast %min3A_162 : i32 to vector<16xi32>
        %min3A_164 = arith.minsi %add3A_161, %min3A_163 : vector<16xi32>
        %mul3A_165 = arith.constant 16 : i32
        %mul3A_166 = vector.broadcast %mul3A_165 : i32 to vector<16xi32>
        %mul3A_167 = arith.muli %min3A_164, %mul3A_166 : vector<16xi32>
        %add3A_168 = arith.addi %mul3A_167, %iota3A : vector<16xi32>
        %gather3A_169 = tpu.vector_load_idx %arg16[%add3A_168] : memref<2064xf32, #tpu.memory_space<vmem>>[vector<16xi32>], vector<16xf32>,
        %le3A_170 = arith.cmpf ole, %gather3A_169, %mul3A_133 : vector<16xf32>
        %select_n3A_171 = arith.select %le3A_170, %min3A_164, %select_n3A_158 : vector<16xi1>, vector<16xi32>
        %add3A_172 = arith.constant 8 : i32
        %add3A_173 = vector.broadcast %add3A_172 : i32 to vector<16xi32>
        %add3A_174 = arith.addi %select_n3A_171, %add3A_173 : vector<16xi32>
        %min3A_175 = arith.constant 64 : i32
        %min3A_176 = vector.broadcast %min3A_175 : i32 to vector<16xi32>
        %min3A_177 = arith.minsi %add3A_174, %min3A_176 : vector<16xi32>
        %mul3A_178 = arith.constant 16 : i32
        %mul3A_179 = vector.broadcast %mul3A_178 : i32 to vector<16xi32>
        %mul3A_180 = arith.muli %min3A_177, %mul3A_179 : vector<16xi32>
        %add3A_181 = arith.addi %mul3A_180, %iota3A : vector<16xi32>
        %gather3A_182 = tpu.vector_load_idx %arg16[%add3A_181] : memref<2064xf32, #tpu.memory_space<vmem>>[vector<16xi32>], vector<16xf32>,
        %le3A_183 = arith.cmpf ole, %gather3A_182, %mul3A_133 : vector<16xf32>
        %select_n3A_184 = arith.select %le3A_183, %min3A_177, %select_n3A_171 : vector<16xi1>, vector<16xi32>
        %add3A_185 = arith.constant 4 : i32
        %add3A_186 = vector.broadcast %add3A_185 : i32 to vector<16xi32>
        %add3A_187 = arith.addi %select_n3A_184, %add3A_186 : vector<16xi32>
        %min3A_188 = arith.constant 64 : i32
        %min3A_189 = vector.broadcast %min3A_188 : i32 to vector<16xi32>
        %min3A_190 = arith.minsi %add3A_187, %min3A_189 : vector<16xi32>
        %mul3A_191 = arith.constant 16 : i32
        %mul3A_192 = vector.broadcast %mul3A_191 : i32 to vector<16xi32>
        %mul3A_193 = arith.muli %min3A_190, %mul3A_192 : vector<16xi32>
        %add3A_194 = arith.addi %mul3A_193, %iota3A : vector<16xi32>
        %gather3A_195 = tpu.vector_load_idx %arg16[%add3A_194] : memref<2064xf32, #tpu.memory_space<vmem>>[vector<16xi32>], vector<16xf32>,
        %le3A_196 = arith.cmpf ole, %gather3A_195, %mul3A_133 : vector<16xf32>
        %select_n3A_197 = arith.select %le3A_196, %min3A_190, %select_n3A_184 : vector<16xi1>, vector<16xi32>
        %add3A_198 = arith.constant 2 : i32
        %add3A_199 = vector.broadcast %add3A_198 : i32 to vector<16xi32>
        %add3A_200 = arith.addi %select_n3A_197, %add3A_199 : vector<16xi32>
        %min3A_201 = arith.constant 64 : i32
        %min3A_202 = vector.broadcast %min3A_201 : i32 to vector<16xi32>
        %min3A_203 = arith.minsi %add3A_200, %min3A_202 : vector<16xi32>
        %mul3A_204 = arith.constant 16 : i32
        %mul3A_205 = vector.broadcast %mul3A_204 : i32 to vector<16xi32>
        %mul3A_206 = arith.muli %min3A_203, %mul3A_205 : vector<16xi32>
        %add3A_207 = arith.addi %mul3A_206, %iota3A : vector<16xi32>
        %gather3A_208 = tpu.vector_load_idx %arg16[%add3A_207] : memref<2064xf32, #tpu.memory_space<vmem>>[vector<16xi32>], vector<16xf32>,
        %le3A_209 = arith.cmpf ole, %gather3A_208, %mul3A_133 : vector<16xf32>
        %select_n3A_210 = arith.select %le3A_209, %min3A_203, %select_n3A_197 : vector<16xi1>, vector<16xi32>
        %add3A_211 = arith.constant 1 : i32
        %add3A_212 = vector.broadcast %add3A_211 : i32 to vector<16xi32>
        %add3A_213 = arith.addi %select_n3A_210, %add3A_212 : vector<16xi32>
        %min3A_214 = arith.constant 64 : i32
        %min3A_215 = vector.broadcast %min3A_214 : i32 to vector<16xi32>
        %min3A_216 = arith.minsi %add3A_213, %min3A_215 : vector<16xi32>
        %mul3A_217 = arith.constant 16 : i32
        %mul3A_218 = vector.broadcast %mul3A_217 : i32 to vector<16xi32>
        %mul3A_219 = arith.muli %min3A_216, %mul3A_218 : vector<16xi32>
        %add3A_220 = arith.addi %mul3A_219, %iota3A : vector<16xi32>
        %gather3A_221 = tpu.vector_load_idx %arg16[%add3A_220] : memref<2064xf32, #tpu.memory_space<vmem>>[vector<16xi32>], vector<16xf32>,
        %le3A_222 = arith.cmpf ole, %gather3A_221, %mul3A_133 : vector<16xf32>
        %select_n3A_223 = arith.select %le3A_222, %min3A_216, %select_n3A_210 : vector<16xi1>, vector<16xi32>
        %add3A_224 = arith.constant 1 : i32
        %add3A_225 = vector.broadcast %add3A_224 : i32 to vector<16xi32>
        %add3A_226 = arith.addi %select_n3A_223, %add3A_225 : vector<16xi32>
        %sub3A_227 = arith.constant 1 : i32
        %sub3A_228 = vector.broadcast %sub3A_227 : i32 to vector<16xi32>
        %sub3A_229 = arith.subi %add3A_226, %sub3A_228 : vector<16xi32>
        %mul3A_230 = arith.constant 16 : i32
        %mul3A_231 = vector.broadcast %mul3A_230 : i32 to vector<16xi32>
        %mul3A_232 = arith.muli %sub3A_229, %mul3A_231 : vector<16xi32>
        %add3A_233 = arith.addi %mul3A_232, %iota3A : vector<16xi32>
        %mul3A_234 = arith.constant 16 : i32
        %mul3A_235 = vector.broadcast %mul3A_234 : i32 to vector<16xi32>
        %mul3A_236 = arith.muli %add3A_226, %mul3A_235 : vector<16xi32>
        %add3A_237 = arith.addi %mul3A_236, %iota3A : vector<16xi32>
        %gather3A_238 = tpu.vector_load_idx %arg16[%add3A_233] : memref<2064xf32, #tpu.memory_space<vmem>>[vector<16xi32>], vector<16xf32>,
        %gather3A_239 = tpu.vector_load_idx %arg16[%add3A_237] : memref<2064xf32, #tpu.memory_space<vmem>>[vector<16xi32>], vector<16xf32>,
        %gather3A_240 = tpu.vector_load_idx %arg18[%add3A_233] : memref<1040xf32, #tpu.memory_space<vmem>>[vector<16xi32>], vector<16xf32>,
        %gather3A_241 = tpu.vector_load_idx %arg18[%add3A_237] : memref<1040xf32, #tpu.memory_space<vmem>>[vector<16xi32>], vector<16xf32>,
        %sub3A_242 = arith.subf %mul3A_133, %gather3A_238 : vector<16xf32>
        %sub3A_243 = arith.subf %gather3A_239, %gather3A_238 : vector<16xf32>
        %div3A = arith.divf %sub3A_242, %sub3A_243 : vector<16xf32>
        %jit3A = arith.constant 0.000000e+00 : f32
        %jit3A_244 = arith.constant 1.000000e+00 : f32
        %max3A = vector.broadcast %jit3A : f32 to vector<16xf32>
        %max3A_245 = arith.maximumf %max3A, %div3A : vector<16xf32>
        %min3A_246 = vector.broadcast %jit3A_244 : f32 to vector<16xf32>
        %min3A_247 = arith.minimumf %min3A_246, %max3A_245 : vector<16xf32>
        %sub3A_248 = arith.subf %gather3A_241, %gather3A_240 : vector<16xf32>
        %mul3A_249 = arith.mulf %min3A_247, %sub3A_248 : vector<16xf32>
        %add3A_250 = arith.addf %gather3A_240, %mul3A_249 : vector<16xf32>
        %parallel_loop3A_251 = arith.constant 0 : i32
        %parallel_loop3A_252 = arith.constant 64 : i32
        %parallel_loop3A_253 = arith.constant 1 : i32
        %parallel_loop3A_254 = scf.for %parallel_loop3A_731 = %parallel_loop3A_251 to %parallel_loop3A_252 step %parallel_loop3A_253 iter_args(%parallel_loop3A_732 = %broadcast_in_dim3A_3) -> (vector<16xi32>)  : i32 {
          %parallel_loop3A_733 = arith.constant 16 : i32
          %parallel_loop3A_734 = arith.muli %parallel_loop3A_731, %parallel_loop3A_733 : i32
          %parallel_loop3A_735 = arith.index_cast %parallel_loop3A_734 : i32 to index
          %parallel_loop3A_736 = tpu.vector_load %arg17[%parallel_loop3A_735] {strides = array<i32>} : memref<2064xi32, #tpu.memory_space<vmem>>, vector<16xi32>,
          %parallel_loop3A_737 = arith.constant 16 : i32
          %parallel_loop3A_738 = arith.muli %parallel_loop3A_731, %parallel_loop3A_737 : i32
          %parallel_loop3A_739 = arith.index_cast %parallel_loop3A_738 : i32 to index
          %parallel_loop3A_740 = tpu.vector_load %arg17[%parallel_loop3A_739] {strides = array<i32>} : memref<2064xi32, #tpu.memory_space<vmem>>, vector<16xi32>,
          tpu.vector_store %arg17[%parallel_loop3A_739], %broadcast_in_dim3A_3 {strides = array<i32>} : memref<2064xi32, #tpu.memory_space<vmem>>, vector<16xi32>,
          %parallel_loop3A_741 = arith.addi %parallel_loop3A_732, %parallel_loop3A_736 : vector<16xi32>
          %parallel_loop3A_742 = vector.broadcast %parallel_loop3A_731 : i32 to vector<16xi32>
          %parallel_loop3A_743 = arith.addi %parallel_loop3A_741, %parallel_loop3A_742 : vector<16xi32>
          %parallel_loop3A_744 = arith.constant 16 : i32
          %parallel_loop3A_745 = arith.muli %parallel_loop3A_731, %parallel_loop3A_744 : i32
          %parallel_loop3A_746 = arith.index_cast %parallel_loop3A_745 : i32 to index
          %parallel_loop3A_747 = tpu.vector_load %arg18[%parallel_loop3A_746] {strides = array<i32>} : memref<1040xf32, #tpu.memory_space<vmem>>, vector<16xf32>,
          %parallel_loop3A_748 = arith.constant 16 : i32
          %parallel_loop3A_749 = vector.broadcast %parallel_loop3A_748 : i32 to vector<16xi32>
          %parallel_loop3A_750 = arith.muli %parallel_loop3A_743, %parallel_loop3A_749 : vector<16xi32>
          %parallel_loop3A_751 = arith.addi %parallel_loop3A_750, %iota3A : vector<16xi32>
          tpu.vector_store_idx %arg14[%parallel_loop3A_751], %parallel_loop3A_747 : memref<2064xf32, #tpu.memory_space<vmem>>[vector<16xi32>], vector<16xf32>,
          %parallel_loop3A_752 = arith.constant 16 : i32
          %parallel_loop3A_753 = vector.broadcast %parallel_loop3A_752 : i32 to vector<16xi32>
          %parallel_loop3A_754 = arith.muli %parallel_loop3A_743, %parallel_loop3A_753 : vector<16xi32>
          %parallel_loop3A_755 = arith.addi %parallel_loop3A_754, %iota3A : vector<16xi32>
          %parallel_loop3A_756 = arith.constant 16 : i32
          %parallel_loop3A_757 = arith.muli %parallel_loop3A_731, %parallel_loop3A_756 : i32
          %parallel_loop3A_758 = arith.index_cast %parallel_loop3A_757 : i32 to index
          %parallel_loop3A_759 = tpu.vector_load %arg19[%parallel_loop3A_758] {strides = array<i32>} : memref<1024xf32, #tpu.memory_space<vmem>>, vector<16xf32>,
          tpu.vector_store_idx %arg15[%parallel_loop3A_755], %parallel_loop3A_759 : memref<2048xf32, #tpu.memory_space<vmem>>[vector<16xi32>], vector<16xf32>,
          scf.yield %parallel_loop3A_741 : vector<16xi32>
        } {sc.loop_unroll_factor = 1 : i64, sc.parallel_access}
        %swap3A_255 = arith.constant 1024 : index
        %swap3A_256 = tpu.vector_load %arg17[%swap3A_255] {strides = array<i32>} : memref<2064xi32, #tpu.memory_space<vmem>>, vector<16xi32>,
        tpu.vector_store %arg17[%swap3A_255], %broadcast_in_dim3A_3 {strides = array<i32>} : memref<2064xi32, #tpu.memory_space<vmem>>, vector<16xi32>,
        %get3A_257 = arith.constant 1024 : index
        %get3A_258 = tpu.vector_load %arg18[%get3A_257] {strides = array<i32>} : memref<1040xf32, #tpu.memory_space<vmem>>, vector<16xf32>,
        %max3A_259 = arith.maximumf %get3A_258, %add3A_250 : vector<16xf32>
        %swap3A_260 = arith.constant 1280 : index
        %swap3A_261 = tpu.vector_load %arg14[%swap3A_260] {strides = array<i32>} : memref<2064xf32, #tpu.memory_space<vmem>>, vector<16xf32>,
        tpu.vector_store %arg14[%swap3A_260], %max3A_259 {strides = array<i32>} : memref<2064xf32, #tpu.memory_space<vmem>>, vector<16xf32>,
        %broadcast_in_dim3A_262 = arith.constant 1.000000e+00 : f32
        %broadcast_in_dim3A_263 = vector.broadcast %broadcast_in_dim3A_262 : f32 to vector<16xf32>
        %parallel_loop3A_264 = arith.constant 0 : i32
        %parallel_loop3A_265 = arith.constant 79 : i32
        %parallel_loop3A_266 = arith.constant 1 : i32
        %parallel_loop3A_267:3 = scf.for %parallel_loop3A_731 = %parallel_loop3A_264 to %parallel_loop3A_265 step %parallel_loop3A_266 iter_args(%parallel_loop3A_732 = %broadcast_in_dim3A_263, %parallel_loop3A_733 = %broadcast_in_dim3A_1, %parallel_loop3A_734 = %broadcast_in_dim3A_1) -> (vector<16xf32>, vector<16xf32>, vector<16xf32>)  : i32 {
          %parallel_loop3A_735 = arith.constant 16 : i32
          %parallel_loop3A_736 = arith.muli %parallel_loop3A_731, %parallel_loop3A_735 : i32
          %parallel_loop3A_737 = arith.index_cast %parallel_loop3A_736 : i32 to index
          %parallel_loop3A_738 = tpu.vector_load %arg15[%parallel_loop3A_737] {strides = array<i32>} : memref<2048xf32, #tpu.memory_space<vmem>>, vector<16xf32>,
          %parallel_loop3A_739 = arith.constant 16 : i32
          %parallel_loop3A_740 = arith.muli %parallel_loop3A_731, %parallel_loop3A_739 : i32
          %parallel_loop3A_741 = arith.index_cast %parallel_loop3A_740 : i32 to index
          %parallel_loop3A_742 = tpu.vector_load %arg14[%parallel_loop3A_741] {strides = array<i32>} : memref<2064xf32, #tpu.memory_space<vmem>>, vector<16xf32>,
          %parallel_loop3A_743 = arith.constant 1 : i32
          %parallel_loop3A_744 = arith.addi %parallel_loop3A_731, %parallel_loop3A_743 : i32
          %parallel_loop3A_745 = arith.constant 16 : i32
          %parallel_loop3A_746 = arith.muli %parallel_loop3A_744, %parallel_loop3A_745 : i32
          %parallel_loop3A_747 = arith.index_cast %parallel_loop3A_746 : i32 to index
          %parallel_loop3A_748 = tpu.vector_load %arg15[%parallel_loop3A_747] {strides = array<i32>} : memref<2048xf32, #tpu.memory_space<vmem>>, vector<16xf32>,
          %parallel_loop3A_749 = arith.constant 1 : i32
          %parallel_loop3A_750 = arith.addi %parallel_loop3A_731, %parallel_loop3A_749 : i32
          %parallel_loop3A_751 = arith.constant 16 : i32
          %parallel_loop3A_752 = arith.muli %parallel_loop3A_750, %parallel_loop3A_751 : i32
          %parallel_loop3A_753 = arith.index_cast %parallel_loop3A_752 : i32 to index
          %parallel_loop3A_754 = tpu.vector_load %arg14[%parallel_loop3A_753] {strides = array<i32>} : memref<2064xf32, #tpu.memory_space<vmem>>, vector<16xf32>,
          %parallel_loop3A_755 = arith.subf %parallel_loop3A_754, %parallel_loop3A_742 : vector<16xf32>
          %parallel_loop3A_756 = arith.mulf %parallel_loop3A_755, %sub3A : vector<16xf32>
          %parallel_loop3A_757 = arith.subf %parallel_loop3A_748, %parallel_loop3A_738 : vector<16xf32>
          %parallel_loop3A_758 = arith.constant 9.99999974E-6 : f32
          %parallel_loop3A_759 = vector.broadcast %parallel_loop3A_758 : f32 to vector<16xf32>
          %parallel_loop3A_760 = arith.addf %parallel_loop3A_756, %parallel_loop3A_759 : vector<16xf32>
          %parallel_loop3A_761 = arith.divf %parallel_loop3A_757, %parallel_loop3A_760 : vector<16xf32>
          %parallel_loop3A_762 = arith.minimumf %parallel_loop3A_733, %parallel_loop3A_761 : vector<16xf32>
          %parallel_loop3A_763 = arith.constant -1.000000e+03 : f32
          %parallel_loop3A_764 = arith.constant 0.000000e+00 : f32
          %parallel_loop3A_765 = vector.broadcast %parallel_loop3A_763 : f32 to vector<16xf32>
          %parallel_loop3A_766 = arith.maximumf %parallel_loop3A_765, %parallel_loop3A_762 : vector<16xf32>
          %parallel_loop3A_767 = vector.broadcast %parallel_loop3A_764 : f32 to vector<16xf32>
          %parallel_loop3A_768 = arith.minimumf %parallel_loop3A_767, %parallel_loop3A_766 : vector<16xf32>
          %parallel_loop3A_769 = arith.addf %parallel_loop3A_738, %parallel_loop3A_748 : vector<16xf32>
          %parallel_loop3A_770 = arith.constant 5.000000e-01 : f32
          %parallel_loop3A_771 = vector.broadcast %parallel_loop3A_770 : f32 to vector<16xf32>
          %parallel_loop3A_772 = arith.mulf %parallel_loop3A_769, %parallel_loop3A_771 : vector<16xf32>
          %parallel_loop3A_773 = arith.mulf %parallel_loop3A_768, %parallel_loop3A_756 : vector<16xf32>
          %parallel_loop3A_774 = arith.constant 5.000000e-01 : f32
          %parallel_loop3A_775 = vector.broadcast %parallel_loop3A_774 : f32 to vector<16xf32>
          %parallel_loop3A_776 = arith.mulf %parallel_loop3A_773, %parallel_loop3A_775 : vector<16xf32>
          %parallel_loop3A_777 = arith.subf %parallel_loop3A_776, %parallel_loop3A_772 : vector<16xf32>
          %parallel_loop3A_778 = arith.constant 1.280000e+02 : f32
          %parallel_loop3A_779 = vector.broadcast %parallel_loop3A_778 : f32 to vector<16xf32>
          %parallel_loop3A_780 = arith.mulf %parallel_loop3A_777, %parallel_loop3A_779 : vector<16xf32>
          %parallel_loop3A_781 = arith.constant 4.000000e+01 : f32
          %parallel_loop3A_782 = vector.broadcast %parallel_loop3A_781 : f32 to vector<16xf32>
          %parallel_loop3A_783 = arith.minimumf %parallel_loop3A_780, %parallel_loop3A_782 : vector<16xf32>
          %parallel_loop3A_784 = math.exp %parallel_loop3A_783 : vector<16xf32>
          %parallel_loop3A_785 = arith.constant 0.000000e+00 : f32
          %parallel_loop3A_786 = vector.broadcast %parallel_loop3A_785 : f32 to vector<16xf32>
          %parallel_loop3A_787 = arith.subf %parallel_loop3A_786, %parallel_loop3A_776 : vector<16xf32>
          %parallel_loop3A_788 = arith.subf %parallel_loop3A_787, %parallel_loop3A_772 : vector<16xf32>
          %parallel_loop3A_789 = arith.constant 1.280000e+02 : f32
          %parallel_loop3A_790 = vector.broadcast %parallel_loop3A_789 : f32 to vector<16xf32>
          %parallel_loop3A_791 = arith.mulf %parallel_loop3A_788, %parallel_loop3A_790 : vector<16xf32>
          %parallel_loop3A_792 = arith.constant 4.000000e+01 : f32
          %parallel_loop3A_793 = vector.broadcast %parallel_loop3A_792 : f32 to vector<16xf32>
          %parallel_loop3A_794 = arith.minimumf %parallel_loop3A_791, %parallel_loop3A_793 : vector<16xf32>
          %parallel_loop3A_795 = math.exp %parallel_loop3A_794 : vector<16xf32>
          %parallel_loop3A_796 = arith.constant 1.000000e+00 : f32
          %parallel_loop3A_797 = vector.broadcast %parallel_loop3A_796 : f32 to vector<16xf32>
          %parallel_loop3A_798 = arith.addf %parallel_loop3A_797, %parallel_loop3A_784 : vector<16xf32>
          %parallel_loop3A_799 = arith.constant 1.000000e+00 : f32
          %parallel_loop3A_800 = vector.broadcast %parallel_loop3A_799 : f32 to vector<16xf32>
          %parallel_loop3A_801 = arith.addf %parallel_loop3A_800, %parallel_loop3A_795 : vector<16xf32>
          %parallel_loop3A_802 = arith.mulf %parallel_loop3A_798, %parallel_loop3A_801 : vector<16xf32>
          %parallel_loop3A_803 = arith.constant 9.99999974E-6 : f32
          %parallel_loop3A_804 = vector.broadcast %parallel_loop3A_803 : f32 to vector<16xf32>
          %parallel_loop3A_805 = arith.mulf %parallel_loop3A_804, %parallel_loop3A_802 : vector<16xf32>
          %parallel_loop3A_806 = arith.subf %parallel_loop3A_795, %parallel_loop3A_784 : vector<16xf32>
          %parallel_loop3A_807 = arith.addf %parallel_loop3A_806, %parallel_loop3A_805 : vector<16xf32>
          %parallel_loop3A_808 = arith.constant 1.000000e+00 : f32
          %parallel_loop3A_809 = vector.broadcast %parallel_loop3A_808 : f32 to vector<16xf32>
          %parallel_loop3A_810 = arith.addf %parallel_loop3A_809, %parallel_loop3A_795 : vector<16xf32>
          %parallel_loop3A_811 = arith.addf %parallel_loop3A_810, %parallel_loop3A_805 : vector<16xf32>
          %parallel_loop3A_812 = arith.divf %parallel_loop3A_807, %parallel_loop3A_811 : vector<16xf32>
          %parallel_loop3A_813 = arith.mulf %parallel_loop3A_812, %parallel_loop3A_732 : vector<16xf32>
          %parallel_loop3A_814 = arith.addf %parallel_loop3A_734, %parallel_loop3A_813 : vector<16xf32>
          %parallel_loop3A_815 = arith.constant 9.99999974E-6 : f32
          %parallel_loop3A_816 = vector.broadcast %parallel_loop3A_815 : f32 to vector<16xf32>
          %parallel_loop3A_817 = arith.addf %parallel_loop3A_814, %parallel_loop3A_816 : vector<16xf32>
          %parallel_loop3A_818 = arith.constant 1.00000012 : f32
          %parallel_loop3A_819 = vector.broadcast %parallel_loop3A_818 : f32 to vector<16xf32>
          %parallel_loop3A_820 = arith.subf %parallel_loop3A_819, %parallel_loop3A_812 : vector<16xf32>
          %parallel_loop3A_821 = arith.mulf %parallel_loop3A_732, %parallel_loop3A_820 : vector<16xf32>
          %parallel_loop3A_822 = arith.constant 1 : i32
          %parallel_loop3A_823 = arith.addi %parallel_loop3A_731, %parallel_loop3A_822 : i32
          %parallel_loop3A_824 = arith.constant 16 : i32
          %parallel_loop3A_825 = arith.muli %parallel_loop3A_823, %parallel_loop3A_824 : i32
          %parallel_loop3A_826 = arith.index_cast %parallel_loop3A_825 : i32 to index
          %parallel_loop3A_827 = tpu.vector_load %arg16[%parallel_loop3A_826] {strides = array<i32>} : memref<2064xf32, #tpu.memory_space<vmem>>, vector<16xf32>,
          tpu.vector_store %arg16[%parallel_loop3A_826], %parallel_loop3A_817 {strides = array<i32>} : memref<2064xf32, #tpu.memory_space<vmem>>, vector<16xf32>,
          scf.yield %parallel_loop3A_821, %parallel_loop3A_761, %parallel_loop3A_817 : vector<16xf32>, vector<16xf32>, vector<16xf32>
        } {sc.loop_unroll_factor = 1 : i64, sc.parallel_access}
        %add3A_268 = arith.constant 9.99999974E-6 : f32
        %add3A_269 = vector.broadcast %add3A_268 : f32 to vector<16xf32>
        %add3A_270 = arith.addf %parallel_loop3A_267#2, %add3A_269 : vector<16xf32>
        %swap3A_271 = arith.constant 1280 : index
        %swap3A_272 = tpu.vector_load %arg16[%swap3A_271] {strides = array<i32>} : memref<2064xf32, #tpu.memory_space<vmem>>, vector<16xf32>,
        tpu.vector_store %arg16[%swap3A_271], %add3A_270 {strides = array<i32>} : memref<2064xf32, #tpu.memory_space<vmem>>, vector<16xf32>,
        %parallel_loop3A_273 = arith.constant 0 : i32
        %parallel_loop3A_274 = arith.constant 16 : i32
        %parallel_loop3A_275 = arith.constant 1 : i32
        scf.for %parallel_loop3A_731 = %parallel_loop3A_273 to %parallel_loop3A_274 step %parallel_loop3A_275  : i32 {
          %parallel_loop3A_732 = arith.sitofp %parallel_loop3A_731 : i32 to f32
          %parallel_loop3A_733 = arith.constant 0.0588235296 : f32
          %parallel_loop3A_734 = arith.mulf %parallel_loop3A_732, %parallel_loop3A_733 : f32
          %parallel_loop3A_735 = arith.constant 0.0294117648 : f32
          %parallel_loop3A_736 = arith.addf %parallel_loop3A_734, %parallel_loop3A_735 : f32
          %parallel_loop3A_737 = vector.broadcast %parallel_loop3A_736 : f32 to vector<16xf32>
          %parallel_loop3A_738 = arith.mulf %parallel_loop3A_737, %add3A_270 : vector<16xf32>
          %parallel_loop3A_739 = arith.constant 0 : i32
          %parallel_loop3A_740 = vector.broadcast %parallel_loop3A_739 : i32 to vector<16xi32>
          %parallel_loop3A_741 = arith.constant 64 : i32
          %parallel_loop3A_742 = vector.broadcast %parallel_loop3A_741 : i32 to vector<16xi32>
          %parallel_loop3A_743 = arith.addi %parallel_loop3A_740, %parallel_loop3A_742 : vector<16xi32>
          %parallel_loop3A_744 = arith.constant 80 : i32
          %parallel_loop3A_745 = vector.broadcast %parallel_loop3A_744 : i32 to vector<16xi32>
          %parallel_loop3A_746 = arith.minsi %parallel_loop3A_743, %parallel_loop3A_745 : vector<16xi32>
          %parallel_loop3A_747 = arith.constant 16 : i32
          %parallel_loop3A_748 = vector.broadcast %parallel_loop3A_747 : i32 to vector<16xi32>
          %parallel_loop3A_749 = arith.muli %parallel_loop3A_746, %parallel_loop3A_748 : vector<16xi32>
          %parallel_loop3A_750 = arith.addi %parallel_loop3A_749, %iota3A : vector<16xi32>
          %parallel_loop3A_751 = tpu.vector_load_idx %arg16[%parallel_loop3A_750] : memref<2064xf32, #tpu.memory_space<vmem>>[vector<16xi32>], vector<16xf32>,
          %parallel_loop3A_752 = arith.cmpf ole, %parallel_loop3A_751, %parallel_loop3A_738 : vector<16xf32>
          %parallel_loop3A_753 = arith.select %parallel_loop3A_752, %parallel_loop3A_746, %parallel_loop3A_740 : vector<16xi1>, vector<16xi32>
          %parallel_loop3A_754 = arith.constant 32 : i32
          %parallel_loop3A_755 = vector.broadcast %parallel_loop3A_754 : i32 to vector<16xi32>
          %parallel_loop3A_756 = arith.addi %parallel_loop3A_753, %parallel_loop3A_755 : vector<16xi32>
          %parallel_loop3A_757 = arith.constant 80 : i32
          %parallel_loop3A_758 = vector.broadcast %parallel_loop3A_757 : i32 to vector<16xi32>
          %parallel_loop3A_759 = arith.minsi %parallel_loop3A_756, %parallel_loop3A_758 : vector<16xi32>
          %parallel_loop3A_760 = arith.constant 16 : i32
          %parallel_loop3A_761 = vector.broadcast %parallel_loop3A_760 : i32 to vector<16xi32>
          %parallel_loop3A_762 = arith.muli %parallel_loop3A_759, %parallel_loop3A_761 : vector<16xi32>
          %parallel_loop3A_763 = arith.addi %parallel_loop3A_762, %iota3A : vector<16xi32>
          %parallel_loop3A_764 = tpu.vector_load_idx %arg16[%parallel_loop3A_763] : memref<2064xf32, #tpu.memory_space<vmem>>[vector<16xi32>], vector<16xf32>,
          %parallel_loop3A_765 = arith.cmpf ole, %parallel_loop3A_764, %parallel_loop3A_738 : vector<16xf32>
          %parallel_loop3A_766 = arith.select %parallel_loop3A_765, %parallel_loop3A_759, %parallel_loop3A_753 : vector<16xi1>, vector<16xi32>
          %parallel_loop3A_767 = arith.constant 16 : i32
          %parallel_loop3A_768 = vector.broadcast %parallel_loop3A_767 : i32 to vector<16xi32>
          %parallel_loop3A_769 = arith.addi %parallel_loop3A_766, %parallel_loop3A_768 : vector<16xi32>
          %parallel_loop3A_770 = arith.constant 80 : i32
          %parallel_loop3A_771 = vector.broadcast %parallel_loop3A_770 : i32 to vector<16xi32>
          %parallel_loop3A_772 = arith.minsi %parallel_loop3A_769, %parallel_loop3A_771 : vector<16xi32>
          %parallel_loop3A_773 = arith.constant 16 : i32
          %parallel_loop3A_774 = vector.broadcast %parallel_loop3A_773 : i32 to vector<16xi32>
          %parallel_loop3A_775 = arith.muli %parallel_loop3A_772, %parallel_loop3A_774 : vector<16xi32>
          %parallel_loop3A_776 = arith.addi %parallel_loop3A_775, %iota3A : vector<16xi32>
          %parallel_loop3A_777 = tpu.vector_load_idx %arg16[%parallel_loop3A_776] : memref<2064xf32, #tpu.memory_space<vmem>>[vector<16xi32>], vector<16xf32>,
          %parallel_loop3A_778 = arith.cmpf ole, %parallel_loop3A_777, %parallel_loop3A_738 : vector<16xf32>
          %parallel_loop3A_779 = arith.select %parallel_loop3A_778, %parallel_loop3A_772, %parallel_loop3A_766 : vector<16xi1>, vector<16xi32>
          %parallel_loop3A_780 = arith.constant 8 : i32
          %parallel_loop3A_781 = vector.broadcast %parallel_loop3A_780 : i32 to vector<16xi32>
          %parallel_loop3A_782 = arith.addi %parallel_loop3A_779, %parallel_loop3A_781 : vector<16xi32>
          %parallel_loop3A_783 = arith.constant 80 : i32
          %parallel_loop3A_784 = vector.broadcast %parallel_loop3A_783 : i32 to vector<16xi32>
          %parallel_loop3A_785 = arith.minsi %parallel_loop3A_782, %parallel_loop3A_784 : vector<16xi32>
          %parallel_loop3A_786 = arith.constant 16 : i32
          %parallel_loop3A_787 = vector.broadcast %parallel_loop3A_786 : i32 to vector<16xi32>
          %parallel_loop3A_788 = arith.muli %parallel_loop3A_785, %parallel_loop3A_787 : vector<16xi32>
          %parallel_loop3A_789 = arith.addi %parallel_loop3A_788, %iota3A : vector<16xi32>
          %parallel_loop3A_790 = tpu.vector_load_idx %arg16[%parallel_loop3A_789] : memref<2064xf32, #tpu.memory_space<vmem>>[vector<16xi32>], vector<16xf32>,
          %parallel_loop3A_791 = arith.cmpf ole, %parallel_loop3A_790, %parallel_loop3A_738 : vector<16xf32>
          %parallel_loop3A_792 = arith.select %parallel_loop3A_791, %parallel_loop3A_785, %parallel_loop3A_779 : vector<16xi1>, vector<16xi32>
          %parallel_loop3A_793 = arith.constant 4 : i32
          %parallel_loop3A_794 = vector.broadcast %parallel_loop3A_793 : i32 to vector<16xi32>
          %parallel_loop3A_795 = arith.addi %parallel_loop3A_792, %parallel_loop3A_794 : vector<16xi32>
          %parallel_loop3A_796 = arith.constant 80 : i32
          %parallel_loop3A_797 = vector.broadcast %parallel_loop3A_796 : i32 to vector<16xi32>
          %parallel_loop3A_798 = arith.minsi %parallel_loop3A_795, %parallel_loop3A_797 : vector<16xi32>
          %parallel_loop3A_799 = arith.constant 16 : i32
          %parallel_loop3A_800 = vector.broadcast %parallel_loop3A_799 : i32 to vector<16xi32>
          %parallel_loop3A_801 = arith.muli %parallel_loop3A_798, %parallel_loop3A_800 : vector<16xi32>
          %parallel_loop3A_802 = arith.addi %parallel_loop3A_801, %iota3A : vector<16xi32>
          %parallel_loop3A_803 = tpu.vector_load_idx %arg16[%parallel_loop3A_802] : memref<2064xf32, #tpu.memory_space<vmem>>[vector<16xi32>], vector<16xf32>,
          %parallel_loop3A_804 = arith.cmpf ole, %parallel_loop3A_803, %parallel_loop3A_738 : vector<16xf32>
          %parallel_loop3A_805 = arith.select %parallel_loop3A_804, %parallel_loop3A_798, %parallel_loop3A_792 : vector<16xi1>, vector<16xi32>
          %parallel_loop3A_806 = arith.constant 2 : i32
          %parallel_loop3A_807 = vector.broadcast %parallel_loop3A_806 : i32 to vector<16xi32>
          %parallel_loop3A_808 = arith.addi %parallel_loop3A_805, %parallel_loop3A_807 : vector<16xi32>
          %parallel_loop3A_809 = arith.constant 80 : i32
          %parallel_loop3A_810 = vector.broadcast %parallel_loop3A_809 : i32 to vector<16xi32>
          %parallel_loop3A_811 = arith.minsi %parallel_loop3A_808, %parallel_loop3A_810 : vector<16xi32>
          %parallel_loop3A_812 = arith.constant 16 : i32
          %parallel_loop3A_813 = vector.broadcast %parallel_loop3A_812 : i32 to vector<16xi32>
          %parallel_loop3A_814 = arith.muli %parallel_loop3A_811, %parallel_loop3A_813 : vector<16xi32>
          %parallel_loop3A_815 = arith.addi %parallel_loop3A_814, %iota3A : vector<16xi32>
          %parallel_loop3A_816 = tpu.vector_load_idx %arg16[%parallel_loop3A_815] : memref<2064xf32, #tpu.memory_space<vmem>>[vector<16xi32>], vector<16xf32>,
          %parallel_loop3A_817 = arith.cmpf ole, %parallel_loop3A_816, %parallel_loop3A_738 : vector<16xf32>
          %parallel_loop3A_818 = arith.select %parallel_loop3A_817, %parallel_loop3A_811, %parallel_loop3A_805 : vector<16xi1>, vector<16xi32>
          %parallel_loop3A_819 = arith.constant 1 : i32
          %parallel_loop3A_820 = vector.broadcast %parallel_loop3A_819 : i32 to vector<16xi32>
          %parallel_loop3A_821 = arith.addi %parallel_loop3A_818, %parallel_loop3A_820 : vector<16xi32>
          %parallel_loop3A_822 = arith.constant 80 : i32
          %parallel_loop3A_823 = vector.broadcast %parallel_loop3A_822 : i32 to vector<16xi32>
          %parallel_loop3A_824 = arith.minsi %parallel_loop3A_821, %parallel_loop3A_823 : vector<16xi32>
          %parallel_loop3A_825 = arith.constant 16 : i32
          %parallel_loop3A_826 = vector.broadcast %parallel_loop3A_825 : i32 to vector<16xi32>
          %parallel_loop3A_827 = arith.muli %parallel_loop3A_824, %parallel_loop3A_826 : vector<16xi32>
          %parallel_loop3A_828 = arith.addi %parallel_loop3A_827, %iota3A : vector<16xi32>
          %parallel_loop3A_829 = tpu.vector_load_idx %arg16[%parallel_loop3A_828] : memref<2064xf32, #tpu.memory_space<vmem>>[vector<16xi32>], vector<16xf32>,
          %parallel_loop3A_830 = arith.cmpf ole, %parallel_loop3A_829, %parallel_loop3A_738 : vector<16xf32>
          %parallel_loop3A_831 = arith.select %parallel_loop3A_830, %parallel_loop3A_824, %parallel_loop3A_818 : vector<16xi1>, vector<16xi32>
          %parallel_loop3A_832 = arith.constant 1 : i32
          %parallel_loop3A_833 = vector.broadcast %parallel_loop3A_832 : i32 to vector<16xi32>
          %parallel_loop3A_834 = arith.addi %parallel_loop3A_831, %parallel_loop3A_833 : vector<16xi32>
          %parallel_loop3A_835 = arith.constant 1 : i32
          %parallel_loop3A_836 = vector.broadcast %parallel_loop3A_835 : i32 to vector<16xi32>
          %parallel_loop3A_837 = arith.subi %parallel_loop3A_834, %parallel_loop3A_836 : vector<16xi32>
          %parallel_loop3A_838 = arith.constant 16 : i32
          %parallel_loop3A_839 = vector.broadcast %parallel_loop3A_838 : i32 to vector<16xi32>
          %parallel_loop3A_840 = arith.muli %parallel_loop3A_837, %parallel_loop3A_839 : vector<16xi32>
          %parallel_loop3A_841 = arith.addi %parallel_loop3A_840, %iota3A : vector<16xi32>
          %parallel_loop3A_842 = arith.constant 16 : i32
          %parallel_loop3A_843 = vector.broadcast %parallel_loop3A_842 : i32 to vector<16xi32>
          %parallel_loop3A_844 = arith.muli %parallel_loop3A_834, %parallel_loop3A_843 : vector<16xi32>
          %parallel_loop3A_845 = arith.addi %parallel_loop3A_844, %iota3A : vector<16xi32>
          %parallel_loop3A_846 = tpu.vector_load_idx %arg16[%parallel_loop3A_841] : memref<2064xf32, #tpu.memory_space<vmem>>[vector<16xi32>], vector<16xf32>,
          %parallel_loop3A_847 = tpu.vector_load_idx %arg16[%parallel_loop3A_845] : memref<2064xf32, #tpu.memory_space<vmem>>[vector<16xi32>], vector<16xf32>,
          %parallel_loop3A_848 = tpu.vector_load_idx %arg14[%parallel_loop3A_841] : memref<2064xf32, #tpu.memory_space<vmem>>[vector<16xi32>], vector<16xf32>,
          %parallel_loop3A_849 = tpu.vector_load_idx %arg14[%parallel_loop3A_845] : memref<2064xf32, #tpu.memory_space<vmem>>[vector<16xi32>], vector<16xf32>,
          %parallel_loop3A_850 = arith.subf %parallel_loop3A_738, %parallel_loop3A_846 : vector<16xf32>
          %parallel_loop3A_851 = arith.subf %parallel_loop3A_847, %parallel_loop3A_846 : vector<16xf32>
          %parallel_loop3A_852 = arith.divf %parallel_loop3A_850, %parallel_loop3A_851 : vector<16xf32>
          %parallel_loop3A_853 = arith.constant 0.000000e+00 : f32
          %parallel_loop3A_854 = arith.constant 1.000000e+00 : f32
          %parallel_loop3A_855 = vector.broadcast %parallel_loop3A_853 : f32 to vector<16xf32>
          %parallel_loop3A_856 = arith.maximumf %parallel_loop3A_855, %parallel_loop3A_852 : vector<16xf32>
          %parallel_loop3A_857 = vector.broadcast %parallel_loop3A_854 : f32 to vector<16xf32>
          %parallel_loop3A_858 = arith.minimumf %parallel_loop3A_857, %parallel_loop3A_856 : vector<16xf32>
          %parallel_loop3A_859 = arith.subf %parallel_loop3A_849, %parallel_loop3A_848 : vector<16xf32>
          %parallel_loop3A_860 = arith.mulf %parallel_loop3A_858, %parallel_loop3A_859 : vector<16xf32>
          %parallel_loop3A_861 = arith.addf %parallel_loop3A_848, %parallel_loop3A_860 : vector<16xf32>
          %parallel_loop3A_862 = arith.constant 16 : i32
          %parallel_loop3A_863 = vector.broadcast %parallel_loop3A_862 : i32 to vector<16xi32>
          %parallel_loop3A_864 = arith.muli %parallel_loop3A_834, %parallel_loop3A_863 : vector<16xi32>
          %parallel_loop3A_865 = arith.addi %parallel_loop3A_864, %iota3A : vector<16xi32>
          tpu.vector_store_idx %arg17[%parallel_loop3A_865], %broadcast_in_dim3A_5 {add = true} : memref<2064xi32, #tpu.memory_space<vmem>>[vector<16xi32>], vector<16xi32>,
          %parallel_loop3A_866 = vector.broadcast %parallel_loop3A_731 : i32 to vector<16xi32>
          %parallel_loop3A_867 = arith.addi %parallel_loop3A_834, %parallel_loop3A_866 : vector<16xi32>
          %parallel_loop3A_868 = arith.constant 16 : i32
          %parallel_loop3A_869 = vector.broadcast %parallel_loop3A_868 : i32 to vector<16xi32>
          %parallel_loop3A_870 = arith.muli %parallel_loop3A_867, %parallel_loop3A_869 : vector<16xi32>
          %parallel_loop3A_871 = arith.addi %parallel_loop3A_870, %iota3A : vector<16xi32>
          tpu.vector_store_idx %arg12[%parallel_loop3A_871], %parallel_loop3A_861 : memref<2064xf32, #tpu.memory_space<vmem>>[vector<16xi32>], vector<16xf32>,
          %parallel_loop3A_872 = arith.constant 16 : i32
          %parallel_loop3A_873 = vector.broadcast %parallel_loop3A_872 : i32 to vector<16xi32>
          %parallel_loop3A_874 = arith.muli %parallel_loop3A_867, %parallel_loop3A_873 : vector<16xi32>
          %parallel_loop3A_875 = arith.addi %parallel_loop3A_874, %iota3A : vector<16xi32>
          %parallel_loop3A_876 = arith.mulf %parallel_loop3A_861, %sub3A : vector<16xf32>
          %parallel_loop3A_877 = arith.addf %get3A_96, %parallel_loop3A_876 : vector<16xf32>
          %parallel_loop3A_878 = arith.mulf %gather3A_85, %parallel_loop3A_877 : vector<16xf32>
          %parallel_loop3A_879 = arith.addf %gather3A, %parallel_loop3A_878 : vector<16xf32>
          %parallel_loop3A_880 = arith.mulf %gather3A_89, %parallel_loop3A_877 : vector<16xf32>
          %parallel_loop3A_881 = arith.addf %gather3A_80, %parallel_loop3A_880 : vector<16xf32>
          %parallel_loop3A_882 = arith.mulf %gather3A_93, %parallel_loop3A_877 : vector<16xf32>
          %parallel_loop3A_883 = arith.addf %gather3A_84, %parallel_loop3A_882 : vector<16xf32>
          %parallel_loop3A_884 = arith.mulf %parallel_loop3A_879, %parallel_loop3A_879 : vector<16xf32>
          %parallel_loop3A_885 = arith.mulf %parallel_loop3A_881, %parallel_loop3A_881 : vector<16xf32>
          %parallel_loop3A_886 = arith.addf %parallel_loop3A_884, %parallel_loop3A_885 : vector<16xf32>
          %parallel_loop3A_887 = arith.mulf %parallel_loop3A_883, %parallel_loop3A_883 : vector<16xf32>
          %parallel_loop3A_888 = arith.addf %parallel_loop3A_886, %parallel_loop3A_887 : vector<16xf32>
          %parallel_loop3A_889 = tpu.bitcast %parallel_loop3A_888 : vector<16xf32> -> vector<16xi32>
          %parallel_loop3A_890 = arith.constant 1 : i32
          %parallel_loop3A_891 = vector.broadcast %parallel_loop3A_890 : i32 to vector<16xi32>
          %parallel_loop3A_892 = arith.shrsi %parallel_loop3A_889, %parallel_loop3A_891 : vector<16xi32>
          %parallel_loop3A_893 = arith.constant 1597463007 : i32
          %parallel_loop3A_894 = vector.broadcast %parallel_loop3A_893 : i32 to vector<16xi32>
          %parallel_loop3A_895 = arith.subi %parallel_loop3A_894, %parallel_loop3A_892 : vector<16xi32>
          %parallel_loop3A_896 = tpu.bitcast %parallel_loop3A_895 : vector<16xi32> -> vector<16xf32>
          %parallel_loop3A_897 = arith.constant 5.000000e-01 : f32
          %parallel_loop3A_898 = vector.broadcast %parallel_loop3A_897 : f32 to vector<16xf32>
          %parallel_loop3A_899 = arith.mulf %parallel_loop3A_898, %parallel_loop3A_888 : vector<16xf32>
          %parallel_loop3A_900 = arith.mulf %parallel_loop3A_899, %parallel_loop3A_896 : vector<16xf32>
          %parallel_loop3A_901 = arith.mulf %parallel_loop3A_900, %parallel_loop3A_896 : vector<16xf32>
          %parallel_loop3A_902 = arith.constant 1.500000e+00 : f32
          %parallel_loop3A_903 = vector.broadcast %parallel_loop3A_902 : f32 to vector<16xf32>
          %parallel_loop3A_904 = arith.subf %parallel_loop3A_903, %parallel_loop3A_901 : vector<16xf32>
          %parallel_loop3A_905 = arith.mulf %parallel_loop3A_896, %parallel_loop3A_904 : vector<16xf32>
          %parallel_loop3A_906 = arith.constant 5.000000e-01 : f32
          %parallel_loop3A_907 = vector.broadcast %parallel_loop3A_906 : f32 to vector<16xf32>
          %parallel_loop3A_908 = arith.mulf %parallel_loop3A_907, %parallel_loop3A_888 : vector<16xf32>
          %parallel_loop3A_909 = arith.mulf %parallel_loop3A_908, %parallel_loop3A_905 : vector<16xf32>
          %parallel_loop3A_910 = arith.mulf %parallel_loop3A_909, %parallel_loop3A_905 : vector<16xf32>
          %parallel_loop3A_911 = arith.constant 1.500000e+00 : f32
          %parallel_loop3A_912 = vector.broadcast %parallel_loop3A_911 : f32 to vector<16xf32>
          %parallel_loop3A_913 = arith.subf %parallel_loop3A_912, %parallel_loop3A_910 : vector<16xf32>
          %parallel_loop3A_914 = arith.mulf %parallel_loop3A_905, %parallel_loop3A_913 : vector<16xf32>
          %parallel_loop3A_915 = arith.constant 5.000000e-01 : f32
          %parallel_loop3A_916 = vector.broadcast %parallel_loop3A_915 : f32 to vector<16xf32>
          %parallel_loop3A_917 = arith.mulf %parallel_loop3A_916, %parallel_loop3A_888 : vector<16xf32>
          %parallel_loop3A_918 = arith.mulf %parallel_loop3A_917, %parallel_loop3A_914 : vector<16xf32>
          %parallel_loop3A_919 = arith.mulf %parallel_loop3A_918, %parallel_loop3A_914 : vector<16xf32>
          %parallel_loop3A_920 = arith.constant 1.500000e+00 : f32
          %parallel_loop3A_921 = vector.broadcast %parallel_loop3A_920 : f32 to vector<16xf32>
          %parallel_loop3A_922 = arith.subf %parallel_loop3A_921, %parallel_loop3A_919 : vector<16xf32>
          %parallel_loop3A_923 = arith.mulf %parallel_loop3A_914, %parallel_loop3A_922 : vector<16xf32>
          %parallel_loop3A_924 = arith.mulf %parallel_loop3A_888, %parallel_loop3A_923 : vector<16xf32>
          %parallel_loop3A_925 = arith.constant 1.000000e+00 : f32
          %parallel_loop3A_926 = vector.broadcast %parallel_loop3A_925 : f32 to vector<16xf32>
          %parallel_loop3A_927 = arith.subf %parallel_loop3A_924, %parallel_loop3A_926 : vector<16xf32>
          tpu.vector_store_idx %arg13[%parallel_loop3A_875], %parallel_loop3A_927 : memref<2048xf32, #tpu.memory_space<vmem>>[vector<16xi32>], vector<16xf32>,
        } {sc.loop_unroll_factor = 1 : i64, sc.parallel_access}
        %mul3A_276 = arith.constant 1.600000e+01 : f32
        %mul3A_277 = arith.constant 0.0588235296 : f32
        %mul3A_278 = arith.mulf %mul3A_276, %mul3A_277 : f32
        %add3A_279 = arith.constant 0.0294117648 : f32
        %add3A_280 = arith.addf %mul3A_278, %add3A_279 : f32
        %broadcast_in_dim3A_281 = vector.broadcast %add3A_280 : f32 to vector<16xf32>
        %mul3A_282 = arith.mulf %broadcast_in_dim3A_281, %add3A_270 : vector<16xf32>
        %broadcast_in_dim3A_283 = arith.constant 0 : i32
        %broadcast_in_dim3A_284 = vector.broadcast %broadcast_in_dim3A_283 : i32 to vector<16xi32>
        %add3A_285 = arith.constant 64 : i32
        %add3A_286 = vector.broadcast %add3A_285 : i32 to vector<16xi32>
        %add3A_287 = arith.addi %broadcast_in_dim3A_284, %add3A_286 : vector<16xi32>
        %min3A_288 = arith.constant 80 : i32
        %min3A_289 = vector.broadcast %min3A_288 : i32 to vector<16xi32>
        %min3A_290 = arith.minsi %add3A_287, %min3A_289 : vector<16xi32>
        %mul3A_291 = arith.constant 16 : i32
        %mul3A_292 = vector.broadcast %mul3A_291 : i32 to vector<16xi32>
        %mul3A_293 = arith.muli %min3A_290, %mul3A_292 : vector<16xi32>
        %add3A_294 = arith.addi %mul3A_293, %iota3A : vector<16xi32>
        %gather3A_295 = tpu.vector_load_idx %arg16[%add3A_294] : memref<2064xf32, #tpu.memory_space<vmem>>[vector<16xi32>], vector<16xf32>,
        %le3A_296 = arith.cmpf ole, %gather3A_295, %mul3A_282 : vector<16xf32>
        %select_n3A_297 = arith.select %le3A_296, %min3A_290, %broadcast_in_dim3A_284 : vector<16xi1>, vector<16xi32>
        %add3A_298 = arith.constant 32 : i32
        %add3A_299 = vector.broadcast %add3A_298 : i32 to vector<16xi32>
        %add3A_300 = arith.addi %select_n3A_297, %add3A_299 : vector<16xi32>
        %min3A_301 = arith.constant 80 : i32
        %min3A_302 = vector.broadcast %min3A_301 : i32 to vector<16xi32>
        %min3A_303 = arith.minsi %add3A_300, %min3A_302 : vector<16xi32>
        %mul3A_304 = arith.constant 16 : i32
        %mul3A_305 = vector.broadcast %mul3A_304 : i32 to vector<16xi32>
        %mul3A_306 = arith.muli %min3A_303, %mul3A_305 : vector<16xi32>
        %add3A_307 = arith.addi %mul3A_306, %iota3A : vector<16xi32>
        %gather3A_308 = tpu.vector_load_idx %arg16[%add3A_307] : memref<2064xf32, #tpu.memory_space<vmem>>[vector<16xi32>], vector<16xf32>,
        %le3A_309 = arith.cmpf ole, %gather3A_308, %mul3A_282 : vector<16xf32>
        %select_n3A_310 = arith.select %le3A_309, %min3A_303, %select_n3A_297 : vector<16xi1>, vector<16xi32>
        %add3A_311 = arith.constant 16 : i32
        %add3A_312 = vector.broadcast %add3A_311 : i32 to vector<16xi32>
        %add3A_313 = arith.addi %select_n3A_310, %add3A_312 : vector<16xi32>
        %min3A_314 = arith.constant 80 : i32
        %min3A_315 = vector.broadcast %min3A_314 : i32 to vector<16xi32>
        %min3A_316 = arith.minsi %add3A_313, %min3A_315 : vector<16xi32>
        %mul3A_317 = arith.constant 16 : i32
        %mul3A_318 = vector.broadcast %mul3A_317 : i32 to vector<16xi32>
        %mul3A_319 = arith.muli %min3A_316, %mul3A_318 : vector<16xi32>
        %add3A_320 = arith.addi %mul3A_319, %iota3A : vector<16xi32>
        %gather3A_321 = tpu.vector_load_idx %arg16[%add3A_320] : memref<2064xf32, #tpu.memory_space<vmem>>[vector<16xi32>], vector<16xf32>,
        %le3A_322 = arith.cmpf ole, %gather3A_321, %mul3A_282 : vector<16xf32>
        %select_n3A_323 = arith.select %le3A_322, %min3A_316, %select_n3A_310 : vector<16xi1>, vector<16xi32>
        %add3A_324 = arith.constant 8 : i32
        %add3A_325 = vector.broadcast %add3A_324 : i32 to vector<16xi32>
        %add3A_326 = arith.addi %select_n3A_323, %add3A_325 : vector<16xi32>
        %min3A_327 = arith.constant 80 : i32
        %min3A_328 = vector.broadcast %min3A_327 : i32 to vector<16xi32>
        %min3A_329 = arith.minsi %add3A_326, %min3A_328 : vector<16xi32>
        %mul3A_330 = arith.constant 16 : i32
        %mul3A_331 = vector.broadcast %mul3A_330 : i32 to vector<16xi32>
        %mul3A_332 = arith.muli %min3A_329, %mul3A_331 : vector<16xi32>
        %add3A_333 = arith.addi %mul3A_332, %iota3A : vector<16xi32>
        %gather3A_334 = tpu.vector_load_idx %arg16[%add3A_333] : memref<2064xf32, #tpu.memory_space<vmem>>[vector<16xi32>], vector<16xf32>,
        %le3A_335 = arith.cmpf ole, %gather3A_334, %mul3A_282 : vector<16xf32>
        %select_n3A_336 = arith.select %le3A_335, %min3A_329, %select_n3A_323 : vector<16xi1>, vector<16xi32>
        %add3A_337 = arith.constant 4 : i32
        %add3A_338 = vector.broadcast %add3A_337 : i32 to vector<16xi32>
        %add3A_339 = arith.addi %select_n3A_336, %add3A_338 : vector<16xi32>
        %min3A_340 = arith.constant 80 : i32
        %min3A_341 = vector.broadcast %min3A_340 : i32 to vector<16xi32>
        %min3A_342 = arith.minsi %add3A_339, %min3A_341 : vector<16xi32>
        %mul3A_343 = arith.constant 16 : i32
        %mul3A_344 = vector.broadcast %mul3A_343 : i32 to vector<16xi32>
        %mul3A_345 = arith.muli %min3A_342, %mul3A_344 : vector<16xi32>
        %add3A_346 = arith.addi %mul3A_345, %iota3A : vector<16xi32>
        %gather3A_347 = tpu.vector_load_idx %arg16[%add3A_346] : memref<2064xf32, #tpu.memory_space<vmem>>[vector<16xi32>], vector<16xf32>,
        %le3A_348 = arith.cmpf ole, %gather3A_347, %mul3A_282 : vector<16xf32>
        %select_n3A_349 = arith.select %le3A_348, %min3A_342, %select_n3A_336 : vector<16xi1>, vector<16xi32>
        %add3A_350 = arith.constant 2 : i32
        %add3A_351 = vector.broadcast %add3A_350 : i32 to vector<16xi32>
        %add3A_352 = arith.addi %select_n3A_349, %add3A_351 : vector<16xi32>
        %min3A_353 = arith.constant 80 : i32
        %min3A_354 = vector.broadcast %min3A_353 : i32 to vector<16xi32>
        %min3A_355 = arith.minsi %add3A_352, %min3A_354 : vector<16xi32>
        %mul3A_356 = arith.constant 16 : i32
        %mul3A_357 = vector.broadcast %mul3A_356 : i32 to vector<16xi32>
        %mul3A_358 = arith.muli %min3A_355, %mul3A_357 : vector<16xi32>
        %add3A_359 = arith.addi %mul3A_358, %iota3A : vector<16xi32>
        %gather3A_360 = tpu.vector_load_idx %arg16[%add3A_359] : memref<2064xf32, #tpu.memory_space<vmem>>[vector<16xi32>], vector<16xf32>,
        %le3A_361 = arith.cmpf ole, %gather3A_360, %mul3A_282 : vector<16xf32>
        %select_n3A_362 = arith.select %le3A_361, %min3A_355, %select_n3A_349 : vector<16xi1>, vector<16xi32>
        %add3A_363 = arith.constant 1 : i32
        %add3A_364 = vector.broadcast %add3A_363 : i32 to vector<16xi32>
        %add3A_365 = arith.addi %select_n3A_362, %add3A_364 : vector<16xi32>
        %min3A_366 = arith.constant 80 : i32
        %min3A_367 = vector.broadcast %min3A_366 : i32 to vector<16xi32>
        %min3A_368 = arith.minsi %add3A_365, %min3A_367 : vector<16xi32>
        %mul3A_369 = arith.constant 16 : i32
        %mul3A_370 = vector.broadcast %mul3A_369 : i32 to vector<16xi32>
        %mul3A_371 = arith.muli %min3A_368, %mul3A_370 : vector<16xi32>
        %add3A_372 = arith.addi %mul3A_371, %iota3A : vector<16xi32>
        %gather3A_373 = tpu.vector_load_idx %arg16[%add3A_372] : memref<2064xf32, #tpu.memory_space<vmem>>[vector<16xi32>], vector<16xf32>,
        %le3A_374 = arith.cmpf ole, %gather3A_373, %mul3A_282 : vector<16xf32>
        %select_n3A_375 = arith.select %le3A_374, %min3A_368, %select_n3A_362 : vector<16xi1>, vector<16xi32>
        %add3A_376 = arith.constant 1 : i32
        %add3A_377 = vector.broadcast %add3A_376 : i32 to vector<16xi32>
        %add3A_378 = arith.addi %select_n3A_375, %add3A_377 : vector<16xi32>
        %sub3A_379 = arith.constant 1 : i32
        %sub3A_380 = vector.broadcast %sub3A_379 : i32 to vector<16xi32>
        %sub3A_381 = arith.subi %add3A_378, %sub3A_380 : vector<16xi32>
        %mul3A_382 = arith.constant 16 : i32
        %mul3A_383 = vector.broadcast %mul3A_382 : i32 to vector<16xi32>
        %mul3A_384 = arith.muli %sub3A_381, %mul3A_383 : vector<16xi32>
        %add3A_385 = arith.addi %mul3A_384, %iota3A : vector<16xi32>
        %mul3A_386 = arith.constant 16 : i32
        %mul3A_387 = vector.broadcast %mul3A_386 : i32 to vector<16xi32>
        %mul3A_388 = arith.muli %add3A_378, %mul3A_387 : vector<16xi32>
        %add3A_389 = arith.addi %mul3A_388, %iota3A : vector<16xi32>
        %gather3A_390 = tpu.vector_load_idx %arg16[%add3A_385] : memref<2064xf32, #tpu.memory_space<vmem>>[vector<16xi32>], vector<16xf32>,
        %gather3A_391 = tpu.vector_load_idx %arg16[%add3A_389] : memref<2064xf32, #tpu.memory_space<vmem>>[vector<16xi32>], vector<16xf32>,
        %gather3A_392 = tpu.vector_load_idx %arg14[%add3A_385] : memref<2064xf32, #tpu.memory_space<vmem>>[vector<16xi32>], vector<16xf32>,
        %gather3A_393 = tpu.vector_load_idx %arg14[%add3A_389] : memref<2064xf32, #tpu.memory_space<vmem>>[vector<16xi32>], vector<16xf32>,
        %sub3A_394 = arith.subf %mul3A_282, %gather3A_390 : vector<16xf32>
        %sub3A_395 = arith.subf %gather3A_391, %gather3A_390 : vector<16xf32>
        %div3A_396 = arith.divf %sub3A_394, %sub3A_395 : vector<16xf32>
        %jit3A_397 = arith.constant 0.000000e+00 : f32
        %jit3A_398 = arith.constant 1.000000e+00 : f32
        %max3A_399 = vector.broadcast %jit3A_397 : f32 to vector<16xf32>
        %max3A_400 = arith.maximumf %max3A_399, %div3A_396 : vector<16xf32>
        %min3A_401 = vector.broadcast %jit3A_398 : f32 to vector<16xf32>
        %min3A_402 = arith.minimumf %min3A_401, %max3A_400 : vector<16xf32>
        %sub3A_403 = arith.subf %gather3A_393, %gather3A_392 : vector<16xf32>
        %mul3A_404 = arith.mulf %min3A_402, %sub3A_403 : vector<16xf32>
        %add3A_405 = arith.addf %gather3A_392, %mul3A_404 : vector<16xf32>
        %parallel_loop3A_406 = arith.constant 0 : i32
        %parallel_loop3A_407 = arith.constant 80 : i32
        %parallel_loop3A_408 = arith.constant 1 : i32
        %parallel_loop3A_409 = scf.for %parallel_loop3A_731 = %parallel_loop3A_406 to %parallel_loop3A_407 step %parallel_loop3A_408 iter_args(%parallel_loop3A_732 = %broadcast_in_dim3A_3) -> (vector<16xi32>)  : i32 {
          %parallel_loop3A_733 = arith.constant 16 : i32
          %parallel_loop3A_734 = arith.muli %parallel_loop3A_731, %parallel_loop3A_733 : i32
          %parallel_loop3A_735 = arith.index_cast %parallel_loop3A_734 : i32 to index
          %parallel_loop3A_736 = tpu.vector_load %arg17[%parallel_loop3A_735] {strides = array<i32>} : memref<2064xi32, #tpu.memory_space<vmem>>, vector<16xi32>,
          %parallel_loop3A_737 = arith.constant 16 : i32
          %parallel_loop3A_738 = arith.muli %parallel_loop3A_731, %parallel_loop3A_737 : i32
          %parallel_loop3A_739 = arith.index_cast %parallel_loop3A_738 : i32 to index
          %parallel_loop3A_740 = tpu.vector_load %arg17[%parallel_loop3A_739] {strides = array<i32>} : memref<2064xi32, #tpu.memory_space<vmem>>, vector<16xi32>,
          tpu.vector_store %arg17[%parallel_loop3A_739], %broadcast_in_dim3A_3 {strides = array<i32>} : memref<2064xi32, #tpu.memory_space<vmem>>, vector<16xi32>,
          %parallel_loop3A_741 = arith.addi %parallel_loop3A_732, %parallel_loop3A_736 : vector<16xi32>
          %parallel_loop3A_742 = vector.broadcast %parallel_loop3A_731 : i32 to vector<16xi32>
          %parallel_loop3A_743 = arith.addi %parallel_loop3A_741, %parallel_loop3A_742 : vector<16xi32>
          %parallel_loop3A_744 = arith.constant 16 : i32
          %parallel_loop3A_745 = arith.muli %parallel_loop3A_731, %parallel_loop3A_744 : i32
          %parallel_loop3A_746 = arith.index_cast %parallel_loop3A_745 : i32 to index
          %parallel_loop3A_747 = tpu.vector_load %arg14[%parallel_loop3A_746] {strides = array<i32>} : memref<2064xf32, #tpu.memory_space<vmem>>, vector<16xf32>,
          %parallel_loop3A_748 = arith.constant 16 : i32
          %parallel_loop3A_749 = vector.broadcast %parallel_loop3A_748 : i32 to vector<16xi32>
          %parallel_loop3A_750 = arith.muli %parallel_loop3A_743, %parallel_loop3A_749 : vector<16xi32>
          %parallel_loop3A_751 = arith.addi %parallel_loop3A_750, %iota3A : vector<16xi32>
          tpu.vector_store_idx %arg12[%parallel_loop3A_751], %parallel_loop3A_747 : memref<2064xf32, #tpu.memory_space<vmem>>[vector<16xi32>], vector<16xf32>,
          %parallel_loop3A_752 = arith.constant 16 : i32
          %parallel_loop3A_753 = vector.broadcast %parallel_loop3A_752 : i32 to vector<16xi32>
          %parallel_loop3A_754 = arith.muli %parallel_loop3A_743, %parallel_loop3A_753 : vector<16xi32>
          %parallel_loop3A_755 = arith.addi %parallel_loop3A_754, %iota3A : vector<16xi32>
          %parallel_loop3A_756 = arith.constant 16 : i32
          %parallel_loop3A_757 = arith.muli %parallel_loop3A_731, %parallel_loop3A_756 : i32
          %parallel_loop3A_758 = arith.index_cast %parallel_loop3A_757 : i32 to index
          %parallel_loop3A_759 = tpu.vector_load %arg15[%parallel_loop3A_758] {strides = array<i32>} : memref<2048xf32, #tpu.memory_space<vmem>>, vector<16xf32>,
          tpu.vector_store_idx %arg13[%parallel_loop3A_755], %parallel_loop3A_759 : memref<2048xf32, #tpu.memory_space<vmem>>[vector<16xi32>], vector<16xf32>,
          scf.yield %parallel_loop3A_741 : vector<16xi32>
        } {sc.loop_unroll_factor = 1 : i64, sc.parallel_access}
        %swap3A_410 = arith.constant 1280 : index
        %swap3A_411 = tpu.vector_load %arg17[%swap3A_410] {strides = array<i32>} : memref<2064xi32, #tpu.memory_space<vmem>>, vector<16xi32>,
        tpu.vector_store %arg17[%swap3A_410], %broadcast_in_dim3A_3 {strides = array<i32>} : memref<2064xi32, #tpu.memory_space<vmem>>, vector<16xi32>,
        %get3A_412 = arith.constant 1280 : index
        %get3A_413 = tpu.vector_load %arg14[%get3A_412] {strides = array<i32>} : memref<2064xf32, #tpu.memory_space<vmem>>, vector<16xf32>,
        %max3A_414 = arith.maximumf %get3A_413, %add3A_405 : vector<16xf32>
        %swap3A_415 = arith.constant 1536 : index
        %swap3A_416 = tpu.vector_load %arg12[%swap3A_415] {strides = array<i32>} : memref<2064xf32, #tpu.memory_space<vmem>>, vector<16xf32>,
        tpu.vector_store %arg12[%swap3A_415], %max3A_414 {strides = array<i32>} : memref<2064xf32, #tpu.memory_space<vmem>>, vector<16xf32>,
        %broadcast_in_dim3A_417 = arith.constant 1.000000e+00 : f32
        %broadcast_in_dim3A_418 = vector.broadcast %broadcast_in_dim3A_417 : f32 to vector<16xf32>
        %parallel_loop3A_419 = arith.constant 0 : i32
        %parallel_loop3A_420 = arith.constant 95 : i32
        %parallel_loop3A_421 = arith.constant 1 : i32
        %parallel_loop3A_422:3 = scf.for %parallel_loop3A_731 = %parallel_loop3A_419 to %parallel_loop3A_420 step %parallel_loop3A_421 iter_args(%parallel_loop3A_732 = %broadcast_in_dim3A_418, %parallel_loop3A_733 = %broadcast_in_dim3A_1, %parallel_loop3A_734 = %broadcast_in_dim3A_1) -> (vector<16xf32>, vector<16xf32>, vector<16xf32>)  : i32 {
          %parallel_loop3A_735 = arith.constant 16 : i32
          %parallel_loop3A_736 = arith.muli %parallel_loop3A_731, %parallel_loop3A_735 : i32
          %parallel_loop3A_737 = arith.index_cast %parallel_loop3A_736 : i32 to index
          %parallel_loop3A_738 = tpu.vector_load %arg13[%parallel_loop3A_737] {strides = array<i32>} : memref<2048xf32, #tpu.memory_space<vmem>>, vector<16xf32>,
          %parallel_loop3A_739 = arith.constant 16 : i32
          %parallel_loop3A_740 = arith.muli %parallel_loop3A_731, %parallel_loop3A_739 : i32
          %parallel_loop3A_741 = arith.index_cast %parallel_loop3A_740 : i32 to index
          %parallel_loop3A_742 = tpu.vector_load %arg12[%parallel_loop3A_741] {strides = array<i32>} : memref<2064xf32, #tpu.memory_space<vmem>>, vector<16xf32>,
          %parallel_loop3A_743 = arith.constant 1 : i32
          %parallel_loop3A_744 = arith.addi %parallel_loop3A_731, %parallel_loop3A_743 : i32
          %parallel_loop3A_745 = arith.constant 16 : i32
          %parallel_loop3A_746 = arith.muli %parallel_loop3A_744, %parallel_loop3A_745 : i32
          %parallel_loop3A_747 = arith.index_cast %parallel_loop3A_746 : i32 to index
          %parallel_loop3A_748 = tpu.vector_load %arg13[%parallel_loop3A_747] {strides = array<i32>} : memref<2048xf32, #tpu.memory_space<vmem>>, vector<16xf32>,
          %parallel_loop3A_749 = arith.constant 1 : i32
          %parallel_loop3A_750 = arith.addi %parallel_loop3A_731, %parallel_loop3A_749 : i32
          %parallel_loop3A_751 = arith.constant 16 : i32
          %parallel_loop3A_752 = arith.muli %parallel_loop3A_750, %parallel_loop3A_751 : i32
          %parallel_loop3A_753 = arith.index_cast %parallel_loop3A_752 : i32 to index
          %parallel_loop3A_754 = tpu.vector_load %arg12[%parallel_loop3A_753] {strides = array<i32>} : memref<2064xf32, #tpu.memory_space<vmem>>, vector<16xf32>,
          %parallel_loop3A_755 = arith.subf %parallel_loop3A_754, %parallel_loop3A_742 : vector<16xf32>
          %parallel_loop3A_756 = arith.mulf %parallel_loop3A_755, %sub3A : vector<16xf32>
          %parallel_loop3A_757 = arith.subf %parallel_loop3A_748, %parallel_loop3A_738 : vector<16xf32>
          %parallel_loop3A_758 = arith.constant 9.99999974E-6 : f32
          %parallel_loop3A_759 = vector.broadcast %parallel_loop3A_758 : f32 to vector<16xf32>
          %parallel_loop3A_760 = arith.addf %parallel_loop3A_756, %parallel_loop3A_759 : vector<16xf32>
          %parallel_loop3A_761 = arith.divf %parallel_loop3A_757, %parallel_loop3A_760 : vector<16xf32>
          %parallel_loop3A_762 = arith.minimumf %parallel_loop3A_733, %parallel_loop3A_761 : vector<16xf32>
          %parallel_loop3A_763 = arith.constant -1.000000e+03 : f32
          %parallel_loop3A_764 = arith.constant 0.000000e+00 : f32
          %parallel_loop3A_765 = vector.broadcast %parallel_loop3A_763 : f32 to vector<16xf32>
          %parallel_loop3A_766 = arith.maximumf %parallel_loop3A_765, %parallel_loop3A_762 : vector<16xf32>
          %parallel_loop3A_767 = vector.broadcast %parallel_loop3A_764 : f32 to vector<16xf32>
          %parallel_loop3A_768 = arith.minimumf %parallel_loop3A_767, %parallel_loop3A_766 : vector<16xf32>
          %parallel_loop3A_769 = arith.addf %parallel_loop3A_738, %parallel_loop3A_748 : vector<16xf32>
          %parallel_loop3A_770 = arith.constant 5.000000e-01 : f32
          %parallel_loop3A_771 = vector.broadcast %parallel_loop3A_770 : f32 to vector<16xf32>
          %parallel_loop3A_772 = arith.mulf %parallel_loop3A_769, %parallel_loop3A_771 : vector<16xf32>
          %parallel_loop3A_773 = arith.mulf %parallel_loop3A_768, %parallel_loop3A_756 : vector<16xf32>
          %parallel_loop3A_774 = arith.constant 5.000000e-01 : f32
          %parallel_loop3A_775 = vector.broadcast %parallel_loop3A_774 : f32 to vector<16xf32>
          %parallel_loop3A_776 = arith.mulf %parallel_loop3A_773, %parallel_loop3A_775 : vector<16xf32>
          %parallel_loop3A_777 = arith.subf %parallel_loop3A_776, %parallel_loop3A_772 : vector<16xf32>
          %parallel_loop3A_778 = arith.constant 2.560000e+02 : f32
          %parallel_loop3A_779 = vector.broadcast %parallel_loop3A_778 : f32 to vector<16xf32>
          %parallel_loop3A_780 = arith.mulf %parallel_loop3A_777, %parallel_loop3A_779 : vector<16xf32>
          %parallel_loop3A_781 = arith.constant 4.000000e+01 : f32
          %parallel_loop3A_782 = vector.broadcast %parallel_loop3A_781 : f32 to vector<16xf32>
          %parallel_loop3A_783 = arith.minimumf %parallel_loop3A_780, %parallel_loop3A_782 : vector<16xf32>
          %parallel_loop3A_784 = math.exp %parallel_loop3A_783 : vector<16xf32>
          %parallel_loop3A_785 = arith.constant 0.000000e+00 : f32
          %parallel_loop3A_786 = vector.broadcast %parallel_loop3A_785 : f32 to vector<16xf32>
          %parallel_loop3A_787 = arith.subf %parallel_loop3A_786, %parallel_loop3A_776 : vector<16xf32>
          %parallel_loop3A_788 = arith.subf %parallel_loop3A_787, %parallel_loop3A_772 : vector<16xf32>
          %parallel_loop3A_789 = arith.constant 2.560000e+02 : f32
          %parallel_loop3A_790 = vector.broadcast %parallel_loop3A_789 : f32 to vector<16xf32>
          %parallel_loop3A_791 = arith.mulf %parallel_loop3A_788, %parallel_loop3A_790 : vector<16xf32>
          %parallel_loop3A_792 = arith.constant 4.000000e+01 : f32
          %parallel_loop3A_793 = vector.broadcast %parallel_loop3A_792 : f32 to vector<16xf32>
          %parallel_loop3A_794 = arith.minimumf %parallel_loop3A_791, %parallel_loop3A_793 : vector<16xf32>
          %parallel_loop3A_795 = math.exp %parallel_loop3A_794 : vector<16xf32>
          %parallel_loop3A_796 = arith.constant 1.000000e+00 : f32
          %parallel_loop3A_797 = vector.broadcast %parallel_loop3A_796 : f32 to vector<16xf32>
          %parallel_loop3A_798 = arith.addf %parallel_loop3A_797, %parallel_loop3A_784 : vector<16xf32>
          %parallel_loop3A_799 = arith.constant 1.000000e+00 : f32
          %parallel_loop3A_800 = vector.broadcast %parallel_loop3A_799 : f32 to vector<16xf32>
          %parallel_loop3A_801 = arith.addf %parallel_loop3A_800, %parallel_loop3A_795 : vector<16xf32>
          %parallel_loop3A_802 = arith.mulf %parallel_loop3A_798, %parallel_loop3A_801 : vector<16xf32>
          %parallel_loop3A_803 = arith.constant 9.99999974E-6 : f32
          %parallel_loop3A_804 = vector.broadcast %parallel_loop3A_803 : f32 to vector<16xf32>
          %parallel_loop3A_805 = arith.mulf %parallel_loop3A_804, %parallel_loop3A_802 : vector<16xf32>
          %parallel_loop3A_806 = arith.subf %parallel_loop3A_795, %parallel_loop3A_784 : vector<16xf32>
          %parallel_loop3A_807 = arith.addf %parallel_loop3A_806, %parallel_loop3A_805 : vector<16xf32>
          %parallel_loop3A_808 = arith.constant 1.000000e+00 : f32
          %parallel_loop3A_809 = vector.broadcast %parallel_loop3A_808 : f32 to vector<16xf32>
          %parallel_loop3A_810 = arith.addf %parallel_loop3A_809, %parallel_loop3A_795 : vector<16xf32>
          %parallel_loop3A_811 = arith.addf %parallel_loop3A_810, %parallel_loop3A_805 : vector<16xf32>
          %parallel_loop3A_812 = arith.divf %parallel_loop3A_807, %parallel_loop3A_811 : vector<16xf32>
          %parallel_loop3A_813 = arith.mulf %parallel_loop3A_812, %parallel_loop3A_732 : vector<16xf32>
          %parallel_loop3A_814 = arith.addf %parallel_loop3A_734, %parallel_loop3A_813 : vector<16xf32>
          %parallel_loop3A_815 = arith.constant 9.99999974E-6 : f32
          %parallel_loop3A_816 = vector.broadcast %parallel_loop3A_815 : f32 to vector<16xf32>
          %parallel_loop3A_817 = arith.addf %parallel_loop3A_814, %parallel_loop3A_816 : vector<16xf32>
          %parallel_loop3A_818 = arith.constant 1.00000012 : f32
          %parallel_loop3A_819 = vector.broadcast %parallel_loop3A_818 : f32 to vector<16xf32>
          %parallel_loop3A_820 = arith.subf %parallel_loop3A_819, %parallel_loop3A_812 : vector<16xf32>
          %parallel_loop3A_821 = arith.mulf %parallel_loop3A_732, %parallel_loop3A_820 : vector<16xf32>
          %parallel_loop3A_822 = arith.constant 1 : i32
          %parallel_loop3A_823 = arith.addi %parallel_loop3A_731, %parallel_loop3A_822 : i32
          %parallel_loop3A_824 = arith.constant 16 : i32
          %parallel_loop3A_825 = arith.muli %parallel_loop3A_823, %parallel_loop3A_824 : i32
          %parallel_loop3A_826 = arith.index_cast %parallel_loop3A_825 : i32 to index
          %parallel_loop3A_827 = tpu.vector_load %arg16[%parallel_loop3A_826] {strides = array<i32>} : memref<2064xf32, #tpu.memory_space<vmem>>, vector<16xf32>,
          tpu.vector_store %arg16[%parallel_loop3A_826], %parallel_loop3A_817 {strides = array<i32>} : memref<2064xf32, #tpu.memory_space<vmem>>, vector<16xf32>,
          scf.yield %parallel_loop3A_821, %parallel_loop3A_761, %parallel_loop3A_817 : vector<16xf32>, vector<16xf32>, vector<16xf32>
        } {sc.loop_unroll_factor = 1 : i64, sc.parallel_access}
        %add3A_423 = arith.constant 9.99999974E-6 : f32
        %add3A_424 = vector.broadcast %add3A_423 : f32 to vector<16xf32>
        %add3A_425 = arith.addf %parallel_loop3A_422#2, %add3A_424 : vector<16xf32>
        %swap3A_426 = arith.constant 1536 : index
        %swap3A_427 = tpu.vector_load %arg16[%swap3A_426] {strides = array<i32>} : memref<2064xf32, #tpu.memory_space<vmem>>, vector<16xf32>,
        tpu.vector_store %arg16[%swap3A_426], %add3A_425 {strides = array<i32>} : memref<2064xf32, #tpu.memory_space<vmem>>, vector<16xf32>,
        %parallel_loop3A_428 = arith.constant 0 : i32
        %parallel_loop3A_429 = arith.constant 16 : i32
        %parallel_loop3A_430 = arith.constant 1 : i32
        scf.for %parallel_loop3A_731 = %parallel_loop3A_428 to %parallel_loop3A_429 step %parallel_loop3A_430  : i32 {
          %parallel_loop3A_732 = arith.sitofp %parallel_loop3A_731 : i32 to f32
          %parallel_loop3A_733 = arith.constant 0.0588235296 : f32
          %parallel_loop3A_734 = arith.mulf %parallel_loop3A_732, %parallel_loop3A_733 : f32
          %parallel_loop3A_735 = arith.constant 0.0294117648 : f32
          %parallel_loop3A_736 = arith.addf %parallel_loop3A_734, %parallel_loop3A_735 : f32
          %parallel_loop3A_737 = vector.broadcast %parallel_loop3A_736 : f32 to vector<16xf32>
          %parallel_loop3A_738 = arith.mulf %parallel_loop3A_737, %add3A_425 : vector<16xf32>
          %parallel_loop3A_739 = arith.constant 0 : i32
          %parallel_loop3A_740 = vector.broadcast %parallel_loop3A_739 : i32 to vector<16xi32>
          %parallel_loop3A_741 = arith.constant 64 : i32
          %parallel_loop3A_742 = vector.broadcast %parallel_loop3A_741 : i32 to vector<16xi32>
          %parallel_loop3A_743 = arith.addi %parallel_loop3A_740, %parallel_loop3A_742 : vector<16xi32>
          %parallel_loop3A_744 = arith.constant 96 : i32
          %parallel_loop3A_745 = vector.broadcast %parallel_loop3A_744 : i32 to vector<16xi32>
          %parallel_loop3A_746 = arith.minsi %parallel_loop3A_743, %parallel_loop3A_745 : vector<16xi32>
          %parallel_loop3A_747 = arith.constant 16 : i32
          %parallel_loop3A_748 = vector.broadcast %parallel_loop3A_747 : i32 to vector<16xi32>
          %parallel_loop3A_749 = arith.muli %parallel_loop3A_746, %parallel_loop3A_748 : vector<16xi32>
          %parallel_loop3A_750 = arith.addi %parallel_loop3A_749, %iota3A : vector<16xi32>
          %parallel_loop3A_751 = tpu.vector_load_idx %arg16[%parallel_loop3A_750] : memref<2064xf32, #tpu.memory_space<vmem>>[vector<16xi32>], vector<16xf32>,
          %parallel_loop3A_752 = arith.cmpf ole, %parallel_loop3A_751, %parallel_loop3A_738 : vector<16xf32>
          %parallel_loop3A_753 = arith.select %parallel_loop3A_752, %parallel_loop3A_746, %parallel_loop3A_740 : vector<16xi1>, vector<16xi32>
          %parallel_loop3A_754 = arith.constant 32 : i32
          %parallel_loop3A_755 = vector.broadcast %parallel_loop3A_754 : i32 to vector<16xi32>
          %parallel_loop3A_756 = arith.addi %parallel_loop3A_753, %parallel_loop3A_755 : vector<16xi32>
          %parallel_loop3A_757 = arith.constant 96 : i32
          %parallel_loop3A_758 = vector.broadcast %parallel_loop3A_757 : i32 to vector<16xi32>
          %parallel_loop3A_759 = arith.minsi %parallel_loop3A_756, %parallel_loop3A_758 : vector<16xi32>
          %parallel_loop3A_760 = arith.constant 16 : i32
          %parallel_loop3A_761 = vector.broadcast %parallel_loop3A_760 : i32 to vector<16xi32>
          %parallel_loop3A_762 = arith.muli %parallel_loop3A_759, %parallel_loop3A_761 : vector<16xi32>
          %parallel_loop3A_763 = arith.addi %parallel_loop3A_762, %iota3A : vector<16xi32>
          %parallel_loop3A_764 = tpu.vector_load_idx %arg16[%parallel_loop3A_763] : memref<2064xf32, #tpu.memory_space<vmem>>[vector<16xi32>], vector<16xf32>,
          %parallel_loop3A_765 = arith.cmpf ole, %parallel_loop3A_764, %parallel_loop3A_738 : vector<16xf32>
          %parallel_loop3A_766 = arith.select %parallel_loop3A_765, %parallel_loop3A_759, %parallel_loop3A_753 : vector<16xi1>, vector<16xi32>
          %parallel_loop3A_767 = arith.constant 16 : i32
          %parallel_loop3A_768 = vector.broadcast %parallel_loop3A_767 : i32 to vector<16xi32>
          %parallel_loop3A_769 = arith.addi %parallel_loop3A_766, %parallel_loop3A_768 : vector<16xi32>
          %parallel_loop3A_770 = arith.constant 96 : i32
          %parallel_loop3A_771 = vector.broadcast %parallel_loop3A_770 : i32 to vector<16xi32>
          %parallel_loop3A_772 = arith.minsi %parallel_loop3A_769, %parallel_loop3A_771 : vector<16xi32>
          %parallel_loop3A_773 = arith.constant 16 : i32
          %parallel_loop3A_774 = vector.broadcast %parallel_loop3A_773 : i32 to vector<16xi32>
          %parallel_loop3A_775 = arith.muli %parallel_loop3A_772, %parallel_loop3A_774 : vector<16xi32>
          %parallel_loop3A_776 = arith.addi %parallel_loop3A_775, %iota3A : vector<16xi32>
          %parallel_loop3A_777 = tpu.vector_load_idx %arg16[%parallel_loop3A_776] : memref<2064xf32, #tpu.memory_space<vmem>>[vector<16xi32>], vector<16xf32>,
          %parallel_loop3A_778 = arith.cmpf ole, %parallel_loop3A_777, %parallel_loop3A_738 : vector<16xf32>
          %parallel_loop3A_779 = arith.select %parallel_loop3A_778, %parallel_loop3A_772, %parallel_loop3A_766 : vector<16xi1>, vector<16xi32>
          %parallel_loop3A_780 = arith.constant 8 : i32
          %parallel_loop3A_781 = vector.broadcast %parallel_loop3A_780 : i32 to vector<16xi32>
          %parallel_loop3A_782 = arith.addi %parallel_loop3A_779, %parallel_loop3A_781 : vector<16xi32>
          %parallel_loop3A_783 = arith.constant 96 : i32
          %parallel_loop3A_784 = vector.broadcast %parallel_loop3A_783 : i32 to vector<16xi32>
          %parallel_loop3A_785 = arith.minsi %parallel_loop3A_782, %parallel_loop3A_784 : vector<16xi32>
          %parallel_loop3A_786 = arith.constant 16 : i32
          %parallel_loop3A_787 = vector.broadcast %parallel_loop3A_786 : i32 to vector<16xi32>
          %parallel_loop3A_788 = arith.muli %parallel_loop3A_785, %parallel_loop3A_787 : vector<16xi32>
          %parallel_loop3A_789 = arith.addi %parallel_loop3A_788, %iota3A : vector<16xi32>
          %parallel_loop3A_790 = tpu.vector_load_idx %arg16[%parallel_loop3A_789] : memref<2064xf32, #tpu.memory_space<vmem>>[vector<16xi32>], vector<16xf32>,
          %parallel_loop3A_791 = arith.cmpf ole, %parallel_loop3A_790, %parallel_loop3A_738 : vector<16xf32>
          %parallel_loop3A_792 = arith.select %parallel_loop3A_791, %parallel_loop3A_785, %parallel_loop3A_779 : vector<16xi1>, vector<16xi32>
          %parallel_loop3A_793 = arith.constant 4 : i32
          %parallel_loop3A_794 = vector.broadcast %parallel_loop3A_793 : i32 to vector<16xi32>
          %parallel_loop3A_795 = arith.addi %parallel_loop3A_792, %parallel_loop3A_794 : vector<16xi32>
          %parallel_loop3A_796 = arith.constant 96 : i32
          %parallel_loop3A_797 = vector.broadcast %parallel_loop3A_796 : i32 to vector<16xi32>
          %parallel_loop3A_798 = arith.minsi %parallel_loop3A_795, %parallel_loop3A_797 : vector<16xi32>
          %parallel_loop3A_799 = arith.constant 16 : i32
          %parallel_loop3A_800 = vector.broadcast %parallel_loop3A_799 : i32 to vector<16xi32>
          %parallel_loop3A_801 = arith.muli %parallel_loop3A_798, %parallel_loop3A_800 : vector<16xi32>
          %parallel_loop3A_802 = arith.addi %parallel_loop3A_801, %iota3A : vector<16xi32>
          %parallel_loop3A_803 = tpu.vector_load_idx %arg16[%parallel_loop3A_802] : memref<2064xf32, #tpu.memory_space<vmem>>[vector<16xi32>], vector<16xf32>,
          %parallel_loop3A_804 = arith.cmpf ole, %parallel_loop3A_803, %parallel_loop3A_738 : vector<16xf32>
          %parallel_loop3A_805 = arith.select %parallel_loop3A_804, %parallel_loop3A_798, %parallel_loop3A_792 : vector<16xi1>, vector<16xi32>
          %parallel_loop3A_806 = arith.constant 2 : i32
          %parallel_loop3A_807 = vector.broadcast %parallel_loop3A_806 : i32 to vector<16xi32>
          %parallel_loop3A_808 = arith.addi %parallel_loop3A_805, %parallel_loop3A_807 : vector<16xi32>
          %parallel_loop3A_809 = arith.constant 96 : i32
          %parallel_loop3A_810 = vector.broadcast %parallel_loop3A_809 : i32 to vector<16xi32>
          %parallel_loop3A_811 = arith.minsi %parallel_loop3A_808, %parallel_loop3A_810 : vector<16xi32>
          %parallel_loop3A_812 = arith.constant 16 : i32
          %parallel_loop3A_813 = vector.broadcast %parallel_loop3A_812 : i32 to vector<16xi32>
          %parallel_loop3A_814 = arith.muli %parallel_loop3A_811, %parallel_loop3A_813 : vector<16xi32>
          %parallel_loop3A_815 = arith.addi %parallel_loop3A_814, %iota3A : vector<16xi32>
          %parallel_loop3A_816 = tpu.vector_load_idx %arg16[%parallel_loop3A_815] : memref<2064xf32, #tpu.memory_space<vmem>>[vector<16xi32>], vector<16xf32>,
          %parallel_loop3A_817 = arith.cmpf ole, %parallel_loop3A_816, %parallel_loop3A_738 : vector<16xf32>
          %parallel_loop3A_818 = arith.select %parallel_loop3A_817, %parallel_loop3A_811, %parallel_loop3A_805 : vector<16xi1>, vector<16xi32>
          %parallel_loop3A_819 = arith.constant 1 : i32
          %parallel_loop3A_820 = vector.broadcast %parallel_loop3A_819 : i32 to vector<16xi32>
          %parallel_loop3A_821 = arith.addi %parallel_loop3A_818, %parallel_loop3A_820 : vector<16xi32>
          %parallel_loop3A_822 = arith.constant 96 : i32
          %parallel_loop3A_823 = vector.broadcast %parallel_loop3A_822 : i32 to vector<16xi32>
          %parallel_loop3A_824 = arith.minsi %parallel_loop3A_821, %parallel_loop3A_823 : vector<16xi32>
          %parallel_loop3A_825 = arith.constant 16 : i32
          %parallel_loop3A_826 = vector.broadcast %parallel_loop3A_825 : i32 to vector<16xi32>
          %parallel_loop3A_827 = arith.muli %parallel_loop3A_824, %parallel_loop3A_826 : vector<16xi32>
          %parallel_loop3A_828 = arith.addi %parallel_loop3A_827, %iota3A : vector<16xi32>
          %parallel_loop3A_829 = tpu.vector_load_idx %arg16[%parallel_loop3A_828] : memref<2064xf32, #tpu.memory_space<vmem>>[vector<16xi32>], vector<16xf32>,
          %parallel_loop3A_830 = arith.cmpf ole, %parallel_loop3A_829, %parallel_loop3A_738 : vector<16xf32>
          %parallel_loop3A_831 = arith.select %parallel_loop3A_830, %parallel_loop3A_824, %parallel_loop3A_818 : vector<16xi1>, vector<16xi32>
          %parallel_loop3A_832 = arith.constant 1 : i32
          %parallel_loop3A_833 = vector.broadcast %parallel_loop3A_832 : i32 to vector<16xi32>
          %parallel_loop3A_834 = arith.addi %parallel_loop3A_831, %parallel_loop3A_833 : vector<16xi32>
          %parallel_loop3A_835 = arith.constant 1 : i32
          %parallel_loop3A_836 = vector.broadcast %parallel_loop3A_835 : i32 to vector<16xi32>
          %parallel_loop3A_837 = arith.subi %parallel_loop3A_834, %parallel_loop3A_836 : vector<16xi32>
          %parallel_loop3A_838 = arith.constant 16 : i32
          %parallel_loop3A_839 = vector.broadcast %parallel_loop3A_838 : i32 to vector<16xi32>
          %parallel_loop3A_840 = arith.muli %parallel_loop3A_837, %parallel_loop3A_839 : vector<16xi32>
          %parallel_loop3A_841 = arith.addi %parallel_loop3A_840, %iota3A : vector<16xi32>
          %parallel_loop3A_842 = arith.constant 16 : i32
          %parallel_loop3A_843 = vector.broadcast %parallel_loop3A_842 : i32 to vector<16xi32>
          %parallel_loop3A_844 = arith.muli %parallel_loop3A_834, %parallel_loop3A_843 : vector<16xi32>
          %parallel_loop3A_845 = arith.addi %parallel_loop3A_844, %iota3A : vector<16xi32>
          %parallel_loop3A_846 = tpu.vector_load_idx %arg16[%parallel_loop3A_841] : memref<2064xf32, #tpu.memory_space<vmem>>[vector<16xi32>], vector<16xf32>,
          %parallel_loop3A_847 = tpu.vector_load_idx %arg16[%parallel_loop3A_845] : memref<2064xf32, #tpu.memory_space<vmem>>[vector<16xi32>], vector<16xf32>,
          %parallel_loop3A_848 = tpu.vector_load_idx %arg12[%parallel_loop3A_841] : memref<2064xf32, #tpu.memory_space<vmem>>[vector<16xi32>], vector<16xf32>,
          %parallel_loop3A_849 = tpu.vector_load_idx %arg12[%parallel_loop3A_845] : memref<2064xf32, #tpu.memory_space<vmem>>[vector<16xi32>], vector<16xf32>,
          %parallel_loop3A_850 = arith.subf %parallel_loop3A_738, %parallel_loop3A_846 : vector<16xf32>
          %parallel_loop3A_851 = arith.subf %parallel_loop3A_847, %parallel_loop3A_846 : vector<16xf32>
          %parallel_loop3A_852 = arith.divf %parallel_loop3A_850, %parallel_loop3A_851 : vector<16xf32>
          %parallel_loop3A_853 = arith.constant 0.000000e+00 : f32
          %parallel_loop3A_854 = arith.constant 1.000000e+00 : f32
          %parallel_loop3A_855 = vector.broadcast %parallel_loop3A_853 : f32 to vector<16xf32>
          %parallel_loop3A_856 = arith.maximumf %parallel_loop3A_855, %parallel_loop3A_852 : vector<16xf32>
          %parallel_loop3A_857 = vector.broadcast %parallel_loop3A_854 : f32 to vector<16xf32>
          %parallel_loop3A_858 = arith.minimumf %parallel_loop3A_857, %parallel_loop3A_856 : vector<16xf32>
          %parallel_loop3A_859 = arith.subf %parallel_loop3A_849, %parallel_loop3A_848 : vector<16xf32>
          %parallel_loop3A_860 = arith.mulf %parallel_loop3A_858, %parallel_loop3A_859 : vector<16xf32>
          %parallel_loop3A_861 = arith.addf %parallel_loop3A_848, %parallel_loop3A_860 : vector<16xf32>
          %parallel_loop3A_862 = arith.constant 16 : i32
          %parallel_loop3A_863 = vector.broadcast %parallel_loop3A_862 : i32 to vector<16xi32>
          %parallel_loop3A_864 = arith.muli %parallel_loop3A_834, %parallel_loop3A_863 : vector<16xi32>
          %parallel_loop3A_865 = arith.addi %parallel_loop3A_864, %iota3A : vector<16xi32>
          tpu.vector_store_idx %arg17[%parallel_loop3A_865], %broadcast_in_dim3A_5 {add = true} : memref<2064xi32, #tpu.memory_space<vmem>>[vector<16xi32>], vector<16xi32>,
          %parallel_loop3A_866 = vector.broadcast %parallel_loop3A_731 : i32 to vector<16xi32>
          %parallel_loop3A_867 = arith.addi %parallel_loop3A_834, %parallel_loop3A_866 : vector<16xi32>
          %parallel_loop3A_868 = arith.constant 16 : i32
          %parallel_loop3A_869 = vector.broadcast %parallel_loop3A_868 : i32 to vector<16xi32>
          %parallel_loop3A_870 = arith.muli %parallel_loop3A_867, %parallel_loop3A_869 : vector<16xi32>
          %parallel_loop3A_871 = arith.addi %parallel_loop3A_870, %iota3A : vector<16xi32>
          tpu.vector_store_idx %arg14[%parallel_loop3A_871], %parallel_loop3A_861 : memref<2064xf32, #tpu.memory_space<vmem>>[vector<16xi32>], vector<16xf32>,
          %parallel_loop3A_872 = arith.constant 16 : i32
          %parallel_loop3A_873 = vector.broadcast %parallel_loop3A_872 : i32 to vector<16xi32>
          %parallel_loop3A_874 = arith.muli %parallel_loop3A_867, %parallel_loop3A_873 : vector<16xi32>
          %parallel_loop3A_875 = arith.addi %parallel_loop3A_874, %iota3A : vector<16xi32>
          %parallel_loop3A_876 = arith.mulf %parallel_loop3A_861, %sub3A : vector<16xf32>
          %parallel_loop3A_877 = arith.addf %get3A_96, %parallel_loop3A_876 : vector<16xf32>
          %parallel_loop3A_878 = arith.mulf %gather3A_85, %parallel_loop3A_877 : vector<16xf32>
          %parallel_loop3A_879 = arith.addf %gather3A, %parallel_loop3A_878 : vector<16xf32>
          %parallel_loop3A_880 = arith.mulf %gather3A_89, %parallel_loop3A_877 : vector<16xf32>
          %parallel_loop3A_881 = arith.addf %gather3A_80, %parallel_loop3A_880 : vector<16xf32>
          %parallel_loop3A_882 = arith.mulf %gather3A_93, %parallel_loop3A_877 : vector<16xf32>
          %parallel_loop3A_883 = arith.addf %gather3A_84, %parallel_loop3A_882 : vector<16xf32>
          %parallel_loop3A_884 = arith.mulf %parallel_loop3A_879, %parallel_loop3A_879 : vector<16xf32>
          %parallel_loop3A_885 = arith.mulf %parallel_loop3A_881, %parallel_loop3A_881 : vector<16xf32>
          %parallel_loop3A_886 = arith.addf %parallel_loop3A_884, %parallel_loop3A_885 : vector<16xf32>
          %parallel_loop3A_887 = arith.mulf %parallel_loop3A_883, %parallel_loop3A_883 : vector<16xf32>
          %parallel_loop3A_888 = arith.addf %parallel_loop3A_886, %parallel_loop3A_887 : vector<16xf32>
          %parallel_loop3A_889 = tpu.bitcast %parallel_loop3A_888 : vector<16xf32> -> vector<16xi32>
          %parallel_loop3A_890 = arith.constant 1 : i32
          %parallel_loop3A_891 = vector.broadcast %parallel_loop3A_890 : i32 to vector<16xi32>
          %parallel_loop3A_892 = arith.shrsi %parallel_loop3A_889, %parallel_loop3A_891 : vector<16xi32>
          %parallel_loop3A_893 = arith.constant 1597463007 : i32
          %parallel_loop3A_894 = vector.broadcast %parallel_loop3A_893 : i32 to vector<16xi32>
          %parallel_loop3A_895 = arith.subi %parallel_loop3A_894, %parallel_loop3A_892 : vector<16xi32>
          %parallel_loop3A_896 = tpu.bitcast %parallel_loop3A_895 : vector<16xi32> -> vector<16xf32>
          %parallel_loop3A_897 = arith.constant 5.000000e-01 : f32
          %parallel_loop3A_898 = vector.broadcast %parallel_loop3A_897 : f32 to vector<16xf32>
          %parallel_loop3A_899 = arith.mulf %parallel_loop3A_898, %parallel_loop3A_888 : vector<16xf32>
          %parallel_loop3A_900 = arith.mulf %parallel_loop3A_899, %parallel_loop3A_896 : vector<16xf32>
          %parallel_loop3A_901 = arith.mulf %parallel_loop3A_900, %parallel_loop3A_896 : vector<16xf32>
          %parallel_loop3A_902 = arith.constant 1.500000e+00 : f32
          %parallel_loop3A_903 = vector.broadcast %parallel_loop3A_902 : f32 to vector<16xf32>
          %parallel_loop3A_904 = arith.subf %parallel_loop3A_903, %parallel_loop3A_901 : vector<16xf32>
          %parallel_loop3A_905 = arith.mulf %parallel_loop3A_896, %parallel_loop3A_904 : vector<16xf32>
          %parallel_loop3A_906 = arith.constant 5.000000e-01 : f32
          %parallel_loop3A_907 = vector.broadcast %parallel_loop3A_906 : f32 to vector<16xf32>
          %parallel_loop3A_908 = arith.mulf %parallel_loop3A_907, %parallel_loop3A_888 : vector<16xf32>
          %parallel_loop3A_909 = arith.mulf %parallel_loop3A_908, %parallel_loop3A_905 : vector<16xf32>
          %parallel_loop3A_910 = arith.mulf %parallel_loop3A_909, %parallel_loop3A_905 : vector<16xf32>
          %parallel_loop3A_911 = arith.constant 1.500000e+00 : f32
          %parallel_loop3A_912 = vector.broadcast %parallel_loop3A_911 : f32 to vector<16xf32>
          %parallel_loop3A_913 = arith.subf %parallel_loop3A_912, %parallel_loop3A_910 : vector<16xf32>
          %parallel_loop3A_914 = arith.mulf %parallel_loop3A_905, %parallel_loop3A_913 : vector<16xf32>
          %parallel_loop3A_915 = arith.constant 5.000000e-01 : f32
          %parallel_loop3A_916 = vector.broadcast %parallel_loop3A_915 : f32 to vector<16xf32>
          %parallel_loop3A_917 = arith.mulf %parallel_loop3A_916, %parallel_loop3A_888 : vector<16xf32>
          %parallel_loop3A_918 = arith.mulf %parallel_loop3A_917, %parallel_loop3A_914 : vector<16xf32>
          %parallel_loop3A_919 = arith.mulf %parallel_loop3A_918, %parallel_loop3A_914 : vector<16xf32>
          %parallel_loop3A_920 = arith.constant 1.500000e+00 : f32
          %parallel_loop3A_921 = vector.broadcast %parallel_loop3A_920 : f32 to vector<16xf32>
          %parallel_loop3A_922 = arith.subf %parallel_loop3A_921, %parallel_loop3A_919 : vector<16xf32>
          %parallel_loop3A_923 = arith.mulf %parallel_loop3A_914, %parallel_loop3A_922 : vector<16xf32>
          %parallel_loop3A_924 = arith.mulf %parallel_loop3A_888, %parallel_loop3A_923 : vector<16xf32>
          %parallel_loop3A_925 = arith.constant 1.000000e+00 : f32
          %parallel_loop3A_926 = vector.broadcast %parallel_loop3A_925 : f32 to vector<16xf32>
          %parallel_loop3A_927 = arith.subf %parallel_loop3A_924, %parallel_loop3A_926 : vector<16xf32>
          tpu.vector_store_idx %arg15[%parallel_loop3A_875], %parallel_loop3A_927 : memref<2048xf32, #tpu.memory_space<vmem>>[vector<16xi32>], vector<16xf32>,
        } {sc.loop_unroll_factor = 1 : i64, sc.parallel_access}
        %mul3A_431 = arith.constant 1.600000e+01 : f32
        %mul3A_432 = arith.constant 0.0588235296 : f32
        %mul3A_433 = arith.mulf %mul3A_431, %mul3A_432 : f32
        %add3A_434 = arith.constant 0.0294117648 : f32
        %add3A_435 = arith.addf %mul3A_433, %add3A_434 : f32
        %broadcast_in_dim3A_436 = vector.broadcast %add3A_435 : f32 to vector<16xf32>
        %mul3A_437 = arith.mulf %broadcast_in_dim3A_436, %add3A_425 : vector<16xf32>
        %broadcast_in_dim3A_438 = arith.constant 0 : i32
        %broadcast_in_dim3A_439 = vector.broadcast %broadcast_in_dim3A_438 : i32 to vector<16xi32>
        %add3A_440 = arith.constant 64 : i32
        %add3A_441 = vector.broadcast %add3A_440 : i32 to vector<16xi32>
        %add3A_442 = arith.addi %broadcast_in_dim3A_439, %add3A_441 : vector<16xi32>
        %min3A_443 = arith.constant 96 : i32
        %min3A_444 = vector.broadcast %min3A_443 : i32 to vector<16xi32>
        %min3A_445 = arith.minsi %add3A_442, %min3A_444 : vector<16xi32>
        %mul3A_446 = arith.constant 16 : i32
        %mul3A_447 = vector.broadcast %mul3A_446 : i32 to vector<16xi32>
        %mul3A_448 = arith.muli %min3A_445, %mul3A_447 : vector<16xi32>
        %add3A_449 = arith.addi %mul3A_448, %iota3A : vector<16xi32>
        %gather3A_450 = tpu.vector_load_idx %arg16[%add3A_449] : memref<2064xf32, #tpu.memory_space<vmem>>[vector<16xi32>], vector<16xf32>,
        %le3A_451 = arith.cmpf ole, %gather3A_450, %mul3A_437 : vector<16xf32>
        %select_n3A_452 = arith.select %le3A_451, %min3A_445, %broadcast_in_dim3A_439 : vector<16xi1>, vector<16xi32>
        %add3A_453 = arith.constant 32 : i32
        %add3A_454 = vector.broadcast %add3A_453 : i32 to vector<16xi32>
        %add3A_455 = arith.addi %select_n3A_452, %add3A_454 : vector<16xi32>
        %min3A_456 = arith.constant 96 : i32
        %min3A_457 = vector.broadcast %min3A_456 : i32 to vector<16xi32>
        %min3A_458 = arith.minsi %add3A_455, %min3A_457 : vector<16xi32>
        %mul3A_459 = arith.constant 16 : i32
        %mul3A_460 = vector.broadcast %mul3A_459 : i32 to vector<16xi32>
        %mul3A_461 = arith.muli %min3A_458, %mul3A_460 : vector<16xi32>
        %add3A_462 = arith.addi %mul3A_461, %iota3A : vector<16xi32>
        %gather3A_463 = tpu.vector_load_idx %arg16[%add3A_462] : memref<2064xf32, #tpu.memory_space<vmem>>[vector<16xi32>], vector<16xf32>,
        %le3A_464 = arith.cmpf ole, %gather3A_463, %mul3A_437 : vector<16xf32>
        %select_n3A_465 = arith.select %le3A_464, %min3A_458, %select_n3A_452 : vector<16xi1>, vector<16xi32>
        %add3A_466 = arith.constant 16 : i32
        %add3A_467 = vector.broadcast %add3A_466 : i32 to vector<16xi32>
        %add3A_468 = arith.addi %select_n3A_465, %add3A_467 : vector<16xi32>
        %min3A_469 = arith.constant 96 : i32
        %min3A_470 = vector.broadcast %min3A_469 : i32 to vector<16xi32>
        %min3A_471 = arith.minsi %add3A_468, %min3A_470 : vector<16xi32>
        %mul3A_472 = arith.constant 16 : i32
        %mul3A_473 = vector.broadcast %mul3A_472 : i32 to vector<16xi32>
        %mul3A_474 = arith.muli %min3A_471, %mul3A_473 : vector<16xi32>
        %add3A_475 = arith.addi %mul3A_474, %iota3A : vector<16xi32>
        %gather3A_476 = tpu.vector_load_idx %arg16[%add3A_475] : memref<2064xf32, #tpu.memory_space<vmem>>[vector<16xi32>], vector<16xf32>,
        %le3A_477 = arith.cmpf ole, %gather3A_476, %mul3A_437 : vector<16xf32>
        %select_n3A_478 = arith.select %le3A_477, %min3A_471, %select_n3A_465 : vector<16xi1>, vector<16xi32>
        %add3A_479 = arith.constant 8 : i32
        %add3A_480 = vector.broadcast %add3A_479 : i32 to vector<16xi32>
        %add3A_481 = arith.addi %select_n3A_478, %add3A_480 : vector<16xi32>
        %min3A_482 = arith.constant 96 : i32
        %min3A_483 = vector.broadcast %min3A_482 : i32 to vector<16xi32>
        %min3A_484 = arith.minsi %add3A_481, %min3A_483 : vector<16xi32>
        %mul3A_485 = arith.constant 16 : i32
        %mul3A_486 = vector.broadcast %mul3A_485 : i32 to vector<16xi32>
        %mul3A_487 = arith.muli %min3A_484, %mul3A_486 : vector<16xi32>
        %add3A_488 = arith.addi %mul3A_487, %iota3A : vector<16xi32>
        %gather3A_489 = tpu.vector_load_idx %arg16[%add3A_488] : memref<2064xf32, #tpu.memory_space<vmem>>[vector<16xi32>], vector<16xf32>,
        %le3A_490 = arith.cmpf ole, %gather3A_489, %mul3A_437 : vector<16xf32>
        %select_n3A_491 = arith.select %le3A_490, %min3A_484, %select_n3A_478 : vector<16xi1>, vector<16xi32>
        %add3A_492 = arith.constant 4 : i32
        %add3A_493 = vector.broadcast %add3A_492 : i32 to vector<16xi32>
        %add3A_494 = arith.addi %select_n3A_491, %add3A_493 : vector<16xi32>
        %min3A_495 = arith.constant 96 : i32
        %min3A_496 = vector.broadcast %min3A_495 : i32 to vector<16xi32>
        %min3A_497 = arith.minsi %add3A_494, %min3A_496 : vector<16xi32>
        %mul3A_498 = arith.constant 16 : i32
        %mul3A_499 = vector.broadcast %mul3A_498 : i32 to vector<16xi32>
        %mul3A_500 = arith.muli %min3A_497, %mul3A_499 : vector<16xi32>
        %add3A_501 = arith.addi %mul3A_500, %iota3A : vector<16xi32>
        %gather3A_502 = tpu.vector_load_idx %arg16[%add3A_501] : memref<2064xf32, #tpu.memory_space<vmem>>[vector<16xi32>], vector<16xf32>,
        %le3A_503 = arith.cmpf ole, %gather3A_502, %mul3A_437 : vector<16xf32>
        %select_n3A_504 = arith.select %le3A_503, %min3A_497, %select_n3A_491 : vector<16xi1>, vector<16xi32>
        %add3A_505 = arith.constant 2 : i32
        %add3A_506 = vector.broadcast %add3A_505 : i32 to vector<16xi32>
        %add3A_507 = arith.addi %select_n3A_504, %add3A_506 : vector<16xi32>
        %min3A_508 = arith.constant 96 : i32
        %min3A_509 = vector.broadcast %min3A_508 : i32 to vector<16xi32>
        %min3A_510 = arith.minsi %add3A_507, %min3A_509 : vector<16xi32>
        %mul3A_511 = arith.constant 16 : i32
        %mul3A_512 = vector.broadcast %mul3A_511 : i32 to vector<16xi32>
        %mul3A_513 = arith.muli %min3A_510, %mul3A_512 : vector<16xi32>
        %add3A_514 = arith.addi %mul3A_513, %iota3A : vector<16xi32>
        %gather3A_515 = tpu.vector_load_idx %arg16[%add3A_514] : memref<2064xf32, #tpu.memory_space<vmem>>[vector<16xi32>], vector<16xf32>,
        %le3A_516 = arith.cmpf ole, %gather3A_515, %mul3A_437 : vector<16xf32>
        %select_n3A_517 = arith.select %le3A_516, %min3A_510, %select_n3A_504 : vector<16xi1>, vector<16xi32>
        %add3A_518 = arith.constant 1 : i32
        %add3A_519 = vector.broadcast %add3A_518 : i32 to vector<16xi32>
        %add3A_520 = arith.addi %select_n3A_517, %add3A_519 : vector<16xi32>
        %min3A_521 = arith.constant 96 : i32
        %min3A_522 = vector.broadcast %min3A_521 : i32 to vector<16xi32>
        %min3A_523 = arith.minsi %add3A_520, %min3A_522 : vector<16xi32>
        %mul3A_524 = arith.constant 16 : i32
        %mul3A_525 = vector.broadcast %mul3A_524 : i32 to vector<16xi32>
        %mul3A_526 = arith.muli %min3A_523, %mul3A_525 : vector<16xi32>
        %add3A_527 = arith.addi %mul3A_526, %iota3A : vector<16xi32>
        %gather3A_528 = tpu.vector_load_idx %arg16[%add3A_527] : memref<2064xf32, #tpu.memory_space<vmem>>[vector<16xi32>], vector<16xf32>,
        %le3A_529 = arith.cmpf ole, %gather3A_528, %mul3A_437 : vector<16xf32>
        %select_n3A_530 = arith.select %le3A_529, %min3A_523, %select_n3A_517 : vector<16xi1>, vector<16xi32>
        %add3A_531 = arith.constant 1 : i32
        %add3A_532 = vector.broadcast %add3A_531 : i32 to vector<16xi32>
        %add3A_533 = arith.addi %select_n3A_530, %add3A_532 : vector<16xi32>
        %sub3A_534 = arith.constant 1 : i32
        %sub3A_535 = vector.broadcast %sub3A_534 : i32 to vector<16xi32>
        %sub3A_536 = arith.subi %add3A_533, %sub3A_535 : vector<16xi32>
        %mul3A_537 = arith.constant 16 : i32
        %mul3A_538 = vector.broadcast %mul3A_537 : i32 to vector<16xi32>
        %mul3A_539 = arith.muli %sub3A_536, %mul3A_538 : vector<16xi32>
        %add3A_540 = arith.addi %mul3A_539, %iota3A : vector<16xi32>
        %mul3A_541 = arith.constant 16 : i32
        %mul3A_542 = vector.broadcast %mul3A_541 : i32 to vector<16xi32>
        %mul3A_543 = arith.muli %add3A_533, %mul3A_542 : vector<16xi32>
        %add3A_544 = arith.addi %mul3A_543, %iota3A : vector<16xi32>
        %gather3A_545 = tpu.vector_load_idx %arg16[%add3A_540] : memref<2064xf32, #tpu.memory_space<vmem>>[vector<16xi32>], vector<16xf32>,
        %gather3A_546 = tpu.vector_load_idx %arg16[%add3A_544] : memref<2064xf32, #tpu.memory_space<vmem>>[vector<16xi32>], vector<16xf32>,
        %gather3A_547 = tpu.vector_load_idx %arg12[%add3A_540] : memref<2064xf32, #tpu.memory_space<vmem>>[vector<16xi32>], vector<16xf32>,
        %gather3A_548 = tpu.vector_load_idx %arg12[%add3A_544] : memref<2064xf32, #tpu.memory_space<vmem>>[vector<16xi32>], vector<16xf32>,
        %sub3A_549 = arith.subf %mul3A_437, %gather3A_545 : vector<16xf32>
        %sub3A_550 = arith.subf %gather3A_546, %gather3A_545 : vector<16xf32>
        %div3A_551 = arith.divf %sub3A_549, %sub3A_550 : vector<16xf32>
        %jit3A_552 = arith.constant 0.000000e+00 : f32
        %jit3A_553 = arith.constant 1.000000e+00 : f32
        %max3A_554 = vector.broadcast %jit3A_552 : f32 to vector<16xf32>
        %max3A_555 = arith.maximumf %max3A_554, %div3A_551 : vector<16xf32>
        %min3A_556 = vector.broadcast %jit3A_553 : f32 to vector<16xf32>
        %min3A_557 = arith.minimumf %min3A_556, %max3A_555 : vector<16xf32>
        %sub3A_558 = arith.subf %gather3A_548, %gather3A_547 : vector<16xf32>
        %mul3A_559 = arith.mulf %min3A_557, %sub3A_558 : vector<16xf32>
        %add3A_560 = arith.addf %gather3A_547, %mul3A_559 : vector<16xf32>
        %parallel_loop3A_561 = arith.constant 0 : i32
        %parallel_loop3A_562 = arith.constant 96 : i32
        %parallel_loop3A_563 = arith.constant 1 : i32
        %parallel_loop3A_564 = scf.for %parallel_loop3A_731 = %parallel_loop3A_561 to %parallel_loop3A_562 step %parallel_loop3A_563 iter_args(%parallel_loop3A_732 = %broadcast_in_dim3A_3) -> (vector<16xi32>)  : i32 {
          %parallel_loop3A_733 = arith.constant 16 : i32
          %parallel_loop3A_734 = arith.muli %parallel_loop3A_731, %parallel_loop3A_733 : i32
          %parallel_loop3A_735 = arith.index_cast %parallel_loop3A_734 : i32 to index
          %parallel_loop3A_736 = tpu.vector_load %arg17[%parallel_loop3A_735] {strides = array<i32>} : memref<2064xi32, #tpu.memory_space<vmem>>, vector<16xi32>,
          %parallel_loop3A_737 = arith.constant 16 : i32
          %parallel_loop3A_738 = arith.muli %parallel_loop3A_731, %parallel_loop3A_737 : i32
          %parallel_loop3A_739 = arith.index_cast %parallel_loop3A_738 : i32 to index
          %parallel_loop3A_740 = tpu.vector_load %arg17[%parallel_loop3A_739] {strides = array<i32>} : memref<2064xi32, #tpu.memory_space<vmem>>, vector<16xi32>,
          tpu.vector_store %arg17[%parallel_loop3A_739], %broadcast_in_dim3A_3 {strides = array<i32>} : memref<2064xi32, #tpu.memory_space<vmem>>, vector<16xi32>,
          %parallel_loop3A_741 = arith.addi %parallel_loop3A_732, %parallel_loop3A_736 : vector<16xi32>
          %parallel_loop3A_742 = vector.broadcast %parallel_loop3A_731 : i32 to vector<16xi32>
          %parallel_loop3A_743 = arith.addi %parallel_loop3A_741, %parallel_loop3A_742 : vector<16xi32>
          %parallel_loop3A_744 = arith.constant 16 : i32
          %parallel_loop3A_745 = arith.muli %parallel_loop3A_731, %parallel_loop3A_744 : i32
          %parallel_loop3A_746 = arith.index_cast %parallel_loop3A_745 : i32 to index
          %parallel_loop3A_747 = tpu.vector_load %arg12[%parallel_loop3A_746] {strides = array<i32>} : memref<2064xf32, #tpu.memory_space<vmem>>, vector<16xf32>,
          %parallel_loop3A_748 = arith.constant 16 : i32
          %parallel_loop3A_749 = vector.broadcast %parallel_loop3A_748 : i32 to vector<16xi32>
          %parallel_loop3A_750 = arith.muli %parallel_loop3A_743, %parallel_loop3A_749 : vector<16xi32>
          %parallel_loop3A_751 = arith.addi %parallel_loop3A_750, %iota3A : vector<16xi32>
          tpu.vector_store_idx %arg14[%parallel_loop3A_751], %parallel_loop3A_747 : memref<2064xf32, #tpu.memory_space<vmem>>[vector<16xi32>], vector<16xf32>,
          %parallel_loop3A_752 = arith.constant 16 : i32
          %parallel_loop3A_753 = vector.broadcast %parallel_loop3A_752 : i32 to vector<16xi32>
          %parallel_loop3A_754 = arith.muli %parallel_loop3A_743, %parallel_loop3A_753 : vector<16xi32>
          %parallel_loop3A_755 = arith.addi %parallel_loop3A_754, %iota3A : vector<16xi32>
          %parallel_loop3A_756 = arith.constant 16 : i32
          %parallel_loop3A_757 = arith.muli %parallel_loop3A_731, %parallel_loop3A_756 : i32
          %parallel_loop3A_758 = arith.index_cast %parallel_loop3A_757 : i32 to index
          %parallel_loop3A_759 = tpu.vector_load %arg13[%parallel_loop3A_758] {strides = array<i32>} : memref<2048xf32, #tpu.memory_space<vmem>>, vector<16xf32>,
          tpu.vector_store_idx %arg15[%parallel_loop3A_755], %parallel_loop3A_759 : memref<2048xf32, #tpu.memory_space<vmem>>[vector<16xi32>], vector<16xf32>,
          scf.yield %parallel_loop3A_741 : vector<16xi32>
        } {sc.loop_unroll_factor = 1 : i64, sc.parallel_access}
        %swap3A_565 = arith.constant 1536 : index
        %swap3A_566 = tpu.vector_load %arg17[%swap3A_565] {strides = array<i32>} : memref<2064xi32, #tpu.memory_space<vmem>>, vector<16xi32>,
        tpu.vector_store %arg17[%swap3A_565], %broadcast_in_dim3A_3 {strides = array<i32>} : memref<2064xi32, #tpu.memory_space<vmem>>, vector<16xi32>,
        %get3A_567 = arith.constant 1536 : index
        %get3A_568 = tpu.vector_load %arg12[%get3A_567] {strides = array<i32>} : memref<2064xf32, #tpu.memory_space<vmem>>, vector<16xf32>,
        %max3A_569 = arith.maximumf %get3A_568, %add3A_560 : vector<16xf32>
        %swap3A_570 = arith.constant 1792 : index
        %swap3A_571 = tpu.vector_load %arg14[%swap3A_570] {strides = array<i32>} : memref<2064xf32, #tpu.memory_space<vmem>>, vector<16xf32>,
        tpu.vector_store %arg14[%swap3A_570], %max3A_569 {strides = array<i32>} : memref<2064xf32, #tpu.memory_space<vmem>>, vector<16xf32>,
        %broadcast_in_dim3A_572 = arith.constant 1.000000e+00 : f32
        %broadcast_in_dim3A_573 = vector.broadcast %broadcast_in_dim3A_572 : f32 to vector<16xf32>
        %parallel_loop3A_574 = arith.constant 0 : i32
        %parallel_loop3A_575 = arith.constant 111 : i32
        %parallel_loop3A_576 = arith.constant 1 : i32
        %parallel_loop3A_577:3 = scf.for %parallel_loop3A_731 = %parallel_loop3A_574 to %parallel_loop3A_575 step %parallel_loop3A_576 iter_args(%parallel_loop3A_732 = %broadcast_in_dim3A_573, %parallel_loop3A_733 = %broadcast_in_dim3A_1, %parallel_loop3A_734 = %broadcast_in_dim3A_1) -> (vector<16xf32>, vector<16xf32>, vector<16xf32>)  : i32 {
          %parallel_loop3A_735 = arith.constant 16 : i32
          %parallel_loop3A_736 = arith.muli %parallel_loop3A_731, %parallel_loop3A_735 : i32
          %parallel_loop3A_737 = arith.index_cast %parallel_loop3A_736 : i32 to index
          %parallel_loop3A_738 = tpu.vector_load %arg15[%parallel_loop3A_737] {strides = array<i32>} : memref<2048xf32, #tpu.memory_space<vmem>>, vector<16xf32>,
          %parallel_loop3A_739 = arith.constant 16 : i32
          %parallel_loop3A_740 = arith.muli %parallel_loop3A_731, %parallel_loop3A_739 : i32
          %parallel_loop3A_741 = arith.index_cast %parallel_loop3A_740 : i32 to index
          %parallel_loop3A_742 = tpu.vector_load %arg14[%parallel_loop3A_741] {strides = array<i32>} : memref<2064xf32, #tpu.memory_space<vmem>>, vector<16xf32>,
          %parallel_loop3A_743 = arith.constant 1 : i32
          %parallel_loop3A_744 = arith.addi %parallel_loop3A_731, %parallel_loop3A_743 : i32
          %parallel_loop3A_745 = arith.constant 16 : i32
          %parallel_loop3A_746 = arith.muli %parallel_loop3A_744, %parallel_loop3A_745 : i32
          %parallel_loop3A_747 = arith.index_cast %parallel_loop3A_746 : i32 to index
          %parallel_loop3A_748 = tpu.vector_load %arg15[%parallel_loop3A_747] {strides = array<i32>} : memref<2048xf32, #tpu.memory_space<vmem>>, vector<16xf32>,
          %parallel_loop3A_749 = arith.constant 1 : i32
          %parallel_loop3A_750 = arith.addi %parallel_loop3A_731, %parallel_loop3A_749 : i32
          %parallel_loop3A_751 = arith.constant 16 : i32
          %parallel_loop3A_752 = arith.muli %parallel_loop3A_750, %parallel_loop3A_751 : i32
          %parallel_loop3A_753 = arith.index_cast %parallel_loop3A_752 : i32 to index
          %parallel_loop3A_754 = tpu.vector_load %arg14[%parallel_loop3A_753] {strides = array<i32>} : memref<2064xf32, #tpu.memory_space<vmem>>, vector<16xf32>,
          %parallel_loop3A_755 = arith.subf %parallel_loop3A_754, %parallel_loop3A_742 : vector<16xf32>
          %parallel_loop3A_756 = arith.mulf %parallel_loop3A_755, %sub3A : vector<16xf32>
          %parallel_loop3A_757 = arith.subf %parallel_loop3A_748, %parallel_loop3A_738 : vector<16xf32>
          %parallel_loop3A_758 = arith.constant 9.99999974E-6 : f32
          %parallel_loop3A_759 = vector.broadcast %parallel_loop3A_758 : f32 to vector<16xf32>
          %parallel_loop3A_760 = arith.addf %parallel_loop3A_756, %parallel_loop3A_759 : vector<16xf32>
          %parallel_loop3A_761 = arith.divf %parallel_loop3A_757, %parallel_loop3A_760 : vector<16xf32>
          %parallel_loop3A_762 = arith.minimumf %parallel_loop3A_733, %parallel_loop3A_761 : vector<16xf32>
          %parallel_loop3A_763 = arith.constant -1.000000e+03 : f32
          %parallel_loop3A_764 = arith.constant 0.000000e+00 : f32
          %parallel_loop3A_765 = vector.broadcast %parallel_loop3A_763 : f32 to vector<16xf32>
          %parallel_loop3A_766 = arith.maximumf %parallel_loop3A_765, %parallel_loop3A_762 : vector<16xf32>
          %parallel_loop3A_767 = vector.broadcast %parallel_loop3A_764 : f32 to vector<16xf32>
          %parallel_loop3A_768 = arith.minimumf %parallel_loop3A_767, %parallel_loop3A_766 : vector<16xf32>
          %parallel_loop3A_769 = arith.addf %parallel_loop3A_738, %parallel_loop3A_748 : vector<16xf32>
          %parallel_loop3A_770 = arith.constant 5.000000e-01 : f32
          %parallel_loop3A_771 = vector.broadcast %parallel_loop3A_770 : f32 to vector<16xf32>
          %parallel_loop3A_772 = arith.mulf %parallel_loop3A_769, %parallel_loop3A_771 : vector<16xf32>
          %parallel_loop3A_773 = arith.mulf %parallel_loop3A_768, %parallel_loop3A_756 : vector<16xf32>
          %parallel_loop3A_774 = arith.constant 5.000000e-01 : f32
          %parallel_loop3A_775 = vector.broadcast %parallel_loop3A_774 : f32 to vector<16xf32>
          %parallel_loop3A_776 = arith.mulf %parallel_loop3A_773, %parallel_loop3A_775 : vector<16xf32>
          %parallel_loop3A_777 = arith.subf %parallel_loop3A_776, %parallel_loop3A_772 : vector<16xf32>
          %parallel_loop3A_778 = arith.constant 5.120000e+02 : f32
          %parallel_loop3A_779 = vector.broadcast %parallel_loop3A_778 : f32 to vector<16xf32>
          %parallel_loop3A_780 = arith.mulf %parallel_loop3A_777, %parallel_loop3A_779 : vector<16xf32>
          %parallel_loop3A_781 = arith.constant 4.000000e+01 : f32
          %parallel_loop3A_782 = vector.broadcast %parallel_loop3A_781 : f32 to vector<16xf32>
          %parallel_loop3A_783 = arith.minimumf %parallel_loop3A_780, %parallel_loop3A_782 : vector<16xf32>
          %parallel_loop3A_784 = math.exp %parallel_loop3A_783 : vector<16xf32>
          %parallel_loop3A_785 = arith.constant 0.000000e+00 : f32
          %parallel_loop3A_786 = vector.broadcast %parallel_loop3A_785 : f32 to vector<16xf32>
          %parallel_loop3A_787 = arith.subf %parallel_loop3A_786, %parallel_loop3A_776 : vector<16xf32>
          %parallel_loop3A_788 = arith.subf %parallel_loop3A_787, %parallel_loop3A_772 : vector<16xf32>
          %parallel_loop3A_789 = arith.constant 5.120000e+02 : f32
          %parallel_loop3A_790 = vector.broadcast %parallel_loop3A_789 : f32 to vector<16xf32>
          %parallel_loop3A_791 = arith.mulf %parallel_loop3A_788, %parallel_loop3A_790 : vector<16xf32>
          %parallel_loop3A_792 = arith.constant 4.000000e+01 : f32
          %parallel_loop3A_793 = vector.broadcast %parallel_loop3A_792 : f32 to vector<16xf32>
          %parallel_loop3A_794 = arith.minimumf %parallel_loop3A_791, %parallel_loop3A_793 : vector<16xf32>
          %parallel_loop3A_795 = math.exp %parallel_loop3A_794 : vector<16xf32>
          %parallel_loop3A_796 = arith.constant 1.000000e+00 : f32
          %parallel_loop3A_797 = vector.broadcast %parallel_loop3A_796 : f32 to vector<16xf32>
          %parallel_loop3A_798 = arith.addf %parallel_loop3A_797, %parallel_loop3A_784 : vector<16xf32>
          %parallel_loop3A_799 = arith.constant 1.000000e+00 : f32
          %parallel_loop3A_800 = vector.broadcast %parallel_loop3A_799 : f32 to vector<16xf32>
          %parallel_loop3A_801 = arith.addf %parallel_loop3A_800, %parallel_loop3A_795 : vector<16xf32>
          %parallel_loop3A_802 = arith.mulf %parallel_loop3A_798, %parallel_loop3A_801 : vector<16xf32>
          %parallel_loop3A_803 = arith.constant 9.99999974E-6 : f32
          %parallel_loop3A_804 = vector.broadcast %parallel_loop3A_803 : f32 to vector<16xf32>
          %parallel_loop3A_805 = arith.mulf %parallel_loop3A_804, %parallel_loop3A_802 : vector<16xf32>
          %parallel_loop3A_806 = arith.subf %parallel_loop3A_795, %parallel_loop3A_784 : vector<16xf32>
          %parallel_loop3A_807 = arith.addf %parallel_loop3A_806, %parallel_loop3A_805 : vector<16xf32>
          %parallel_loop3A_808 = arith.constant 1.000000e+00 : f32
          %parallel_loop3A_809 = vector.broadcast %parallel_loop3A_808 : f32 to vector<16xf32>
          %parallel_loop3A_810 = arith.addf %parallel_loop3A_809, %parallel_loop3A_795 : vector<16xf32>
          %parallel_loop3A_811 = arith.addf %parallel_loop3A_810, %parallel_loop3A_805 : vector<16xf32>
          %parallel_loop3A_812 = arith.divf %parallel_loop3A_807, %parallel_loop3A_811 : vector<16xf32>
          %parallel_loop3A_813 = arith.mulf %parallel_loop3A_812, %parallel_loop3A_732 : vector<16xf32>
          %parallel_loop3A_814 = arith.addf %parallel_loop3A_734, %parallel_loop3A_813 : vector<16xf32>
          %parallel_loop3A_815 = arith.constant 9.99999974E-6 : f32
          %parallel_loop3A_816 = vector.broadcast %parallel_loop3A_815 : f32 to vector<16xf32>
          %parallel_loop3A_817 = arith.addf %parallel_loop3A_814, %parallel_loop3A_816 : vector<16xf32>
          %parallel_loop3A_818 = arith.constant 1.00000012 : f32
          %parallel_loop3A_819 = vector.broadcast %parallel_loop3A_818 : f32 to vector<16xf32>
          %parallel_loop3A_820 = arith.subf %parallel_loop3A_819, %parallel_loop3A_812 : vector<16xf32>
          %parallel_loop3A_821 = arith.mulf %parallel_loop3A_732, %parallel_loop3A_820 : vector<16xf32>
          %parallel_loop3A_822 = arith.constant 1 : i32
          %parallel_loop3A_823 = arith.addi %parallel_loop3A_731, %parallel_loop3A_822 : i32
          %parallel_loop3A_824 = arith.constant 16 : i32
          %parallel_loop3A_825 = arith.muli %parallel_loop3A_823, %parallel_loop3A_824 : i32
          %parallel_loop3A_826 = arith.index_cast %parallel_loop3A_825 : i32 to index
          %parallel_loop3A_827 = tpu.vector_load %arg16[%parallel_loop3A_826] {strides = array<i32>} : memref<2064xf32, #tpu.memory_space<vmem>>, vector<16xf32>,
          tpu.vector_store %arg16[%parallel_loop3A_826], %parallel_loop3A_817 {strides = array<i32>} : memref<2064xf32, #tpu.memory_space<vmem>>, vector<16xf32>,
          scf.yield %parallel_loop3A_821, %parallel_loop3A_761, %parallel_loop3A_817 : vector<16xf32>, vector<16xf32>, vector<16xf32>
        } {sc.loop_unroll_factor = 1 : i64, sc.parallel_access}
        %add3A_578 = arith.constant 9.99999974E-6 : f32
        %add3A_579 = vector.broadcast %add3A_578 : f32 to vector<16xf32>
        %add3A_580 = arith.addf %parallel_loop3A_577#2, %add3A_579 : vector<16xf32>
        %swap3A_581 = arith.constant 1792 : index
        %swap3A_582 = tpu.vector_load %arg16[%swap3A_581] {strides = array<i32>} : memref<2064xf32, #tpu.memory_space<vmem>>, vector<16xf32>,
        tpu.vector_store %arg16[%swap3A_581], %add3A_580 {strides = array<i32>} : memref<2064xf32, #tpu.memory_space<vmem>>, vector<16xf32>,
        %parallel_loop3A_583 = arith.constant 0 : i32
        %parallel_loop3A_584 = arith.constant 16 : i32
        %parallel_loop3A_585 = arith.constant 1 : i32
        scf.for %parallel_loop3A_731 = %parallel_loop3A_583 to %parallel_loop3A_584 step %parallel_loop3A_585  : i32 {
          %parallel_loop3A_732 = arith.sitofp %parallel_loop3A_731 : i32 to f32
          %parallel_loop3A_733 = arith.constant 0.0588235296 : f32
          %parallel_loop3A_734 = arith.mulf %parallel_loop3A_732, %parallel_loop3A_733 : f32
          %parallel_loop3A_735 = arith.constant 0.0294117648 : f32
          %parallel_loop3A_736 = arith.addf %parallel_loop3A_734, %parallel_loop3A_735 : f32
          %parallel_loop3A_737 = vector.broadcast %parallel_loop3A_736 : f32 to vector<16xf32>
          %parallel_loop3A_738 = arith.mulf %parallel_loop3A_737, %add3A_580 : vector<16xf32>
          %parallel_loop3A_739 = arith.constant 0 : i32
          %parallel_loop3A_740 = vector.broadcast %parallel_loop3A_739 : i32 to vector<16xi32>
          %parallel_loop3A_741 = arith.constant 64 : i32
          %parallel_loop3A_742 = vector.broadcast %parallel_loop3A_741 : i32 to vector<16xi32>
          %parallel_loop3A_743 = arith.addi %parallel_loop3A_740, %parallel_loop3A_742 : vector<16xi32>
          %parallel_loop3A_744 = arith.constant 112 : i32
          %parallel_loop3A_745 = vector.broadcast %parallel_loop3A_744 : i32 to vector<16xi32>
          %parallel_loop3A_746 = arith.minsi %parallel_loop3A_743, %parallel_loop3A_745 : vector<16xi32>
          %parallel_loop3A_747 = arith.constant 16 : i32
          %parallel_loop3A_748 = vector.broadcast %parallel_loop3A_747 : i32 to vector<16xi32>
          %parallel_loop3A_749 = arith.muli %parallel_loop3A_746, %parallel_loop3A_748 : vector<16xi32>
          %parallel_loop3A_750 = arith.addi %parallel_loop3A_749, %iota3A : vector<16xi32>
          %parallel_loop3A_751 = tpu.vector_load_idx %arg16[%parallel_loop3A_750] : memref<2064xf32, #tpu.memory_space<vmem>>[vector<16xi32>], vector<16xf32>,
          %parallel_loop3A_752 = arith.cmpf ole, %parallel_loop3A_751, %parallel_loop3A_738 : vector<16xf32>
          %parallel_loop3A_753 = arith.select %parallel_loop3A_752, %parallel_loop3A_746, %parallel_loop3A_740 : vector<16xi1>, vector<16xi32>
          %parallel_loop3A_754 = arith.constant 32 : i32
          %parallel_loop3A_755 = vector.broadcast %parallel_loop3A_754 : i32 to vector<16xi32>
          %parallel_loop3A_756 = arith.addi %parallel_loop3A_753, %parallel_loop3A_755 : vector<16xi32>
          %parallel_loop3A_757 = arith.constant 112 : i32
          %parallel_loop3A_758 = vector.broadcast %parallel_loop3A_757 : i32 to vector<16xi32>
          %parallel_loop3A_759 = arith.minsi %parallel_loop3A_756, %parallel_loop3A_758 : vector<16xi32>
          %parallel_loop3A_760 = arith.constant 16 : i32
          %parallel_loop3A_761 = vector.broadcast %parallel_loop3A_760 : i32 to vector<16xi32>
          %parallel_loop3A_762 = arith.muli %parallel_loop3A_759, %parallel_loop3A_761 : vector<16xi32>
          %parallel_loop3A_763 = arith.addi %parallel_loop3A_762, %iota3A : vector<16xi32>
          %parallel_loop3A_764 = tpu.vector_load_idx %arg16[%parallel_loop3A_763] : memref<2064xf32, #tpu.memory_space<vmem>>[vector<16xi32>], vector<16xf32>,
          %parallel_loop3A_765 = arith.cmpf ole, %parallel_loop3A_764, %parallel_loop3A_738 : vector<16xf32>
          %parallel_loop3A_766 = arith.select %parallel_loop3A_765, %parallel_loop3A_759, %parallel_loop3A_753 : vector<16xi1>, vector<16xi32>
          %parallel_loop3A_767 = arith.constant 16 : i32
          %parallel_loop3A_768 = vector.broadcast %parallel_loop3A_767 : i32 to vector<16xi32>
          %parallel_loop3A_769 = arith.addi %parallel_loop3A_766, %parallel_loop3A_768 : vector<16xi32>
          %parallel_loop3A_770 = arith.constant 112 : i32
          %parallel_loop3A_771 = vector.broadcast %parallel_loop3A_770 : i32 to vector<16xi32>
          %parallel_loop3A_772 = arith.minsi %parallel_loop3A_769, %parallel_loop3A_771 : vector<16xi32>
          %parallel_loop3A_773 = arith.constant 16 : i32
          %parallel_loop3A_774 = vector.broadcast %parallel_loop3A_773 : i32 to vector<16xi32>
          %parallel_loop3A_775 = arith.muli %parallel_loop3A_772, %parallel_loop3A_774 : vector<16xi32>
          %parallel_loop3A_776 = arith.addi %parallel_loop3A_775, %iota3A : vector<16xi32>
          %parallel_loop3A_777 = tpu.vector_load_idx %arg16[%parallel_loop3A_776] : memref<2064xf32, #tpu.memory_space<vmem>>[vector<16xi32>], vector<16xf32>,
          %parallel_loop3A_778 = arith.cmpf ole, %parallel_loop3A_777, %parallel_loop3A_738 : vector<16xf32>
          %parallel_loop3A_779 = arith.select %parallel_loop3A_778, %parallel_loop3A_772, %parallel_loop3A_766 : vector<16xi1>, vector<16xi32>
          %parallel_loop3A_780 = arith.constant 8 : i32
          %parallel_loop3A_781 = vector.broadcast %parallel_loop3A_780 : i32 to vector<16xi32>
          %parallel_loop3A_782 = arith.addi %parallel_loop3A_779, %parallel_loop3A_781 : vector<16xi32>
          %parallel_loop3A_783 = arith.constant 112 : i32
          %parallel_loop3A_784 = vector.broadcast %parallel_loop3A_783 : i32 to vector<16xi32>
          %parallel_loop3A_785 = arith.minsi %parallel_loop3A_782, %parallel_loop3A_784 : vector<16xi32>
          %parallel_loop3A_786 = arith.constant 16 : i32
          %parallel_loop3A_787 = vector.broadcast %parallel_loop3A_786 : i32 to vector<16xi32>
          %parallel_loop3A_788 = arith.muli %parallel_loop3A_785, %parallel_loop3A_787 : vector<16xi32>
          %parallel_loop3A_789 = arith.addi %parallel_loop3A_788, %iota3A : vector<16xi32>
          %parallel_loop3A_790 = tpu.vector_load_idx %arg16[%parallel_loop3A_789] : memref<2064xf32, #tpu.memory_space<vmem>>[vector<16xi32>], vector<16xf32>,
          %parallel_loop3A_791 = arith.cmpf ole, %parallel_loop3A_790, %parallel_loop3A_738 : vector<16xf32>
          %parallel_loop3A_792 = arith.select %parallel_loop3A_791, %parallel_loop3A_785, %parallel_loop3A_779 : vector<16xi1>, vector<16xi32>
          %parallel_loop3A_793 = arith.constant 4 : i32
          %parallel_loop3A_794 = vector.broadcast %parallel_loop3A_793 : i32 to vector<16xi32>
          %parallel_loop3A_795 = arith.addi %parallel_loop3A_792, %parallel_loop3A_794 : vector<16xi32>
          %parallel_loop3A_796 = arith.constant 112 : i32
          %parallel_loop3A_797 = vector.broadcast %parallel_loop3A_796 : i32 to vector<16xi32>
          %parallel_loop3A_798 = arith.minsi %parallel_loop3A_795, %parallel_loop3A_797 : vector<16xi32>
          %parallel_loop3A_799 = arith.constant 16 : i32
          %parallel_loop3A_800 = vector.broadcast %parallel_loop3A_799 : i32 to vector<16xi32>
          %parallel_loop3A_801 = arith.muli %parallel_loop3A_798, %parallel_loop3A_800 : vector<16xi32>
          %parallel_loop3A_802 = arith.addi %parallel_loop3A_801, %iota3A : vector<16xi32>
          %parallel_loop3A_803 = tpu.vector_load_idx %arg16[%parallel_loop3A_802] : memref<2064xf32, #tpu.memory_space<vmem>>[vector<16xi32>], vector<16xf32>,
          %parallel_loop3A_804 = arith.cmpf ole, %parallel_loop3A_803, %parallel_loop3A_738 : vector<16xf32>
          %parallel_loop3A_805 = arith.select %parallel_loop3A_804, %parallel_loop3A_798, %parallel_loop3A_792 : vector<16xi1>, vector<16xi32>
          %parallel_loop3A_806 = arith.constant 2 : i32
          %parallel_loop3A_807 = vector.broadcast %parallel_loop3A_806 : i32 to vector<16xi32>
          %parallel_loop3A_808 = arith.addi %parallel_loop3A_805, %parallel_loop3A_807 : vector<16xi32>
          %parallel_loop3A_809 = arith.constant 112 : i32
          %parallel_loop3A_810 = vector.broadcast %parallel_loop3A_809 : i32 to vector<16xi32>
          %parallel_loop3A_811 = arith.minsi %parallel_loop3A_808, %parallel_loop3A_810 : vector<16xi32>
          %parallel_loop3A_812 = arith.constant 16 : i32
          %parallel_loop3A_813 = vector.broadcast %parallel_loop3A_812 : i32 to vector<16xi32>
          %parallel_loop3A_814 = arith.muli %parallel_loop3A_811, %parallel_loop3A_813 : vector<16xi32>
          %parallel_loop3A_815 = arith.addi %parallel_loop3A_814, %iota3A : vector<16xi32>
          %parallel_loop3A_816 = tpu.vector_load_idx %arg16[%parallel_loop3A_815] : memref<2064xf32, #tpu.memory_space<vmem>>[vector<16xi32>], vector<16xf32>,
          %parallel_loop3A_817 = arith.cmpf ole, %parallel_loop3A_816, %parallel_loop3A_738 : vector<16xf32>
          %parallel_loop3A_818 = arith.select %parallel_loop3A_817, %parallel_loop3A_811, %parallel_loop3A_805 : vector<16xi1>, vector<16xi32>
          %parallel_loop3A_819 = arith.constant 1 : i32
          %parallel_loop3A_820 = vector.broadcast %parallel_loop3A_819 : i32 to vector<16xi32>
          %parallel_loop3A_821 = arith.addi %parallel_loop3A_818, %parallel_loop3A_820 : vector<16xi32>
          %parallel_loop3A_822 = arith.constant 112 : i32
          %parallel_loop3A_823 = vector.broadcast %parallel_loop3A_822 : i32 to vector<16xi32>
          %parallel_loop3A_824 = arith.minsi %parallel_loop3A_821, %parallel_loop3A_823 : vector<16xi32>
          %parallel_loop3A_825 = arith.constant 16 : i32
          %parallel_loop3A_826 = vector.broadcast %parallel_loop3A_825 : i32 to vector<16xi32>
          %parallel_loop3A_827 = arith.muli %parallel_loop3A_824, %parallel_loop3A_826 : vector<16xi32>
          %parallel_loop3A_828 = arith.addi %parallel_loop3A_827, %iota3A : vector<16xi32>
          %parallel_loop3A_829 = tpu.vector_load_idx %arg16[%parallel_loop3A_828] : memref<2064xf32, #tpu.memory_space<vmem>>[vector<16xi32>], vector<16xf32>,
          %parallel_loop3A_830 = arith.cmpf ole, %parallel_loop3A_829, %parallel_loop3A_738 : vector<16xf32>
          %parallel_loop3A_831 = arith.select %parallel_loop3A_830, %parallel_loop3A_824, %parallel_loop3A_818 : vector<16xi1>, vector<16xi32>
          %parallel_loop3A_832 = arith.constant 1 : i32
          %parallel_loop3A_833 = vector.broadcast %parallel_loop3A_832 : i32 to vector<16xi32>
          %parallel_loop3A_834 = arith.addi %parallel_loop3A_831, %parallel_loop3A_833 : vector<16xi32>
          %parallel_loop3A_835 = arith.constant 1 : i32
          %parallel_loop3A_836 = vector.broadcast %parallel_loop3A_835 : i32 to vector<16xi32>
          %parallel_loop3A_837 = arith.subi %parallel_loop3A_834, %parallel_loop3A_836 : vector<16xi32>
          %parallel_loop3A_838 = arith.constant 16 : i32
          %parallel_loop3A_839 = vector.broadcast %parallel_loop3A_838 : i32 to vector<16xi32>
          %parallel_loop3A_840 = arith.muli %parallel_loop3A_837, %parallel_loop3A_839 : vector<16xi32>
          %parallel_loop3A_841 = arith.addi %parallel_loop3A_840, %iota3A : vector<16xi32>
          %parallel_loop3A_842 = arith.constant 16 : i32
          %parallel_loop3A_843 = vector.broadcast %parallel_loop3A_842 : i32 to vector<16xi32>
          %parallel_loop3A_844 = arith.muli %parallel_loop3A_834, %parallel_loop3A_843 : vector<16xi32>
          %parallel_loop3A_845 = arith.addi %parallel_loop3A_844, %iota3A : vector<16xi32>
          %parallel_loop3A_846 = tpu.vector_load_idx %arg16[%parallel_loop3A_841] : memref<2064xf32, #tpu.memory_space<vmem>>[vector<16xi32>], vector<16xf32>,
          %parallel_loop3A_847 = tpu.vector_load_idx %arg16[%parallel_loop3A_845] : memref<2064xf32, #tpu.memory_space<vmem>>[vector<16xi32>], vector<16xf32>,
          %parallel_loop3A_848 = tpu.vector_load_idx %arg14[%parallel_loop3A_841] : memref<2064xf32, #tpu.memory_space<vmem>>[vector<16xi32>], vector<16xf32>,
          %parallel_loop3A_849 = tpu.vector_load_idx %arg14[%parallel_loop3A_845] : memref<2064xf32, #tpu.memory_space<vmem>>[vector<16xi32>], vector<16xf32>,
          %parallel_loop3A_850 = arith.subf %parallel_loop3A_738, %parallel_loop3A_846 : vector<16xf32>
          %parallel_loop3A_851 = arith.subf %parallel_loop3A_847, %parallel_loop3A_846 : vector<16xf32>
          %parallel_loop3A_852 = arith.divf %parallel_loop3A_850, %parallel_loop3A_851 : vector<16xf32>
          %parallel_loop3A_853 = arith.constant 0.000000e+00 : f32
          %parallel_loop3A_854 = arith.constant 1.000000e+00 : f32
          %parallel_loop3A_855 = vector.broadcast %parallel_loop3A_853 : f32 to vector<16xf32>
          %parallel_loop3A_856 = arith.maximumf %parallel_loop3A_855, %parallel_loop3A_852 : vector<16xf32>
          %parallel_loop3A_857 = vector.broadcast %parallel_loop3A_854 : f32 to vector<16xf32>
          %parallel_loop3A_858 = arith.minimumf %parallel_loop3A_857, %parallel_loop3A_856 : vector<16xf32>
          %parallel_loop3A_859 = arith.subf %parallel_loop3A_849, %parallel_loop3A_848 : vector<16xf32>
          %parallel_loop3A_860 = arith.mulf %parallel_loop3A_858, %parallel_loop3A_859 : vector<16xf32>
          %parallel_loop3A_861 = arith.addf %parallel_loop3A_848, %parallel_loop3A_860 : vector<16xf32>
          %parallel_loop3A_862 = arith.constant 16 : i32
          %parallel_loop3A_863 = vector.broadcast %parallel_loop3A_862 : i32 to vector<16xi32>
          %parallel_loop3A_864 = arith.muli %parallel_loop3A_834, %parallel_loop3A_863 : vector<16xi32>
          %parallel_loop3A_865 = arith.addi %parallel_loop3A_864, %iota3A : vector<16xi32>
          tpu.vector_store_idx %arg17[%parallel_loop3A_865], %broadcast_in_dim3A_5 {add = true} : memref<2064xi32, #tpu.memory_space<vmem>>[vector<16xi32>], vector<16xi32>,
          %parallel_loop3A_866 = vector.broadcast %parallel_loop3A_731 : i32 to vector<16xi32>
          %parallel_loop3A_867 = arith.addi %parallel_loop3A_834, %parallel_loop3A_866 : vector<16xi32>
          %parallel_loop3A_868 = arith.addi %add3A_112, %parallel_loop3A_867 : vector<16xi32>
          %parallel_loop3A_869 = arith.mulf %parallel_loop3A_861, %sub3A : vector<16xf32>
          %parallel_loop3A_870 = arith.addf %get3A_96, %parallel_loop3A_869 : vector<16xf32>
          tpu.vector_store_idx %arg11[%parallel_loop3A_868], %parallel_loop3A_870 : memref<66048xf32, #tpu.memory_space<vmem>>[vector<16xi32>], vector<16xf32>,
        } {sc.loop_unroll_factor = 1 : i64, sc.parallel_access}
        %mul3A_586 = arith.constant 1.600000e+01 : f32
        %mul3A_587 = arith.constant 0.0588235296 : f32
        %mul3A_588 = arith.mulf %mul3A_586, %mul3A_587 : f32
        %add3A_589 = arith.constant 0.0294117648 : f32
        %add3A_590 = arith.addf %mul3A_588, %add3A_589 : f32
        %broadcast_in_dim3A_591 = vector.broadcast %add3A_590 : f32 to vector<16xf32>
        %mul3A_592 = arith.mulf %broadcast_in_dim3A_591, %add3A_580 : vector<16xf32>
        %broadcast_in_dim3A_593 = arith.constant 0 : i32
        %broadcast_in_dim3A_594 = vector.broadcast %broadcast_in_dim3A_593 : i32 to vector<16xi32>
        %add3A_595 = arith.constant 64 : i32
        %add3A_596 = vector.broadcast %add3A_595 : i32 to vector<16xi32>
        %add3A_597 = arith.addi %broadcast_in_dim3A_594, %add3A_596 : vector<16xi32>
        %min3A_598 = arith.constant 112 : i32
        %min3A_599 = vector.broadcast %min3A_598 : i32 to vector<16xi32>
        %min3A_600 = arith.minsi %add3A_597, %min3A_599 : vector<16xi32>
        %mul3A_601 = arith.constant 16 : i32
        %mul3A_602 = vector.broadcast %mul3A_601 : i32 to vector<16xi32>
        %mul3A_603 = arith.muli %min3A_600, %mul3A_602 : vector<16xi32>
        %add3A_604 = arith.addi %mul3A_603, %iota3A : vector<16xi32>
        %gather3A_605 = tpu.vector_load_idx %arg16[%add3A_604] : memref<2064xf32, #tpu.memory_space<vmem>>[vector<16xi32>], vector<16xf32>,
        %le3A_606 = arith.cmpf ole, %gather3A_605, %mul3A_592 : vector<16xf32>
        %select_n3A_607 = arith.select %le3A_606, %min3A_600, %broadcast_in_dim3A_594 : vector<16xi1>, vector<16xi32>
        %add3A_608 = arith.constant 32 : i32
        %add3A_609 = vector.broadcast %add3A_608 : i32 to vector<16xi32>
        %add3A_610 = arith.addi %select_n3A_607, %add3A_609 : vector<16xi32>
        %min3A_611 = arith.constant 112 : i32
        %min3A_612 = vector.broadcast %min3A_611 : i32 to vector<16xi32>
        %min3A_613 = arith.minsi %add3A_610, %min3A_612 : vector<16xi32>
        %mul3A_614 = arith.constant 16 : i32
        %mul3A_615 = vector.broadcast %mul3A_614 : i32 to vector<16xi32>
        %mul3A_616 = arith.muli %min3A_613, %mul3A_615 : vector<16xi32>
        %add3A_617 = arith.addi %mul3A_616, %iota3A : vector<16xi32>
        %gather3A_618 = tpu.vector_load_idx %arg16[%add3A_617] : memref<2064xf32, #tpu.memory_space<vmem>>[vector<16xi32>], vector<16xf32>,
        %le3A_619 = arith.cmpf ole, %gather3A_618, %mul3A_592 : vector<16xf32>
        %select_n3A_620 = arith.select %le3A_619, %min3A_613, %select_n3A_607 : vector<16xi1>, vector<16xi32>
        %add3A_621 = arith.constant 16 : i32
        %add3A_622 = vector.broadcast %add3A_621 : i32 to vector<16xi32>
        %add3A_623 = arith.addi %select_n3A_620, %add3A_622 : vector<16xi32>
        %min3A_624 = arith.constant 112 : i32
        %min3A_625 = vector.broadcast %min3A_624 : i32 to vector<16xi32>
        %min3A_626 = arith.minsi %add3A_623, %min3A_625 : vector<16xi32>
        %mul3A_627 = arith.constant 16 : i32
        %mul3A_628 = vector.broadcast %mul3A_627 : i32 to vector<16xi32>
        %mul3A_629 = arith.muli %min3A_626, %mul3A_628 : vector<16xi32>
        %add3A_630 = arith.addi %mul3A_629, %iota3A : vector<16xi32>
        %gather3A_631 = tpu.vector_load_idx %arg16[%add3A_630] : memref<2064xf32, #tpu.memory_space<vmem>>[vector<16xi32>], vector<16xf32>,
        %le3A_632 = arith.cmpf ole, %gather3A_631, %mul3A_592 : vector<16xf32>
        %select_n3A_633 = arith.select %le3A_632, %min3A_626, %select_n3A_620 : vector<16xi1>, vector<16xi32>
        %add3A_634 = arith.constant 8 : i32
        %add3A_635 = vector.broadcast %add3A_634 : i32 to vector<16xi32>
        %add3A_636 = arith.addi %select_n3A_633, %add3A_635 : vector<16xi32>
        %min3A_637 = arith.constant 112 : i32
        %min3A_638 = vector.broadcast %min3A_637 : i32 to vector<16xi32>
        %min3A_639 = arith.minsi %add3A_636, %min3A_638 : vector<16xi32>
        %mul3A_640 = arith.constant 16 : i32
        %mul3A_641 = vector.broadcast %mul3A_640 : i32 to vector<16xi32>
        %mul3A_642 = arith.muli %min3A_639, %mul3A_641 : vector<16xi32>
        %add3A_643 = arith.addi %mul3A_642, %iota3A : vector<16xi32>
        %gather3A_644 = tpu.vector_load_idx %arg16[%add3A_643] : memref<2064xf32, #tpu.memory_space<vmem>>[vector<16xi32>], vector<16xf32>,
        %le3A_645 = arith.cmpf ole, %gather3A_644, %mul3A_592 : vector<16xf32>
        %select_n3A_646 = arith.select %le3A_645, %min3A_639, %select_n3A_633 : vector<16xi1>, vector<16xi32>
        %add3A_647 = arith.constant 4 : i32
        %add3A_648 = vector.broadcast %add3A_647 : i32 to vector<16xi32>
        %add3A_649 = arith.addi %select_n3A_646, %add3A_648 : vector<16xi32>
        %min3A_650 = arith.constant 112 : i32
        %min3A_651 = vector.broadcast %min3A_650 : i32 to vector<16xi32>
        %min3A_652 = arith.minsi %add3A_649, %min3A_651 : vector<16xi32>
        %mul3A_653 = arith.constant 16 : i32
        %mul3A_654 = vector.broadcast %mul3A_653 : i32 to vector<16xi32>
        %mul3A_655 = arith.muli %min3A_652, %mul3A_654 : vector<16xi32>
        %add3A_656 = arith.addi %mul3A_655, %iota3A : vector<16xi32>
        %gather3A_657 = tpu.vector_load_idx %arg16[%add3A_656] : memref<2064xf32, #tpu.memory_space<vmem>>[vector<16xi32>], vector<16xf32>,
        %le3A_658 = arith.cmpf ole, %gather3A_657, %mul3A_592 : vector<16xf32>
        %select_n3A_659 = arith.select %le3A_658, %min3A_652, %select_n3A_646 : vector<16xi1>, vector<16xi32>
        %add3A_660 = arith.constant 2 : i32
        %add3A_661 = vector.broadcast %add3A_660 : i32 to vector<16xi32>
        %add3A_662 = arith.addi %select_n3A_659, %add3A_661 : vector<16xi32>
        %min3A_663 = arith.constant 112 : i32
        %min3A_664 = vector.broadcast %min3A_663 : i32 to vector<16xi32>
        %min3A_665 = arith.minsi %add3A_662, %min3A_664 : vector<16xi32>
        %mul3A_666 = arith.constant 16 : i32
        %mul3A_667 = vector.broadcast %mul3A_666 : i32 to vector<16xi32>
        %mul3A_668 = arith.muli %min3A_665, %mul3A_667 : vector<16xi32>
        %add3A_669 = arith.addi %mul3A_668, %iota3A : vector<16xi32>
        %gather3A_670 = tpu.vector_load_idx %arg16[%add3A_669] : memref<2064xf32, #tpu.memory_space<vmem>>[vector<16xi32>], vector<16xf32>,
        %le3A_671 = arith.cmpf ole, %gather3A_670, %mul3A_592 : vector<16xf32>
        %select_n3A_672 = arith.select %le3A_671, %min3A_665, %select_n3A_659 : vector<16xi1>, vector<16xi32>
        %add3A_673 = arith.constant 1 : i32
        %add3A_674 = vector.broadcast %add3A_673 : i32 to vector<16xi32>
        %add3A_675 = arith.addi %select_n3A_672, %add3A_674 : vector<16xi32>
        %min3A_676 = arith.constant 112 : i32
        %min3A_677 = vector.broadcast %min3A_676 : i32 to vector<16xi32>
        %min3A_678 = arith.minsi %add3A_675, %min3A_677 : vector<16xi32>
        %mul3A_679 = arith.constant 16 : i32
        %mul3A_680 = vector.broadcast %mul3A_679 : i32 to vector<16xi32>
        %mul3A_681 = arith.muli %min3A_678, %mul3A_680 : vector<16xi32>
        %add3A_682 = arith.addi %mul3A_681, %iota3A : vector<16xi32>
        %gather3A_683 = tpu.vector_load_idx %arg16[%add3A_682] : memref<2064xf32, #tpu.memory_space<vmem>>[vector<16xi32>], vector<16xf32>,
        %le3A_684 = arith.cmpf ole, %gather3A_683, %mul3A_592 : vector<16xf32>
        %select_n3A_685 = arith.select %le3A_684, %min3A_678, %select_n3A_672 : vector<16xi1>, vector<16xi32>
        %add3A_686 = arith.constant 1 : i32
        %add3A_687 = vector.broadcast %add3A_686 : i32 to vector<16xi32>
        %add3A_688 = arith.addi %select_n3A_685, %add3A_687 : vector<16xi32>
        %sub3A_689 = arith.constant 1 : i32
        %sub3A_690 = vector.broadcast %sub3A_689 : i32 to vector<16xi32>
        %sub3A_691 = arith.subi %add3A_688, %sub3A_690 : vector<16xi32>
        %mul3A_692 = arith.constant 16 : i32
        %mul3A_693 = vector.broadcast %mul3A_692 : i32 to vector<16xi32>
        %mul3A_694 = arith.muli %sub3A_691, %mul3A_693 : vector<16xi32>
        %add3A_695 = arith.addi %mul3A_694, %iota3A : vector<16xi32>
        %mul3A_696 = arith.constant 16 : i32
        %mul3A_697 = vector.broadcast %mul3A_696 : i32 to vector<16xi32>
        %mul3A_698 = arith.muli %add3A_688, %mul3A_697 : vector<16xi32>
        %add3A_699 = arith.addi %mul3A_698, %iota3A : vector<16xi32>
        %gather3A_700 = tpu.vector_load_idx %arg16[%add3A_695] : memref<2064xf32, #tpu.memory_space<vmem>>[vector<16xi32>], vector<16xf32>,
        %gather3A_701 = tpu.vector_load_idx %arg16[%add3A_699] : memref<2064xf32, #tpu.memory_space<vmem>>[vector<16xi32>], vector<16xf32>,
        %gather3A_702 = tpu.vector_load_idx %arg14[%add3A_695] : memref<2064xf32, #tpu.memory_space<vmem>>[vector<16xi32>], vector<16xf32>,
        %gather3A_703 = tpu.vector_load_idx %arg14[%add3A_699] : memref<2064xf32, #tpu.memory_space<vmem>>[vector<16xi32>], vector<16xf32>,
        %sub3A_704 = arith.subf %mul3A_592, %gather3A_700 : vector<16xf32>
        %sub3A_705 = arith.subf %gather3A_701, %gather3A_700 : vector<16xf32>
        %div3A_706 = arith.divf %sub3A_704, %sub3A_705 : vector<16xf32>
        %jit3A_707 = arith.constant 0.000000e+00 : f32
        %jit3A_708 = arith.constant 1.000000e+00 : f32
        %max3A_709 = vector.broadcast %jit3A_707 : f32 to vector<16xf32>
        %max3A_710 = arith.maximumf %max3A_709, %div3A_706 : vector<16xf32>
        %min3A_711 = vector.broadcast %jit3A_708 : f32 to vector<16xf32>
        %min3A_712 = arith.minimumf %min3A_711, %max3A_710 : vector<16xf32>
        %sub3A_713 = arith.subf %gather3A_703, %gather3A_702 : vector<16xf32>
        %mul3A_714 = arith.mulf %min3A_712, %sub3A_713 : vector<16xf32>
        %add3A_715 = arith.addf %gather3A_702, %mul3A_714 : vector<16xf32>
        %parallel_loop3A_716 = arith.constant 0 : i32
        %parallel_loop3A_717 = arith.constant 112 : i32
        %parallel_loop3A_718 = arith.constant 1 : i32
        %parallel_loop3A_719 = scf.for %parallel_loop3A_731 = %parallel_loop3A_716 to %parallel_loop3A_717 step %parallel_loop3A_718 iter_args(%parallel_loop3A_732 = %broadcast_in_dim3A_3) -> (vector<16xi32>)  : i32 {
          %parallel_loop3A_733 = arith.constant 16 : i32
          %parallel_loop3A_734 = arith.muli %parallel_loop3A_731, %parallel_loop3A_733 : i32
          %parallel_loop3A_735 = arith.index_cast %parallel_loop3A_734 : i32 to index
          %parallel_loop3A_736 = tpu.vector_load %arg17[%parallel_loop3A_735] {strides = array<i32>} : memref<2064xi32, #tpu.memory_space<vmem>>, vector<16xi32>,
          %parallel_loop3A_737 = arith.constant 16 : i32
          %parallel_loop3A_738 = arith.muli %parallel_loop3A_731, %parallel_loop3A_737 : i32
          %parallel_loop3A_739 = arith.index_cast %parallel_loop3A_738 : i32 to index
          %parallel_loop3A_740 = tpu.vector_load %arg17[%parallel_loop3A_739] {strides = array<i32>} : memref<2064xi32, #tpu.memory_space<vmem>>, vector<16xi32>,
          tpu.vector_store %arg17[%parallel_loop3A_739], %broadcast_in_dim3A_3 {strides = array<i32>} : memref<2064xi32, #tpu.memory_space<vmem>>, vector<16xi32>,
          %parallel_loop3A_741 = arith.addi %parallel_loop3A_732, %parallel_loop3A_736 : vector<16xi32>
          %parallel_loop3A_742 = vector.broadcast %parallel_loop3A_731 : i32 to vector<16xi32>
          %parallel_loop3A_743 = arith.addi %parallel_loop3A_741, %parallel_loop3A_742 : vector<16xi32>
          %parallel_loop3A_744 = arith.constant 16 : i32
          %parallel_loop3A_745 = arith.muli %parallel_loop3A_731, %parallel_loop3A_744 : i32
          %parallel_loop3A_746 = arith.index_cast %parallel_loop3A_745 : i32 to index
          %parallel_loop3A_747 = tpu.vector_load %arg14[%parallel_loop3A_746] {strides = array<i32>} : memref<2064xf32, #tpu.memory_space<vmem>>, vector<16xf32>,
          %parallel_loop3A_748 = arith.addi %add3A_112, %parallel_loop3A_743 : vector<16xi32>
          %parallel_loop3A_749 = arith.mulf %parallel_loop3A_747, %sub3A : vector<16xf32>
          %parallel_loop3A_750 = arith.addf %get3A_96, %parallel_loop3A_749 : vector<16xf32>
          tpu.vector_store_idx %arg11[%parallel_loop3A_748], %parallel_loop3A_750 : memref<66048xf32, #tpu.memory_space<vmem>>[vector<16xi32>], vector<16xf32>,
          scf.yield %parallel_loop3A_741 : vector<16xi32>
        } {sc.loop_unroll_factor = 1 : i64, sc.parallel_access}
        %swap3A_720 = arith.constant 1792 : index
        %swap3A_721 = tpu.vector_load %arg17[%swap3A_720] {strides = array<i32>} : memref<2064xi32, #tpu.memory_space<vmem>>, vector<16xi32>,
        tpu.vector_store %arg17[%swap3A_720], %broadcast_in_dim3A_3 {strides = array<i32>} : memref<2064xi32, #tpu.memory_space<vmem>>, vector<16xi32>,
        %get3A_722 = arith.constant 1792 : index
        %get3A_723 = tpu.vector_load %arg14[%get3A_722] {strides = array<i32>} : memref<2064xf32, #tpu.memory_space<vmem>>, vector<16xf32>,
        %max3A_724 = arith.maximumf %get3A_723, %add3A_715 : vector<16xf32>
        %broadcast_in_dim3A_725 = arith.constant 128 : i32
        %broadcast_in_dim3A_726 = vector.broadcast %broadcast_in_dim3A_725 : i32 to vector<16xi32>
        %add3A_727 = arith.addi %add3A_112, %broadcast_in_dim3A_726 : vector<16xi32>
        %mul3A_728 = arith.mulf %max3A_724, %sub3A : vector<16xf32>
        %add3A_729 = arith.addf %get3A_96, %mul3A_728 : vector<16xf32>
        tpu.vector_store_idx %arg11[%add3A_727], %add3A_729 : memref<66048xf32, #tpu.memory_space<vmem>>[vector<16xi32>], vector<16xf32>,
        %scan3A_730 = arith.constant 0 : i32
        scf.yield %scan3A_730 : i32
      }
      %scan3A_53 = arith.constant 16 : i32
      %mul3A_54 = arith.constant 128 : i32
      %mul3A_55 = arith.muli %add3A, %mul3A_54 : i32
      %mul3A_56 = arith.constant 16 : i32
      %mul3A_57 = arith.muli %scan3A_40, %mul3A_56 : i32
      %add3A_58 = arith.addi %mul3A_55, %mul3A_57 : i32
      %mul3A_59 = arith.constant 2064 : i32
      %mul3A_60 = arith.muli %add3A_58, %mul3A_59 : i32
      %dma_start3A = tpu.memref_slice %arg11[%mul3A_44] : memref<66048xf32, #tpu.memory_space<vmem>> -> memref<33024xf32, #tpu.memory_space<vmem>>
      %dma_start3A_61 = tpu.memref_slice %arg6[%mul3A_60] : memref<8454144xf32, #tpu.memory_space<hbm>> -> memref<33024xf32, #tpu.memory_space<hbm>>
      %dma_start3A_62 = tpu.memref_slice %arg6[%mul3A_60] : memref<8454144xf32, #tpu.memory_space<hbm>> -> memref<33024xf32, #tpu.memory_space<hbm>>
      %dma_start3A_63 = tpu.memref_slice %arg11[%mul3A_44] : memref<66048xf32, #tpu.memory_space<vmem>> -> memref<33024xf32, #tpu.memory_space<vmem>>
      tpu.enqueue_dma source(%dma_start3A_63 : memref<33024xf32, #tpu.memory_space<vmem>>) target(%dma_start3A_62 : memref<33024xf32, #tpu.memory_space<hbm>>) target_semaphore(%arg20 : memref<!tpu.dma_semaphore, #tpu.memory_space<semaphore_mem>>)
      %scan3A_64 = arith.constant 0 : i32
      scf.yield %scan3A_64 : i32
    }
    %scan3A_24 = arith.constant 8 : i32
    %dma_wait3A = arith.constant 0 : i32
    %dma_wait3A_25 = tpu.memref_slice %arg11[%dma_wait3A] : memref<66048xf32, #tpu.memory_space<vmem>> -> memref<33024xf32, #tpu.memory_space<vmem>>
    %dma_wait3A_26 = arith.constant 0 : i32
    %dma_wait3A_27 = tpu.memref_slice %arg6[%dma_wait3A_26] : memref<8454144xf32, #tpu.memory_space<hbm>> -> memref<33024xf32, #tpu.memory_space<hbm>>
    %dma_wait3A_28 = arith.constant 0 : i32
    %dma_wait3A_29 = tpu.memref_slice %arg11[%dma_wait3A_28] : memref<66048xf32, #tpu.memory_space<vmem>> -> memref<33024xf32, #tpu.memory_space<vmem>>
    %dma_wait3A_30 = arith.constant 0 : i32
    %dma_wait3A_31 = tpu.memref_slice %arg6[%dma_wait3A_30] : memref<8454144xf32, #tpu.memory_space<hbm>> -> memref<33024xf32, #tpu.memory_space<hbm>>
    tpu.wait_dma2 semaphore(%arg20 : memref<!tpu.dma_semaphore, #tpu.memory_space<semaphore_mem>>) src(%dma_wait3A_31 : memref<33024xf32, #tpu.memory_space<hbm>>) dst(%dma_wait3A_29 : memref<33024xf32, #tpu.memory_space<vmem>>)
    %dma_wait3A_32 = arith.constant 0 : i32
    %dma_wait3A_33 = tpu.memref_slice %arg11[%dma_wait3A_32] : memref<66048xf32, #tpu.memory_space<vmem>> -> memref<33024xf32, #tpu.memory_space<vmem>>
    %dma_wait3A_34 = arith.constant 0 : i32
    %dma_wait3A_35 = tpu.memref_slice %arg6[%dma_wait3A_34] : memref<8454144xf32, #tpu.memory_space<hbm>> -> memref<33024xf32, #tpu.memory_space<hbm>>
    %dma_wait3A_36 = arith.constant 0 : i32
    %dma_wait3A_37 = tpu.memref_slice %arg11[%dma_wait3A_36] : memref<66048xf32, #tpu.memory_space<vmem>> -> memref<33024xf32, #tpu.memory_space<vmem>>
    %dma_wait3A_38 = arith.constant 0 : i32
    %dma_wait3A_39 = tpu.memref_slice %arg6[%dma_wait3A_38] : memref<8454144xf32, #tpu.memory_space<hbm>> -> memref<33024xf32, #tpu.memory_space<hbm>>
    tpu.wait_dma2 semaphore(%arg20 : memref<!tpu.dma_semaphore, #tpu.memory_space<semaphore_mem>>) src(%dma_wait3A_39 : memref<33024xf32, #tpu.memory_space<hbm>>) dst(%dma_wait3A_37 : memref<33024xf32, #tpu.memory_space<vmem>>)
    return
  }
}

</mosaic_0001>

<sc_bundles>
// kernel: kernel.3.cloned.1.call-start
scs
__scs_entry_jumppad:
0x0: {  	(pc) =	sbr.rel $0x88, $3  }
0x1: {  	(tag) =	ssettag $0x0;
	lr =	simm.s32 $0x1  }
0x2: {  	[smem:$0x3F9D] =	sst lr;
	_ =	strace $0xD0000000  }
0x3: {  	_ = 	snop  }
0x4: {  	_ = 	snop  }
0x5: {  	_ = 	snop  }
0x6: {  	_ = 	snop  }
0x7: {  	_ = 	snop  }
__scs_overlays_trampoline_lowered:
0x8: {  	[smem:$0x3FAC] =	sst s0  }
0x9: {  	[smem:$0x3FAD] =	sst s1  }
0xa: {  	[smem:$0x3FAE] =	sst s2  }
0xb: {  	[smem:$0x3FAF] =	sst s3  }
0xc: {  	[smem:$0x3FB0] =	sst s4  }
0xd: {  	[smem:$0x3FB1] =	sst s5  }
0xe: {  	[smem:$0x3FB2] =	sst s6  }
0xf: {  	[smem:$0x3FB3] =	sst s7  }
0x10: {  	[smem:$0x3FB4] =	sst s8  }
0x11: {  	[smem:$0x3FB5] =	sst s9;
	s0 =	simm.s32 @!p0 $0x0  }
0x12: {  	s1 =	sld [smem:$0x3F9B];
	s0 =	simm.s32 @p0 $0x1  }
0x13: {  	[smem:$0x3FB6] =	sst s0;
	s0 =	simm.s32 @!p1 $0x0  }
0x14: {  	s2 =	sld [smem:$0x3F9A];
	s0 =	simm.s32 @p1 $0x1  }
0x15: {  	[smem:$0x3FB7] =	sst s0;
	s0 =	simm.s32 @!p2 $0x0  }
0x16: {  	s3 =	sld [smem:$0x3FDB];
	s0 =	simm.s32 @p2 $0x1  }
0x17: {  	s4 =	simm.s32 $0x1BF5;
	[smem:$0x3FB9] =	sst s0  }
0x18: {  	s0 =	sld [smem:$0x3F9C];
	_ =	swait.ge [sflag:s4], $0x0  }
0x19: {  	s7 =	sld [smem:$0x3F9D]  }
0x1a: {  	s8 =	sadd.s32 $0xFFFFE003, lr  }
0x1b: {  	s9 =	sadd.s32 $0xFFFFFEF7, lr;
	s5 =	simm.s32 $0xFFFFFFFF;
	p2 =	slt.u32 s8, $0xFFFFF086  }
0x1c: {  	p1 =	slt.u32 s9, $0xF7A;
	s5 =	simm.s32 @!p2 $0x0  }
0x1d: {  	s5 =	simm.s32 @p1 $0x1;
	p0 =	seq.s32 s7, s2  }
0x1e: {  	s7 =	smul.u32 @!p0 $0xF7A, s2;
	p2 =	seq.s32 @!p0 s5, $0x0  }
0x1f: {  	s9 =	smul.u32 $0xF7A, s1;
	s8 =	simm.s32 @!p0 $0x1BF5;
	p2 =	por !p2, p0  }
0x20: {  	[sflag:s8] =	ssyncset.s32 @!p0 $0xFFFFF086;
	s6 =	sadd.s32 @!p0 s3, s7;
	s7 =	simm.s32 @!p0 $0x108  }
0x21: {  	s3 =	sadd.s32 s3, s9;
	s6 =	sadd.s32 @!p0 $0x88, s6;
	s7 =	simm.s32 @p2 $0x1082  }
0x22: {  	[simem:s7], [sflag:s8] =	dma.local @!p0 [hbm:s6], $0xF7A  }
0x23: {  	s9 =	sor.u32 $0xD0000000, s2;
	s6 =	simm.s32 $0x108;
	_ =	swait.ge @!p0 [sflag:s8], $0x0  }
0x24: {  	s3 =	sadd.s32 $0x88, s3;
	s6 =	simm.s32 @!p1 $0x1082;
	[sflag:s4] =	ssyncset.s32 $0xFFFFF086  }
0x25: {  	[simem:s6], [sflag:s4] =	dma.local [hbm:s3], $0xF7A  }
0x26: {  	[smem:$0x3F9D] =	sst s1;
	(tag) =	ssettag s2;
	_ =	strace s9  }
0x27: {  	s1 =	sld [smem:$0x3FAD]  }
0x28: {  	s2 =	sld [smem:$0x3FAE]  }
0x29: {  	s4 =	sld [smem:$0x3FB0]  }
0x2a: {  	p0 =	seq.s32 s5, $0x0;
	s5 =	sld [smem:$0x3FB1]  }
0x2b: {  	s6 =	sld [smem:$0x3FB2]  }
0x2c: {  	s7 =	sld [smem:$0x3FB3]  }
0x2d: {  	s3 =	simm.s32 $0x108;
	s8 =	sld [smem:$0x3FB4]  }
0x2e: {  	s3 =	simm.s32 @!p0 $0x1082;
	s9 =	sld [smem:$0x3FB5]  }
0x2f: {  	lr =	sadd.s32 s0, s3;
	s0 =	sld [smem:$0x3FAC]  }
0x30: {  	s3 =	sld [smem:$0x3FAF]  }
0x31: {  	[smem:$0x3FB8] =	sst s10  }
0x32: {  	s10 =	sld [smem:$0x3FB6];
	_ =	sdelay $0x3  }
0x33: {  	p0 =	seq.s32 s10, $0x1;
	s10 =	sld [smem:$0x3FB8];
	_ =	sdelay $0x3  }
0x34: {  	[smem:$0x3FB8] =	sst s10  }
0x35: {  	s10 =	sld [smem:$0x3FB7];
	_ =	sdelay $0x3  }
0x36: {  	p1 =	seq.s32 s10, $0x1;
	s10 =	sld [smem:$0x3FB8];
	_ =	sdelay $0x3  }
0x37: {  	[smem:$0x3FB8] =	sst s10  }
0x38: {  	s10 =	sld [smem:$0x3FB9]  }
0x39: {  	_ = 	snop;
	(pc) =	sbr.ind lr, $3  }
0x3a: {  	_ = 	snop  }
0x3b: {  	_ = 	snop  }
0x3c: {  	p2 =	seq.s32 s10, $0x1;
	s10 =	sld [smem:$0x3FB8]  }
0x3d: {  	_ =	shalt  }
0x3e: {  	_ =	shalt  }
0x3f: {  	_ =	shalt  }
0x40: {  	_ =	shalt  }
0x41: {  	_ =	shalt  }
0x42: {  	_ =	shalt  }
0x43: {  	_ =	shalt  }
0x44: {  	_ =	shalt  }
0x45: {  	_ =	shalt  }
0x46: {  	_ =	shalt  }
0x47: {  	_ =	shalt  }
0x48: {  	_ =	shalt  }
0x49: {  	_ =	shalt  }
0x4a: {  	_ =	shalt  }
0x4b: {  	_ =	shalt  }
0x4c: {  	_ =	shalt  }
0x4d: {  	_ =	shalt  }
0x4e: {  	_ =	shalt  }
0x4f: {  	_ =	shalt  }
0x50: {  	_ =	shalt  }
0x51: {  	_ =	shalt  }
0x52: {  	_ =	shalt  }
0x53: {  	_ =	shalt  }
0x54: {  	_ =	shalt  }
0x55: {  	_ =	shalt  }
0x56: {  	_ =	shalt  }
0x57: {  	_ =	shalt  }
0x58: {  	_ =	shalt  }
0x59: {  	_ =	shalt  }
0x5a: {  	_ =	shalt  }
0x5b: {  	_ =	shalt  }
0x5c: {  	_ =	shalt  }
0x5d: {  	_ =	shalt  }
0x5e: {  	_ =	shalt  }
0x5f: {  	_ =	shalt  }
0x60: {  	_ =	shalt  }
0x61: {  	_ =	shalt  }
0x62: {  	_ =	shalt  }
0x63: {  	_ =	shalt  }
0x64: {  	_ =	shalt  }
0x65: {  	_ =	shalt  }
0x66: {  	_ =	shalt  }
0x67: {  	_ =	shalt  }
0x68: {  	_ =	shalt  }
0x69: {  	_ =	shalt  }
0x6a: {  	_ =	shalt  }
0x6b: {  	_ =	shalt  }
0x6c: {  	_ =	shalt  }
0x6d: {  	_ =	shalt  }
0x6e: {  	_ =	shalt  }
0x6f: {  	_ =	shalt  }
0x70: {  	_ =	shalt  }
0x71: {  	_ =	shalt  }
0x72: {  	_ =	shalt  }
0x73: {  	_ =	shalt  }
0x74: {  	_ =	shalt  }
0x75: {  	_ =	shalt  }
0x76: {  	_ =	shalt  }
0x77: {  	_ =	shalt  }
0x78: {  	_ =	shalt  }
0x79: {  	_ =	shalt  }
0x7a: {  	_ =	shalt  }
0x7b: {  	_ =	shalt  }
0x7c: {  	_ =	shalt  }
0x7d: {  	_ =	shalt  }
0x7e: {  	_ =	shalt  }
0x7f: {  	_ =	shalt  }
0x80: {  	_ =	shalt  }
0x81: {  	_ =	shalt  }
0x82: {  	_ =	shalt  }
0x83: {  	_ =	shalt  }
0x84: {  	_ =	shalt  }
0x85: {  	_ =	shalt  }
0x86: {  	_ =	shalt  }
0x87: {  	_ =	shalt  }
.Lfunc_end0:
.L_simem_size_0:
called_computation.1_lowered:
.L_overlay_start_0:
0x88: {  	s2 =	sld [smem:$0x3FD9]  }
0x89: {  	s3 =	sld [smem:$0x3FFE];
	_ =	sdelay $0x1  }
0x8a: {  	s1 =	srdreg.scid  }
0x8b: {  	s0 =	sand.u32 $0x1, s1  }
0x8c: {  	s17 =	sshll.u32 s0, $0xA;
	s2 =	sadd.s32 s3, s2  }
0x8d: {  	s2 =	sadd.s32 s2, s17  }
0x8e: {  	[smem:$0x3FC4] =	sst s2  }
0x8f: {  	_ = 	snop  }
0x90: {  	s2 =	sld [smem:$0x3FC7]  }
0x91: {  	s18 =	sld [smem:$0x3FC6]  }
0x92: {  	s4 =	sld [smem:$0x3FD0];
	(tm) =	ssettm $0x1  }
0x93: {  	s5 =	sld [smem:$0x3FFB];
	_ =	sdelay $0x3  }
0x94: {  	_ =	strace s5  }
0x95: {  	s5 =	sld [smem:$0x3FFC];
	_ =	sdelay $0x3  }
0x96: {  	_ =	strace s5  }
0x97: {  	s5 =	sld [smem:$0x3FFD];
	_ =	sdelay $0x3  }
0x98: {  	_ =	strace s5  }
0x99: {  	_ =	strace $0x8FFFFFFF  }
0x9a: {  	s19 =	sld [smem:$0x3FDB];
	_ =	sdelay $0x1  }
0x9b: {  	s6 =	simm.s32 $_scs_section_size  }
0x9c: {  	s7 =	simm.s32 $_size__tile_overlayer_lowered;
	s8 =	simm.s32 $_tile_overlayer_lowered  }
0x9d: {  	s22 =	simm.s32 $0x1BFF;
	s21 =	sshll.u32 s8, $0x1;
	s5 =	sadd.s32 s6, s19  }
0x9e: {  	s9 =	simm.s32 $0x0;
	s20 =	sshll.u32 s7, $0x1;
	s7 =	sadd.s32 s21, s5  }
0x9f: {  	[timem:s9], [sflag:s22] =	dma.local [hbm:s7], s20  }
0xa0: {  	_ =	swait.ge [sflag:s22], s20  }
0xa1: {  	s6 =	ssub.s32 $0x0, s20;
	[sflag:s22] =	ssyncset.done $0x0  }
0xa2: {  	[sflag:s22] =	ssyncadd.s32 s6;
	_ =	sdelay $0x1  }
0xa3: {  	s23 =	simm.s32 $0x1B8B  }
0xa4: {  	_ =	swait.ge [sflag:s23], $0x1  }
0xa5: {  	[sflag:s23] =	ssyncset.done $0x0  }
0xa6: {  	s25 =	simm.s32 $0x1B8E;
	s24 =	sld [smem:$0x3FFE];
	[sflag:s23] =	ssyncadd.s32 $0xFFFFFFFF  }
0xa7: {  	s26 =	simm.s32 $execute0_lowered;
	[smem:$0x3FD2] =	sst s25  }
0xa8: {  	s7 =	sshll.u32 s26, $0x1;
	_ =	strace $0x80000046;
	[dreg:$0x1] =	wrdreg $0xFFFFFFFF  }
0xa9: {  	s28 =	simm.s32 $_size_execute0_lowered;
	s5 =	sadd.s32 s5, s7;
	[dreg:$0x0] =	wrdreg $0x0  }
0xaa: {  	s7 =	sshll.u32 s28, $0x1;
	[dreg:$0x2] =	wrdreg s5  }
0xab: {  	[dreg:$0x3] =	wrdreg s7  }
0xac: {  	[dreg:$0x4] =	wrdreg $0xC0  }
0xad: {  	_ =	task [dreg:s9], $0x5FFFF  }
0xae: {  	[dreg:$0x1] =	wrdreg $0xFFFFFFFF  }
0xaf: {  	[dreg:$0x0] =	wrdreg $0x60  }
0xb0: {  	[dreg:$0x2] =	wrdreg s24  }
0xb1: {  	[dreg:$0x3] =	wrdreg s2  }
0xb2: {  	[dreg:$0x4] =	wrdreg s18  }
0xb3: {  	[dreg:$0x5] =	wrdreg s4  }
0xb4: {  	[dreg:$0x6] =	wrdreg $0x9  }
0xb5: {  	_ =	task.clear_ibuf [dreg:s9], $0x7FFFF;
	_ =	strace $0x90000046  }
0xb6: {  	s29 =	simm.s32 $0x9;
	_ =	strace $0x80000048  }
0xb7: {  	_ =	swait.ge [sflag:s29], $0x1  }
0xb8: {  	[sflag:s29] =	ssyncadd.s32 $0xFFFFFFFF  }
0xb9: {  	_ =	strace $0x90000048  }
0xba: {  	_ =	sfence  }
0xbb: {  	s30 =	sld [smem:$0x0];
	_ =	sdelay $0x2  }
0xbc: {  	s31 =	sshll.u32 s1, $0xD;
	s1 =	sshrl.u32 s1, $0x2  }
0xbd: {  	s3 =	sand.u32 $0x4000, s31;
	s1 =	sadd.s32 s1, s30  }
0xbe: {  	s0 =	sor.u32 s3, s0;
	s1 =	sshll.u32 s1, $0x11  }
0xbf: {  	s0 =	sor.u32 s1, s0  }
0xc0: {  	s0 =	sadd.s32 $0x8F2B, s0  }
0xc1: {  	[sflag:s0] =	ssyncadd.remote.s32 $0x1  }
0xc2: {  	_ =	sfence.sel $0xFFFF  }
0xc3: {  	[dreg:$0x0] =	wrdreg $0xFFFFFFFF;
	(pc) =	sbr.abs _section_cstart, $3  }
0xc4: {  	[dreg:$0x1] =	wrdreg $0xFFFFFFFF  }
0xc5: {  	_ =	task.clear_ibuf [dreg:s9], $0x2FFFF;
	_ =	strace $0x9FFFFFFF  }
0xc6: {  	(tm) =	ssettm $0x7FFFFFFF  }
0xc7: {  	_ =	shalt  }
tec
execute0_lowered:
.L_overlay_start_1:
0x0: {  	(tag) =	ssettag $0x1  }
0x1: {  	s0 =	rddreg [dreg:$0x0]  }
0x2: {  	s1 =	rddreg [dreg:$0x1]  }
0x3: {  	s4 =	rddreg [dreg:$0x2]  }
0x4: {  	s3 =	srdreg.scid;
	s6 =	stileid.u32  }
0x5: {  	s2 =	rddreg [dreg:$0x3];
	s10 =	simm.s32 $0x2;
	s11 =	simm.s32 $0x1800  }
0x6: {  	s14 =	simm.s32 $0x16300;
	s15 =	simm.s32 $0x17400;
	s16 =	simm.s32 $0x16B80  }
0x7: {  	s17 =	simm.s32 $0x15280;
	s18 =	simm.s32 $0x15B00;
	s19 =	simm.s32 $0x14200  }
0x8: {  	s20 =	simm.s32 $0x14A80;
	s5 =	sand.u32 $0x1, s3;
	s30 =	sshll.u32 s6, $0x1  }
0x9: {  	s21 =	simm.s32 $0x4000;
	s22 =	simm.s32 $0x1;
	s6 =	sor.u32 s5, s30  }
0xa: {  	s23 =	simm.s32 $0x0;
	s28 =	simm.s32 $0x0;
	s7 =	smul.u32 $0x300, s6  }
0xb: {  	s3 =	simm.s32 $0x0;
	s5 =	ssub.s32 $0x2, s5;
	s31 =	sshll.u32 s6, $0x8  }
0xc: {  	[smem:$0x7FF] =	sst s3;
	s1 =	sadd.s32 s1, s31;
	s0 =	sadd.s32 s7, s0  }
0xd: {  	v0 =	vlaneseq.u32;
	_ =	strace $0x80000047;
	[dreg:$0x7] =	wrdreg s1;
	s7 =	sadd.s32 $0xA00, s0  }
0xe: {  	v1 =	vmul.u32 $0x3, v0;
	s8 =	sshrl.u32 s5, $0x1;
	s0 =	sadd.s32 $0x6A00, s0;
	[dreg:$0x5] =	wrdreg s7  }
0xf: {  	v2 =	vimm.s32 $0x0;
	v5 =	vor.u32 $0x400, v0;
	s5 =	ssub.s32 s5, s8;
	[dreg:$0x6] =	wrdreg s0;
	s0 =	sadd.s32 s4, s31  }
0x10: {  	v6 =	vimm.s32 $0x1;
	v3 =	vadd.s32 $0x1, v1;
	v4 =	vadd.s32 $0x2, v1;
	s8 =	sshll.u32 s6, $0x7;
	s9 =	smax.u32 s5, $0x1;
	[dreg:$0x8] =	wrdreg s0  }
.LBB2_1:
0x11: {  	s0 =	rddreg [dreg:$0x5]  }
0x12: {  	[tilespmem:s3], [sflag:$0x2] =	stream.linear.gather [hbm4b:s0+s3], $0x1800, $0x38;
	[tilespmem:$0x17C80] =	vst v63  }
0x13: {  	_ =	swait.ge [sflag:s10], $0x1800  }
0x14: {  	[sflag:s10] =	ssyncset.done $0x0  }
0x15: {  	s26 =	rddreg [dreg:$0x6];
	[sflag:s10] =	ssyncadd.s32 $0xFFFFE800  }
0x16: {  	[tilespmem:s11], [sflag:$0x2] =	stream.linear.gather [hbm4b:s26+s3], $0x1800, $0x38;
	[tilespmem:$0x17C80] =	vst v63  }
0x17: {  	_ =	swait.ge [sflag:s10], $0x1800  }
0x18: {  	[sflag:s10] =	ssyncset.done $0x0  }
0x19: {  	s1 =	simm.s32 $0x3000;
	s29 =	rddreg [dreg:$0x7];
	[sflag:s10] =	ssyncadd.s32 $0xFFFFE800  }
0x1a: {  	[tilespmem:s1], [sflag:$0x2] =	stream.linear.gather [hbm4b:s29+s3], $0x800, $0x38;
	[tilespmem:$0x17C80] =	vst v63  }
0x1b: {  	_ =	swait.ge [sflag:s10], $0x800  }
0x1c: {  	[sflag:s10] =	ssyncset.done $0x0  }
0x1d: {  	s31 =	simm.s32 $0x3800;
	s30 =	rddreg [dreg:$0x8];
	[sflag:s10] =	ssyncadd.s32 $0xFFFFF800  }
0x1e: {  	[tilespmem:s31], [sflag:$0x2] =	stream.linear.gather [hbm4b:s30+s3], $0x800, $0x38;
	[tilespmem:$0x17C80] =	vst v63  }
0x1f: {  	_ =	swait.ge [sflag:s10], $0x800  }
0x20: {  	[sflag:s10] =	ssyncset.done $0x0  }
0x21: {  	s0 =	simm.s32 $0x0;
	[sflag:s10] =	ssyncadd.s32 $0xFFFFF800  }
.LBB2_2:
0x22: {  	p0 =	sne.s32 s0, $0x2000  }
.Ltmp0:
0x23: {  	_ = 	snop;
	(pc) =	sbr.rel @p0 .LBB2_2-.Ltmp0, $3  }
0x24: {  	_ =	sdelay $0x1  }
0x25: {  	s1 =	sshra.s32 s0, $0x2  }
0x26: {  	s0 =	sadd.s32 $0x40, s0;
	[tilespmem:s1+$0x16B80] =	vst v2  }
0x27: {  	s24 =	simm.s32 $0x0  }
0x28: {  	s0 =	scvt.s32.f32 s24;
	_ =	sdelay $0x1  }
0x29: {  	s1 =	smul.f32 $1.562500000e-02, s0;
	_ =	sdelay $0x1  }
0x2a: {  	s0 =	simm.s32 $0x17400;
	v7 =	vmov s1  }
0x2b: {  	s1 =	simm.s32 $0x1;
	[tilespmem:s0+$0x0] =	vst v7  }
.LBB2_4:
0x2c: {  	s4 =	scvt.s32.f32 s1;
	p0 =	sne.s32 s1, $0x40;
	s1 =	sadd.s32 $0x1, s1  }
.Ltmp1:
0x2d: {  	(pc) =	sbr.rel @p0 .LBB2_4-.Ltmp1, $3  }
0x2e: {  	s4 =	smul.f32 $1.562500000e-02, s4;
	_ =	sdelay $0x1  }
0x2f: {  	s0 =	sadd.s32 $0x10, s0;
	v7 =	vmov s4  }
0x30: {  	[tilespmem:s0+$0x0] =	vst v7  }
.LBB2_5:
0x31: {  	p0 =	slt.u32 s24, $0x2  }
0x32: {  	s1 =	simm.s32 @!p0 $0x1  }
0x33: {  	s0 =	sand.u32 $0x1, s24;
	s25 =	simm.s32 $0x8100;
	_ =	swait.ge @!p0 [sflag:s1], $0x8100  }
0x34: {  	s26 =	sshll.u32 s24, $0x8;
	p1 =	seq.s32 s0, $0x1;
	[sflag:s1] =	ssyncset.done @!p0 $0x0  }
0x35: {  	s29 =	simm.s32 $0x0;
	v7 =	vmov s26;
	s25 =	simm.s32 @!p1 $0x0;
	[sflag:s1] =	ssyncadd.s32 @!p0 $0xFFFF7F00  }
.LBB2_6:
0x36: {  	s0 =	sshll.u32 s29, $0x4  }
0x37: {  	s1 =	sadd.s32 s26, s0  }
0x38: {  	v8 =	vmov s1  }
0x39: {  	v8 =	vmul.u32 $0x3, v8;
	_ =	sdelay $0x1  }
0x3a: {  	v9 =	vbroadcast v8, $0x0;
	_ =	sdelay $0x1  }
0x3b: {  	v12 =	vld.idx.msk [tilespmem:v7+s0+$0x3800 ss:$0x1], $0xffff;
	v11 =	vadd.s32 v1, v9  }
0x3c: {  	v8 =	vld.idx.msk [tilespmem:v7+s0+$0x3000 ss:$0x1], $0xffff  }
0x3d: {  	s0 =	simm.s32 $0x0;
	v13 =	vadd.s32 v3, v9  }
0x3e: {  	v16 =	vld [tilespmem:s0+$0x17400]  }
0x3f: {  	v17 =	vadd.s32 v4, v9  }
0x40: {  	v10 =	vld.idx.msk [tilespmem:v11+s28+$0x0], $0xffff  }
0x41: {  	v9 =	vsub.f32 v12, v8;
	v15 =	vld.idx.msk [tilespmem:v11+s11+$0x0], $0xffff  }
0x42: {  	v14 =	vld.idx.msk [tilespmem:v13+s11+$0x0], $0xffff  }
0x43: {  	v11 =	vld.idx.msk [tilespmem:v13+s28+$0x0], $0xffff;
	v12 =	vmul.f32 v16, v9  }
0x44: {  	v13 =	vld.idx.msk [tilespmem:v17+s11+$0x0], $0xffff  }
0x45: {  	v16 =	vadd.f32 v12, v8  }
0x46: {  	s1 =	simm.s32 $0x10;
	v12 =	vld.idx.msk [tilespmem:v17+s28+$0x0], $0xffff  }
0x47: {  	v17 =	vld [tilespmem:s1+$0x17400];
	v18 =	vmul.f32 v16, v14;
	v19 =	vmul.f32 v16, v15;
	_ =	sdelay $0x1  }
0x48: {  	v16 =	vmul.f32 v16, v13;
	v19 =	vadd.f32 v19, v10;
	v18 =	vadd.f32 v18, v11;
	_ =	sdelay $0x1  }
0x49: {  	v16 =	vadd.f32 v16, v12;
	v19 =	vmul.f32 v19, v19;
	v18 =	vmul.f32 v18, v18  }
0x4a: {  	v17 =	vmul.f32 v17, v9  }
0x4b: {  	v16 =	vmul.f32 v16, v16;
	v18 =	vadd.f32 v18, v19  }
0x4c: {  	s4 =	simm.s32 $0x20;
	v17 =	vadd.f32 v17, v8  }
0x4d: {  	v19 =	vld [tilespmem:s4+$0x17400];
	v21 =	vadd.f32 v18, v16  }
0x4e: {  	v16 =	vmul.f32 v17, v15  }
0x4f: {  	v18 =	vmul.f32 v17, v14;
	v20 =	vshra.s32 v21, $0x1;
	v22 =	vmul.f32 $5.000000000e-01, v21  }
0x50: {  	s5 =	simm.s32 $0x30;
	v16 =	vadd.f32 v16, v10;
	v20 =	vsub.s32 $0x5F3759DF, v20  }
0x51: {  	v24 =	vld [tilespmem:s5+$0x17400];
	v17 =	vmul.f32 v17, v13;
	v18 =	vadd.f32 v18, v11;
	v23 =	vmul.f32 v20, v22  }
0x52: {  	v19 =	vmul.f32 v19, v9;
	v16 =	vmul.f32 v16, v16  }
0x53: {  	v17 =	vadd.f32 v17, v12;
	v18 =	vmul.f32 v18, v18;
	v23 =	vmul.f32 v20, v23  }
0x54: {  	v19 =	vadd.f32 v19, v8  }
0x55: {  	v17 =	vmul.f32 v17, v17;
	v16 =	vadd.f32 v18, v16;
	v18 =	vsub.f32 $1.500000000e+00, v23  }
0x56: {  	v24 =	vmul.f32 v24, v9  }
0x57: {  	v23 =	vmul.f32 v19, v14;
	v16 =	vadd.f32 v16, v17;
	v17 =	vmul.f32 v20, v18  }
0x58: {  	v18 =	vmul.f32 v19, v13;
	v19 =	vmul.f32 v19, v15  }
0x59: {  	s6 =	simm.s32 $0x40;
	v20 =	vshra.s32 v16, $0x1;
	v25 =	vmul.f32 $5.000000000e-01, v16;
	v26 =	vmul.f32 v17, v22  }
0x5a: {  	v27 =	vld [tilespmem:s6+$0x17400];
	v23 =	vadd.f32 v23, v11;
	v20 =	vsub.s32 $0x5F3759DF, v20;
	v19 =	vadd.f32 v19, v10  }
0x5b: {  	v28 =	vmul.f32 v20, v25;
	v26 =	vmul.f32 v26, v17  }
0x5c: {  	v18 =	vadd.f32 v18, v12;
	v23 =	vmul.f32 v23, v23;
	v19 =	vmul.f32 v19, v19  }
0x5d: {  	v28 =	vmul.f32 v20, v28;
	v26 =	vsub.f32 $1.500000000e+00, v26  }
0x5e: {  	v24 =	vadd.f32 v24, v8;
	v18 =	vmul.f32 v18, v18;
	v19 =	vadd.f32 v23, v19  }
0x5f: {  	v23 =	vmul.f32 v27, v9;
	v27 =	vsub.f32 $1.500000000e+00, v28;
	v26 =	vmul.f32 v26, v17  }
0x60: {  	v29 =	vmul.f32 v24, v13;
	v28 =	vmul.f32 v24, v14;
	v17 =	vadd.f32 v19, v18  }
0x61: {  	v23 =	vadd.f32 v23, v8;
	v19 =	vmul.f32 v20, v27;
	v20 =	vmul.f32 v26, v22  }
0x62: {  	s12 =	simm.s32 $0x50;
	v28 =	vadd.f32 v28, v11;
	v22 =	vmul.f32 v24, v15;
	v18 =	vmul.f32 $5.000000000e-01, v17  }
0x63: {  	v27 =	vld [tilespmem:s12+$0x17400];
	v24 =	vshra.s32 v17, $0x1;
	v31 =	vmul.f32 v19, v25;
	v20 =	vmul.f32 v20, v26  }
0x64: {  	v28 =	vmul.f32 v28, v28;
	v30 =	vsub.s32 $0x5F3759DF, v24;
	v22 =	vadd.f32 v22, v10  }
0x65: {  	v32 =	vmul.f32 v30, v18;
	v31 =	vmul.f32 v31, v19;
	v20 =	vsub.f32 $1.500000000e+00, v20  }
0x66: {  	v29 =	vadd.f32 v29, v12;
	v24 =	vmul.f32 v23, v14;
	v22 =	vmul.f32 v22, v22  }
0x67: {  	v32 =	vmul.f32 v30, v32;
	v31 =	vsub.f32 $1.500000000e+00, v31;
	v26 =	vmul.f32 v20, v26  }
0x68: {  	v27 =	vmul.f32 v27, v9;
	v22 =	vadd.f32 v28, v22;
	v28 =	vmul.f32 v29, v29  }
0x69: {  	v29 =	vsub.f32 $1.500000000e+00, v32;
	v20 =	vmul.f32 v31, v19;
	v63 =	vmul.f32 v26, v21  }
0x6a: {  	v27 =	vadd.f32 v27, v8;
	v26 =	vmul.f32 v23, v13;
	v19 =	vadd.f32 v22, v28  }
0x6b: {  	s13 =	simm.s32 $0x180;
	v21 =	vmul.f32 v30, v29;
	v25 =	vmul.f32 v20, v25;
	v22 =	vadd.f32 $-1.000000000e+00, v63  }
.LBB2_7:
0x6c: {  	s30 =	sshra.s32 s13, $0x2;
	p0 =	sne.s32 s13, $0xFC0;
	s13 =	sadd.s32 $0x40, s13;
	v28 =	vmul.f32 v23, v15;
	v29 =	vshra.s32 v19, $0x1;
	v30 =	vmul.f32 $5.000000000e-01, v19;
	v23 =	vmovc v27  }
0x6d: {  	v27 =	vld [tilespmem:s30+$0x17400];
	v29 =	vsub.s32 $0x5F3759DF, v29;
	v31 =	vmul.f32 v21, v18;
	v25 =	vmul.f32 v25, v20;
	[tilespmem:s0+$0x17880] =	vst v22;
	s0 =	smov.u32 s1;
	s1 =	smov.u32 s4;
	s4 =	smov.u32 s5  }
0x6e: {  	s5 =	smov.u32 s6;
	s6 =	smov.u32 s12;
	s12 =	smov.u32 s30;
	v22 =	vadd.f32 v28, v10;
	v28 =	vadd.f32 v24, v11;
	v32 =	vmul.f32 v29, v30  }
0x6f: {  	v24 =	vmul.f32 v23, v14;
	v31 =	vmul.f32 v31, v21;
	v25 =	vsub.f32 $1.500000000e+00, v25  }
0x70: {  	v26 =	vadd.f32 v26, v12;
	v22 =	vmul.f32 v22, v22;
	v28 =	vmul.f32 v28, v28  }
.Ltmp2:
0x71: {  	v32 =	vmul.f32 v29, v32;
	v31 =	vsub.f32 $1.500000000e+00, v31;
	v25 =	vmul.f32 v25, v20;
	(pc) =	sbr.rel @p0 .LBB2_7-.Ltmp2, $4  }
0x72: {  	v27 =	vmul.f32 v27, v9;
	v22 =	vadd.f32 v28, v22;
	v28 =	vmul.f32 v26, v26  }
0x73: {  	v32 =	vsub.f32 $1.500000000e+00, v32;
	v20 =	vmul.f32 v31, v21;
	v31 =	vmul.f32 v25, v16;
	v16 =	vmovc v17;
	v17 =	vmovc v19  }
0x74: {  	v26 =	vmul.f32 v23, v13;
	v27 =	vadd.f32 v27, v8;
	v19 =	vadd.f32 v22, v28  }
0x75: {  	v21 =	vmul.f32 v29, v32;
	v25 =	vmul.f32 v20, v18;
	v22 =	vadd.f32 $-1.000000000e+00, v31;
	v18 =	vmovc v30  }
0x76: {  	v23 =	vmul.f32 v23, v15  }
0x77: {  	v28 =	vmul.f32 v27, v14;
	v29 =	vmul.f32 v27, v15  }
0x78: {  	v24 =	vadd.f32 v24, v11;
	v23 =	vadd.f32 v23, v10  }
0x79: {  	v27 =	vmul.f32 v27, v13;
	v29 =	vadd.f32 v29, v10;
	v28 =	vadd.f32 v28, v11  }
0x7a: {  	v26 =	vadd.f32 v26, v12;
	v24 =	vmul.f32 v24, v24;
	v23 =	vmul.f32 v23, v23  }
0x7b: {  	v27 =	vadd.f32 v27, v12;
	v29 =	vmul.f32 v29, v29;
	v28 =	vmul.f32 v28, v28  }
0x7c: {  	v23 =	vadd.f32 v24, v23;
	v24 =	vmul.f32 v26, v26  }
0x7d: {  	v27 =	vmul.f32 v27, v27;
	v26 =	vadd.f32 v28, v29  }
0x7e: {  	v28 =	vshra.s32 v19, $0x1;
	v29 =	vmul.f32 $5.000000000e-01, v19;
	v23 =	vadd.f32 v23, v24  }
0x7f: {  	v24 =	vsub.s32 $0x5F3759DF, v28;
	v26 =	vadd.f32 v26, v27  }
0x80: {  	v27 =	vmul.f32 v24, v29;
	v28 =	vshra.s32 v23, $0x1;
	v30 =	vmul.f32 $5.000000000e-01, v23  }
0x81: {  	v31 =	vshra.s32 v26, $0x1;
	v32 =	vmul.f32 $5.000000000e-01, v26;
	v28 =	vsub.s32 $0x5F3759DF, v28  }
0x82: {  	v31 =	vsub.s32 $0x5F3759DF, v31;
	v33 =	vmul.f32 v28, v30  }
0x83: {  	v27 =	vmul.f32 v24, v27;
	v34 =	vmul.f32 v31, v32  }
0x84: {  	v33 =	vmul.f32 v28, v33  }
0x85: {  	v27 =	vsub.f32 $1.500000000e+00, v27;
	v34 =	vmul.f32 v31, v34  }
0x86: {  	v33 =	vsub.f32 $1.500000000e+00, v33  }
0x87: {  	v24 =	vmul.f32 v24, v27;
	v27 =	vsub.f32 $1.500000000e+00, v34  }
0x88: {  	v52 =	vmul.f32 v21, v18;
	v28 =	vmul.f32 v28, v33  }
0x89: {  	v53 =	vmul.f32 v24, v29;
	v27 =	vmul.f32 v31, v27  }
0x8a: {  	v31 =	vmul.f32 v52, v21;
	v54 =	vmul.f32 v28, v30  }
0x8b: {  	v33 =	vmul.f32 v53, v24;
	v35 =	vmul.f32 v27, v32  }
0x8c: {  	v31 =	vsub.f32 $1.500000000e+00, v31;
	v34 =	vmul.f32 v54, v28  }
0x8d: {  	v33 =	vsub.f32 $1.500000000e+00, v33;
	v35 =	vmul.f32 v35, v27  }
0x8e: {  	v21 =	vmul.f32 v31, v21;
	v31 =	vsub.f32 $1.500000000e+00, v34  }
0x8f: {  	v25 =	vmul.f32 v25, v20;
	v24 =	vmul.f32 v33, v24;
	v55 =	vsub.f32 $1.500000000e+00, v35  }
0x90: {  	v18 =	vmul.f32 v21, v18;
	v28 =	vmul.f32 v31, v28  }
0x91: {  	v29 =	vmul.f32 v24, v29;
	v27 =	vmul.f32 v55, v27  }
0x92: {  	v18 =	vmul.f32 v18, v21;
	v30 =	vmul.f32 v28, v30  }
0x93: {  	v25 =	vsub.f32 $1.500000000e+00, v25;
	v29 =	vmul.f32 v29, v24;
	v31 =	vmul.f32 v27, v32  }
0x94: {  	v18 =	vsub.f32 $1.500000000e+00, v18;
	v30 =	vmul.f32 v30, v28  }
0x95: {  	v20 =	vmul.f32 v25, v20;
	v25 =	vsub.f32 $1.500000000e+00, v29;
	v29 =	vmul.f32 v31, v27  }
0x96: {  	v18 =	vmul.f32 v18, v21;
	v21 =	vsub.f32 $1.500000000e+00, v30  }
0x97: {  	v16 =	vmul.f32 v20, v16;
	v20 =	vmul.f32 v25, v24;
	v24 =	vsub.f32 $1.500000000e+00, v29  }
0x98: {  	v17 =	vmul.f32 v18, v17;
	v18 =	vmul.f32 v21, v28  }
0x99: {  	v16 =	vadd.f32 $-1.000000000e+00, v16;
	v19 =	vmul.f32 v20, v19;
	v20 =	vmul.f32 v24, v27  }
0x9a: {  	[tilespmem:s0+$0x17880] =	vst v22;
	v17 =	vadd.f32 $-1.000000000e+00, v17;
	v18 =	vmul.f32 v18, v23  }
0x9b: {  	[tilespmem:s1+$0x17880] =	vst v16;
	v16 =	vadd.f32 $-1.000000000e+00, v19;
	v19 =	vmul.f32 v20, v26  }
0x9c: {  	[tilespmem:s4+$0x17880] =	vst v17;
	v17 =	vadd.f32 $-1.000000000e+00, v18  }
0x9d: {  	[tilespmem:s5+$0x17880] =	vst v16;
	v16 =	vadd.f32 $-1.000000000e+00, v19  }
0x9e: {  	[tilespmem:s6+$0x17880] =	vst v17  }
0x9f: {  	[tilespmem:s12+$0x17880] =	vst v16;
	v16 =	vimm.f32 $0.0e+00  }
0xa0: {  	s0 =	simm.s32 $0x0;
	[tilespmem:$0x16300] =	vst v16  }
0xa1: {  	v17 =	vld [tilespmem:s0+$0x17400]  }
0xa2: {  	v18 =	vld [tilespmem:s0+$0x17410];
	_ =	sdelay $0x4  }
0xa3: {  	v17 =	vsub.f32 v18, v17;
	_ =	sdelay $0x1  }
0xa4: {  	v17 =	vmul.f32 v17, v9;
	_ =	sdelay $0x1  }
0xa5: {  	v18 =	vadd.f32 $9.999999740e-06, v17  }
0xa6: {  	s1 =	simm.s32 $0x10  }
0xa7: {  	v19 =	vld [tilespmem:s1+$0x17400];
	(erf) = vrcp.f32 v18  }
0xa8: {  	v18 =	vld [tilespmem:s1+$0x17410]  }
0xa9: {  	v20 =	vld [tilespmem:s0+$0x17890]  }
0xaa: {  	v21 =	vld [tilespmem:s0+$0x17880];
	_ =	sdelay $0x2  }
0xab: {  	v18 =	vsub.f32 v18, v19;
	_ =	sdelay $0x1  }
0xac: {  	v19 =	vsub.f32 v20, v21;
	v18 =	vmul.f32 v18, v9  }
0xad: {  	v22 =	vpop (erf)  }
0xae: {  	s4 =	simm.s32 $0x20;
	v23 =	vadd.f32 $9.999999740e-06, v18;
	v19 =	vmul.f32 v22, v19  }
0xaf: {  	v22 =	vld [tilespmem:s4+$0x17400]  }
0xb0: {  	(erf) = vrcp.f32 v23;
	v23 =	vld [tilespmem:s4+$0x17410];
	v24 =	vmin.f32 v16, v19  }
0xb1: {  	v24 =	vmax.f32 v24, $-1.000000000e+03  }
0xb2: {  	v24 =	vmin.f32 v24, $0.0e+00  }
0xb3: {  	v17 =	vmul.f32 v24, v17  }
0xb4: {  	v25 =	vld [tilespmem:s1+$0x17890];
	v20 =	vadd.f32 v20, v21  }
0xb5: {  	v26 =	vld [tilespmem:s1+$0x17880];
	v21 =	vsub.f32 v23, v22;
	v17 =	vmul.f32 $5.000000000e-01, v17  }
0xb6: {  	v20 =	vmul.f32 $5.000000000e-01, v20  }
0xb7: {  	v21 =	vmul.f32 v21, v9;
	v22 =	vsub.f32 $0.0e+00, v17  }
0xb8: {  	v17 =	vsub.f32 v17, v20  }
0xb9: {  	v24 =	vadd.f32 $9.999999740e-06, v21  }
0xba: {  	v23 =	vsub.f32 v25, v26;
	v17 =	vmul.f32 $6.400000000e+01, v17  }
0xbb: {  	v27 =	vld [tilespmem:s4+$0x17890];
	v20 =	vsub.f32 v22, v20;
	(erf) = vrcp.f32 v24;
	v22 =	vpop (erf)  }
0xbc: {  	s12 =	simm.s32 $0x30;
	v28 =	vld [tilespmem:s4+$0x17880];
	v17 =	vmin.f32 v17, $4.000000000e+01;
	v22 =	vmul.f32 v22, v23  }
0xbd: {  	v24 =	vld [tilespmem:s12+$0x17410];
	v20 =	vmul.f32 $6.400000000e+01, v20;
	v17 =	vmul.f32 $1.442695020e+00, v17  }
0xbe: {  	v23 =	vld [tilespmem:s12+$0x17400];
	v19 =	vmin.f32 v19, v22  }
0xbf: {  	v20 =	vmin.f32 v20, $4.000000000e+01;
	(erf) = vpow2.f32 v17;
	v19 =	vmax.f32 v19, $-1.000000000e+03  }
0xc0: {  	v20 =	vmul.f32 $1.442695020e+00, v20;
	v19 =	vmin.f32 v19, $0.0e+00  }
0xc1: {  	v18 =	vmul.f32 v19, v18  }
0xc2: {  	v17 =	vadd.f32 v25, v26;
	(erf) = vpow2.f32 v20  }
0xc3: {  	v19 =	vsub.f32 v24, v23;
	v23 =	vsub.f32 v27, v28;
	v18 =	vmul.f32 $5.000000000e-01, v18  }
0xc4: {  	v17 =	vmul.f32 $5.000000000e-01, v17;
	v24 =	vpop (erf)  }
0xc5: {  	v23 =	vmul.f32 v24, v23;
	v20 =	vsub.f32 $0.0e+00, v18  }
0xc6: {  	v19 =	vmul.f32 v19, v9;
	v18 =	vsub.f32 v18, v17  }
0xc7: {  	v22 =	vmin.f32 v22, v23;
	v17 =	vsub.f32 v20, v17  }
0xc8: {  	v20 =	vadd.f32 $9.999999740e-06, v19;
	v18 =	vmul.f32 $6.400000000e+01, v18;
	v25 =	vpop (erf);
	v22 =	vmax.f32 v22, $-1.000000000e+03  }
0xc9: {  	v22 =	vmin.f32 v22, $0.0e+00;
	v31 =	vadd.f32 $1.000000000e+00, v25;
	v17 =	vmul.f32 $6.400000000e+01, v17  }
0xca: {  	s13 =	simm.s32 $0x40;
	v30 =	vld [tilespmem:s12+$0x17880];
	(erf) = vrcp.f32 v20;
	v18 =	vmin.f32 v18, $4.000000000e+01;
	v21 =	vmul.f32 v22, v21  }
0xcb: {  	v26 =	vld [tilespmem:s13+$0x17410];
	v29 =	vpop (erf);
	v22 =	vadd.f32 v27, v28;
	v18 =	vmul.f32 $1.442695020e+00, v18;
	v17 =	vmin.f32 v17, $4.000000000e+01  }
0xcc: {  	v20 =	vld [tilespmem:s13+$0x17400];
	v56 =	vadd.f32 $1.000000000e+00, v29;
	v21 =	vmul.f32 $5.000000000e-01, v21;
	v17 =	vmul.f32 $1.442695020e+00, v17  }
0xcd: {  	v24 =	vld [tilespmem:s12+$0x17890];
	v22 =	vmul.f32 $5.000000000e-01, v22;
	(erf) = vpow2.f32 v18  }
0xce: {  	v18 =	vmul.f32 v56, v31;
	(erf) = vpow2.f32 v17;
	_ =	sdelay $0x1  }
0xcf: {  	v28 =	vsub.f32 v21, v22;
	v27 =	vmul.f32 $9.999999740e-06, v18  }
0xd0: {  	v17 =	vsub.f32 v26, v20;
	v18 =	vsub.f32 $0.0e+00, v21  }
0xd1: {  	v26 =	vsub.f32 v24, v30;
	v31 =	vadd.f32 v27, v56  }
0xd2: {  	v20 =	vmul.f32 v17, v9;
	v18 =	vsub.f32 v18, v22;
	v22 =	vmul.f32 $6.400000000e+01, v28;
	v21 =	vpop (erf)  }
0xd3: {  	s5 =	simm.s32 $0x50;
	v57 =	vld [tilespmem:s13+$0x17890];
	v25 =	vsub.f32 v29, v25;
	(erf) = vrcp.f32 v31;
	v21 =	vmul.f32 v21, v26  }
0xd4: {  	v58 =	vld [tilespmem:s5+$0x17410];
	v18 =	vmul.f32 $6.400000000e+01, v18;
	v22 =	vmin.f32 v22, $4.000000000e+01;
	v26 =	vadd.f32 $9.999999740e-06, v20  }
0xd5: {  	v24 =	vadd.f32 v24, v30;
	v30 =	vld [tilespmem:s5+$0x17400];
	v22 =	vmul.f32 $1.442695020e+00, v22;
	v23 =	vmin.f32 v23, v21;
	v31 =	vpop (erf)  }
0xd6: {  	v28 =	vld [tilespmem:s13+$0x17880];
	v18 =	vmin.f32 v18, $4.000000000e+01;
	(erf) = vrcp.f32 v26;
	v23 =	vmax.f32 v23, $-1.000000000e+03;
	v29 =	vpop (erf)  }
0xd7: {  	v60 =	vadd.f32 $1.000000000e+00, v31;
	v23 =	vmin.f32 v23, $0.0e+00;
	v36 =	vadd.f32 $1.000000000e+00, v29  }
0xd8: {  	v59 =	vmul.f32 $1.442695020e+00, v18;
	v19 =	vmul.f32 v23, v19  }
0xd9: {  	(erf) = vpow2.f32 v22;
	v18 =	vsub.f32 v29, v31;
	v29 =	vmul.f32 v36, v60  }
0xda: {  	v24 =	vmul.f32 $5.000000000e-01, v24;
	v25 =	vadd.f32 v27, v25;
	v26 =	vld [tilespmem:s5+$0x17880];
	v19 =	vmul.f32 $5.000000000e-01, v19  }
0xdb: {  	v27 =	vsub.f32 v58, v30;
	v22 =	vadd.f32 v57, v28;
	(erf) = vpow2.f32 v59;
	v23 =	vld [tilespmem:s5+$0x17890]  }
0xdc: {  	v31 =	vsub.f32 v57, v28;
	v30 =	vsub.f32 $0.0e+00, v19  }
0xdd: {  	v28 =	vmul.f32 v27, v9;
	v61 =	vsub.f32 v19, v24;
	v19 =	vmul.f32 $9.999999740e-06, v29;
	v29 =	vpop (erf)  }
0xde: {  	v17 =	vimm.f32 $1.000000000e+00;
	v62 =	vsub.f32 v30, v24;
	v24 =	vmul.f32 v29, v25  }
0xdf: {  	v32 =	vmul.f32 $6.400000000e+01, v61;
	v63 =	vadd.f32 v19, v36;
	v30 =	vadd.f32 $9.999999740e-06, v28;
	v27 =	vpop (erf)  }
0xe0: {  	v25 =	vadd.f32 v23, v26;
	v29 =	vmul.f32 v27, v31;
	v27 =	vmul.f32 v24, v17  }
0xe1: {  	s6 =	simm.s32 $0x180;
	v31 =	vmin.f32 v32, $4.000000000e+01;
	v32 =	vmul.f32 $6.400000000e+01, v62;
	(erf) = vrcp.f32 v63  }
.LBB2_9:
0xe2: {  	s30 =	sshra.s32 s6, $0x2;
	p0 =	sne.s32 s6, $0xF80;
	s6 =	sadd.s32 $0x40, s6;
	v35 =	vmin.f32 v21, v29;
	v33 =	vpop (erf);
	v16 =	vadd.f32 v27, v16;
	v24 =	vsub.f32 $1.000000120e+00, v24  }
0xe3: {  	v21 =	vmovc v29;
	v27 =	vld [tilespmem:s30+$0x17400];
	(erf) = vrcp.f32 v30;
	v30 =	vmax.f32 v35, $-1.000000000e+03;
	v32 =	vmin.f32 v32, $4.000000000e+01  }
0xe4: {  	v31 =	vmul.f32 $1.442695020e+00, v31;
	v29 =	vld [tilespmem:s30+$0x17410];
	v30 =	vmin.f32 v30, $0.0e+00;
	v34 =	vpop (erf);
	v16 =	vadd.f32 $9.999999740e-06, v16  }
0xe5: {  	v35 =	vadd.f32 $1.000000000e+00, v33;
	v32 =	vmul.f32 $1.442695020e+00, v32;
	v30 =	vmul.f32 v30, v20;
	v20 =	vmovc v28  }
0xe6: {  	v17 =	vmul.f32 v24, v17;
	v36 =	vld [tilespmem:s30+$0x17890];
	(erf) = vpow2.f32 v31;
	v31 =	vadd.f32 $1.000000000e+00, v34;
	[tilespmem:s0+$0x16310] =	vst v16;
	s0 =	smov.u32 s1;
	s1 =	smov.u32 s4;
	s4 =	smov.u32 s12  }
0xe7: {  	v24 =	vmul.f32 $5.000000000e-01, v22;
	v22 =	vmovc v25;
	s12 =	smov.u32 s13;
	s13 =	smov.u32 s5;
	s5 =	smov.u32 s30;
	v37 =	vld [tilespmem:s30+$0x17880];
	v28 =	vmul.f32 $5.000000000e-01, v30;
	v30 =	vsub.f32 v34, v33  }
0xe8: {  	(erf) = vpow2.f32 v32;
	v25 =	vmul.f32 v31, v35;
	v32 =	vadd.f32 v19, v18  }
0xe9: {  	v34 =	vsub.f32 v29, v27;
	v29 =	vsub.f32 $0.0e+00, v28;
	v18 =	vmov v30  }
.Ltmp3:
0xea: {  	v35 =	vsub.f32 v23, v26;
	v30 =	vsub.f32 v28, v24;
	v19 =	vmul.f32 $9.999999740e-06, v25;
	v23 =	vpop (erf);
	(pc) =	sbr.rel @p0 .LBB2_9-.Ltmp3, $4  }
0xeb: {  	v28 =	vmul.f32 v34, v9;
	v33 =	vsub.f32 v29, v24;
	v24 =	vmul.f32 v23, v32;
	v23 =	vmovc v36  }
0xec: {  	v32 =	vmul.f32 $6.400000000e+01, v30;
	v25 =	vadd.f32 v23, v37;
	v27 =	vpop (erf);
	v34 =	vadd.f32 v19, v31  }
0xed: {  	v26 =	vmovc v37;
	v30 =	vadd.f32 $9.999999740e-06, v28;
	v29 =	vmul.f32 v27, v35;
	v27 =	vmul.f32 v24, v17  }
0xee: {  	v31 =	vmin.f32 v32, $4.000000000e+01;
	v32 =	vmul.f32 $6.400000000e+01, v33;
	(erf) = vrcp.f32 v34  }
0xef: {  	(erf) = vrcp.f32 v30;
	_ =	sdelay $0x3  }
0xf0: {  	v21 =	vmin.f32 v21, v29  }
0xf1: {  	v31 =	vmul.f32 $1.442695020e+00, v31;
	v30 =	vmin.f32 v32, $4.000000000e+01;
	v21 =	vmax.f32 v21, $-1.000000000e+03  }
0xf2: {  	v42 =	vpop (erf);
	v30 =	vmul.f32 $1.442695020e+00, v30;
	v21 =	vmin.f32 v21, $0.0e+00  }
0xf3: {  	v33 =	vpop (erf);
	(erf) = vpow2.f32 v31  }
0xf4: {  	v23 =	vsub.f32 v23, v26;
	(erf) = vpow2.f32 v30;
	v26 =	vpop (erf)  }
0xf5: {  	v20 =	vmul.f32 v21, v20;
	v21 =	vpop (erf)  }
0xf6: {  	v21 =	vmul.f32 v21, v23  }
0xf7: {  	v30 =	vadd.f32 $1.000000000e+00, v33;
	v23 =	vadd.f32 $1.000000000e+00, v42  }
0xf8: {  	v20 =	vmul.f32 $5.000000000e-01, v20;
	v21 =	vmin.f32 v29, v21  }
0xf9: {  	v22 =	vmul.f32 $5.000000000e-01, v22;
	v23 =	vmul.f32 v30, v23;
	v21 =	vmax.f32 v21, $-1.000000000e+03  }
0xfa: {  	v29 =	vsub.f32 $0.0e+00, v20;
	v21 =	vmin.f32 v21, $0.0e+00  }
0xfb: {  	v20 =	vsub.f32 v20, v22;
	v23 =	vmul.f32 $9.999999740e-06, v23;
	v21 =	vmul.f32 v21, v28  }
0xfc: {  	v25 =	vmul.f32 $5.000000000e-01, v25;
	v22 =	vsub.f32 v29, v22;
	v28 =	vpop (erf)  }
0xfd: {  	v20 =	vmul.f32 $6.400000000e+01, v20;
	v29 =	vadd.f32 v23, v30;
	v30 =	vpop (erf);
	v21 =	vmul.f32 $5.000000000e-01, v21  }
0xfe: {  	v22 =	vmul.f32 $6.400000000e+01, v22;
	v31 =	vadd.f32 $1.000000000e+00, v28;
	v34 =	vadd.f32 $1.000000000e+00, v30  }
0xff: {  	v20 =	vmin.f32 v20, $4.000000000e+01;
	(erf) = vrcp.f32 v29;
	v29 =	vsub.f32 $0.0e+00, v21  }
0x100: {  	v22 =	vmin.f32 v22, $4.000000000e+01;
	v31 =	vmul.f32 v34, v31;
	v21 =	vsub.f32 v21, v25  }
0x101: {  	v20 =	vmul.f32 $1.442695020e+00, v20;
	v22 =	vmul.f32 $1.442695020e+00, v22;
	v25 =	vsub.f32 v29, v25  }
0x102: {  	v29 =	vmul.f32 $9.999999740e-06, v31;
	v21 =	vmul.f32 $6.400000000e+01, v21  }
0x103: {  	(erf) = vpow2.f32 v20;
	v20 =	vmul.f32 $6.400000000e+01, v25  }
0x104: {  	(erf) = vpow2.f32 v22;
	v22 =	vadd.f32 v29, v34;
	v21 =	vmin.f32 v21, $4.000000000e+01  }
0x105: {  	v21 =	vmul.f32 $1.442695020e+00, v21;
	v20 =	vmin.f32 v20, $4.000000000e+01  }
0x106: {  	(erf) = vrcp.f32 v22;
	v20 =	vmul.f32 $1.442695020e+00, v20  }
0x107: {  	(erf) = vpow2.f32 v21  }
0x108: {  	(erf) = vpow2.f32 v20;
	_ =	sdelay $0x2  }
0x109: {  	v20 =	vpop (erf)  }
0x10a: {  	v21 =	vpop (erf)  }
0x10b: {  	v24 =	vsub.f32 $1.000000120e+00, v24;
	v22 =	vpop (erf)  }
0x10c: {  	v25 =	vadd.f32 $1.000000000e+00, v21;
	v31 =	vadd.f32 $1.000000000e+00, v22  }
0x10d: {  	v18 =	vadd.f32 v19, v18;
	v19 =	vpop (erf)  }
0x10e: {  	v25 =	vmul.f32 v31, v25;
	v43 =	vpop (erf)  }
0x10f: {  	v16 =	vadd.f32 v27, v16;
	v17 =	vmul.f32 v24, v17;
	v18 =	vmul.f32 v26, v18;
	v24 =	vpop (erf)  }
0x110: {  	v26 =	vadd.f32 $1.000000000e+00, v43;
	v25 =	vmul.f32 $9.999999740e-06, v25;
	v27 =	vadd.f32 $1.000000000e+00, v24  }
0x111: {  	v32 =	vsub.f32 v33, v42  }
0x112: {  	v31 =	vadd.f32 v25, v31;
	v26 =	vmul.f32 v27, v26  }
0x113: {  	v44 =	vmul.f32 v18, v17;
	v18 =	vsub.f32 $1.000000120e+00, v18;
	v23 =	vadd.f32 v23, v32  }
0x114: {  	v16 =	vadd.f32 $9.999999740e-06, v16;
	(erf) = vrcp.f32 v31;
	v26 =	vmul.f32 $9.999999740e-06, v26  }
0x115: {  	v17 =	vmul.f32 v18, v17;
	v18 =	vsub.f32 v30, v28;
	v20 =	vmul.f32 v20, v23  }
0x116: {  	v45 =	vadd.f32 v44, v16;
	v27 =	vadd.f32 v26, v27  }
0x117: {  	v18 =	vadd.f32 v29, v18;
	v28 =	vmul.f32 v20, v17;
	v20 =	vsub.f32 $1.000000120e+00, v20  }
0x118: {  	v23 =	vadd.f32 $9.999999740e-06, v45;
	(erf) = vrcp.f32 v27  }
0x119: {  	v17 =	vmul.f32 v20, v17;
	v18 =	vmul.f32 v19, v18  }
0x11a: {  	v19 =	vsub.f32 v22, v21;
	v27 =	vadd.f32 v28, v23  }
0x11b: {  	v21 =	vmul.f32 v18, v17;
	v18 =	vsub.f32 $1.000000120e+00, v18  }
0x11c: {  	v19 =	vadd.f32 v25, v19;
	v20 =	vadd.f32 $9.999999740e-06, v27  }
0x11d: {  	v17 =	vmul.f32 v18, v17;
	v18 =	vsub.f32 v24, v43;
	v22 =	vpop (erf)  }
0x11e: {  	v21 =	vadd.f32 v21, v20;
	v19 =	vmul.f32 v22, v19  }
0x11f: {  	v18 =	vadd.f32 v26, v18  }
0x120: {  	v21 =	vadd.f32 $9.999999740e-06, v21;
	v22 =	vmul.f32 v19, v17;
	v19 =	vsub.f32 $1.000000120e+00, v19  }
0x121: {  	v24 =	vpop (erf)  }
0x122: {  	v22 =	vadd.f32 v22, v21;
	v17 =	vmul.f32 v19, v17;
	v18 =	vmul.f32 v24, v18;
	_ =	sdelay $0x1  }
0x123: {  	v19 =	vadd.f32 $9.999999740e-06, v22;
	v17 =	vmul.f32 v18, v17;
	_ =	sdelay $0x1  }
0x124: {  	[tilespmem:s0+$0x16310] =	vst v16;
	v16 =	vadd.f32 v17, v19  }
0x125: {  	[tilespmem:s1+$0x16310] =	vst v23  }
0x126: {  	[tilespmem:s4+$0x16310] =	vst v20;
	v17 =	vadd.f32 $9.999999740e-06, v16  }
0x127: {  	s0 =	simm.s32 $0x0;
	[tilespmem:s12+$0x16310] =	vst v21  }
0x128: {  	s4 =	scvt.s32.f32 s0;
	[tilespmem:s13+$0x16310] =	vst v19;
	v16 =	vadd.f32 $9.999999740e-06, v17  }
0x129: {  	[tilespmem:s5+$0x16310] =	vst v17  }
0x12a: {  	s1 =	smul.f32 $5.882352960e-02, s4;
	[tilespmem:$0x16700] =	vst v16  }
0x12b: {  	v18 =	vld.idx.msk [tilespmem:v5+s14+$0x0], $0xffff  }
0x12c: {  	s1 =	sadd.f32 $2.941176480e-02, s1;
	_ =	sdelay $0x1  }
0x12d: {  	v17 =	vmul.f32 s1, v16;
	_ =	sdelay $0x1  }
0x12e: {  	vm0 =	vle.f32 v18, v17  }
0x12f: {  	v18 =	vsel vm0, $0x40, v2  }
0x130: {  	v19 =	vor.u32 $0x20, v18  }
0x131: {  	v19 =	vmin.u32 v19, $0x40  }
0x132: {  	v20 =	vshll.u32 v19, $0x4  }
0x133: {  	v20 =	vor.u32 v0, v20;
	_ =	sdelay $0x3  }
0x134: {  	s5 =	simm.s32 $0x1  }
0x135: {  	s6 =	scvt.s32.f32 s5;
	v20 =	vld.idx.msk [tilespmem:v20+s14+$0x0], $0xffff;
	_ =	sdelay $0x1  }
0x136: {  	s1 =	smul.f32 $5.882352960e-02, s6  }
0x137: {  	v21 =	vld.idx.msk [tilespmem:v5+s14+$0x0], $0xffff  }
0x138: {  	s1 =	sadd.f32 $2.941176480e-02, s1  }
0x139: {  	vm9 =	vle.f32 v20, v17  }
0x13a: {  	v19 =	vsel vm9, v19, v18;
	v18 =	vmul.f32 s1, v16  }
0x13b: {  	v20 =	vor.u32 $0x10, v19  }
0x13c: {  	v20 =	vmin.u32 v20, $0x40;
	vm10 =	vle.f32 v21, v18  }
0x13d: {  	v22 =	vshll.u32 v20, $0x4;
	v24 =	vsel vm10, $0x40, v2  }
0x13e: {  	v21 =	vor.u32 v0, v22;
	v23 =	vor.u32 $0x20, v24  }
0x13f: {  	v21 =	vand.u32 $0x7F, v21;
	v25 =	vmin.u32 v23, $0x40  }
0x140: {  	v21 =	vadd.s32 v22, v21;
	v22 =	vshll.u32 v25, $0x4  }
0x141: {  	v22 =	vor.u32 v0, v22  }
0x142: {  	s12 =	simm.s32 $0x2  }
0x143: {  	s7 =	scvt.s32.f32 s12  }
0x144: {  	v26 =	vld.idx.msk [tilespmem:v5+s14+$0x0], $0xffff  }
0x145: {  	s1 =	smul.f32 $5.882352960e-02, s7;
	v21 =	vld.idx.msk [tilespmem:v21+s14+$0x0], $0xffff  }
0x146: {  	v22 =	vld.idx.msk [tilespmem:v22+s14+$0x0], $0xffff  }
0x147: {  	s1 =	sadd.f32 $2.941176480e-02, s1;
	_ =	sdelay $0x1  }
0x148: {  	v23 =	vmul.f32 s1, v16  }
0x149: {  	vm11 =	vle.f32 v21, v17  }
0x14a: {  	vm13 =	vle.f32 v26, v23;
	v19 =	vsel vm11, v20, v19;
	vm12 =	vle.f32 v22, v18  }
0x14b: {  	v20 =	vmin.u32 v19, $0x38;
	v21 =	vsel vm12, v25, v24;
	v25 =	vsel vm13, $0x40, v2  }
0x14c: {  	v20 =	vadd.s32 $0x8, v20;
	v22 =	vor.u32 $0x10, v21;
	v26 =	vor.u32 $0x20, v25  }
0x14d: {  	v24 =	vshll.u32 v20, $0x4;
	v22 =	vmin.u32 v22, $0x40;
	v26 =	vmin.u32 v26, $0x40  }
0x14e: {  	v24 =	vor.u32 v0, v24;
	v27 =	vshll.u32 v22, $0x4;
	v29 =	vshll.u32 v26, $0x4  }
0x14f: {  	v28 =	vor.u32 v0, v27;
	v29 =	vor.u32 v0, v29  }
0x150: {  	v28 =	vand.u32 $0x7F, v28  }
0x151: {  	s4 =	simm.s32 $0x3;
	v27 =	vadd.s32 v27, v28  }
0x152: {  	s13 =	scvt.s32.f32 s4  }
0x153: {  	v24 =	vld.idx.msk [tilespmem:v24+s14+$0x0], $0xffff  }
0x154: {  	s1 =	smul.f32 $5.882352960e-02, s13;
	v28 =	vld.idx.msk [tilespmem:v29+s14+$0x0], $0xffff  }
0x155: {  	v29 =	vld.idx.msk [tilespmem:v5+s14+$0x0], $0xffff  }
0x156: {  	s1 =	sadd.f32 $2.941176480e-02, s1;
	v27 =	vld.idx.msk [tilespmem:v27+s14+$0x0], $0xffff;
	_ =	sdelay $0x1  }
0x157: {  	vm14 =	vle.f32 v24, v17;
	v24 =	vmul.f32 s1, v16  }
0x158: {  	v19 =	vsel vm14, v20, v19;
	vm15 =	vle.f32 v28, v23  }
0x159: {  	v20 =	vmin.u32 v19, $0x3C;
	vm4 =	vle.f32 v29, v24;
	v25 =	vsel vm15, v26, v25  }
0x15a: {  	v20 =	vadd.s32 $0x4, v20;
	vm1 =	vle.f32 v27, v18;
	v26 =	vsel vm4, $0x40, v2  }
0x15b: {  	v28 =	vshll.u32 v20, $0x4;
	v21 =	vsel vm1, v22, v21;
	v29 =	vor.u32 $0x20, v26  }
0x15c: {  	v22 =	vor.u32 v0, v28;
	v27 =	vmin.u32 v21, $0x38;
	v29 =	vmin.u32 v29, $0x40  }
0x15d: {  	v28 =	vor.u32 $0x10, v25;
	v27 =	vadd.s32 $0x8, v27;
	v46 =	vshll.u32 v29, $0x4  }
0x15e: {  	v28 =	vmin.u32 v28, $0x40;
	v30 =	vshll.u32 v27, $0x4;
	v32 =	vor.u32 v0, v46  }
0x15f: {  	v31 =	vshll.u32 v28, $0x4;
	v30 =	vor.u32 v0, v30  }
0x160: {  	v47 =	vor.u32 v0, v31  }
0x161: {  	v33 =	vand.u32 $0x7F, v47;
	v22 =	vld.idx.msk [tilespmem:v22+s14+$0x0], $0xffff  }
0x162: {  	v31 =	vadd.s32 v31, v33  }
0x163: {  	v32 =	vld.idx.msk [tilespmem:v32+s14+$0x0], $0xffff  }
0x164: {  	s30 =	simm.s32 $0x4;
	v30 =	vld.idx.msk [tilespmem:v30+s14+$0x0], $0xffff  }
0x165: {  	s6 =	scvt.s32.f32 s30  }
0x166: {  	vm5 =	vle.f32 v22, v17  }
0x167: {  	s1 =	smul.f32 $5.882352960e-02, s6;
	v19 =	vsel vm5, v20, v19;
	v20 =	vld.idx.msk [tilespmem:v31+s14+$0x0], $0xffff  }
0x168: {  	v31 =	vld.idx.msk [tilespmem:v5+s14+$0x0], $0xffff;
	v22 =	vmin.u32 v19, $0x3E  }
0x169: {  	s1 =	sadd.f32 $2.941176480e-02, s1;
	vm7 =	vle.f32 v32, v24;
	v22 =	vadd.s32 $0x2, v22;
	vm6 =	vle.f32 v30, v18  }
0x16a: {  	v26 =	vsel vm7, v29, v26;
	v48 =	vshll.u32 v22, $0x4;
	v27 =	vsel vm6, v27, v21  }
0x16b: {  	v21 =	vmul.f32 s1, v16;
	v29 =	vor.u32 $0x10, v26;
	v30 =	vor.u32 v0, v48  }
0x16c: {  	v49 =	vmin.u32 v27, $0x3C;
	v29 =	vmin.u32 v29, $0x40;
	vm8 =	vle.f32 v20, v23  }
0x16d: {  	v20 =	vadd.s32 $0x4, v49;
	vm9 =	vle.f32 v31, v21;
	v35 =	vshll.u32 v29, $0x4  }
0x16e: {  	v25 =	vsel vm8, v28, v25;
	v28 =	vshll.u32 v20, $0x4;
	v31 =	vsel vm9, $0x40, v2  }
0x16f: {  	v37 =	vor.u32 v0, v35;
	v50 =	vmin.u32 v25, $0x38;
	v51 =	vor.u32 $0x20, v31  }
0x170: {  	v28 =	vor.u32 v0, v28;
	v37 =	vand.u32 $0x7F, v37;
	v32 =	vadd.s32 $0x8, v50;
	v30 =	vld.idx.msk [tilespmem:v30+s14+$0x0], $0xffff  }
0x171: {  	v33 =	vmin.u32 v51, $0x40;
	v35 =	vadd.s32 v35, v37;
	v52 =	vshll.u32 v32, $0x4  }
0x172: {  	v36 =	vshll.u32 v33, $0x4;
	v34 =	vor.u32 v0, v52  }
0x173: {  	v36 =	vor.u32 v0, v36;
	_ =	sdelay $0x1  }
0x174: {  	v28 =	vld.idx.msk [tilespmem:v28+s14+$0x0], $0xffff;
	vm10 =	vle.f32 v30, v17  }
0x175: {  	v35 =	vld.idx.msk [tilespmem:v35+s14+$0x0], $0xffff;
	v19 =	vsel vm10, v22, v19  }
0x176: {  	s31 =	simm.s32 $0x5;
	v22 =	vld.idx.msk [tilespmem:v34+s14+$0x0], $0xffff;
	v30 =	vmin.u32 v19, $0x3F  }
0x177: {  	s7 =	scvt.s32.f32 s31;
	v53 =	vld.idx.msk [tilespmem:v36+s14+$0x0], $0xffff;
	v30 =	vadd.s32 $0x1, v30  }
0x178: {  	v54 =	vshll.u32 v30, $0x4  }
0x179: {  	s1 =	smul.f32 $5.882352960e-02, s7;
	vm11 =	vle.f32 v28, v18;
	v28 =	vor.u32 v0, v54  }
0x17a: {  	v55 =	vld.idx.msk [tilespmem:v5+s14+$0x0], $0xffff;
	v27 =	vsel vm11, v20, v27  }
0x17b: {  	s1 =	sadd.f32 $2.941176480e-02, s1;
	vm14 =	vle.f32 v35, v24;
	v20 =	vmin.u32 v27, $0x3E  }
0x17c: {  	v29 =	vsel vm14, v29, v26;
	vm12 =	vle.f32 v22, v23;
	vm13 =	vle.f32 v53, v21  }
0x17d: {  	v22 =	vadd.s32 $0x2, v20;
	v20 =	vmul.f32 s1, v16;
	v26 =	vmin.u32 v29, $0x38  }
0x17e: {  	v25 =	vsel vm12, v32, v25;
	v56 =	vshll.u32 v22, $0x4;
	v31 =	vsel vm13, v33, v31;
	v28 =	vld.idx.msk [tilespmem:v28+s14+$0x0], $0xffff  }
0x17f: {  	v60 =	vadd.s32 $0x8, v26;
	v32 =	vor.u32 v0, v56;
	vm15 =	vle.f32 v55, v20  }
0x180: {  	v33 =	vor.u32 $0x10, v31;
	v58 =	vmin.u32 v25, $0x3C;
	v57 =	vsel vm15, $0x40, v2  }
0x181: {  	v26 =	vshll.u32 v60, $0x4;
	v33 =	vmin.u32 v33, $0x40;
	v59 =	vor.u32 $0x20, v57  }
0x182: {  	v35 =	vadd.s32 $0x4, v58;
	v39 =	vor.u32 v0, v26;
	v36 =	vmin.u32 v59, $0x40  }
0x183: {  	v26 =	vshll.u32 v35, $0x4;
	v38 =	vshll.u32 v36, $0x4;
	vm4 =	vle.f32 v28, v17  }
0x184: {  	v40 =	vshll.u32 v33, $0x4;
	v61 =	vor.u32 v0, v38;
	v28 =	vld.idx.msk [tilespmem:v32+s14+$0x0], $0xffff;
	v19 =	vsel vm4, v30, v19  }
0x185: {  	v30 =	vor.u32 v0, v26;
	v62 =	vadd.s32 $0x1, v19;
	v19 =	vshll.u32 v19, $0x4  }
0x186: {  	v26 =	vshll.u32 v62, $0x4;
	v41 =	vor.u32 v0, v19;
	v19 =	vor.u32 v0, v40  }
0x187: {  	v26 =	vor.u32 v0, v26;
	v19 =	vand.u32 $0x7F, v19  }
0x188: {  	v39 =	vld.idx.msk [tilespmem:v39+s14+$0x0], $0xffff;
	v19 =	vadd.s32 v40, v19  }
0x189: {  	vm5 =	vle.f32 v28, v18;
	v28 =	vld.idx.msk [tilespmem:v61+s14+$0x0], $0xffff  }
0x18a: {  	s1 =	simm.s32 $0x6;
	v22 =	vsel vm5, v22, v27;
	v27 =	vld.idx.msk [tilespmem:v30+s14+$0x0], $0xffff  }
0x18b: {  	s6 =	scvt.s32.f32 s1;
	v30 =	vmin.u32 v22, $0x3F;
	v63 =	vld.idx.msk [tilespmem:v41+s14+$0x0], $0xffff  }
0x18c: {  	v30 =	vadd.s32 $0x1, v30;
	v48 =	vld.idx.msk [tilespmem:v26+s14+$0x0], $0xffff  }
0x18d: {  	s6 =	smul.f32 $5.882352960e-02, s6;
	v42 =	vshll.u32 v30, $0x4;
	v43 =	vld.idx.msk [tilespmem:v19+s14+$0x0], $0xffff  }
0x18e: {  	v42 =	vor.u32 v0, v42;
	vm7 =	vle.f32 v28, v20;
	v28 =	vld.idx.msk [tilespmem:v5+s14+$0x0], $0xffff  }
0x18f: {  	s6 =	sadd.f32 $2.941176480e-02, s6;
	v36 =	vsel vm7, v36, v57  }
0x190: {  	vm6 =	vle.f32 v39, v24;
	v19 =	vor.u32 $0x10, v36  }
0x191: {  	vm8 =	vle.f32 v27, v23;
	v27 =	vmin.u32 v19, $0x40;
	v19 =	vmul.f32 s6, v16  }
0x192: {  	v29 =	vsel vm6, v60, v29;
	v25 =	vsel vm8, v35, v25;
	v32 =	vsub.f32 v48, v63  }
0x193: {  	v50 =	vmin.u32 v25, $0x3E;
	v49 =	vld.idx.msk [tilespmem:v42+s14+$0x0], $0xffff;
	vm9 =	vle.f32 v43, v21;
	vm10 =	vle.f32 v28, v19  }
0x194: {  	(erf) = vrcp.f32 v32;
	v28 =	vsel vm9, v33, v31;
	v31 =	vadd.s32 $0x2, v50  }
0x195: {  	v33 =	vsel vm10, $0x40, v2;
	v51 =	vmin.u32 v28, $0x38;
	v52 =	vshll.u32 v31, $0x4  }
0x196: {  	v53 =	vor.u32 $0x20, v33;
	v39 =	vadd.s32 $0x8, v51;
	v35 =	vor.u32 v0, v52  }
0x197: {  	v17 =	vsub.f32 v17, v63;
	v37 =	vmin.u32 v53, $0x40;
	v32 =	vshll.u32 v39, $0x4  }
0x198: {  	v54 =	vshll.u32 v37, $0x4;
	vm11 =	vle.f32 v49, v18;
	v55 =	vor.u32 v0, v32  }
0x199: {  	v57 =	vld.idx.msk [tilespmem:v26+s15+$0x0], $0xffff;
	v44 =	vshll.u32 v27, $0x4;
	v34 =	vor.u32 v0, v54;
	v22 =	vsel vm11, v30, v22  }
0x19a: {  	v46 =	vor.u32 v0, v44;
	v30 =	vld.idx.msk [tilespmem:v41+s15+$0x0], $0xffff;
	v56 =	vadd.s32 $0x1, v22;
	v22 =	vshll.u32 v22, $0x4  }
0x19b: {  	v58 =	vshll.u32 v56, $0x4;
	v45 =	vor.u32 v0, v22;
	v22 =	vmin.u32 v29, $0x3C;
	v35 =	vld.idx.msk [tilespmem:v35+s14+$0x0], $0xffff  }
0x19c: {  	v32 =	vor.u32 v0, v58;
	v47 =	vadd.s32 $0x4, v22;
	v22 =	vand.u32 $0x7F, v46  }
0x19d: {  	v59 =	vshll.u32 v47, $0x4;
	v60 =	vpop (erf);
	v42 =	vld.idx.msk [tilespmem:v55+s14+$0x0], $0xffff;
	v22 =	vadd.s32 v44, v22  }
0x19e: {  	v34 =	vld.idx.msk [tilespmem:v34+s14+$0x0], $0xffff;
	v40 =	vor.u32 v0, v59;
	v17 =	vmul.f32 v60, v17  }
0x19f: {  	v38 =	vadd.s32 s0, v62  }
0x1a0: {  	v43 =	vsub.f32 v57, v30;
	v61 =	vld.idx.msk [tilespmem:v45+s14+$0x0], $0xffff;
	v17 =	vmax.f32 v17, $0.0e+00;
	vm12 =	vle.f32 v35, v23  }
0x1a1: {  	s0 =	simm.s32 $0x7;
	v63 =	vshll.u32 v38, $0x4;
	v62 =	vld.idx.msk [tilespmem:v32+s14+$0x0], $0xffff;
	v48 =	vmin.f32 v17, $1.000000000e+00;
	v25 =	vsel vm12, v31, v25  }
0x1a2: {  	s13 =	scvt.s32.f32 s0;
	v17 =	vor.u32 v0, v63;
	v31 =	vmul.f32 v48, v43;
	v22 =	vld.idx.msk [tilespmem:v22+s14+$0x0], $0xffff;
	v49 =	vmin.u32 v25, $0x3F  }
0x1a3: {  	vm13 =	vle.f32 v34, v19;
	vm14 =	vle.f32 v42, v21;
	v50 =	vld.idx.msk [tilespmem:v40+s14+$0x0], $0xffff;
	v40 =	vadd.s32 s5, v56  }
0x1a4: {  	s7 =	smul.f32 $5.882352960e-02, s13;
	v35 =	vadd.s32 $0x1, v49;
	v37 =	vsel vm13, v37, v33;
	v39 =	vsel vm14, v39, v28  }
0x1a5: {  	v54 =	vld.idx.msk [tilespmem:v5+s14+$0x0], $0xffff;
	v51 =	vshll.u32 v35, $0x4;
	v52 =	vor.u32 $0x10, v37;
	v34 =	vadd.f32 v31, v30  }
0x1a6: {  	s5 =	sadd.f32 $2.941176480e-02, s7;
	v28 =	vmin.u32 v39, $0x3C;
	v33 =	vor.u32 v0, v51;
	v41 =	vmin.u32 v52, $0x40  }
0x1a7: {  	v40 =	vshll.u32 v40, $0x4;
	v53 =	vsub.f32 v62, v61;
	v31 =	vshll.u32 v41, $0x4  }
0x1a8: {  	vm15 =	vle.f32 v22, v20;
	v22 =	vmul.f32 s5, v16;
	vm4 =	vle.f32 v50, v24  }
0x1a9: {  	(erf) = vrcp.f32 v53;
	v27 =	vsel vm15, v27, v36;
	v29 =	vsel vm4, v47, v29  }
0x1aa: {  	v36 =	vmin.u32 v27, $0x38;
	vm5 =	vle.f32 v54, v22;
	v47 =	vor.u32 v0, v31  }
0x1ab: {  	v36 =	vadd.s32 $0x8, v36;
	v33 =	vld.idx.msk [tilespmem:v33+s14+$0x0], $0xffff;
	v55 =	vmin.u32 v29, $0x3E;
	v47 =	vand.u32 $0x7F, v47  }
0x1ac: {  	v56 =	vld.idx.msk [tilespmem:v32+s15+$0x0], $0xffff;
	v57 =	vshll.u32 v36, $0x4;
	v38 =	vadd.s32 $0x2, v55;
	v31 =	vadd.s32 v31, v47  }
0x1ad: {  	v30 =	vld.idx.msk [tilespmem:v45+s15+$0x0], $0xffff;
	v43 =	vsel vm5, $0x40, v2;
	v45 =	vor.u32 v0, v57;
	v59 =	vshll.u32 v38, $0x4  }
0x1ae: {  	v48 =	vadd.s32 $0x4, v28;
	v58 =	vor.u32 $0x20, v43;
	v28 =	vor.u32 v0, v59  }
0x1af: {  	v18 =	vsub.f32 v18, v61;
	v61 =	vmul.f32 v34, v9;
	v46 =	vmin.u32 v58, $0x40  }
0x1b0: {  	v49 =	vshll.u32 v48, $0x4;
	v50 =	vshll.u32 v46, $0x4;
	vm6 =	vle.f32 v33, v23  }
0x1b1: {  	v60 =	vor.u32 v0, v50;
	v33 =	vadd.f32 v61, v8;
	v25 =	vsel vm6, v35, v25;
	v47 =	vld.idx.msk [tilespmem:v31+s14+$0x0], $0xffff  }
0x1b2: {  	v49 =	vor.u32 v0, v49;
	v42 =	vsub.f32 v56, v30;
	v63 =	vld.idx.msk [tilespmem:v45+s14+$0x0], $0xffff;
	v54 =	vadd.s32 $0x1, v25  }
0x1b3: {  	v62 =	vpop (erf);
	v25 =	vshll.u32 v25, $0x4;
	v58 =	vmul.f32 v33, v15;
	v59 =	vmul.f32 v33, v13;
	v28 =	vld.idx.msk [tilespmem:v28+s14+$0x0], $0xffff  }
0x1b4: {  	v18 =	vmul.f32 v62, v18;
	v55 =	vshll.u32 v54, $0x4;
	v25 =	vor.u32 v0, v25  }
0x1b5: {  	v33 =	vmul.f32 v33, v14;
	v45 =	vadd.s32 s12, v54;
	v50 =	vor.u32 v0, v55  }
0x1b6: {  	v56 =	vld.idx.msk [tilespmem:v60+s14+$0x0], $0xffff;
	v60 =	vadd.f32 v59, v12;
	v51 =	vmax.f32 v18, $0.0e+00;
	v18 =	vor.u32 v0, v40  }
0x1b7: {  	v57 =	vmin.f32 v51, $1.000000000e+00;
	v51 =	vadd.f32 v58, v10;
	vm11 =	vle.f32 v47, v19  }
0x1b8: {  	s12 =	simm.s32 $0x8;
	v42 =	vmul.f32 v57, v42;
	vm7 =	vle.f32 v63, v20;
	vm8 =	vle.f32 v28, v24  }
0x1b9: {  	s13 =	scvt.s32.f32 s12;
	v41 =	vsel vm11, v41, v37;
	v35 =	vld.idx.msk [tilespmem:v25+s14+$0x0], $0xffff;
	v28 =	vsel vm7, v36, v27;
	v38 =	vsel vm8, v38, v29  }
0x1ba: {  	v42 =	vadd.f32 v42, v30;
	v52 =	vld.idx.msk [tilespmem:v50+s14+$0x0], $0xffff;
	v30 =	vadd.f32 v33, v11;
	v27 =	vmin.u32 v38, $0x3F  }
0x1bb: {  	s5 =	smul.f32 $5.882352960e-02, s13;
	v37 =	vmin.u32 v41, $0x38;
	vm9 =	vle.f32 v56, v22;
	v36 =	vadd.s32 $0x1, v27;
	v27 =	vld.idx.msk [tilespmem:v49+s14+$0x0], $0xffff  }
0x1bc: {  	v56 =	vmul.f32 v51, v51;
	v63 =	vmul.f32 v30, v30;
	v62 =	vshll.u32 v36, $0x4  }
0x1bd: {  	s5 =	sadd.f32 $2.941176480e-02, s5;
	v57 =	vmin.u32 v28, $0x3C;
	v29 =	vsel vm9, v46, v43;
	v43 =	vor.u32 v0, v62  }
0x1be: {  	v59 =	vld.idx.msk [tilespmem:v5+s14+$0x0], $0xffff;
	v33 =	vmul.f32 v60, v60;
	v55 =	vadd.s32 $0x8, v37;
	v44 =	vadd.f32 v63, v56  }
0x1bf: {  	v46 =	vld.idx.msk [tilespmem:v25+s15+$0x0], $0xffff;
	v31 =	vadd.s32 $0x4, v57;
	v25 =	vmul.f32 s5, v16;
	v58 =	vsub.f32 v52, v35  }
0x1c0: {  	v60 =	vld.idx.msk [tilespmem:v50+s15+$0x0], $0xffff;
	v57 =	vshll.u32 v45, $0x4;
	vm10 =	vle.f32 v27, v21;
	v27 =	vadd.f32 v44, v33  }
0x1c1: {  	v61 =	vor.u32 $0x10, v29;
	v49 =	vshll.u32 v31, $0x4;
	(erf) = vrcp.f32 v58  }
0x1c2: {  	v30 =	vmin.u32 v61, $0x40;
	v61 =	vld.idx.msk [tilespmem:v43+s14+$0x0], $0xffff;
	v62 =	vshra.s32 v27, $0x1;
	v54 =	vmul.f32 $5.000000000e-01, v27  }
0x1c3: {  	vm12 =	vle.f32 v59, v25;
	v51 =	vshll.u32 v30, $0x4;
	v43 =	vsub.s32 $0x5F3759DF, v62  }
0x1c4: {  	v23 =	vsub.f32 v23, v35;
	v52 =	vsel vm12, $0x40, v2;
	v63 =	vmul.f32 v43, v54  }
0x1c5: {  	v40 =	vsub.f32 v60, v46;
	v59 =	vor.u32 $0x20, v52;
	v44 =	vmul.f32 v42, v9  }
0x1c6: {  	v56 =	vmin.u32 v59, $0x40;
	v33 =	vsel vm10, v48, v39;
	v60 =	vmul.f32 v43, v63  }
0x1c7: {  	v48 =	vmin.u32 v33, $0x3E;
	vm13 =	vle.f32 v61, v24;
	v61 =	vshll.u32 v55, $0x4  }
0x1c8: {  	v62 =	vshll.u32 v56, $0x4;
	v35 =	vor.u32 v0, v61;
	v47 =	vsub.f32 $1.500000000e+00, v60  }
0x1c9: {  	v37 =	vadd.s32 $0x2, v48;
	v36 =	vsel vm13, v36, v38;
	v38 =	vor.u32 v0, v62  }
0x1ca: {  	[tilespmem:v26+s16+$0x0] =	vst.idx.add.s32.msk $0xffff, v6;
	v44 =	vadd.f32 v44, v8;
	v58 =	vshll.u32 v37, $0x4;
	v63 =	vpop (erf);
	v45 =	vmul.f32 v43, v47  }
0x1cb: {  	v48 =	vor.u32 v0, v49;
	v49 =	vor.u32 v0, v58;
	v23 =	vmul.f32 v63, v23  }
0x1cc: {  	[tilespmem:v32+s16+$0x0] =	vst.idx.add.s32.msk $0xffff, v6;
	v62 =	vmul.f32 v44, v15;
	v59 =	vadd.s32 $0x1, v36;
	v26 =	vmul.f32 v45, v54  }
0x1cd: {  	[tilespmem:v17+s17+$0x0] =	vst.idx.msk $0xffff, v34;
	v36 =	vshll.u32 v36, $0x4;
	v61 =	vshll.u32 v59, $0x4;
	v23 =	vmax.f32 v23, $0.0e+00;
	v35 =	vld.idx.msk [tilespmem:v35+s14+$0x0], $0xffff  }
0x1ce: {  	v36 =	vor.u32 v0, v36;
	v23 =	vmin.f32 v23, $1.000000000e+00;
	v60 =	vld.idx.msk [tilespmem:v38+s14+$0x0], $0xffff;
	v26 =	vmul.f32 v26, v45  }
0x1cf: {  	v58 =	vmul.f32 v44, v14;
	v39 =	vor.u32 v0, v61;
	v23 =	vmul.f32 v23, v40  }
0x1d0: {  	[tilespmem:v50+s16+$0x0] =	vst.idx.add.s32.msk $0xffff, v6;
	v53 =	vor.u32 v0, v51;
	v47 =	vadd.f32 v62, v10;
	v63 =	vsub.f32 $1.500000000e+00, v26  }
0x1d1: {  	v49 =	vld.idx.msk [tilespmem:v49+s14+$0x0], $0xffff;
	v62 =	vadd.f32 v58, v11;
	v43 =	vadd.f32 v23, v46;
	v23 =	vor.u32 v0, v57  }
0x1d2: {  	v40 =	vld.idx.msk [tilespmem:v48+s14+$0x0], $0xffff;
	v57 =	vmul.f32 v44, v13;
	v26 =	vadd.s32 s4, v59;
	v44 =	vmul.f32 v63, v45  }
0x1d3: {  	v32 =	vld.idx.msk [tilespmem:v36+s15+$0x0], $0xffff;
	v59 =	vand.u32 $0x7F, v53;
	vm14 =	vle.f32 v35, v19;
	vm15 =	vle.f32 v60, v25  }
0x1d4: {  	v50 =	vld.idx.msk [tilespmem:v39+s14+$0x0], $0xffff;
	v34 =	vsel vm14, v55, v41;
	v41 =	vsel vm15, v56, v52;
	v60 =	vmul.f32 v44, v54  }
0x1d5: {  	v46 =	vld.idx.msk [tilespmem:v39+s15+$0x0], $0xffff;
	v53 =	vmul.f32 v62, v62;
	v52 =	vadd.s32 v51, v59;
	v61 =	vor.u32 $0x10, v41  }
0x1d6: {  	[tilespmem:v18+s17+$0x0] =	vst.idx.msk $0xffff, v42;
	v35 =	vld.idx.msk [tilespmem:v36+s14+$0x0], $0xffff;
	v63 =	vmin.u32 v34, $0x3C;
	v45 =	vmin.u32 v61, $0x40;
	v54 =	vmul.f32 v60, v44  }
0x1d7: {  	v48 =	vadd.f32 v57, v12;
	[tilespmem:v39+s16+$0x0] =	vst.idx.add.s32.msk $0xffff, v6;
	v38 =	vadd.s32 $0x4, v63;
	v36 =	vshll.u32 v45, $0x4  }
0x1d8: {  	s4 =	simm.s32 $0x9;
	[tilespmem:v23+s17+$0x0] =	vst.idx.msk $0xffff, v43;
	v42 =	vshll.u32 v38, $0x4;
	v39 =	vor.u32 v0, v36;
	v51 =	vsub.f32 $1.500000000e+00, v54  }
.LBB2_11:
0x1d9: {  	s6 =	scvt.s32.f32 s4  }
0x1da: {  	p0 =	sne.s32 s4, $0xF;
	vm0 =	vle.f32 v49, v21;
	v43 =	vmul.f32 v43, v9;
	v47 =	vmul.f32 v47, v47;
	s5 =	smov.u32 s4;
	s4 =	sadd.s32 $0x1, s4  }
0x1db: {  	v49 =	vld.idx.msk [tilespmem:v52+s14+$0x0], $0xffff;
	v52 =	vsel vm0, v37, v33;
	v33 =	vsub.f32 v50, v35;
	v37 =	vmul.f32 v51, v44  }
0x1dc: {  	v48 =	vmul.f32 v48, v48;
	s6 =	smul.f32 $5.882352960e-02, s6;
	v44 =	vld.idx.msk [tilespmem:v5+s14+$0x0], $0xffff;
	v50 =	vmin.u32 v52, $0x3F;
	v47 =	vadd.f32 v53, v47  }
0x1dd: {  	v50 =	vadd.s32 $0x1, v50;
	(erf) = vrcp.f32 v33;
	v37 =	vmul.f32 v37, v27  }
0x1de: {  	vm0 =	vle.f32 v40, v20;
	s6 =	sadd.f32 $2.941176480e-02, s6;
	v40 =	vshll.u32 v50, $0x4;
	v27 =	vadd.f32 v47, v48  }
0x1df: {  	v33 =	vsel vm0, v31, v28;
	v28 =	vmovc v34;
	v31 =	vmovc v38;
	v40 =	vor.u32 v0, v40;
	v37 =	vadd.f32 $-1.000000000e+00, v37  }
0x1e0: {  	v38 =	vsub.f32 v46, v32;
	v34 =	vmul.f32 s6, v16;
	v46 =	vshra.s32 v27, $0x1  }
0x1e1: {  	vm0 =	vle.f32 v49, v22;
	v51 =	vmul.f32 $5.000000000e-01, v27;
	v46 =	vsub.s32 $0x5F3759DF, v46;
	[tilespmem:v17+s18+$0x0] =	vst.idx.msk $0xffff, v37;
	v17 =	vmovc v18  }
0x1e2: {  	v26 =	vshll.u32 v26, $0x4;
	v48 =	vsel vm0, v30, v29;
	v18 =	vmovc v23;
	v29 =	vmovc v41;
	vm1 =	vle.f32 v44, v34  }
0x1e3: {  	v30 =	vmovc v45;
	v23 =	vmin.u32 v48, $0x38;
	v37 =	vmul.f32 v46, v51;
	v41 =	vsel vm1, $0x40, v2  }
0x1e4: {  	v45 =	vadd.s32 $0x8, v23;
	v23 =	vor.u32 v0, v26;
	v44 =	vor.u32 $0x20, v41;
	v40 =	vld.idx.msk [tilespmem:v40+s14+$0x0], $0xffff  }
0x1e5: {  	v26 =	vshll.u32 v45, $0x4;
	v37 =	vmul.f32 v46, v37;
	v53 =	vmin.u32 v44, $0x40  }
0x1e6: {  	v35 =	vsub.f32 v24, v35;
	v26 =	vor.u32 v0, v26;
	v44 =	vshll.u32 v53, $0x4;
	v47 =	vpop (erf)  }
0x1e7: {  	v42 =	vor.u32 v0, v42;
	v24 =	vmovc v21;
	v21 =	vmovc v20;
	v49 =	vsub.f32 $1.500000000e+00, v37;
	v44 =	vor.u32 v0, v44  }
0x1e8: {  	v20 =	vmovc v19;
	v19 =	vmovc v22;
	v22 =	vmov v25;
	v37 =	vmin.u32 v33, $0x3E;
	v35 =	vmul.f32 v47, v35  }
0x1e9: {  	v25 =	vmov v34;
	v37 =	vadd.s32 $0x2, v37;
	v46 =	vmul.f32 v46, v49  }
0x1ea: {  	v43 =	vadd.f32 v43, v8;
	v34 =	vshll.u32 v37, $0x4;
	vm0 =	vle.f32 v40, v24  }
0x1eb: {  	v47 =	vmul.f32 v46, v51;
	v54 =	vld.idx.msk [tilespmem:v26+s14+$0x0], $0xffff;
	v26 =	vor.u32 v0, v34;
	v34 =	vsel vm0, v50, v52  }
0x1ec: {  	v35 =	vmax.f32 v35, $0.0e+00;
	v50 =	vld.idx.msk [tilespmem:v44+s14+$0x0], $0xffff;
	v44 =	vadd.s32 $0x1, v34;
	v34 =	vshll.u32 v34, $0x4  }
0x1ed: {  	v40 =	vld.idx.msk [tilespmem:v42+s14+$0x0], $0xffff;
	v42 =	vshll.u32 v44, $0x4;
	v55 =	vor.u32 v0, v34;
	v34 =	vmul.f32 v47, v46  }
0x1ee: {  	v35 =	vmin.f32 v35, $1.000000000e+00;
	v47 =	vmul.f32 v43, v15;
	v42 =	vor.u32 v0, v42  }
0x1ef: {  	v35 =	vmul.f32 v35, v38;
	v38 =	vmul.f32 v43, v13;
	v34 =	vsub.f32 $1.500000000e+00, v34  }
0x1f0: {  	v56 =	vmul.f32 v43, v14;
	v47 =	vadd.f32 v47, v10;
	v49 =	vld.idx.msk [tilespmem:v26+s14+$0x0], $0xffff;
	v26 =	vadd.s32 s30, v44;
	s30 =	smov.u32 s31;
	s31 =	smov.u32 s1;
	s1 =	smov.u32 s0  }
0x1f1: {  	v43 =	vadd.f32 v35, v32;
	vm0 =	vle.f32 v54, v19;
	s0 =	smov.u32 s12;
	s12 =	smov.u32 s5;
	v44 =	vmul.f32 v34, v46  }
0x1f2: {  	vm1 =	vle.f32 v50, v25;
	v34 =	vsel vm0, v45, v48;
	v48 =	vadd.f32 v38, v12;
	v35 =	vld.idx.msk [tilespmem:v55+s14+$0x0], $0xffff  }
.Ltmp4:
0x1f3: {  	v32 =	vand.u32 $0x7F, v39;
	v41 =	vsel vm1, v53, v41;
	v50 =	vld.idx.msk [tilespmem:v42+s14+$0x0], $0xffff;
	v38 =	vmul.f32 v44, v51;
	(pc) =	sbr.rel @p0 .LBB2_11-.Ltmp4, $4  }
0x1f4: {  	v52 =	vadd.s32 v36, v32;
	v39 =	vor.u32 $0x10, v41;
	v51 =	vadd.f32 v56, v11;
	v32 =	vld.idx.msk [tilespmem:v55+s15+$0x0], $0xffff  }
0x1f5: {  	v45 =	vmin.u32 v39, $0x40;
	v39 =	vmin.u32 v34, $0x3C;
	v46 =	vld.idx.msk [tilespmem:v42+s15+$0x0], $0xffff;
	[tilespmem:v23+s17+$0x0] =	vst.idx.msk $0xffff, v43;
	v54 =	vmul.f32 v38, v44  }
0x1f6: {  	v36 =	vshll.u32 v45, $0x4;
	v38 =	vadd.s32 $0x4, v39;
	v53 =	vmul.f32 v51, v51;
	[tilespmem:v42+s16+$0x0] =	vst.idx.add.s32.msk $0xffff, v6  }
0x1f7: {  	v39 =	vor.u32 v0, v36;
	v42 =	vshll.u32 v38, $0x4;
	v51 =	vsub.f32 $1.500000000e+00, v54  }
0x1f8: {  	_ =	sdelay $0x2  }
0x1f9: {  	v39 =	vand.u32 $0x7F, v39  }
0x1fa: {  	v52 =	vld.idx.msk [tilespmem:v52+s14+$0x0], $0xffff;
	v36 =	vadd.s32 v36, v39;
	_ =	sdelay $0x2  }
0x1fb: {  	vm0 =	vle.f32 v49, v21;
	v61 =	vmul.f32 v47, v47  }
0x1fc: {  	v62 =	vsub.f32 v50, v35;
	v48 =	vmul.f32 v48, v48;
	v37 =	vsel vm0, v37, v33  }
0x1fd: {  	v63 =	vmin.u32 v37, $0x3F;
	v39 =	vadd.f32 v53, v61;
	vm4 =	vle.f32 v52, v22;
	v36 =	vld.idx.msk [tilespmem:v36+s14+$0x0], $0xffff  }
0x1fe: {  	(erf) = vrcp.f32 v62;
	v47 =	vadd.s32 $0x1, v63;
	v29 =	vsel vm4, v30, v29  }
0x1ff: {  	v53 =	vshll.u32 v47, $0x4;
	v33 =	vadd.f32 v39, v48;
	v54 =	vmin.u32 v29, $0x38  }
0x200: {  	vm5 =	vle.f32 v40, v20;
	v55 =	vor.u32 v0, v53;
	v30 =	vadd.s32 $0x8, v54  }
0x201: {  	v31 =	vsel vm5, v31, v28;
	v56 =	vshra.s32 v33, $0x1;
	v57 =	vshll.u32 v30, $0x4  }
0x202: {  	v48 =	vmul.f32 $5.000000000e-01, v33;
	v40 =	vor.u32 v0, v57;
	vm6 =	vle.f32 v36, v25  }
0x203: {  	v59 =	vmin.u32 v31, $0x3E;
	v39 =	vsub.s32 $0x5F3759DF, v56;
	v41 =	vsel vm6, v45, v41  }
0x204: {  	v58 =	vmul.f32 v39, v48;
	v45 =	vadd.s32 $0x2, v59;
	v60 =	vmin.u32 v41, $0x38  }
0x205: {  	v43 =	vmul.f32 v43, v9;
	v28 =	vld.idx.msk [tilespmem:v55+s14+$0x0], $0xffff;
	v61 =	vshll.u32 v45, $0x4;
	v49 =	vadd.s32 $0x8, v60  }
0x206: {  	v36 =	vmul.f32 v39, v58;
	v50 =	vor.u32 v0, v61;
	v62 =	vshll.u32 v49, $0x4  }
0x207: {  	v24 =	vsub.f32 v24, v35;
	v40 =	vld.idx.msk [tilespmem:v40+s14+$0x0], $0xffff;
	v52 =	vor.u32 v0, v62  }
0x208: {  	v43 =	vadd.f32 v43, v8;
	v63 =	vsub.f32 $1.500000000e+00, v36;
	v36 =	vmul.f32 v51, v44;
	v51 =	vpop (erf)  }
0x209: {  	v42 =	vor.u32 v0, v42;
	v35 =	vsub.f32 v46, v32;
	v24 =	vmul.f32 v51, v24  }
0x20a: {  	v59 =	vmul.f32 v43, v15;
	v39 =	vmul.f32 v39, v63;
	vm7 =	vle.f32 v28, v21  }
0x20b: {  	v63 =	vmul.f32 v43, v13;
	v37 =	vsel vm7, v47, v37;
	v57 =	vmax.f32 v24, $0.0e+00;
	v55 =	vld.idx.msk [tilespmem:v50+s14+$0x0], $0xffff  }
0x20c: {  	v28 =	vadd.s32 $0x1, v37;
	v37 =	vshll.u32 v37, $0x4;
	vm8 =	vle.f32 v40, v22;
	v56 =	vld.idx.msk [tilespmem:v52+s14+$0x0], $0xffff  }
0x20d: {  	v24 =	vshll.u32 v28, $0x4;
	v37 =	vor.u32 v0, v37;
	v30 =	vsel vm8, v30, v29  }
0x20e: {  	v54 =	vmul.f32 v39, v48;
	v24 =	vor.u32 v0, v24;
	v58 =	vmin.u32 v30, $0x3C  }
0x20f: {  	v62 =	vld.idx.msk [tilespmem:v42+s14+$0x0], $0xffff;
	v47 =	vmin.f32 v57, $1.000000000e+00;
	v42 =	vadd.f32 v63, v12;
	v44 =	vadd.s32 $0x4, v58  }
0x210: {  	v35 =	vmul.f32 v47, v35;
	v60 =	vshll.u32 v44, $0x4;
	vm9 =	vle.f32 v55, v20  }
0x211: {  	v31 =	vsel vm9, v45, v31;
	v61 =	vor.u32 v0, v60;
	vm10 =	vle.f32 v56, v25  }
0x212: {  	v29 =	vmul.f32 v54, v39;
	v52 =	vld.idx.msk [tilespmem:v37+s14+$0x0], $0xffff;
	v55 =	vmin.u32 v31, $0x3F;
	v49 =	vsel vm10, v49, v41  }
0x213: {  	v54 =	vld.idx.msk [tilespmem:v24+s14+$0x0], $0xffff;
	v56 =	vmul.f32 v43, v14;
	v43 =	vadd.s32 $0x1, v55;
	v57 =	vmin.u32 v49, $0x3C  }
0x214: {  	v50 =	vadd.f32 v59, v10;
	v58 =	vshll.u32 v43, $0x4;
	v46 =	vadd.s32 $0x4, v57  }
0x215: {  	v29 =	vsub.f32 $1.500000000e+00, v29;
	v51 =	vor.u32 v0, v58;
	v59 =	vshll.u32 v46, $0x4  }
0x216: {  	vm11 =	vle.f32 v62, v19;
	v41 =	vadd.f32 v56, v11;
	v45 =	vld.idx.msk [tilespmem:v61+s14+$0x0], $0xffff;
	v53 =	vor.u32 v0, v59  }
0x217: {  	v50 =	vmul.f32 v50, v50;
	v34 =	vsel vm11, v38, v34;
	v40 =	vmul.f32 v29, v39  }
0x218: {  	v62 =	vmin.u32 v34, $0x3E;
	v55 =	vsub.f32 v54, v52;
	v41 =	vmul.f32 v41, v41  }
0x219: {  	v47 =	vadd.s32 $0x2, v62;
	v29 =	vadd.f32 v35, v32;
	v32 =	vmul.f32 v40, v48  }
0x21a: {  	v61 =	vmul.f32 v42, v42;
	(erf) = vrcp.f32 v55;
	v60 =	vadd.f32 v41, v50;
	v63 =	vld.idx.msk [tilespmem:v51+s14+$0x0], $0xffff  }
0x21b: {  	v59 =	vmul.f32 v29, v9;
	v51 =	vshll.u32 v47, $0x4;
	vm12 =	vle.f32 v45, v22;
	v53 =	vld.idx.msk [tilespmem:v53+s14+$0x0], $0xffff  }
0x21c: {  	v41 =	vadd.f32 v60, v61;
	v38 =	vor.u32 v0, v51;
	v44 =	vsel vm12, v44, v30  }
0x21d: {  	v21 =	vsub.f32 v21, v52;
	v54 =	vmul.f32 v32, v40;
	v57 =	vmin.u32 v44, $0x3E  }
0x21e: {  	v39 =	vadd.f32 v59, v8;
	v56 =	vshra.s32 v41, $0x1;
	v48 =	vadd.s32 $0x2, v57  }
0x21f: {  	v37 =	vld.idx.msk [tilespmem:v37+s15+$0x0], $0xffff;
	v42 =	vmul.f32 $5.000000000e-01, v41;
	v45 =	vsub.s32 $0x5F3759DF, v56;
	v58 =	vshll.u32 v48, $0x4  }
0x220: {  	v50 =	vld.idx.msk [tilespmem:v24+s15+$0x0], $0xffff;
	vm13 =	vle.f32 v63, v20;
	v35 =	vor.u32 v0, v58;
	vm14 =	vle.f32 v53, v25  }
0x221: {  	v30 =	vmul.f32 v45, v42;
	v43 =	vsel vm13, v43, v31;
	v38 =	vld.idx.msk [tilespmem:v38+s14+$0x0], $0xffff;
	v46 =	vsel vm14, v46, v49  }
0x222: {  	v31 =	vadd.s32 $0x1, v43;
	v61 =	vshll.u32 v43, $0x4;
	v62 =	vmin.u32 v46, $0x3E  }
0x223: {  	v63 =	vshll.u32 v31, $0x4;
	v53 =	vor.u32 v0, v61;
	v43 =	vadd.s32 $0x2, v62  }
0x224: {  	v60 =	vmul.f32 v45, v30;
	v59 =	vpop (erf);
	v30 =	vor.u32 v0, v63;
	v57 =	vshll.u32 v43, $0x4  }
0x225: {  	v50 =	vsub.f32 v50, v37;
	v21 =	vmul.f32 v59, v21;
	v35 =	vld.idx.msk [tilespmem:v35+s14+$0x0], $0xffff;
	v32 =	vor.u32 v0, v57  }
0x226: {  	v58 =	vsub.f32 $1.500000000e+00, v60;
	v60 =	vmul.f32 v39, v15;
	vm15 =	vle.f32 v38, v19  }
0x227: {  	v61 =	vmul.f32 v39, v14;
	v21 =	vmax.f32 v21, $0.0e+00;
	v34 =	vsel vm15, v47, v34  }
0x228: {  	v45 =	vmul.f32 v45, v58;
	v49 =	vadd.f32 v60, v10;
	v47 =	vld.idx.msk [tilespmem:v53+s14+$0x0], $0xffff;
	v62 =	vmin.u32 v34, $0x3F  }
0x229: {  	v38 =	vadd.f32 v61, v11;
	v57 =	vmul.f32 v39, v13;
	v55 =	vld.idx.msk [tilespmem:v30+s14+$0x0], $0xffff;
	v51 =	vadd.s32 $0x1, v62  }
0x22a: {  	v59 =	vmul.f32 v49, v49;
	v56 =	vshll.u32 v51, $0x4;
	vm4 =	vle.f32 v35, v22;
	v32 =	vld.idx.msk [tilespmem:v32+s14+$0x0], $0xffff  }
0x22b: {  	v38 =	vmul.f32 v38, v38;
	v58 =	vor.u32 v0, v56;
	v44 =	vsel vm4, v48, v44  }
0x22c: {  	v21 =	vmin.f32 v21, $1.000000000e+00;
	v35 =	vadd.f32 v57, v12;
	v60 =	vmin.u32 v44, $0x3F  }
0x22d: {  	v63 =	vmul.f32 v45, v42;
	v38 =	vadd.f32 v38, v59;
	v49 =	vadd.s32 $0x1, v60  }
0x22e: {  	v35 =	vmul.f32 v35, v35;
	v55 =	vsub.f32 v55, v47;
	v61 =	vshll.u32 v49, $0x4  }
0x22f: {  	v62 =	vmul.f32 v63, v45;
	v48 =	vor.u32 v0, v61;
	vm5 =	vle.f32 v32, v25  }
0x230: {  	v39 =	vadd.f32 v38, v35;
	(erf) = vrcp.f32 v55;
	v63 =	vld.idx.msk [tilespmem:v58+s14+$0x0], $0xffff;
	v43 =	vsel vm5, v43, v46  }
0x231: {  	v54 =	vsub.f32 $1.500000000e+00, v54;
	v21 =	vmul.f32 v21, v50;
	v57 =	vmin.u32 v43, $0x3F  }
0x232: {  	v59 =	vshra.s32 v39, $0x1;
	v50 =	vmul.f32 $5.000000000e-01, v39;
	v46 =	vadd.s32 $0x1, v57  }
0x233: {  	v32 =	vadd.f32 v21, v37;
	v37 =	vsub.s32 $0x5F3759DF, v59;
	v60 =	vshll.u32 v46, $0x4  }
0x234: {  	v58 =	vsub.f32 $1.500000000e+00, v62;
	v21 =	vmul.f32 v37, v50;
	v61 =	vld.idx.msk [tilespmem:v48+s14+$0x0], $0xffff;
	v62 =	vor.u32 v0, v60  }
0x235: {  	v54 =	vmul.f32 v54, v40;
	v20 =	vsub.f32 v20, v47;
	vm6 =	vle.f32 v63, v19  }
0x236: {  	v45 =	vmul.f32 v58, v45;
	v57 =	vmul.f32 v37, v21;
	v34 =	vsel vm6, v51, v34  }
0x237: {  	v63 =	vmul.f32 v32, v9;
	v38 =	vadd.s32 $0x1, v34;
	v21 =	vshll.u32 v34, $0x4  }
0x238: {  	v60 =	vsub.f32 $1.500000000e+00, v57;
	v58 =	vshll.u32 v38, $0x4;
	v47 =	vor.u32 v0, v21  }
0x239: {  	v52 =	vadd.f32 v63, v8;
	v59 =	vpop (erf);
	v21 =	vor.u32 v0, v58;
	vm7 =	vle.f32 v61, v22;
	v34 =	vld.idx.msk [tilespmem:v62+s14+$0x0], $0xffff  }
0x23a: {  	v48 =	vmul.f32 v37, v60;
	v51 =	vmul.f32 v59, v20;
	v20 =	vsel vm7, v49, v44  }
0x23b: {  	v61 =	vmul.f32 v52, v14;
	v35 =	vadd.s32 $0x1, v20;
	v20 =	vshll.u32 v20, $0x4  }
0x23c: {  	v62 =	vmul.f32 v52, v15;
	v63 =	vshll.u32 v35, $0x4;
	v56 =	vor.u32 v0, v20  }
0x23d: {  	v52 =	vmul.f32 v52, v13;
	v44 =	vadd.f32 v61, v11;
	v57 =	vld.idx.msk [tilespmem:v47+s14+$0x0], $0xffff;
	v20 =	vor.u32 v0, v63  }
0x23e: {  	v55 =	vmul.f32 v48, v50;
	v60 =	vadd.f32 v62, v10;
	v49 =	vld.idx.msk [tilespmem:v21+s14+$0x0], $0xffff;
	vm8 =	vle.f32 v34, v25  }
0x23f: {  	v53 =	vld.idx.msk [tilespmem:v53+s15+$0x0], $0xffff;
	v61 =	vadd.f32 v52, v12;
	v44 =	vmul.f32 v44, v44;
	v43 =	vsel vm8, v46, v43  }
0x240: {  	v62 =	vmul.f32 v60, v60;
	v46 =	vld.idx.msk [tilespmem:v30+s15+$0x0], $0xffff;
	v37 =	vadd.s32 $0x1, v43;
	v43 =	vshll.u32 v43, $0x4  }
0x241: {  	v52 =	vmul.f32 v61, v61;
	v58 =	vld.idx.msk [tilespmem:v56+s14+$0x0], $0xffff;
	v59 =	vshll.u32 v37, $0x4;
	v43 =	vor.u32 v0, v43  }
0x242: {  	v61 =	vmul.f32 v55, v48;
	v44 =	vadd.f32 v44, v62;
	v60 =	vld.idx.msk [tilespmem:v20+s14+$0x0], $0xffff;
	v34 =	vor.u32 v0, v59  }
0x243: {  	v63 =	vmax.f32 v51, $0.0e+00;
	v59 =	vmul.f32 v45, v42;
	v42 =	vsub.f32 v49, v57  }
0x244: {  	v62 =	vmin.f32 v63, $1.000000000e+00;
	v63 =	vsub.f32 $1.500000000e+00, v61;
	v40 =	vadd.f32 v44, v52  }
0x245: {  	v36 =	vmul.f32 v36, v27;
	v44 =	vsub.f32 v46, v53;
	(erf) = vrcp.f32 v42  }
0x246: {  	v48 =	vmul.f32 v63, v48;
	v61 =	vshra.s32 v40, $0x1;
	v42 =	vmul.f32 $5.000000000e-01, v40;
	v52 =	vld.idx.msk [tilespmem:v43+s14+$0x0], $0xffff  }
0x247: {  	v46 =	vsub.s32 $0x5F3759DF, v61;
	v44 =	vmul.f32 v62, v44;
	v62 =	vsub.f32 v60, v58;
	v55 =	vld.idx.msk [tilespmem:v34+s14+$0x0], $0xffff  }
0x248: {  	v59 =	vmul.f32 v59, v45;
	v63 =	vmul.f32 v46, v42  }
0x249: {  	v26 =	vshll.u32 v26, $0x4;
	v49 =	vmul.f32 v54, v33;
	v54 =	vld.idx.msk [tilespmem:v20+s15+$0x0], $0xffff;
	(erf) = vrcp.f32 v62  }
0x24a: {  	v61 =	vsub.f32 $1.500000000e+00, v59;
	v27 =	vadd.f32 v44, v53;
	v44 =	vld.idx.msk [tilespmem:v47+s15+$0x0], $0xffff;
	v60 =	vmul.f32 v46, v63  }
0x24b: {  	v26 =	vor.u32 v0, v26;
	v36 =	vadd.f32 $-1.000000000e+00, v36;
	v62 =	vld.idx.msk [tilespmem:v21+s15+$0x0], $0xffff  }
0x24c: {  	v50 =	vmul.f32 v48, v50;
	v33 =	vmul.f32 v61, v45;
	v45 =	vld.idx.msk [tilespmem:v56+s15+$0x0], $0xffff;
	v63 =	vsub.f32 v55, v52  }
0x24d: {  	v19 =	vsub.f32 v19, v57;
	v53 =	vmul.f32 v27, v9;
	v47 =	vsub.f32 $1.500000000e+00, v60  }
0x24e: {  	v22 =	vsub.f32 v22, v58;
	v59 =	vmul.f32 v50, v48;
	v60 =	vpop (erf);
	(erf) = vrcp.f32 v63  }
0x24f: {  	v41 =	vmul.f32 v33, v41;
	v46 =	vmul.f32 v46, v47;
	v47 =	vadd.f32 v53, v8  }
0x250: {  	v25 =	vsub.f32 v25, v52;
	v61 =	vsub.f32 v62, v44;
	v19 =	vmul.f32 v60, v19  }
0x251: {  	v54 =	vsub.f32 v54, v45;
	v62 =	vmul.f32 v46, v42;
	v53 =	vmul.f32 v47, v14  }
0x252: {  	v63 =	vmul.f32 v47, v15;
	v47 =	vmul.f32 v47, v13;
	v19 =	vmax.f32 v19, $0.0e+00;
	v60 =	vpop (erf)  }
0x253: {  	v43 =	vld.idx.msk [tilespmem:v43+s15+$0x0], $0xffff;
	v53 =	vadd.f32 v53, v11;
	v19 =	vmin.f32 v19, $1.000000000e+00;
	v22 =	vmul.f32 v60, v22  }
0x254: {  	v51 =	vmul.f32 v62, v46;
	v55 =	vadd.f32 v63, v10;
	v63 =	vld.idx.msk [tilespmem:v34+s15+$0x0], $0xffff;
	v19 =	vmul.f32 v19, v61  }
0x255: {  	v47 =	vadd.f32 v47, v12;
	v61 =	vmul.f32 v53, v53;
	v22 =	vmax.f32 v22, $0.0e+00  }
0x256: {  	v62 =	vmul.f32 v55, v55;
	v19 =	vadd.f32 v19, v44;
	v22 =	vmin.f32 v22, $1.000000000e+00  }
0x257: {  	v33 =	vsub.f32 $1.500000000e+00, v59;
	v47 =	vmul.f32 v47, v47;
	v22 =	vmul.f32 v22, v54;
	v57 =	vpop (erf)  }
0x258: {  	v56 =	vadd.f32 v61, v62;
	v58 =	vmul.f32 v19, v9;
	v25 =	vmul.f32 v57, v25  }
0x259: {  	v48 =	vmul.f32 v33, v48;
	v60 =	vsub.f32 v63, v43;
	v22 =	vadd.f32 v22, v45  }
0x25a: {  	v33 =	vadd.f32 v56, v47;
	v59 =	vadd.f32 v58, v8;
	v25 =	vmax.f32 v25, $0.0e+00  }
0x25b: {  	v28 =	vadd.s32 s30, v28;
	v61 =	vmul.f32 v22, v9;
	v25 =	vmin.f32 v25, $1.000000000e+00  }
0x25c: {  	v47 =	vshra.s32 v33, $0x1;
	v52 =	vmul.f32 v59, v14;
	v25 =	vmul.f32 v25, v60  }
0x25d: {  	v45 =	vmul.f32 $5.000000000e-01, v33;
	v62 =	vmul.f32 v59, v15;
	v50 =	vadd.f32 v61, v8  }
0x25e: {  	v44 =	vmul.f32 v59, v13;
	v52 =	vadd.f32 v52, v11;
	v25 =	vadd.f32 v25, v43  }
0x25f: {  	v63 =	vadd.f32 v62, v10;
	v57 =	vmul.f32 v50, v15;
	v58 =	vmul.f32 v50, v14  }
0x260: {  	v44 =	vadd.f32 v44, v12;
	v52 =	vmul.f32 v52, v52;
	v59 =	vmul.f32 v25, v9  }
0x261: {  	v50 =	vmul.f32 v50, v13;
	v53 =	vadd.f32 v57, v10;
	v54 =	vadd.f32 v58, v11  }
0x262: {  	v43 =	vmul.f32 v63, v63;
	v44 =	vmul.f32 v44, v44;
	v55 =	vadd.f32 v59, v8  }
0x263: {  	v50 =	vadd.f32 v50, v12;
	v60 =	vmul.f32 v54, v54;
	v53 =	vmul.f32 v53, v53  }
0x264: {  	v47 =	vsub.s32 $0x5F3759DF, v47;
	v61 =	vmul.f32 v55, v15;
	v62 =	vmul.f32 v55, v14  }
0x265: {  	v43 =	vadd.f32 v52, v43;
	v50 =	vmul.f32 v50, v50;
	v60 =	vadd.f32 v60, v53  }
0x266: {  	v55 =	vmul.f32 v55, v13;
	v61 =	vadd.f32 v61, v10;
	v62 =	vadd.f32 v62, v11  }
0x267: {  	v63 =	vmul.f32 v47, v45;
	v43 =	vadd.f32 v43, v44;
	v44 =	vadd.f32 v60, v50  }
0x268: {  	v55 =	vadd.f32 v55, v12;
	v60 =	vmul.f32 v62, v62;
	v52 =	vmul.f32 v61, v61  }
0x269: {  	v28 =	vshll.u32 v28, $0x4;
	v54 =	vmul.f32 v47, v63;
	v63 =	vshra.s32 v43, $0x1  }
0x26a: {  	v56 =	vmul.f32 $5.000000000e-01, v43;
	v55 =	vmul.f32 v55, v55;
	v50 =	vadd.f32 v60, v52  }
0x26b: {  	v31 =	vadd.s32 s31, v31;
	v51 =	vsub.f32 $1.500000000e+00, v51;
	v53 =	vsub.s32 $0x5F3759DF, v63  }
0x26c: {  	v61 =	vshra.s32 v44, $0x1;
	v62 =	vmul.f32 v53, v56;
	v50 =	vadd.f32 v50, v55  }
0x26d: {  	v63 =	vsub.f32 $1.500000000e+00, v54;
	v58 =	vmul.f32 $5.000000000e-01, v44;
	v57 =	vsub.s32 $0x5F3759DF, v61  }
0x26e: {  	v60 =	vmul.f32 v53, v62;
	v62 =	vshra.s32 v50, $0x1;
	v54 =	vmul.f32 $5.000000000e-01, v50  }
0x26f: {  	v46 =	vmul.f32 v51, v46;
	v59 =	vmul.f32 v57, v58;
	v52 =	vsub.s32 $0x5F3759DF, v62  }
0x270: {  	v47 =	vmul.f32 v47, v63;
	v51 =	vsub.f32 $1.500000000e+00, v60;
	v63 =	vmul.f32 v52, v54  }
0x271: {  	[tilespmem:v17+s18+$0x0] =	vst.idx.msk $0xffff, v36;
	v28 =	vor.u32 v0, v28;
	v17 =	vshll.u32 v31, $0x4;
	v61 =	vmul.f32 v57, v59  }
0x272: {  	v17 =	vor.u32 v0, v17;
	v51 =	vmul.f32 v53, v51;
	v53 =	vmul.f32 v52, v63  }
0x273: {  	v39 =	vmul.f32 v48, v39;
	v59 =	vmul.f32 v47, v45;
	v48 =	vsub.f32 $1.500000000e+00, v61  }
0x274: {  	v41 =	vadd.f32 $-1.000000000e+00, v41;
	v42 =	vmul.f32 v46, v42;
	v53 =	vsub.f32 $1.500000000e+00, v53  }
0x275: {  	v49 =	vadd.f32 $-1.000000000e+00, v49;
	v55 =	vmul.f32 v59, v47;
	v48 =	vmul.f32 v57, v48  }
0x276: {  	[tilespmem:v23+s18+$0x0] =	vst.idx.msk $0xffff, v41;
	v23 =	vadd.s32 s0, v35;
	v60 =	vmul.f32 v51, v56;
	v31 =	vmul.f32 v52, v53  }
0x277: {  	v42 =	vmul.f32 v42, v46;
	v55 =	vsub.f32 $1.500000000e+00, v55;
	v61 =	vmul.f32 v48, v58  }
0x278: {  	[tilespmem:v21+s16+$0x0] =	vst.idx.add.s32.msk $0xffff, v6;
	v21 =	vshll.u32 v23, $0x4;
	v36 =	vmul.f32 v60, v51;
	v62 =	vmul.f32 v31, v54  }
0x279: {  	[tilespmem:v18+s18+$0x0] =	vst.idx.msk $0xffff, v49;
	v18 =	vsub.f32 $1.500000000e+00, v42;
	v47 =	vmul.f32 v55, v47;
	v53 =	vmul.f32 v61, v48  }
0x27a: {  	[tilespmem:v24+s16+$0x0] =	vst.idx.add.s32.msk $0xffff, v6;
	v49 =	vadd.f32 $-1.000000000e+00, v39;
	v24 =	vsub.f32 $1.500000000e+00, v36;
	v55 =	vmul.f32 v62, v31  }
0x27b: {  	[tilespmem:v26+s17+$0x0] =	vst.idx.msk $0xffff, v29;
	v18 =	vmul.f32 v18, v46;
	v57 =	vmul.f32 v47, v45;
	v39 =	vsub.f32 $1.500000000e+00, v53  }
0x27c: {  	[tilespmem:v28+s17+$0x0] =	vst.idx.msk $0xffff, v32;
	v63 =	vadd.s32 s1, v38;
	v24 =	vmul.f32 v24, v51;
	v59 =	vsub.f32 $1.500000000e+00, v55  }
0x27d: {  	[tilespmem:v30+s16+$0x0] =	vst.idx.add.s32.msk $0xffff, v6;
	v29 =	vshll.u32 v63, $0x4;
	v32 =	vmul.f32 v57, v47;
	v60 =	vmul.f32 v39, v48  }
0x27e: {  	v29 =	vor.u32 v0, v29;
	v61 =	vmul.f32 v24, v56;
	v30 =	vmul.f32 v59, v31  }
0x27f: {  	[tilespmem:v17+s17+$0x0] =	vst.idx.msk $0xffff, v27;
	v18 =	vmul.f32 v18, v40;
	v27 =	vsub.f32 $1.500000000e+00, v32;
	v62 =	vmul.f32 v60, v58  }
0x280: {  	v21 =	vor.u32 v0, v21;
	v23 =	vmul.f32 v61, v24;
	v63 =	vmul.f32 v30, v54  }
0x281: {  	[tilespmem:v26+s18+$0x0] =	vst.idx.msk $0xffff, v49;
	v26 =	vadd.s32 s12, v37;
	v27 =	vmul.f32 v27, v47;
	v31 =	vmul.f32 v62, v60  }
0x282: {  	v26 =	vshll.u32 v26, $0x4;
	v23 =	vsub.f32 $1.500000000e+00, v23;
	v32 =	vmul.f32 v63, v30  }
0x283: {  	v18 =	vadd.f32 $-1.000000000e+00, v18;
	[tilespmem:v29+s17+$0x0] =	vst.idx.msk $0xffff, v19;
	v19 =	vmul.f32 v27, v33;
	v27 =	vsub.f32 $1.500000000e+00, v31  }
0x284: {  	[tilespmem:v20+s16+$0x0] =	vst.idx.add.s32.msk $0xffff, v6;
	v20 =	vor.u32 v0, v26;
	v23 =	vmul.f32 v23, v24;
	v24 =	vsub.f32 $1.500000000e+00, v32  }
0x285: {  	[tilespmem:v28+s18+$0x0] =	vst.idx.msk $0xffff, v18;
	v18 =	vmul.f32 v27, v60  }
0x286: {  	[tilespmem:v21+s17+$0x0] =	vst.idx.msk $0xffff, v22;
	v19 =	vadd.f32 $-1.000000000e+00, v19;
	v22 =	vmul.f32 v23, v43;
	v23 =	vmul.f32 v24, v30  }
0x287: {  	[tilespmem:v34+s16+$0x0] =	vst.idx.add.s32.msk $0xffff, v6;
	v18 =	vmul.f32 v18, v44  }
0x288: {  	[tilespmem:v17+s18+$0x0] =	vst.idx.msk $0xffff, v19;
	v17 =	vadd.f32 $-1.000000000e+00, v22;
	v19 =	vmul.f32 v23, v50  }
0x289: {  	[tilespmem:v20+s17+$0x0] =	vst.idx.msk $0xffff, v25;
	v18 =	vadd.f32 $-1.000000000e+00, v18  }
0x28a: {  	[tilespmem:v29+s18+$0x0] =	vst.idx.msk $0xffff, v17;
	v17 =	vadd.f32 $-1.000000000e+00, v19  }
0x28b: {  	[tilespmem:v21+s18+$0x0] =	vst.idx.msk $0xffff, v18  }
0x28c: {  	[tilespmem:v20+s18+$0x0] =	vst.idx.msk $0xffff, v17  }
0x28d: {  	v18 =	vld.idx.msk [tilespmem:v5+s14+$0x0], $0xffff;
	_ =	sdelay $0x2  }
0x28e: {  	v17 =	vmul.f32 $9.705882660e-01, v16;
	_ =	sdelay $0x1  }
0x28f: {  	v21 =	vimm.s32 $0x0;
	vm9 =	vle.f32 v18, v17  }
0x290: {  	v16 =	vsel vm9, $0x40, v21  }
0x291: {  	v18 =	vor.u32 $0x20, v16  }
0x292: {  	v18 =	vmin.u32 v18, $0x40  }
0x293: {  	v19 =	vshll.u32 v18, $0x4  }
0x294: {  	v19 =	vor.u32 v0, v19;
	_ =	sdelay $0x4  }
0x295: {  	v19 =	vld.idx.msk [tilespmem:v19+s14+$0x0], $0xffff;
	_ =	sdelay $0x4  }
0x296: {  	vm10 =	vle.f32 v19, v17  }
0x297: {  	v16 =	vsel vm10, v18, v16  }
0x298: {  	v18 =	vor.u32 $0x10, v16  }
0x299: {  	v18 =	vmin.u32 v18, $0x40  }
0x29a: {  	v19 =	vshll.u32 v18, $0x4  }
0x29b: {  	v20 =	vor.u32 v0, v19  }
0x29c: {  	v20 =	vand.u32 $0x7F, v20  }
0x29d: {  	v19 =	vadd.s32 v19, v20;
	_ =	sdelay $0x4  }
0x29e: {  	v19 =	vld.idx.msk [tilespmem:v19+s14+$0x0], $0xffff;
	_ =	sdelay $0x4  }
0x29f: {  	vm11 =	vle.f32 v19, v17  }
0x2a0: {  	v16 =	vsel vm11, v18, v16  }
0x2a1: {  	v18 =	vmin.u32 v16, $0x38  }
0x2a2: {  	v18 =	vadd.s32 $0x8, v18  }
0x2a3: {  	v19 =	vshll.u32 v18, $0x4  }
0x2a4: {  	v19 =	vor.u32 v0, v19;
	_ =	sdelay $0x4  }
0x2a5: {  	v19 =	vld.idx.msk [tilespmem:v19+s14+$0x0], $0xffff;
	_ =	sdelay $0x4  }
0x2a6: {  	vm12 =	vle.f32 v19, v17  }
0x2a7: {  	v16 =	vsel vm12, v18, v16  }
0x2a8: {  	v18 =	vmin.u32 v16, $0x3C  }
0x2a9: {  	v18 =	vadd.s32 $0x4, v18  }
0x2aa: {  	v19 =	vshll.u32 v18, $0x4  }
0x2ab: {  	v19 =	vor.u32 v0, v19;
	_ =	sdelay $0x4  }
0x2ac: {  	v19 =	vld.idx.msk [tilespmem:v19+s14+$0x0], $0xffff;
	_ =	sdelay $0x4  }
0x2ad: {  	vm13 =	vle.f32 v19, v17  }
0x2ae: {  	v16 =	vsel vm13, v18, v16  }
0x2af: {  	v18 =	vmin.u32 v16, $0x3E  }
0x2b0: {  	v18 =	vadd.s32 $0x2, v18  }
0x2b1: {  	v19 =	vshll.u32 v18, $0x4  }
0x2b2: {  	v19 =	vor.u32 v0, v19;
	_ =	sdelay $0x4  }
0x2b3: {  	v19 =	vld.idx.msk [tilespmem:v19+s14+$0x0], $0xffff;
	_ =	sdelay $0x4  }
0x2b4: {  	vm14 =	vle.f32 v19, v17  }
0x2b5: {  	v16 =	vsel vm14, v18, v16  }
0x2b6: {  	v18 =	vmin.u32 v16, $0x3F  }
0x2b7: {  	v18 =	vadd.s32 $0x1, v18  }
0x2b8: {  	v19 =	vshll.u32 v18, $0x4  }
0x2b9: {  	v19 =	vor.u32 v0, v19;
	_ =	sdelay $0x4  }
0x2ba: {  	v19 =	vld.idx.msk [tilespmem:v19+s14+$0x0], $0xffff;
	_ =	sdelay $0x4  }
0x2bb: {  	vm15 =	vle.f32 v19, v17  }
0x2bc: {  	v16 =	vsel vm15, v18, v16  }
0x2bd: {  	v18 =	vshll.u32 v16, $0x4  }
0x2be: {  	v16 =	vor.u32 $0x10, v0;
	v19 =	vor.u32 v0, v18  }
0x2bf: {  	v23 =	vadd.s32 v16, v18;
	_ =	sdelay $0x1  }
0x2c0: {  	s13 =	simm.s32 $0x16B80  }
0x2c1: {  	v24 =	vld [tilespmem:s13+$0x0]  }
0x2c2: {  	v20 =	vld.idx.msk [tilespmem:v19+s14+$0x0], $0xffff  }
0x2c3: {  	s30 =	simm.s32 $0x17400;
	v22 =	vld.idx.msk [tilespmem:v23+s14+$0x0], $0xffff  }
0x2c4: {  	v18 =	vld.idx.msk [tilespmem:v19+s30+$0x0], $0xffff  }
0x2c5: {  	s5 =	simm.s32 $0x16B90;
	v19 =	vld.idx.msk [tilespmem:v23+s30+$0x0], $0xffff  }
0x2c6: {  	s4 =	simm.s32 $0x0;
	v23 =	vadd.s32 v21, v24;
	v24 =	vld [tilespmem:s5+$0x0]  }
0x2c7: {  	v21 =	vadd.s32 s4, v23  }
0x2c8: {  	[tilespmem:s13+$0x0] =	vst v2;
	v21 =	vshll.u32 v21, $0x4  }
0x2c9: {  	v25 =	vld [tilespmem:s30+$0x0];
	v21 =	vor.u32 v0, v21;
	_ =	sdelay $0x1  }
0x2ca: {  	s31 =	simm.s32 $0x1;
	s1 =	simm.s32 $0x16BA0;
	v27 =	vadd.s32 v23, v24  }
0x2cb: {  	v26 =	vld [tilespmem:s1+$0x0];
	v23 =	vadd.s32 s31, v27  }
0x2cc: {  	[tilespmem:s5+$0x0] =	vst v2;
	s4 =	simm.s32 $0x17410;
	v23 =	vshll.u32 v23, $0x4  }
0x2cd: {  	s0 =	simm.s32 $0x17880;
	[tilespmem:v21+s17+$0x0] =	vst.idx.msk $0xffff, v25;
	v25 =	vld [tilespmem:s4+$0x0];
	v23 =	vor.u32 v0, v23  }
0x2ce: {  	v24 =	vld [tilespmem:s0+$0x0];
	_ =	sdelay $0x1  }
0x2cf: {  	s6 =	simm.s32 $0x3;
	s12 =	simm.s32 $0x16BB0;
	s5 =	simm.s32 $0x2;
	v26 =	vadd.s32 v27, v26  }
.LBB2_13:
0x2d0: {  	v27 =	vld [tilespmem:s12+$0x0];
	[tilespmem:s1+$0x0] =	vst v2;
	v28 =	vadd.s32 s5, v26;
	s5 =	smov.u32 s6;
	s1 =	smov.u32 s12;
	p0 =	sne.s32 s6, $0x3F  }
.Ltmp5:
0x2d1: {  	s6 =	sadd.s32 $0x1, s6;
	s4 =	sadd.s32 $0x10, s4;
	v28 =	vshll.u32 v28, $0x4;
	[tilespmem:v23+s17+$0x0] =	vst.idx.msk $0xffff, v25;
	(pc) =	sbr.rel @p0 .LBB2_13-.Ltmp5, $3  }
0x2d2: {  	s0 =	sadd.s32 $0x10, s0;
	v25 =	vld [tilespmem:s4+$0x0];
	[tilespmem:v21+s18+$0x0] =	vst.idx.msk $0xffff, v24;
	v21 =	vmov v23;
	v23 =	vor.u32 v0, v28  }
0x2d3: {  	v24 =	vld [tilespmem:s0+$0x0];
	_ =	sdelay $0x1  }
0x2d4: {  	s12 =	sadd.s32 $0x10, s12;
	v26 =	vadd.s32 v26, v27  }
0x2d5: {  	v22 =	vsub.f32 v22, v20  }
0x2d6: {  	v26 =	vadd.s32 s5, v26  }
0x2d7: {  	[tilespmem:s1+$0x0] =	vst v2;
	s31 =	sadd.s32 $0x10, s4;
	v26 =	vshll.u32 v26, $0x4;
	(erf) = vrcp.f32 v22  }
0x2d8: {  	v22 =	vld [tilespmem:s31+$0x0];
	v26 =	vor.u32 v0, v26;
	_ =	sdelay $0x3  }
0x2d9: {  	s0 =	sadd.s32 $0x10, s0;
	[tilespmem:v23+s17+$0x0] =	vst.idx.msk $0xffff, v25  }
0x2da: {  	v25 =	vld [tilespmem:s0+$0x0];
	s0 =	sadd.s32 $0x10, s0;
	[tilespmem:v26+s17+$0x0] =	vst.idx.msk $0xffff, v22  }
0x2db: {  	v22 =	vld [tilespmem:s0+$0x0]  }
0x2dc: {  	v17 =	vsub.f32 v17, v20  }
0x2dd: {  	v20 =	vpop (erf)  }
0x2de: {  	[tilespmem:v21+s18+$0x0] =	vst.idx.msk $0xffff, v24;
	v17 =	vmul.f32 v20, v17  }
0x2df: {  	[tilespmem:v23+s18+$0x0] =	vst.idx.msk $0xffff, v25  }
0x2e0: {  	v19 =	vsub.f32 v19, v18;
	[tilespmem:v26+s18+$0x0] =	vst.idx.msk $0xffff, v22;
	v17 =	vmax.f32 v17, $0.0e+00  }
0x2e1: {  	v20 =	vld [tilespmem:$0x17800];
	v17 =	vmin.f32 v17, $1.000000000e+00  }
0x2e2: {  	v17 =	vmul.f32 v17, v19;
	_ =	sdelay $0x1  }
0x2e3: {  	v17 =	vadd.f32 v17, v18;
	_ =	sdelay $0x1  }
0x2e4: {  	[tilespmem:$0x16F80] =	vst v2;
	v17 =	vmax.f32 v20, v17  }
0x2e5: {  	s0 =	simm.s32 $0x0;
	[tilespmem:$0x15780] =	vst v17  }
0x2e6: {  	v17 =	vld [tilespmem:s0+$0x15280]  }
0x2e7: {  	v18 =	vld [tilespmem:s0+$0x15290];
	_ =	sdelay $0x4  }
0x2e8: {  	v17 =	vsub.f32 v18, v17;
	_ =	sdelay $0x1  }
0x2e9: {  	v18 =	vmul.f32 v17, v9;
	_ =	sdelay $0x1  }
0x2ea: {  	s1 =	simm.s32 $0x10;
	v17 =	vadd.f32 $9.999999740e-06, v18  }
0x2eb: {  	v19 =	vld [tilespmem:s1+$0x15280]  }
0x2ec: {  	(erf) = vrcp.f32 v17;
	v17 =	vld [tilespmem:s1+$0x15290];
	_ =	sdelay $0x1  }
0x2ed: {  	v20 =	vld [tilespmem:s0+$0x15B10]  }
0x2ee: {  	v21 =	vld [tilespmem:s0+$0x15B00];
	_ =	sdelay $0x1  }
0x2ef: {  	v17 =	vsub.f32 v17, v19;
	_ =	sdelay $0x2  }
0x2f0: {  	v19 =	vsub.f32 v20, v21  }
0x2f1: {  	v22 =	vmul.f32 v17, v9;
	v17 =	vpop (erf)  }
0x2f2: {  	v19 =	vmul.f32 v17, v19  }
0x2f3: {  	v17 =	vimm.f32 $0.0e+00  }
0x2f4: {  	s4 =	simm.s32 $0x20;
	v23 =	vadd.f32 $9.999999740e-06, v22;
	v25 =	vmin.f32 v17, v19  }
0x2f5: {  	v24 =	vld [tilespmem:s4+$0x15280];
	v25 =	vmax.f32 v25, $-1.000000000e+03  }
0x2f6: {  	(erf) = vrcp.f32 v23;
	v23 =	vld [tilespmem:s4+$0x15290];
	v25 =	vmin.f32 v25, $0.0e+00  }
0x2f7: {  	v18 =	vmul.f32 v25, v18  }
0x2f8: {  	v26 =	vld [tilespmem:s1+$0x15B10]  }
0x2f9: {  	v27 =	vld [tilespmem:s1+$0x15B00];
	v18 =	vmul.f32 $5.000000000e-01, v18  }
0x2fa: {  	v20 =	vadd.f32 v20, v21  }
0x2fb: {  	v21 =	vsub.f32 v23, v24;
	v23 =	vsub.f32 $0.0e+00, v18  }
0x2fc: {  	v20 =	vmul.f32 $5.000000000e-01, v20  }
0x2fd: {  	v21 =	vmul.f32 v21, v9  }
0x2fe: {  	v24 =	vsub.f32 v26, v27;
	v18 =	vsub.f32 v18, v20  }
0x2ff: {  	v25 =	vadd.f32 $9.999999740e-06, v21;
	v20 =	vsub.f32 v23, v20;
	v23 =	vpop (erf)  }
0x300: {  	v23 =	vmul.f32 v23, v24  }
0x301: {  	s12 =	simm.s32 $0x30;
	v28 =	vld [tilespmem:s4+$0x15B10];
	v18 =	vmul.f32 $1.280000000e+02, v18;
	(erf) = vrcp.f32 v25  }
0x302: {  	v25 =	vld [tilespmem:s12+$0x15290];
	v20 =	vmul.f32 $1.280000000e+02, v20;
	v19 =	vmin.f32 v19, v23  }
0x303: {  	v18 =	vmin.f32 v18, $4.000000000e+01;
	v24 =	vld [tilespmem:s12+$0x15280];
	v19 =	vmax.f32 v19, $-1.000000000e+03  }
0x304: {  	v29 =	vld [tilespmem:s4+$0x15B00];
	v18 =	vmul.f32 $1.442695020e+00, v18;
	v20 =	vmin.f32 v20, $4.000000000e+01;
	v19 =	vmin.f32 v19, $0.0e+00  }
0x305: {  	v20 =	vmul.f32 $1.442695020e+00, v20;
	v19 =	vmul.f32 v19, v22  }
0x306: {  	(erf) = vpow2.f32 v18;
	v18 =	vadd.f32 v26, v27  }
0x307: {  	(erf) = vpow2.f32 v20;
	v19 =	vmul.f32 $5.000000000e-01, v19  }
0x308: {  	v18 =	vmul.f32 $5.000000000e-01, v18;
	v20 =	vsub.f32 v25, v24  }
0x309: {  	v24 =	vsub.f32 v28, v29;
	v22 =	vsub.f32 $0.0e+00, v19  }
0x30a: {  	v20 =	vmul.f32 v20, v9;
	v25 =	vpop (erf);
	v19 =	vsub.f32 v19, v18  }
0x30b: {  	v24 =	vmul.f32 v25, v24;
	v18 =	vsub.f32 v22, v18  }
0x30c: {  	v22 =	vadd.f32 $9.999999740e-06, v20;
	v19 =	vmul.f32 $1.280000000e+02, v19  }
0x30d: {  	s13 =	simm.s32 $0x40;
	v23 =	vmin.f32 v23, v24;
	v18 =	vmul.f32 $1.280000000e+02, v18  }
0x30e: {  	v27 =	vld [tilespmem:s13+$0x15290];
	v23 =	vmax.f32 v23, $-1.000000000e+03;
	(erf) = vrcp.f32 v22;
	v19 =	vmin.f32 v19, $4.000000000e+01  }
0x30f: {  	v26 =	vpop (erf);
	v23 =	vmin.f32 v23, $0.0e+00;
	v22 =	vld [tilespmem:s13+$0x15280];
	v19 =	vmul.f32 $1.442695020e+00, v19;
	v18 =	vmin.f32 v18, $4.000000000e+01  }
0x310: {  	v31 =	vld [tilespmem:s12+$0x15B00];
	v32 =	vadd.f32 $1.000000000e+00, v26;
	v30 =	vpop (erf);
	v21 =	vmul.f32 v23, v21;
	v18 =	vmul.f32 $1.442695020e+00, v18  }
0x311: {  	v25 =	vld [tilespmem:s12+$0x15B10];
	v23 =	vadd.f32 v28, v29;
	v33 =	vadd.f32 $1.000000000e+00, v30;
	(erf) = vpow2.f32 v19  }
0x312: {  	v21 =	vmul.f32 $5.000000000e-01, v21;
	(erf) = vpow2.f32 v18  }
0x313: {  	v23 =	vmul.f32 $5.000000000e-01, v23;
	v19 =	vmul.f32 v33, v32  }
0x314: {  	v18 =	vsub.f32 v27, v22  }
0x315: {  	v28 =	vmul.f32 $9.999999740e-06, v19;
	v19 =	vsub.f32 $0.0e+00, v21;
	v27 =	vsub.f32 v21, v23  }
0x316: {  	v22 =	vsub.f32 v25, v31;
	v21 =	vmul.f32 v18, v9  }
0x317: {  	s5 =	simm.s32 $0x50;
	v56 =	vadd.f32 v28, v33;
	v19 =	vsub.f32 v19, v23;
	v23 =	vmul.f32 $1.280000000e+02, v27;
	v29 =	vpop (erf)  }
0x318: {  	v57 =	vld [tilespmem:s5+$0x15280];
	v26 =	vsub.f32 v30, v26;
	v27 =	vadd.f32 $9.999999740e-06, v21;
	v22 =	vmul.f32 v29, v22  }
0x319: {  	v34 =	vld [tilespmem:s5+$0x15290];
	(erf) = vrcp.f32 v56;
	v19 =	vmul.f32 $1.280000000e+02, v19;
	v23 =	vmin.f32 v23, $4.000000000e+01  }
0x31a: {  	v25 =	vadd.f32 v25, v31;
	v31 =	vld [tilespmem:s13+$0x15B00];
	v23 =	vmul.f32 $1.442695020e+00, v23;
	v24 =	vmin.f32 v24, v22;
	v58 =	vpop (erf)  }
0x31b: {  	v29 =	vld [tilespmem:s13+$0x15B10];
	(erf) = vrcp.f32 v27;
	v19 =	vmin.f32 v19, $4.000000000e+01;
	v24 =	vmax.f32 v24, $-1.000000000e+03;
	v30 =	vpop (erf)  }
0x31c: {  	v36 =	vadd.f32 $1.000000000e+00, v58;
	v24 =	vmin.f32 v24, $0.0e+00;
	v37 =	vadd.f32 $1.000000000e+00, v30  }
0x31d: {  	v35 =	vmul.f32 $1.442695020e+00, v19;
	v20 =	vmul.f32 v24, v20  }
0x31e: {  	(erf) = vpow2.f32 v23;
	v19 =	vsub.f32 v30, v58;
	v30 =	vmul.f32 v37, v36  }
0x31f: {  	v25 =	vmul.f32 $5.000000000e-01, v25;
	v26 =	vadd.f32 v28, v26;
	v27 =	vld [tilespmem:s5+$0x15B00];
	v20 =	vmul.f32 $5.000000000e-01, v20  }
0x320: {  	v28 =	vsub.f32 v34, v57;
	(erf) = vpow2.f32 v35;
	v24 =	vld [tilespmem:s5+$0x15B10];
	v23 =	vadd.f32 v29, v31  }
0x321: {  	v60 =	vsub.f32 v29, v31;
	v59 =	vsub.f32 $0.0e+00, v20  }
0x322: {  	v29 =	vmul.f32 v28, v9;
	v31 =	vsub.f32 v20, v25;
	v20 =	vmul.f32 $9.999999740e-06, v30;
	v30 =	vpop (erf)  }
0x323: {  	v18 =	vimm.f32 $1.000000000e+00;
	v61 =	vsub.f32 v59, v25;
	v25 =	vmul.f32 v30, v26  }
0x324: {  	v62 =	vmul.f32 $1.280000000e+02, v31;
	v63 =	vadd.f32 v20, v37;
	v31 =	vadd.f32 $9.999999740e-06, v29;
	v28 =	vpop (erf)  }
0x325: {  	v26 =	vadd.f32 v24, v27;
	v30 =	vmul.f32 v28, v60;
	v28 =	vmul.f32 v25, v18  }
0x326: {  	s6 =	simm.s32 $0x180;
	v32 =	vmin.f32 v62, $4.000000000e+01;
	v33 =	vmul.f32 $1.280000000e+02, v61;
	(erf) = vrcp.f32 v63  }
.LBB2_15:
0x327: {  	s30 =	sshra.s32 s6, $0x2;
	p0 =	sne.s32 s6, $0x1380;
	s6 =	sadd.s32 $0x40, s6;
	v36 =	vmin.f32 v22, v30;
	v34 =	vpop (erf);
	v17 =	vadd.f32 v28, v17;
	v25 =	vsub.f32 $1.000000120e+00, v25  }
0x328: {  	v22 =	vmovc v30;
	v28 =	vld [tilespmem:s30+$0x15280];
	(erf) = vrcp.f32 v31;
	v31 =	vmax.f32 v36, $-1.000000000e+03;
	v33 =	vmin.f32 v33, $4.000000000e+01  }
0x329: {  	v32 =	vmul.f32 $1.442695020e+00, v32;
	v30 =	vld [tilespmem:s30+$0x15290];
	v31 =	vmin.f32 v31, $0.0e+00;
	v35 =	vpop (erf);
	v17 =	vadd.f32 $9.999999740e-06, v17  }
0x32a: {  	v36 =	vadd.f32 $1.000000000e+00, v34;
	v33 =	vmul.f32 $1.442695020e+00, v33;
	v31 =	vmul.f32 v31, v21;
	v21 =	vmovc v29  }
0x32b: {  	v18 =	vmul.f32 v25, v18;
	v37 =	vld [tilespmem:s30+$0x15B10];
	(erf) = vpow2.f32 v32;
	v32 =	vadd.f32 $1.000000000e+00, v35;
	[tilespmem:s0+$0x16310] =	vst v17;
	s0 =	smov.u32 s1;
	s1 =	smov.u32 s4;
	s4 =	smov.u32 s12  }
0x32c: {  	v25 =	vmul.f32 $5.000000000e-01, v23;
	v23 =	vmovc v26;
	s12 =	smov.u32 s13;
	s13 =	smov.u32 s5;
	s5 =	smov.u32 s30;
	v38 =	vld [tilespmem:s30+$0x15B00];
	v29 =	vmul.f32 $5.000000000e-01, v31;
	v31 =	vsub.f32 v35, v34  }
0x32d: {  	(erf) = vpow2.f32 v33;
	v26 =	vmul.f32 v32, v36;
	v33 =	vadd.f32 v20, v19  }
0x32e: {  	v35 =	vsub.f32 v30, v28;
	v30 =	vsub.f32 $0.0e+00, v29;
	v19 =	vmov v31  }
.Ltmp6:
0x32f: {  	v36 =	vsub.f32 v24, v27;
	v31 =	vsub.f32 v29, v25;
	v20 =	vmul.f32 $9.999999740e-06, v26;
	v24 =	vpop (erf);
	(pc) =	sbr.rel @p0 .LBB2_15-.Ltmp6, $4  }
0x330: {  	v29 =	vmul.f32 v35, v9;
	v34 =	vsub.f32 v30, v25;
	v25 =	vmul.f32 v24, v33;
	v24 =	vmovc v37  }
0x331: {  	v33 =	vmul.f32 $1.280000000e+02, v31;
	v26 =	vadd.f32 v24, v38;
	v28 =	vpop (erf);
	v35 =	vadd.f32 v20, v32  }
0x332: {  	v27 =	vmovc v38;
	v31 =	vadd.f32 $9.999999740e-06, v29;
	v30 =	vmul.f32 v28, v36;
	v28 =	vmul.f32 v25, v18  }
0x333: {  	v32 =	vmin.f32 v33, $4.000000000e+01;
	v33 =	vmul.f32 $1.280000000e+02, v34;
	(erf) = vrcp.f32 v35  }
0x334: {  	(erf) = vrcp.f32 v31;
	_ =	sdelay $0x3  }
0x335: {  	v22 =	vmin.f32 v22, v30  }
0x336: {  	v32 =	vmul.f32 $1.442695020e+00, v32;
	v31 =	vmin.f32 v33, $4.000000000e+01;
	v22 =	vmax.f32 v22, $-1.000000000e+03  }
0x337: {  	v44 =	vpop (erf);
	v31 =	vmul.f32 $1.442695020e+00, v31;
	v22 =	vmin.f32 v22, $0.0e+00  }
0x338: {  	v34 =	vpop (erf);
	(erf) = vpow2.f32 v32  }
0x339: {  	v24 =	vsub.f32 v24, v27;
	(erf) = vpow2.f32 v31;
	v27 =	vpop (erf)  }
0x33a: {  	v21 =	vmul.f32 v22, v21;
	v22 =	vpop (erf)  }
0x33b: {  	v22 =	vmul.f32 v22, v24  }
0x33c: {  	v31 =	vadd.f32 $1.000000000e+00, v34;
	v24 =	vadd.f32 $1.000000000e+00, v44  }
0x33d: {  	v21 =	vmul.f32 $5.000000000e-01, v21;
	v22 =	vmin.f32 v30, v22  }
0x33e: {  	v23 =	vmul.f32 $5.000000000e-01, v23;
	v24 =	vmul.f32 v31, v24;
	v22 =	vmax.f32 v22, $-1.000000000e+03  }
0x33f: {  	v30 =	vsub.f32 $0.0e+00, v21;
	v22 =	vmin.f32 v22, $0.0e+00  }
0x340: {  	v21 =	vsub.f32 v21, v23;
	v24 =	vmul.f32 $9.999999740e-06, v24;
	v22 =	vmul.f32 v22, v29  }
0x341: {  	v26 =	vmul.f32 $5.000000000e-01, v26;
	v23 =	vsub.f32 v30, v23;
	v29 =	vpop (erf)  }
0x342: {  	v21 =	vmul.f32 $1.280000000e+02, v21;
	v30 =	vadd.f32 v24, v31;
	v31 =	vpop (erf);
	v22 =	vmul.f32 $5.000000000e-01, v22  }
0x343: {  	v23 =	vmul.f32 $1.280000000e+02, v23;
	v45 =	vadd.f32 $1.000000000e+00, v29;
	v35 =	vadd.f32 $1.000000000e+00, v31  }
0x344: {  	v21 =	vmin.f32 v21, $4.000000000e+01;
	(erf) = vrcp.f32 v30;
	v30 =	vsub.f32 $0.0e+00, v22  }
0x345: {  	v23 =	vmin.f32 v23, $4.000000000e+01;
	v32 =	vmul.f32 v35, v45;
	v22 =	vsub.f32 v22, v26  }
0x346: {  	v21 =	vmul.f32 $1.442695020e+00, v21;
	v23 =	vmul.f32 $1.442695020e+00, v23;
	v26 =	vsub.f32 v30, v26  }
0x347: {  	v30 =	vmul.f32 $9.999999740e-06, v32;
	v22 =	vmul.f32 $1.280000000e+02, v22  }
0x348: {  	(erf) = vpow2.f32 v21;
	v21 =	vmul.f32 $1.280000000e+02, v26  }
0x349: {  	(erf) = vpow2.f32 v23;
	v23 =	vadd.f32 v30, v35;
	v22 =	vmin.f32 v22, $4.000000000e+01  }
0x34a: {  	v22 =	vmul.f32 $1.442695020e+00, v22;
	v21 =	vmin.f32 v21, $4.000000000e+01  }
0x34b: {  	(erf) = vrcp.f32 v23;
	v21 =	vmul.f32 $1.442695020e+00, v21  }
0x34c: {  	(erf) = vpow2.f32 v22  }
0x34d: {  	(erf) = vpow2.f32 v21;
	_ =	sdelay $0x2  }
0x34e: {  	v21 =	vpop (erf)  }
0x34f: {  	v22 =	vpop (erf)  }
0x350: {  	v25 =	vsub.f32 $1.000000120e+00, v25;
	v23 =	vpop (erf)  }
0x351: {  	v26 =	vadd.f32 $1.000000000e+00, v22;
	v46 =	vadd.f32 $1.000000000e+00, v23  }
0x352: {  	v19 =	vadd.f32 v20, v19;
	v20 =	vpop (erf)  }
0x353: {  	v26 =	vmul.f32 v46, v26;
	v47 =	vpop (erf)  }
0x354: {  	v17 =	vadd.f32 v28, v17;
	v18 =	vmul.f32 v25, v18;
	v19 =	vmul.f32 v27, v19;
	v25 =	vpop (erf)  }
0x355: {  	v27 =	vadd.f32 $1.000000000e+00, v47;
	v26 =	vmul.f32 $9.999999740e-06, v26;
	v28 =	vadd.f32 $1.000000000e+00, v25  }
0x356: {  	v33 =	vsub.f32 v34, v44  }
0x357: {  	v32 =	vadd.f32 v26, v46;
	v27 =	vmul.f32 v28, v27  }
0x358: {  	v48 =	vmul.f32 v19, v18;
	v19 =	vsub.f32 $1.000000120e+00, v19;
	v24 =	vadd.f32 v24, v33  }
0x359: {  	v17 =	vadd.f32 $9.999999740e-06, v17;
	(erf) = vrcp.f32 v32;
	v27 =	vmul.f32 $9.999999740e-06, v27  }
0x35a: {  	v18 =	vmul.f32 v19, v18;
	v19 =	vsub.f32 v31, v29;
	v21 =	vmul.f32 v21, v24  }
0x35b: {  	v49 =	vadd.f32 v48, v17;
	v28 =	vadd.f32 v27, v28  }
0x35c: {  	v19 =	vadd.f32 v30, v19;
	v29 =	vmul.f32 v21, v18;
	v21 =	vsub.f32 $1.000000120e+00, v21  }
0x35d: {  	v24 =	vadd.f32 $9.999999740e-06, v49;
	(erf) = vrcp.f32 v28  }
0x35e: {  	v18 =	vmul.f32 v21, v18;
	v19 =	vmul.f32 v20, v19  }
0x35f: {  	v20 =	vsub.f32 v23, v22;
	v28 =	vadd.f32 v29, v24  }
0x360: {  	v22 =	vmul.f32 v19, v18;
	v19 =	vsub.f32 $1.000000120e+00, v19  }
0x361: {  	v20 =	vadd.f32 v26, v20;
	v21 =	vadd.f32 $9.999999740e-06, v28  }
0x362: {  	v18 =	vmul.f32 v19, v18;
	v19 =	vsub.f32 v25, v47;
	v23 =	vpop (erf)  }
0x363: {  	v22 =	vadd.f32 v22, v21;
	v20 =	vmul.f32 v23, v20  }
0x364: {  	v19 =	vadd.f32 v27, v19  }
0x365: {  	v22 =	vadd.f32 $9.999999740e-06, v22;
	v23 =	vmul.f32 v20, v18;
	v20 =	vsub.f32 $1.000000120e+00, v20  }
0x366: {  	v25 =	vpop (erf)  }
0x367: {  	v23 =	vadd.f32 v23, v22;
	v18 =	vmul.f32 v20, v18;
	v19 =	vmul.f32 v25, v19;
	_ =	sdelay $0x1  }
0x368: {  	v20 =	vadd.f32 $9.999999740e-06, v23;
	v18 =	vmul.f32 v19, v18;
	_ =	sdelay $0x1  }
0x369: {  	[tilespmem:s0+$0x16310] =	vst v17;
	v17 =	vadd.f32 v18, v20  }
0x36a: {  	[tilespmem:s1+$0x16310] =	vst v24  }
0x36b: {  	[tilespmem:s4+$0x16310] =	vst v21;
	v18 =	vadd.f32 $9.999999740e-06, v17  }
0x36c: {  	s0 =	simm.s32 $0x0;
	[tilespmem:s12+$0x16310] =	vst v22  }
0x36d: {  	s4 =	scvt.s32.f32 s0;
	[tilespmem:s13+$0x16310] =	vst v20;
	v17 =	vadd.f32 $9.999999740e-06, v18  }
0x36e: {  	[tilespmem:s5+$0x16310] =	vst v18  }
0x36f: {  	s1 =	smul.f32 $5.882352960e-02, s4;
	[tilespmem:$0x16800] =	vst v17  }
0x370: {  	v19 =	vld.idx.msk [tilespmem:v5+s14+$0x0], $0xffff  }
0x371: {  	s1 =	sadd.f32 $2.941176480e-02, s1;
	_ =	sdelay $0x1  }
0x372: {  	v18 =	vmul.f32 s1, v17;
	_ =	sdelay $0x1  }
0x373: {  	vm0 =	vle.f32 v19, v18  }
0x374: {  	v19 =	vsel vm0, $0x40, v2  }
0x375: {  	v20 =	vor.u32 $0x20, v19  }
0x376: {  	v20 =	vmin.u32 v20, $0x50  }
0x377: {  	v21 =	vshll.u32 v20, $0x4  }
0x378: {  	v21 =	vor.u32 v0, v21;
	_ =	sdelay $0x3  }
0x379: {  	s5 =	simm.s32 $0x1  }
0x37a: {  	s6 =	scvt.s32.f32 s5;
	v21 =	vld.idx.msk [tilespmem:v21+s14+$0x0], $0xffff;
	_ =	sdelay $0x1  }
0x37b: {  	s1 =	smul.f32 $5.882352960e-02, s6  }
0x37c: {  	v22 =	vld.idx.msk [tilespmem:v5+s14+$0x0], $0xffff  }
0x37d: {  	s1 =	sadd.f32 $2.941176480e-02, s1  }
0x37e: {  	vm9 =	vle.f32 v21, v18  }
0x37f: {  	v20 =	vsel vm9, v20, v19;
	v19 =	vmul.f32 s1, v17  }
0x380: {  	v21 =	vmin.u32 v20, $0x40  }
0x381: {  	v21 =	vadd.s32 $0x10, v21;
	vm10 =	vle.f32 v22, v19  }
0x382: {  	v23 =	vshll.u32 v21, $0x4;
	v25 =	vsel vm10, $0x40, v2  }
0x383: {  	v22 =	vor.u32 v0, v23;
	v24 =	vor.u32 $0x20, v25  }
0x384: {  	v22 =	vand.u32 $0x7F, v22;
	v26 =	vmin.u32 v24, $0x50  }
0x385: {  	v22 =	vadd.s32 v23, v22;
	v23 =	vshll.u32 v26, $0x4  }
0x386: {  	v23 =	vor.u32 v0, v23  }
0x387: {  	s12 =	simm.s32 $0x2  }
0x388: {  	s7 =	scvt.s32.f32 s12  }
0x389: {  	v27 =	vld.idx.msk [tilespmem:v5+s14+$0x0], $0xffff  }
0x38a: {  	s1 =	smul.f32 $5.882352960e-02, s7;
	v22 =	vld.idx.msk [tilespmem:v22+s14+$0x0], $0xffff  }
0x38b: {  	v23 =	vld.idx.msk [tilespmem:v23+s14+$0x0], $0xffff  }
0x38c: {  	s1 =	sadd.f32 $2.941176480e-02, s1;
	_ =	sdelay $0x1  }
0x38d: {  	v24 =	vmul.f32 s1, v17  }
0x38e: {  	vm11 =	vle.f32 v22, v18  }
0x38f: {  	vm13 =	vle.f32 v27, v24;
	v20 =	vsel vm11, v21, v20;
	vm12 =	vle.f32 v23, v19  }
0x390: {  	v21 =	vmin.u32 v20, $0x48;
	v22 =	vsel vm12, v26, v25;
	v26 =	vsel vm13, $0x40, v2  }
0x391: {  	v21 =	vadd.s32 $0x8, v21;
	v23 =	vmin.u32 v22, $0x40;
	v27 =	vor.u32 $0x20, v26  }
0x392: {  	v25 =	vshll.u32 v21, $0x4;
	v23 =	vadd.s32 $0x10, v23;
	v27 =	vmin.u32 v27, $0x50  }
0x393: {  	v25 =	vor.u32 v0, v25;
	v28 =	vshll.u32 v23, $0x4;
	v30 =	vshll.u32 v27, $0x4  }
0x394: {  	v29 =	vor.u32 v0, v28;
	v30 =	vor.u32 v0, v30  }
0x395: {  	v29 =	vand.u32 $0x7F, v29  }
0x396: {  	s4 =	simm.s32 $0x3;
	v28 =	vadd.s32 v28, v29  }
0x397: {  	s13 =	scvt.s32.f32 s4  }
0x398: {  	v25 =	vld.idx.msk [tilespmem:v25+s14+$0x0], $0xffff  }
0x399: {  	s1 =	smul.f32 $5.882352960e-02, s13;
	v29 =	vld.idx.msk [tilespmem:v30+s14+$0x0], $0xffff  }
0x39a: {  	v30 =	vld.idx.msk [tilespmem:v5+s14+$0x0], $0xffff  }
0x39b: {  	s1 =	sadd.f32 $2.941176480e-02, s1;
	v28 =	vld.idx.msk [tilespmem:v28+s14+$0x0], $0xffff;
	_ =	sdelay $0x1  }
0x39c: {  	vm14 =	vle.f32 v25, v18;
	v25 =	vmul.f32 s1, v17  }
0x39d: {  	v20 =	vsel vm14, v21, v20;
	vm15 =	vle.f32 v29, v24  }
0x39e: {  	v21 =	vmin.u32 v20, $0x4C;
	vm4 =	vle.f32 v30, v25;
	v26 =	vsel vm15, v27, v26  }
0x39f: {  	v21 =	vadd.s32 $0x4, v21;
	vm1 =	vle.f32 v28, v19;
	v27 =	vsel vm4, $0x40, v2  }
0x3a0: {  	v29 =	vshll.u32 v21, $0x4;
	v22 =	vsel vm1, v23, v22;
	v30 =	vor.u32 $0x20, v27  }
0x3a1: {  	v23 =	vor.u32 v0, v29;
	v28 =	vmin.u32 v22, $0x48;
	v30 =	vmin.u32 v30, $0x50  }
0x3a2: {  	v29 =	vmin.u32 v26, $0x40;
	v28 =	vadd.s32 $0x8, v28;
	v51 =	vshll.u32 v30, $0x4  }
0x3a3: {  	v29 =	vadd.s32 $0x10, v29;
	v31 =	vshll.u32 v28, $0x4;
	v33 =	vor.u32 v0, v51  }
0x3a4: {  	v50 =	vshll.u32 v29, $0x4;
	v31 =	vor.u32 v0, v31  }
0x3a5: {  	v52 =	vor.u32 v0, v50  }
0x3a6: {  	v34 =	vand.u32 $0x7F, v52;
	v23 =	vld.idx.msk [tilespmem:v23+s14+$0x0], $0xffff  }
0x3a7: {  	v32 =	vadd.s32 v50, v34  }
0x3a8: {  	v33 =	vld.idx.msk [tilespmem:v33+s14+$0x0], $0xffff  }
0x3a9: {  	s30 =	simm.s32 $0x4;
	v31 =	vld.idx.msk [tilespmem:v31+s14+$0x0], $0xffff  }
0x3aa: {  	s6 =	scvt.s32.f32 s30  }
0x3ab: {  	vm5 =	vle.f32 v23, v18  }
0x3ac: {  	s1 =	smul.f32 $5.882352960e-02, s6;
	v20 =	vsel vm5, v21, v20;
	v21 =	vld.idx.msk [tilespmem:v32+s14+$0x0], $0xffff  }
0x3ad: {  	v53 =	vld.idx.msk [tilespmem:v5+s14+$0x0], $0xffff;
	v23 =	vmin.u32 v20, $0x4E  }
0x3ae: {  	s1 =	sadd.f32 $2.941176480e-02, s1;
	vm7 =	vle.f32 v33, v25;
	v23 =	vadd.s32 $0x2, v23;
	vm6 =	vle.f32 v31, v19  }
0x3af: {  	v27 =	vsel vm7, v30, v27;
	v54 =	vshll.u32 v23, $0x4;
	v28 =	vsel vm6, v28, v22  }
0x3b0: {  	v22 =	vmul.f32 s1, v17;
	v30 =	vmin.u32 v27, $0x40;
	v31 =	vor.u32 v0, v54  }
0x3b1: {  	v55 =	vmin.u32 v28, $0x4C;
	v30 =	vadd.s32 $0x10, v30;
	vm8 =	vle.f32 v21, v24  }
0x3b2: {  	v21 =	vadd.s32 $0x4, v55;
	vm9 =	vle.f32 v53, v22;
	v36 =	vshll.u32 v30, $0x4  }
0x3b3: {  	v26 =	vsel vm8, v29, v26;
	v29 =	vshll.u32 v21, $0x4;
	v32 =	vsel vm9, $0x40, v2  }
0x3b4: {  	v38 =	vor.u32 v0, v36;
	v56 =	vmin.u32 v26, $0x48;
	v57 =	vor.u32 $0x20, v32  }
0x3b5: {  	v29 =	vor.u32 v0, v29;
	v38 =	vand.u32 $0x7F, v38;
	v33 =	vadd.s32 $0x8, v56;
	v31 =	vld.idx.msk [tilespmem:v31+s14+$0x0], $0xffff  }
0x3b6: {  	v34 =	vmin.u32 v57, $0x50;
	v36 =	vadd.s32 v36, v38;
	v58 =	vshll.u32 v33, $0x4  }
0x3b7: {  	v37 =	vshll.u32 v34, $0x4;
	v35 =	vor.u32 v0, v58  }
0x3b8: {  	v37 =	vor.u32 v0, v37;
	_ =	sdelay $0x1  }
0x3b9: {  	v29 =	vld.idx.msk [tilespmem:v29+s14+$0x0], $0xffff;
	vm10 =	vle.f32 v31, v18  }
0x3ba: {  	v36 =	vld.idx.msk [tilespmem:v36+s14+$0x0], $0xffff;
	v20 =	vsel vm10, v23, v20  }
0x3bb: {  	s31 =	simm.s32 $0x5;
	v23 =	vld.idx.msk [tilespmem:v35+s14+$0x0], $0xffff;
	v31 =	vmin.u32 v20, $0x4F  }
0x3bc: {  	s7 =	scvt.s32.f32 s31;
	v59 =	vld.idx.msk [tilespmem:v37+s14+$0x0], $0xffff;
	v31 =	vadd.s32 $0x1, v31  }
0x3bd: {  	v60 =	vshll.u32 v31, $0x4  }
0x3be: {  	s1 =	smul.f32 $5.882352960e-02, s7;
	vm11 =	vle.f32 v29, v19;
	v29 =	vor.u32 v0, v60  }
0x3bf: {  	v61 =	vld.idx.msk [tilespmem:v5+s14+$0x0], $0xffff;
	v28 =	vsel vm11, v21, v28  }
0x3c0: {  	s1 =	sadd.f32 $2.941176480e-02, s1;
	vm14 =	vle.f32 v36, v25;
	v21 =	vmin.u32 v28, $0x4E  }
0x3c1: {  	v30 =	vsel vm14, v30, v27;
	vm12 =	vle.f32 v23, v24;
	vm13 =	vle.f32 v59, v22  }
0x3c2: {  	v23 =	vadd.s32 $0x2, v21;
	v21 =	vmul.f32 s1, v17;
	v27 =	vmin.u32 v30, $0x48  }
0x3c3: {  	v26 =	vsel vm12, v33, v26;
	v62 =	vshll.u32 v23, $0x4;
	v32 =	vsel vm13, v34, v32;
	v29 =	vld.idx.msk [tilespmem:v29+s14+$0x0], $0xffff  }
0x3c4: {  	v50 =	vadd.s32 $0x8, v27;
	v33 =	vor.u32 v0, v62;
	vm15 =	vle.f32 v61, v21  }
0x3c5: {  	v34 =	vmin.u32 v32, $0x40;
	v48 =	vmin.u32 v26, $0x4C;
	v63 =	vsel vm15, $0x40, v2  }
0x3c6: {  	v27 =	vshll.u32 v50, $0x4;
	v34 =	vadd.s32 $0x10, v34;
	v49 =	vor.u32 $0x20, v63  }
0x3c7: {  	v36 =	vadd.s32 $0x4, v48;
	v40 =	vor.u32 v0, v27;
	v37 =	vmin.u32 v49, $0x50  }
0x3c8: {  	v27 =	vshll.u32 v36, $0x4;
	v39 =	vshll.u32 v37, $0x4;
	vm4 =	vle.f32 v29, v18  }
0x3c9: {  	v41 =	vshll.u32 v34, $0x4;
	v51 =	vor.u32 v0, v39;
	v29 =	vld.idx.msk [tilespmem:v33+s14+$0x0], $0xffff;
	v20 =	vsel vm4, v31, v20  }
0x3ca: {  	v31 =	vor.u32 v0, v27;
	v39 =	vadd.s32 $0x1, v20;
	v20 =	vshll.u32 v20, $0x4  }
0x3cb: {  	v27 =	vshll.u32 v39, $0x4;
	v42 =	vor.u32 v0, v20;
	v20 =	vor.u32 v0, v41  }
0x3cc: {  	v27 =	vor.u32 v0, v27;
	v20 =	vand.u32 $0x7F, v20  }
0x3cd: {  	v40 =	vld.idx.msk [tilespmem:v40+s14+$0x0], $0xffff;
	v20 =	vadd.s32 v41, v20  }
0x3ce: {  	vm5 =	vle.f32 v29, v19;
	v29 =	vld.idx.msk [tilespmem:v51+s14+$0x0], $0xffff  }
0x3cf: {  	s1 =	simm.s32 $0x6;
	v23 =	vsel vm5, v23, v28;
	v28 =	vld.idx.msk [tilespmem:v31+s14+$0x0], $0xffff  }
0x3d0: {  	s6 =	scvt.s32.f32 s1;
	v31 =	vmin.u32 v23, $0x4F;
	v52 =	vld.idx.msk [tilespmem:v42+s14+$0x0], $0xffff  }
0x3d1: {  	v31 =	vadd.s32 $0x1, v31;
	v53 =	vld.idx.msk [tilespmem:v27+s14+$0x0], $0xffff  }
0x3d2: {  	s6 =	smul.f32 $5.882352960e-02, s6;
	v43 =	vshll.u32 v31, $0x4;
	v44 =	vld.idx.msk [tilespmem:v20+s14+$0x0], $0xffff  }
0x3d3: {  	v43 =	vor.u32 v0, v43;
	vm7 =	vle.f32 v29, v21;
	v29 =	vld.idx.msk [tilespmem:v5+s14+$0x0], $0xffff  }
0x3d4: {  	s6 =	sadd.f32 $2.941176480e-02, s6;
	v37 =	vsel vm7, v37, v63  }
0x3d5: {  	vm8 =	vle.f32 v28, v24;
	v20 =	vmin.u32 v37, $0x40  }
0x3d6: {  	v26 =	vsel vm8, v36, v26;
	v28 =	vadd.s32 $0x10, v20;
	v20 =	vmul.f32 s6, v17  }
0x3d7: {  	vm6 =	vle.f32 v40, v25;
	v55 =	vmin.u32 v26, $0x4E;
	v33 =	vsub.f32 v53, v52  }
0x3d8: {  	v56 =	vadd.s32 $0x2, v55;
	v54 =	vld.idx.msk [tilespmem:v43+s14+$0x0], $0xffff;
	vm9 =	vle.f32 v44, v22;
	vm10 =	vle.f32 v29, v20  }
0x3d9: {  	v58 =	vshll.u32 v56, $0x4;
	(erf) = vrcp.f32 v33;
	v29 =	vsel vm9, v34, v32  }
0x3da: {  	v34 =	vsel vm10, $0x40, v2;
	v36 =	vor.u32 v0, v58;
	v57 =	vmin.u32 v29, $0x48  }
0x3db: {  	v30 =	vsel vm6, v50, v30;
	v59 =	vor.u32 $0x20, v34;
	v40 =	vadd.s32 $0x8, v57  }
0x3dc: {  	v18 =	vsub.f32 v18, v52;
	v38 =	vmin.u32 v59, $0x50;
	v33 =	vshll.u32 v40, $0x4  }
0x3dd: {  	v60 =	vshll.u32 v38, $0x4;
	vm11 =	vle.f32 v54, v19;
	v61 =	vor.u32 v0, v33  }
0x3de: {  	v63 =	vld.idx.msk [tilespmem:v27+s17+$0x0], $0xffff;
	v45 =	vshll.u32 v28, $0x4;
	v35 =	vor.u32 v0, v60;
	v23 =	vsel vm11, v31, v23  }
0x3df: {  	v47 =	vor.u32 v0, v45;
	v36 =	vld.idx.msk [tilespmem:v36+s14+$0x0], $0xffff;
	v62 =	vadd.s32 $0x1, v23;
	v23 =	vshll.u32 v23, $0x4  }
0x3e0: {  	v31 =	vld.idx.msk [tilespmem:v42+s17+$0x0], $0xffff;
	v49 =	vshll.u32 v62, $0x4;
	v46 =	vor.u32 v0, v23;
	v23 =	vmin.u32 v30, $0x4C  }
0x3e1: {  	v33 =	vor.u32 v0, v49;
	v48 =	vadd.s32 $0x4, v23;
	v23 =	vand.u32 $0x7F, v47  }
0x3e2: {  	v50 =	vshll.u32 v48, $0x4;
	v51 =	vpop (erf);
	v43 =	vld.idx.msk [tilespmem:v61+s14+$0x0], $0xffff;
	v23 =	vadd.s32 v45, v23  }
0x3e3: {  	v35 =	vld.idx.msk [tilespmem:v35+s14+$0x0], $0xffff;
	v41 =	vor.u32 v0, v50;
	v18 =	vmul.f32 v51, v18  }
0x3e4: {  	v39 =	vadd.s32 s0, v39;
	vm12 =	vle.f32 v36, v24  }
0x3e5: {  	v44 =	vsub.f32 v63, v31;
	v26 =	vsel vm12, v56, v26;
	v45 =	vld.idx.msk [tilespmem:v46+s14+$0x0], $0xffff;
	v18 =	vmax.f32 v18, $0.0e+00  }
0x3e6: {  	s0 =	simm.s32 $0x7;
	v53 =	vshll.u32 v39, $0x4;
	v56 =	vmin.u32 v26, $0x4F;
	v52 =	vld.idx.msk [tilespmem:v33+s14+$0x0], $0xffff;
	v54 =	vmin.f32 v18, $1.000000000e+00  }
0x3e7: {  	s13 =	scvt.s32.f32 s0;
	v18 =	vor.u32 v0, v53;
	v36 =	vadd.s32 $0x1, v56;
	v55 =	vmul.f32 v54, v44;
	v23 =	vld.idx.msk [tilespmem:v23+s14+$0x0], $0xffff  }
0x3e8: {  	vm13 =	vle.f32 v35, v20;
	vm14 =	vle.f32 v43, v22;
	v58 =	vshll.u32 v36, $0x4;
	v57 =	vld.idx.msk [tilespmem:v41+s14+$0x0], $0xffff  }
0x3e9: {  	s7 =	smul.f32 $5.882352960e-02, s13;
	v41 =	vadd.s32 s5, v62;
	v38 =	vsel vm13, v38, v34;
	v34 =	vor.u32 v0, v58  }
0x3ea: {  	v61 =	vld.idx.msk [tilespmem:v5+s14+$0x0], $0xffff;
	v40 =	vsel vm14, v40, v29;
	v59 =	vmin.u32 v38, $0x40;
	v35 =	vadd.f32 v55, v31  }
0x3eb: {  	s5 =	sadd.f32 $2.941176480e-02, s7;
	v29 =	vmin.u32 v40, $0x4C;
	v41 =	vshll.u32 v41, $0x4;
	v42 =	vadd.s32 $0x10, v59  }
0x3ec: {  	v60 =	vsub.f32 v52, v45;
	v32 =	vshll.u32 v42, $0x4;
	vm15 =	vle.f32 v23, v21  }
0x3ed: {  	v23 =	vmul.f32 s5, v17;
	vm4 =	vle.f32 v57, v25;
	v28 =	vsel vm15, v28, v37  }
0x3ee: {  	(erf) = vrcp.f32 v60;
	v30 =	vsel vm4, v48, v30;
	v37 =	vmin.u32 v28, $0x48  }
0x3ef: {  	vm5 =	vle.f32 v61, v23;
	v48 =	vor.u32 v0, v32;
	v37 =	vadd.s32 $0x8, v37  }
0x3f0: {  	v34 =	vld.idx.msk [tilespmem:v34+s14+$0x0], $0xffff;
	v62 =	vmin.u32 v30, $0x4E;
	v44 =	vsel vm5, $0x40, v2;
	v48 =	vand.u32 $0x7F, v48  }
0x3f1: {  	v63 =	vld.idx.msk [tilespmem:v33+s17+$0x0], $0xffff;
	v54 =	vshll.u32 v37, $0x4;
	v39 =	vadd.s32 $0x2, v62;
	v32 =	vadd.s32 v32, v48  }
0x3f2: {  	v31 =	vld.idx.msk [tilespmem:v46+s17+$0x0], $0xffff;
	v55 =	vor.u32 $0x20, v44;
	v46 =	vor.u32 v0, v54;
	v56 =	vshll.u32 v39, $0x4  }
0x3f3: {  	v49 =	vadd.s32 $0x4, v29;
	v47 =	vmin.u32 v55, $0x50;
	v29 =	vor.u32 v0, v56  }
0x3f4: {  	v19 =	vsub.f32 v19, v45;
	v58 =	vmul.f32 v35, v9;
	v51 =	vshll.u32 v47, $0x4  }
0x3f5: {  	v50 =	vshll.u32 v49, $0x4;
	vm6 =	vle.f32 v34, v24;
	v57 =	vor.u32 v0, v51  }
0x3f6: {  	v50 =	vor.u32 v0, v50;
	v34 =	vadd.f32 v58, v8;
	v26 =	vsel vm6, v36, v26;
	v48 =	vld.idx.msk [tilespmem:v32+s14+$0x0], $0xffff  }
0x3f7: {  	v43 =	vsub.f32 v63, v31;
	v61 =	vadd.s32 $0x1, v26;
	v26 =	vshll.u32 v26, $0x4;
	v59 =	vpop (erf);
	v60 =	vld.idx.msk [tilespmem:v46+s14+$0x0], $0xffff  }
0x3f8: {  	v58 =	vmul.f32 v34, v13;
	v62 =	vshll.u32 v61, $0x4;
	v19 =	vmul.f32 v59, v19;
	v29 =	vld.idx.msk [tilespmem:v29+s14+$0x0], $0xffff  }
0x3f9: {  	v26 =	vor.u32 v0, v26;
	v51 =	vor.u32 v0, v62;
	v46 =	vadd.s32 s12, v61  }
0x3fa: {  	v59 =	vadd.f32 v58, v12;
	v63 =	vld.idx.msk [tilespmem:v57+s14+$0x0], $0xffff;
	v57 =	vmul.f32 v34, v15;
	v52 =	vmax.f32 v19, $0.0e+00  }
0x3fb: {  	v34 =	vmul.f32 v34, v14;
	v19 =	vor.u32 v0, v41;
	v56 =	vmin.f32 v52, $1.000000000e+00  }
0x3fc: {  	s12 =	simm.s32 $0x8;
	v52 =	vadd.f32 v57, v10;
	vm11 =	vle.f32 v48, v20;
	v43 =	vmul.f32 v56, v43  }
0x3fd: {  	s13 =	scvt.s32.f32 s12;
	vm7 =	vle.f32 v60, v21;
	v42 =	vsel vm11, v42, v38;
	vm8 =	vle.f32 v29, v25  }
0x3fe: {  	v36 =	vld.idx.msk [tilespmem:v26+s14+$0x0], $0xffff;
	v29 =	vsel vm7, v37, v28;
	v38 =	vmin.u32 v42, $0x48;
	v39 =	vsel vm8, v39, v30  }
0x3ff: {  	s5 =	smul.f32 $5.882352960e-02, s13;
	v53 =	vld.idx.msk [tilespmem:v51+s14+$0x0], $0xffff;
	v43 =	vadd.f32 v43, v31;
	v31 =	vadd.f32 v34, v11;
	v28 =	vmin.u32 v39, $0x4F  }
0x400: {  	vm9 =	vle.f32 v63, v23;
	v63 =	vmul.f32 v52, v52;
	v37 =	vadd.s32 $0x1, v28;
	v28 =	vld.idx.msk [tilespmem:v50+s14+$0x0], $0xffff  }
0x401: {  	s5 =	sadd.f32 $2.941176480e-02, s5;
	v56 =	vmin.u32 v29, $0x4C;
	v34 =	vmul.f32 v59, v59;
	v62 =	vmul.f32 v31, v31  }
0x402: {  	v58 =	vld.idx.msk [tilespmem:v5+s14+$0x0], $0xffff;
	v30 =	vsel vm9, v47, v44;
	v32 =	vadd.s32 $0x4, v56;
	v61 =	vshll.u32 v37, $0x4  }
0x403: {  	v47 =	vld.idx.msk [tilespmem:v26+s17+$0x0], $0xffff;
	v26 =	vmul.f32 s5, v17;
	v44 =	vor.u32 v0, v61;
	v45 =	vadd.f32 v62, v63  }
0x404: {  	v59 =	vld.idx.msk [tilespmem:v51+s17+$0x0], $0xffff;
	v56 =	vadd.s32 $0x8, v38;
	v60 =	vmin.u32 v30, $0x40;
	v57 =	vsub.f32 v53, v36  }
0x405: {  	v50 =	vshll.u32 v32, $0x4;
	vm10 =	vle.f32 v28, v22;
	v28 =	vadd.f32 v45, v34  }
0x406: {  	v24 =	vsub.f32 v24, v36;
	v31 =	vadd.s32 $0x10, v60;
	(erf) = vrcp.f32 v57  }
0x407: {  	vm12 =	vle.f32 v58, v26;
	v61 =	vshra.s32 v28, $0x1;
	v55 =	vmul.f32 $5.000000000e-01, v28  }
0x408: {  	v52 =	vshll.u32 v31, $0x4;
	v53 =	vsel vm12, $0x40, v2;
	v60 =	vld.idx.msk [tilespmem:v44+s14+$0x0], $0xffff;
	v44 =	vsub.s32 $0x5F3759DF, v61  }
0x409: {  	v41 =	vsub.f32 v59, v47;
	v59 =	vshll.u32 v56, $0x4;
	v62 =	vmul.f32 v44, v55  }
0x40a: {  	v63 =	vor.u32 $0x20, v53;
	v45 =	vmul.f32 v43, v9;
	v36 =	vor.u32 v0, v59  }
0x40b: {  	v54 =	vor.u32 v0, v52;
	v57 =	vmin.u32 v63, $0x50;
	v58 =	vmul.f32 v44, v62  }
0x40c: {  	v63 =	vshll.u32 v46, $0x4;
	v34 =	vsel vm10, v49, v40;
	v45 =	vadd.f32 v45, v8  }
0x40d: {  	vm13 =	vle.f32 v60, v25;
	v60 =	vshll.u32 v57, $0x4;
	v48 =	vsub.f32 $1.500000000e+00, v58  }
0x40e: {  	v62 =	vmin.u32 v34, $0x4E;
	v37 =	vsel vm13, v37, v39;
	v39 =	vor.u32 v0, v60  }
0x40f: {  	v49 =	vor.u32 v0, v50;
	v36 =	vld.idx.msk [tilespmem:v36+s14+$0x0], $0xffff;
	v61 =	vpop (erf);
	v38 =	vadd.s32 $0x2, v62;
	v46 =	vmul.f32 v44, v48  }
0x410: {  	[tilespmem:v27+s16+$0x0] =	vst.idx.add.s32.msk $0xffff, v6;
	v24 =	vmul.f32 v61, v24;
	v50 =	vshll.u32 v38, $0x4;
	v61 =	vmul.f32 v45, v15  }
0x411: {  	[tilespmem:v33+s16+$0x0] =	vst.idx.add.s32.msk $0xffff, v6;
	v50 =	vor.u32 v0, v50;
	v58 =	vadd.s32 $0x1, v37;
	v27 =	vmul.f32 v46, v55  }
0x412: {  	[tilespmem:v18+s19+$0x0] =	vst.idx.msk $0xffff, v35;
	v37 =	vshll.u32 v37, $0x4;
	v24 =	vmax.f32 v24, $0.0e+00;
	v60 =	vshll.u32 v58, $0x4  }
0x413: {  	v37 =	vor.u32 v0, v37;
	v24 =	vmin.f32 v24, $1.000000000e+00;
	v59 =	vld.idx.msk [tilespmem:v39+s14+$0x0], $0xffff;
	v27 =	vmul.f32 v27, v46  }
0x414: {  	v48 =	vadd.f32 v61, v10;
	vm14 =	vle.f32 v36, v20;
	v24 =	vmul.f32 v24, v41  }
0x415: {  	[tilespmem:v51+s16+$0x0] =	vst.idx.add.s32.msk $0xffff, v6;
	v40 =	vor.u32 v0, v60;
	v35 =	vsel vm14, v56, v42;
	v62 =	vsub.f32 $1.500000000e+00, v27  }
0x416: {  	v41 =	vld.idx.msk [tilespmem:v49+s14+$0x0], $0xffff;
	v44 =	vadd.f32 v24, v47;
	v24 =	vor.u32 v0, v63;
	v63 =	vmul.f32 v45, v13  }
0x417: {  	v50 =	vld.idx.msk [tilespmem:v50+s14+$0x0], $0xffff;
	v27 =	vadd.s32 s4, v58;
	v58 =	vmul.f32 v45, v14;
	v45 =	vmul.f32 v62, v46  }
0x418: {  	v36 =	vld.idx.msk [tilespmem:v37+s14+$0x0], $0xffff;
	v49 =	vadd.f32 v63, v12;
	v63 =	vmin.u32 v35, $0x4C;
	vm15 =	vle.f32 v59, v26  }
0x419: {  	v33 =	vld.idx.msk [tilespmem:v37+s17+$0x0], $0xffff;
	v39 =	vadd.s32 $0x4, v63;
	v42 =	vsel vm15, v57, v53;
	v60 =	vmul.f32 v45, v55  }
0x41a: {  	[tilespmem:v19+s19+$0x0] =	vst.idx.msk $0xffff, v43;
	v51 =	vld.idx.msk [tilespmem:v40+s14+$0x0], $0xffff;
	v59 =	vand.u32 $0x7F, v54;
	v62 =	vadd.f32 v58, v11;
	v61 =	vmin.u32 v42, $0x40  }
0x41b: {  	v47 =	vld.idx.msk [tilespmem:v40+s17+$0x0], $0xffff;
	v53 =	vadd.s32 v52, v59;
	v46 =	vadd.s32 $0x10, v61;
	v55 =	vmul.f32 v60, v45  }
0x41c: {  	[tilespmem:v40+s16+$0x0] =	vst.idx.add.s32.msk $0xffff, v6;
	v43 =	vshll.u32 v39, $0x4;
	v37 =	vshll.u32 v46, $0x4  }
0x41d: {  	s4 =	simm.s32 $0x9;
	[tilespmem:v24+s19+$0x0] =	vst.idx.msk $0xffff, v44;
	v54 =	vmul.f32 v62, v62;
	v40 =	vor.u32 v0, v37;
	v52 =	vsub.f32 $1.500000000e+00, v55  }
.LBB2_17:
0x41e: {  	s6 =	scvt.s32.f32 s4  }
0x41f: {  	p0 =	sne.s32 s4, $0xF;
	vm0 =	vle.f32 v50, v22;
	v44 =	vmul.f32 v44, v9;
	v48 =	vmul.f32 v48, v48;
	s5 =	smov.u32 s4;
	s4 =	sadd.s32 $0x1, s4  }
0x420: {  	v50 =	vld.idx.msk [tilespmem:v53+s14+$0x0], $0xffff;
	v53 =	vsel vm0, v38, v34;
	v34 =	vsub.f32 v51, v36;
	v38 =	vmul.f32 v52, v45  }
0x421: {  	v49 =	vmul.f32 v49, v49;
	s6 =	smul.f32 $5.882352960e-02, s6;
	v45 =	vld.idx.msk [tilespmem:v5+s14+$0x0], $0xffff;
	v51 =	vmin.u32 v53, $0x4F;
	v48 =	vadd.f32 v54, v48  }
0x422: {  	v51 =	vadd.s32 $0x1, v51;
	(erf) = vrcp.f32 v34;
	v38 =	vmul.f32 v38, v28  }
0x423: {  	vm0 =	vle.f32 v41, v21;
	s6 =	sadd.f32 $2.941176480e-02, s6;
	v41 =	vshll.u32 v51, $0x4;
	v28 =	vadd.f32 v48, v49  }
0x424: {  	v34 =	vsel vm0, v32, v29;
	v29 =	vmovc v35;
	v32 =	vmovc v39;
	v41 =	vor.u32 v0, v41;
	v38 =	vadd.f32 $-1.000000000e+00, v38  }
0x425: {  	v39 =	vsub.f32 v47, v33;
	v35 =	vmul.f32 s6, v17;
	v47 =	vshra.s32 v28, $0x1  }
0x426: {  	vm0 =	vle.f32 v50, v23;
	v52 =	vmul.f32 $5.000000000e-01, v28;
	v47 =	vsub.s32 $0x5F3759DF, v47;
	[tilespmem:v18+s20+$0x0] =	vst.idx.msk $0xffff, v38;
	v18 =	vmovc v19  }
0x427: {  	v27 =	vshll.u32 v27, $0x4;
	v49 =	vsel vm0, v31, v30;
	v19 =	vmovc v24;
	v30 =	vmovc v42;
	vm1 =	vle.f32 v45, v35  }
0x428: {  	v31 =	vmovc v46;
	v24 =	vmin.u32 v49, $0x48;
	v38 =	vmul.f32 v47, v52;
	v42 =	vsel vm1, $0x40, v2  }
0x429: {  	v46 =	vadd.s32 $0x8, v24;
	v24 =	vor.u32 v0, v27;
	v45 =	vor.u32 $0x20, v42;
	v41 =	vld.idx.msk [tilespmem:v41+s14+$0x0], $0xffff  }
0x42a: {  	v27 =	vshll.u32 v46, $0x4;
	v38 =	vmul.f32 v47, v38;
	v54 =	vmin.u32 v45, $0x50  }
0x42b: {  	v36 =	vsub.f32 v25, v36;
	v27 =	vor.u32 v0, v27;
	v45 =	vshll.u32 v54, $0x4;
	v48 =	vpop (erf)  }
0x42c: {  	v43 =	vor.u32 v0, v43;
	v25 =	vmovc v22;
	v22 =	vmovc v21;
	v50 =	vsub.f32 $1.500000000e+00, v38;
	v45 =	vor.u32 v0, v45  }
0x42d: {  	v21 =	vmovc v20;
	v20 =	vmovc v23;
	v23 =	vmov v26;
	v38 =	vmin.u32 v34, $0x4E;
	v36 =	vmul.f32 v48, v36  }
0x42e: {  	v26 =	vmov v35;
	v38 =	vadd.s32 $0x2, v38;
	v47 =	vmul.f32 v47, v50  }
0x42f: {  	v44 =	vadd.f32 v44, v8;
	v35 =	vshll.u32 v38, $0x4;
	vm0 =	vle.f32 v41, v25  }
0x430: {  	v48 =	vmul.f32 v47, v52;
	v55 =	vld.idx.msk [tilespmem:v27+s14+$0x0], $0xffff;
	v27 =	vor.u32 v0, v35;
	v35 =	vsel vm0, v51, v53  }
0x431: {  	v36 =	vmax.f32 v36, $0.0e+00;
	v51 =	vld.idx.msk [tilespmem:v45+s14+$0x0], $0xffff;
	v45 =	vadd.s32 $0x1, v35;
	v35 =	vshll.u32 v35, $0x4  }
0x432: {  	v41 =	vld.idx.msk [tilespmem:v43+s14+$0x0], $0xffff;
	v43 =	vshll.u32 v45, $0x4;
	v56 =	vor.u32 v0, v35;
	v35 =	vmul.f32 v48, v47  }
0x433: {  	v36 =	vmin.f32 v36, $1.000000000e+00;
	v48 =	vmul.f32 v44, v15;
	v43 =	vor.u32 v0, v43  }
0x434: {  	v36 =	vmul.f32 v36, v39;
	v39 =	vmul.f32 v44, v13;
	v35 =	vsub.f32 $1.500000000e+00, v35  }
0x435: {  	v57 =	vmul.f32 v44, v14;
	v48 =	vadd.f32 v48, v10;
	v50 =	vld.idx.msk [tilespmem:v27+s14+$0x0], $0xffff;
	v27 =	vadd.s32 s30, v45;
	s30 =	smov.u32 s31;
	s31 =	smov.u32 s1;
	s1 =	smov.u32 s0  }
0x436: {  	v44 =	vadd.f32 v36, v33;
	vm0 =	vle.f32 v55, v20;
	s0 =	smov.u32 s12;
	s12 =	smov.u32 s5;
	v45 =	vmul.f32 v35, v47  }
0x437: {  	vm1 =	vle.f32 v51, v26;
	v35 =	vsel vm0, v46, v49;
	v49 =	vadd.f32 v39, v12;
	v36 =	vld.idx.msk [tilespmem:v56+s14+$0x0], $0xffff  }
.Ltmp7:
0x438: {  	v33 =	vand.u32 $0x7F, v40;
	v42 =	vsel vm1, v54, v42;
	v51 =	vld.idx.msk [tilespmem:v43+s14+$0x0], $0xffff;
	v39 =	vmul.f32 v45, v52;
	(pc) =	sbr.rel @p0 .LBB2_17-.Ltmp7, $4  }
0x439: {  	v53 =	vadd.s32 v37, v33;
	v40 =	vmin.u32 v42, $0x40;
	v52 =	vadd.f32 v57, v11;
	v33 =	vld.idx.msk [tilespmem:v56+s17+$0x0], $0xffff  }
0x43a: {  	v46 =	vadd.s32 $0x10, v40;
	v40 =	vmin.u32 v35, $0x4C;
	v47 =	vld.idx.msk [tilespmem:v43+s17+$0x0], $0xffff;
	[tilespmem:v24+s19+$0x0] =	vst.idx.msk $0xffff, v44;
	v55 =	vmul.f32 v39, v45  }
0x43b: {  	v37 =	vshll.u32 v46, $0x4;
	v39 =	vadd.s32 $0x4, v40;
	v54 =	vmul.f32 v52, v52;
	[tilespmem:v43+s16+$0x0] =	vst.idx.add.s32.msk $0xffff, v6  }
0x43c: {  	v40 =	vor.u32 v0, v37;
	v43 =	vshll.u32 v39, $0x4;
	v52 =	vsub.f32 $1.500000000e+00, v55  }
0x43d: {  	_ =	sdelay $0x3  }
0x43e: {  	v40 =	vand.u32 $0x7F, v40;
	v53 =	vld.idx.msk [tilespmem:v53+s14+$0x0], $0xffff  }
0x43f: {  	v37 =	vadd.s32 v37, v40;
	_ =	sdelay $0x1  }
0x440: {  	vm0 =	vle.f32 v50, v22;
	v58 =	vmul.f32 v48, v48  }
0x441: {  	v59 =	vsub.f32 v51, v36;
	v49 =	vmul.f32 v49, v49;
	v38 =	vsel vm0, v38, v34  }
0x442: {  	v60 =	vmin.u32 v38, $0x4F;
	v40 =	vadd.f32 v54, v58;
	vm4 =	vle.f32 v53, v23  }
0x443: {  	(erf) = vrcp.f32 v59;
	v48 =	vadd.s32 $0x1, v60;
	v37 =	vld.idx.msk [tilespmem:v37+s14+$0x0], $0xffff;
	v30 =	vsel vm4, v31, v30  }
0x444: {  	v61 =	vshll.u32 v48, $0x4;
	v62 =	vmin.u32 v30, $0x48  }
0x445: {  	v34 =	vadd.f32 v40, v49;
	v63 =	vor.u32 v0, v61;
	v31 =	vadd.s32 $0x8, v62  }
0x446: {  	vm5 =	vle.f32 v41, v21;
	v54 =	vshll.u32 v31, $0x4  }
0x447: {  	v53 =	vshra.s32 v34, $0x1;
	v49 =	vmul.f32 $5.000000000e-01, v34;
	v41 =	vor.u32 v0, v54  }
0x448: {  	v32 =	vsel vm5, v32, v29;
	v40 =	vsub.s32 $0x5F3759DF, v53;
	vm6 =	vle.f32 v37, v26  }
0x449: {  	v56 =	vmin.u32 v32, $0x4E;
	v55 =	vmul.f32 v40, v49;
	v42 =	vsel vm6, v46, v42  }
0x44a: {  	v25 =	vsub.f32 v25, v36;
	v29 =	vld.idx.msk [tilespmem:v63+s14+$0x0], $0xffff;
	v46 =	vadd.s32 $0x2, v56;
	v57 =	vmin.u32 v42, $0x48  }
0x44b: {  	v37 =	vmul.f32 v40, v55;
	v58 =	vshll.u32 v46, $0x4;
	v50 =	vadd.s32 $0x8, v57  }
0x44c: {  	v44 =	vmul.f32 v44, v9;
	v61 =	vpop (erf);
	v51 =	vor.u32 v0, v58;
	v59 =	vshll.u32 v50, $0x4;
	v41 =	vld.idx.msk [tilespmem:v41+s14+$0x0], $0xffff  }
0x44d: {  	v25 =	vmul.f32 v61, v25;
	v60 =	vsub.f32 $1.500000000e+00, v37;
	v53 =	vor.u32 v0, v59  }
0x44e: {  	v43 =	vor.u32 v0, v43;
	v36 =	vsub.f32 v47, v33;
	v44 =	vadd.f32 v44, v8  }
0x44f: {  	v57 =	vmax.f32 v25, $0.0e+00;
	v40 =	vmul.f32 v40, v60;
	vm7 =	vle.f32 v29, v22  }
0x450: {  	v37 =	vmul.f32 v52, v45;
	v38 =	vsel vm7, v48, v38;
	v48 =	vmin.f32 v57, $1.000000000e+00  }
0x451: {  	v59 =	vmul.f32 v44, v15;
	v62 =	vmul.f32 v40, v49;
	v63 =	vld.idx.msk [tilespmem:v51+s14+$0x0], $0xffff;
	vm8 =	vle.f32 v41, v23  }
0x452: {  	v29 =	vadd.s32 $0x1, v38;
	v38 =	vshll.u32 v38, $0x4;
	v56 =	vld.idx.msk [tilespmem:v53+s14+$0x0], $0xffff;
	v31 =	vsel vm8, v31, v30  }
0x453: {  	v36 =	vmul.f32 v48, v36;
	v25 =	vshll.u32 v29, $0x4;
	v58 =	vmin.u32 v31, $0x4C  }
0x454: {  	v38 =	vor.u32 v0, v38;
	v51 =	vadd.f32 v59, v10;
	v45 =	vadd.s32 $0x4, v58  }
0x455: {  	v25 =	vor.u32 v0, v25;
	v30 =	vmul.f32 v62, v40;
	v60 =	vshll.u32 v45, $0x4  }
0x456: {  	v51 =	vmul.f32 v51, v51;
	vm9 =	vle.f32 v63, v21;
	v61 =	vor.u32 v0, v60  }
0x457: {  	v62 =	vld.idx.msk [tilespmem:v43+s14+$0x0], $0xffff;
	v30 =	vsub.f32 $1.500000000e+00, v30;
	v32 =	vsel vm9, v46, v32;
	vm10 =	vle.f32 v56, v26  }
0x458: {  	v63 =	vmul.f32 v44, v13;
	v55 =	vmin.u32 v32, $0x4F;
	v50 =	vsel vm10, v50, v42  }
0x459: {  	v53 =	vld.idx.msk [tilespmem:v38+s14+$0x0], $0xffff;
	v56 =	vmul.f32 v44, v14;
	v44 =	vadd.s32 $0x1, v55;
	v57 =	vmin.u32 v50, $0x4C  }
0x45a: {  	v41 =	vmul.f32 v30, v40;
	v58 =	vshll.u32 v44, $0x4;
	v47 =	vadd.s32 $0x4, v57  }
0x45b: {  	v30 =	vadd.f32 v36, v33;
	v52 =	vor.u32 v0, v58;
	v59 =	vshll.u32 v47, $0x4;
	v46 =	vld.idx.msk [tilespmem:v61+s14+$0x0], $0xffff  }
0x45c: {  	vm11 =	vle.f32 v62, v20;
	v55 =	vld.idx.msk [tilespmem:v25+s14+$0x0], $0xffff;
	v42 =	vadd.f32 v56, v11;
	v54 =	vor.u32 v0, v59  }
0x45d: {  	v43 =	vadd.f32 v63, v12;
	v35 =	vsel vm11, v39, v35;
	v33 =	vmul.f32 v41, v49  }
0x45e: {  	v62 =	vmin.u32 v35, $0x4E;
	v22 =	vsub.f32 v22, v53;
	v42 =	vmul.f32 v42, v42  }
0x45f: {  	v48 =	vadd.s32 $0x2, v62;
	v62 =	vmul.f32 v30, v9;
	v61 =	vmul.f32 v43, v43  }
0x460: {  	v60 =	vadd.f32 v42, v51;
	v63 =	vld.idx.msk [tilespmem:v52+s14+$0x0], $0xffff;
	v52 =	vshll.u32 v48, $0x4;
	vm12 =	vle.f32 v46, v23  }
0x461: {  	v57 =	vsub.f32 v55, v53;
	v39 =	vor.u32 v0, v52;
	v56 =	vld.idx.msk [tilespmem:v54+s14+$0x0], $0xffff;
	v45 =	vsel vm12, v45, v31  }
0x462: {  	v40 =	vadd.f32 v62, v8;
	v42 =	vadd.f32 v60, v61;
	v59 =	vmin.u32 v45, $0x4E  }
0x463: {  	v55 =	vmul.f32 v33, v41;
	(erf) = vrcp.f32 v57;
	v49 =	vadd.s32 $0x2, v59  }
0x464: {  	v38 =	vld.idx.msk [tilespmem:v38+s17+$0x0], $0xffff;
	v58 =	vshra.s32 v42, $0x1;
	v43 =	vmul.f32 $5.000000000e-01, v42;
	v60 =	vshll.u32 v49, $0x4  }
0x465: {  	v61 =	vld.idx.msk [tilespmem:v25+s17+$0x0], $0xffff;
	v46 =	vsub.s32 $0x5F3759DF, v58;
	vm13 =	vle.f32 v63, v21;
	v36 =	vor.u32 v0, v60  }
0x466: {  	v31 =	vmul.f32 v46, v43;
	v44 =	vsel vm13, v44, v32;
	v39 =	vld.idx.msk [tilespmem:v39+s14+$0x0], $0xffff;
	vm14 =	vle.f32 v56, v26  }
0x467: {  	v32 =	vadd.s32 $0x1, v44;
	v56 =	vshll.u32 v44, $0x4;
	v47 =	vsel vm14, v47, v50  }
0x468: {  	v58 =	vshll.u32 v32, $0x4;
	v54 =	vor.u32 v0, v56;
	v57 =	vmin.u32 v47, $0x4E  }
0x469: {  	v63 =	vmul.f32 v46, v31;
	v31 =	vor.u32 v0, v58;
	v44 =	vadd.s32 $0x2, v57  }
0x46a: {  	v62 =	vmul.f32 v40, v15;
	v51 =	vsub.f32 v61, v38;
	v59 =	vshll.u32 v44, $0x4;
	v36 =	vld.idx.msk [tilespmem:v36+s14+$0x0], $0xffff  }
0x46b: {  	v60 =	vsub.f32 $1.500000000e+00, v63;
	vm15 =	vle.f32 v39, v20;
	v33 =	vor.u32 v0, v59  }
0x46c: {  	v63 =	vmul.f32 v40, v14;
	v50 =	vadd.f32 v62, v10;
	v61 =	vpop (erf);
	v35 =	vsel vm15, v48, v35  }
0x46d: {  	v46 =	vmul.f32 v46, v60;
	v22 =	vmul.f32 v61, v22;
	v48 =	vld.idx.msk [tilespmem:v54+s14+$0x0], $0xffff;
	v60 =	vmin.u32 v35, $0x4F  }
0x46e: {  	v61 =	vmul.f32 v40, v13;
	v39 =	vadd.f32 v63, v11;
	v56 =	vld.idx.msk [tilespmem:v31+s14+$0x0], $0xffff;
	v52 =	vadd.s32 $0x1, v60  }
0x46f: {  	v63 =	vmul.f32 v50, v50;
	v57 =	vshll.u32 v52, $0x4;
	vm4 =	vle.f32 v36, v23  }
0x470: {  	v39 =	vmul.f32 v39, v39;
	v62 =	vor.u32 v0, v57;
	v33 =	vld.idx.msk [tilespmem:v33+s14+$0x0], $0xffff;
	v45 =	vsel vm4, v49, v45  }
0x471: {  	v53 =	vmul.f32 v46, v43;
	v36 =	vadd.f32 v61, v12;
	v59 =	vmin.u32 v45, $0x4F  }
0x472: {  	v22 =	vmax.f32 v22, $0.0e+00;
	v39 =	vadd.f32 v39, v63;
	v50 =	vadd.s32 $0x1, v59  }
0x473: {  	v36 =	vmul.f32 v36, v36;
	v56 =	vsub.f32 v56, v48;
	v60 =	vshll.u32 v50, $0x4  }
0x474: {  	v22 =	vmin.f32 v22, $1.000000000e+00;
	v61 =	vmul.f32 v53, v46;
	v49 =	vor.u32 v0, v60  }
0x475: {  	v40 =	vadd.f32 v39, v36;
	(erf) = vrcp.f32 v56;
	v53 =	vld.idx.msk [tilespmem:v62+s14+$0x0], $0xffff;
	vm5 =	vle.f32 v33, v26  }
0x476: {  	v22 =	vmul.f32 v22, v51;
	v63 =	vsub.f32 $1.500000000e+00, v61;
	v44 =	vsel vm5, v44, v47  }
0x477: {  	v60 =	vshra.s32 v40, $0x1;
	v51 =	vmul.f32 $5.000000000e-01, v40;
	v62 =	vmin.u32 v44, $0x4F  }
0x478: {  	v33 =	vadd.f32 v22, v38;
	v38 =	vsub.s32 $0x5F3759DF, v60;
	v47 =	vadd.s32 $0x1, v62  }
0x479: {  	v21 =	vsub.f32 v21, v48;
	v22 =	vmul.f32 v38, v51;
	v61 =	vshll.u32 v47, $0x4;
	v36 =	vld.idx.msk [tilespmem:v49+s14+$0x0], $0xffff  }
0x47a: {  	v62 =	vmul.f32 v33, v9;
	vm6 =	vle.f32 v53, v20;
	v49 =	vor.u32 v0, v61  }
0x47b: {  	v46 =	vmul.f32 v63, v46;
	v63 =	vmul.f32 v38, v22;
	v35 =	vsel vm6, v52, v35  }
0x47c: {  	v53 =	vadd.f32 v62, v8;
	v39 =	vadd.s32 $0x1, v35;
	v22 =	vshll.u32 v35, $0x4  }
0x47d: {  	v62 =	vsub.f32 $1.500000000e+00, v63;
	v60 =	vshll.u32 v39, $0x4;
	v48 =	vor.u32 v0, v22  }
0x47e: {  	v63 =	vmul.f32 v53, v14;
	v61 =	vpop (erf);
	v22 =	vor.u32 v0, v60;
	vm7 =	vle.f32 v36, v23  }
0x47f: {  	v60 =	vmul.f32 v53, v15;
	v52 =	vmul.f32 v61, v21;
	v35 =	vld.idx.msk [tilespmem:v49+s14+$0x0], $0xffff;
	v21 =	vsel vm7, v50, v45  }
0x480: {  	v53 =	vmul.f32 v53, v13;
	v36 =	vadd.s32 $0x1, v21;
	v21 =	vshll.u32 v21, $0x4  }
0x481: {  	v45 =	vadd.f32 v63, v11;
	v61 =	vshll.u32 v36, $0x4;
	v57 =	vor.u32 v0, v21  }
0x482: {  	v54 =	vld.idx.msk [tilespmem:v54+s17+$0x0], $0xffff;
	v49 =	vmul.f32 v38, v62;
	v62 =	vadd.f32 v60, v10;
	v21 =	vor.u32 v0, v61  }
0x483: {  	v55 =	vsub.f32 $1.500000000e+00, v55;
	v58 =	vld.idx.msk [tilespmem:v48+s14+$0x0], $0xffff;
	v45 =	vmul.f32 v45, v45  }
0x484: {  	v50 =	vld.idx.msk [tilespmem:v22+s14+$0x0], $0xffff;
	vm8 =	vle.f32 v35, v26;
	v35 =	vadd.f32 v53, v12;
	v53 =	vmul.f32 v62, v62  }
0x485: {  	v55 =	vmul.f32 v55, v41;
	v56 =	vmul.f32 v49, v51;
	v44 =	vsel vm8, v47, v44;
	v47 =	vld.idx.msk [tilespmem:v31+s17+$0x0], $0xffff  }
0x486: {  	v38 =	vadd.s32 $0x1, v44;
	v44 =	vshll.u32 v44, $0x4;
	v59 =	vld.idx.msk [tilespmem:v57+s14+$0x0], $0xffff;
	v45 =	vadd.f32 v45, v53  }
0x487: {  	v53 =	vmul.f32 v35, v35;
	v60 =	vshll.u32 v38, $0x4;
	v44 =	vor.u32 v0, v44;
	v61 =	vld.idx.msk [tilespmem:v21+s14+$0x0], $0xffff  }
0x488: {  	v63 =	vmax.f32 v52, $0.0e+00;
	v56 =	vmul.f32 v56, v49;
	v35 =	vor.u32 v0, v60  }
0x489: {  	v60 =	vmul.f32 v46, v43;
	v43 =	vsub.f32 v50, v58;
	v41 =	vadd.f32 v45, v53  }
0x48a: {  	v62 =	vmin.f32 v63, $1.000000000e+00;
	v63 =	vsub.f32 $1.500000000e+00, v56;
	v45 =	vsub.f32 v47, v54  }
0x48b: {  	(erf) = vrcp.f32 v43;
	v56 =	vshra.s32 v41, $0x1;
	v43 =	vmul.f32 $5.000000000e-01, v41  }
0x48c: {  	v47 =	vsub.s32 $0x5F3759DF, v56;
	v53 =	vld.idx.msk [tilespmem:v44+s14+$0x0], $0xffff;
	v45 =	vmul.f32 v62, v45;
	v62 =	vsub.f32 v61, v59  }
0x48d: {  	v49 =	vmul.f32 v63, v49;
	v63 =	vmul.f32 v47, v43;
	v56 =	vld.idx.msk [tilespmem:v35+s14+$0x0], $0xffff  }
0x48e: {  	v60 =	vmul.f32 v60, v46;
	(erf) = vrcp.f32 v62  }
0x48f: {  	v37 =	vmul.f32 v37, v28;
	v28 =	vadd.f32 v45, v54;
	v61 =	vmul.f32 v47, v63  }
0x490: {  	v20 =	vsub.f32 v20, v58;
	v45 =	vld.idx.msk [tilespmem:v48+s17+$0x0], $0xffff;
	v62 =	vsub.f32 $1.500000000e+00, v60  }
0x491: {  	v51 =	vmul.f32 v49, v51;
	v63 =	vld.idx.msk [tilespmem:v22+s17+$0x0], $0xffff;
	v54 =	vmul.f32 v28, v9;
	v48 =	vsub.f32 $1.500000000e+00, v61  }
0x492: {  	v50 =	vmul.f32 v55, v34;
	v34 =	vmul.f32 v62, v46;
	v60 =	vsub.f32 v56, v53  }
0x493: {  	v61 =	vmul.f32 v51, v49;
	v47 =	vmul.f32 v47, v48;
	v48 =	vadd.f32 v54, v8  }
0x494: {  	v27 =	vshll.u32 v27, $0x4;
	v55 =	vld.idx.msk [tilespmem:v21+s17+$0x0], $0xffff;
	v42 =	vmul.f32 v34, v42;
	v62 =	vpop (erf);
	(erf) = vrcp.f32 v60  }
0x495: {  	v23 =	vsub.f32 v23, v59;
	v46 =	vld.idx.msk [tilespmem:v57+s17+$0x0], $0xffff;
	v20 =	vmul.f32 v62, v20;
	v54 =	vmul.f32 v48, v14  }
0x496: {  	v34 =	vsub.f32 $1.500000000e+00, v61;
	v63 =	vsub.f32 v63, v45;
	v60 =	vmul.f32 v47, v43  }
0x497: {  	v61 =	vmul.f32 v48, v15;
	v20 =	vmax.f32 v20, $0.0e+00;
	v54 =	vadd.f32 v54, v11;
	v62 =	vpop (erf)  }
0x498: {  	v48 =	vmul.f32 v48, v13;
	v20 =	vmin.f32 v20, $1.000000000e+00;
	v23 =	vmul.f32 v62, v23  }
0x499: {  	v44 =	vld.idx.msk [tilespmem:v44+s17+$0x0], $0xffff;
	v56 =	vadd.f32 v61, v10;
	v20 =	vmul.f32 v20, v63;
	v63 =	vmul.f32 v54, v54  }
0x49a: {  	v37 =	vadd.f32 $-1.000000000e+00, v37;
	v55 =	vsub.f32 v55, v46;
	v52 =	vmul.f32 v60, v47;
	v61 =	vld.idx.msk [tilespmem:v35+s17+$0x0], $0xffff  }
0x49b: {  	v48 =	vadd.f32 v48, v12;
	v60 =	vmul.f32 v56, v56;
	v23 =	vmax.f32 v23, $0.0e+00  }
0x49c: {  	v26 =	vsub.f32 v26, v53;
	v20 =	vadd.f32 v20, v45;
	v23 =	vmin.f32 v23, $1.000000000e+00  }
0x49d: {  	v48 =	vmul.f32 v48, v48;
	v62 =	vadd.f32 v63, v60;
	v23 =	vmul.f32 v23, v55;
	v63 =	vpop (erf)  }
0x49e: {  	v29 =	vadd.s32 s30, v29;
	v57 =	vmul.f32 v20, v9;
	v26 =	vmul.f32 v63, v26  }
0x49f: {  	v49 =	vmul.f32 v34, v49;
	v59 =	vsub.f32 v61, v44;
	v23 =	vadd.f32 v23, v46  }
0x4a0: {  	v34 =	vadd.f32 v62, v48;
	v58 =	vadd.f32 v57, v8;
	v26 =	vmax.f32 v26, $0.0e+00  }
0x4a1: {  	v29 =	vshll.u32 v29, $0x4;
	v60 =	vmul.f32 v23, v9;
	v26 =	vmin.f32 v26, $1.000000000e+00  }
0x4a2: {  	v48 =	vshra.s32 v34, $0x1;
	v53 =	vmul.f32 v58, v14;
	v26 =	vmul.f32 v26, v59  }
0x4a3: {  	v46 =	vmul.f32 $5.000000000e-01, v34;
	v61 =	vmul.f32 v58, v15;
	v51 =	vadd.f32 v60, v8  }
0x4a4: {  	v45 =	vmul.f32 v58, v13;
	v53 =	vadd.f32 v53, v11;
	v26 =	vadd.f32 v26, v44  }
0x4a5: {  	v62 =	vadd.f32 v61, v10;
	v63 =	vmul.f32 v51, v15;
	v60 =	vmul.f32 v51, v14  }
0x4a6: {  	v45 =	vadd.f32 v45, v12;
	v53 =	vmul.f32 v53, v53;
	v61 =	vmul.f32 v26, v9  }
0x4a7: {  	v51 =	vmul.f32 v51, v13;
	v54 =	vadd.f32 v63, v10;
	v55 =	vadd.f32 v60, v11  }
0x4a8: {  	v44 =	vmul.f32 v62, v62;
	v45 =	vmul.f32 v45, v45;
	v56 =	vadd.f32 v61, v8  }
0x4a9: {  	v51 =	vadd.f32 v51, v12;
	v62 =	vmul.f32 v55, v55;
	v54 =	vmul.f32 v54, v54  }
0x4aa: {  	v48 =	vsub.s32 $0x5F3759DF, v48;
	v63 =	vmul.f32 v56, v15;
	v60 =	vmul.f32 v56, v14  }
0x4ab: {  	v44 =	vadd.f32 v53, v44;
	v51 =	vmul.f32 v51, v51;
	v62 =	vadd.f32 v62, v54  }
0x4ac: {  	v56 =	vmul.f32 v56, v13;
	v63 =	vadd.f32 v63, v10;
	v60 =	vadd.f32 v60, v11  }
0x4ad: {  	v61 =	vmul.f32 v48, v46;
	v44 =	vadd.f32 v44, v45;
	v45 =	vadd.f32 v62, v51  }
0x4ae: {  	v56 =	vadd.f32 v56, v12;
	v62 =	vmul.f32 v60, v60;
	v53 =	vmul.f32 v63, v63  }
0x4af: {  	v55 =	vmul.f32 v48, v61;
	v61 =	vshra.s32 v44, $0x1;
	v57 =	vmul.f32 $5.000000000e-01, v44  }
0x4b0: {  	v54 =	vsub.s32 $0x5F3759DF, v61;
	v56 =	vmul.f32 v56, v56;
	v51 =	vadd.f32 v62, v53  }
0x4b1: {  	v61 =	vsub.f32 $1.500000000e+00, v55;
	v63 =	vshra.s32 v45, $0x1;
	v59 =	vmul.f32 $5.000000000e-01, v45  }
0x4b2: {  	v60 =	vmul.f32 v54, v57;
	v58 =	vsub.s32 $0x5F3759DF, v63;
	v51 =	vadd.f32 v51, v56  }
0x4b3: {  	v52 =	vsub.f32 $1.500000000e+00, v52;
	v48 =	vmul.f32 v48, v61;
	v62 =	vmul.f32 v58, v59  }
0x4b4: {  	v63 =	vmul.f32 v54, v60;
	v61 =	vshra.s32 v51, $0x1;
	v55 =	vmul.f32 $5.000000000e-01, v51  }
0x4b5: {  	v32 =	vadd.s32 s31, v32;
	v47 =	vmul.f32 v52, v47;
	v53 =	vsub.s32 $0x5F3759DF, v61  }
0x4b6: {  	v60 =	vmul.f32 v58, v62;
	v52 =	vsub.f32 $1.500000000e+00, v63;
	v62 =	vmul.f32 v53, v55  }
0x4b7: {  	v27 =	vor.u32 v0, v27;
	[tilespmem:v18+s20+$0x0] =	vst.idx.msk $0xffff, v37;
	v29 =	vor.u32 v0, v29;
	v18 =	vshll.u32 v32, $0x4  }
0x4b8: {  	v18 =	vor.u32 v0, v18;
	v52 =	vmul.f32 v54, v52;
	v54 =	vmul.f32 v53, v62  }
0x4b9: {  	v40 =	vmul.f32 v49, v40;
	v63 =	vmul.f32 v48, v46;
	v49 =	vsub.f32 $1.500000000e+00, v60  }
0x4ba: {  	v42 =	vadd.f32 $-1.000000000e+00, v42;
	v43 =	vmul.f32 v47, v43;
	v54 =	vsub.f32 $1.500000000e+00, v54  }
0x4bb: {  	v50 =	vadd.f32 $-1.000000000e+00, v50;
	v56 =	vmul.f32 v63, v48;
	v49 =	vmul.f32 v58, v49  }
0x4bc: {  	[tilespmem:v24+s20+$0x0] =	vst.idx.msk $0xffff, v42;
	v24 =	vadd.s32 s0, v36;
	v58 =	vmul.f32 v52, v57;
	v32 =	vmul.f32 v53, v54  }
0x4bd: {  	v43 =	vmul.f32 v43, v47;
	v56 =	vsub.f32 $1.500000000e+00, v56;
	v60 =	vmul.f32 v49, v59  }
0x4be: {  	[tilespmem:v22+s16+$0x0] =	vst.idx.add.s32.msk $0xffff, v6;
	v22 =	vshll.u32 v24, $0x4;
	v37 =	vmul.f32 v58, v52;
	v61 =	vmul.f32 v32, v55  }
0x4bf: {  	[tilespmem:v19+s20+$0x0] =	vst.idx.msk $0xffff, v50;
	v19 =	vsub.f32 $1.500000000e+00, v43;
	v48 =	vmul.f32 v56, v48;
	v63 =	vmul.f32 v60, v49  }
0x4c0: {  	[tilespmem:v25+s16+$0x0] =	vst.idx.add.s32.msk $0xffff, v6;
	v62 =	vadd.s32 s1, v39;
	v25 =	vsub.f32 $1.500000000e+00, v37;
	v50 =	vmul.f32 v61, v32  }
0x4c1: {  	[tilespmem:v27+s19+$0x0] =	vst.idx.msk $0xffff, v30;
	v39 =	vadd.f32 $-1.000000000e+00, v40;
	v53 =	vmul.f32 v48, v46;
	v40 =	vsub.f32 $1.500000000e+00, v63  }
0x4c2: {  	[tilespmem:v29+s19+$0x0] =	vst.idx.msk $0xffff, v33;
	v19 =	vmul.f32 v19, v47;
	v25 =	vmul.f32 v25, v52;
	v54 =	vsub.f32 $1.500000000e+00, v50  }
0x4c3: {  	v22 =	vor.u32 v0, v22;
	v33 =	vmul.f32 v53, v48;
	v56 =	vmul.f32 v40, v49  }
0x4c4: {  	[tilespmem:v31+s16+$0x0] =	vst.idx.add.s32.msk $0xffff, v6;
	v30 =	vshll.u32 v62, $0x4;
	v58 =	vmul.f32 v25, v57;
	v31 =	vmul.f32 v54, v32  }
0x4c5: {  	v30 =	vor.u32 v0, v30;
	[tilespmem:v27+s20+$0x0] =	vst.idx.msk $0xffff, v39;
	v27 =	vadd.s32 s12, v38;
	v61 =	vmul.f32 v56, v59  }
0x4c6: {  	v60 =	vsub.f32 $1.500000000e+00, v33;
	v24 =	vmul.f32 v58, v25;
	v62 =	vmul.f32 v31, v55  }
0x4c7: {  	v19 =	vmul.f32 v19, v41;
	v27 =	vshll.u32 v27, $0x4;
	v32 =	vmul.f32 v61, v56  }
0x4c8: {  	[tilespmem:v18+s19+$0x0] =	vst.idx.msk $0xffff, v28;
	v28 =	vmul.f32 v60, v48;
	v24 =	vsub.f32 $1.500000000e+00, v24;
	v33 =	vmul.f32 v62, v31  }
0x4c9: {  	[tilespmem:v21+s16+$0x0] =	vst.idx.add.s32.msk $0xffff, v6;
	v19 =	vadd.f32 $-1.000000000e+00, v19;
	v21 =	vor.u32 v0, v27;
	v63 =	vsub.f32 $1.500000000e+00, v32  }
0x4ca: {  	[tilespmem:v30+s19+$0x0] =	vst.idx.msk $0xffff, v20;
	v20 =	vmul.f32 v28, v34;
	v24 =	vmul.f32 v24, v25;
	v25 =	vsub.f32 $1.500000000e+00, v33  }
0x4cb: {  	[tilespmem:v29+s20+$0x0] =	vst.idx.msk $0xffff, v19;
	v19 =	vmul.f32 v63, v56  }
0x4cc: {  	[tilespmem:v22+s19+$0x0] =	vst.idx.msk $0xffff, v23;
	v20 =	vadd.f32 $-1.000000000e+00, v20;
	v23 =	vmul.f32 v24, v44;
	v24 =	vmul.f32 v25, v31  }
0x4cd: {  	[tilespmem:v35+s16+$0x0] =	vst.idx.add.s32.msk $0xffff, v6;
	v19 =	vmul.f32 v19, v45  }
0x4ce: {  	[tilespmem:v18+s20+$0x0] =	vst.idx.msk $0xffff, v20;
	v18 =	vadd.f32 $-1.000000000e+00, v23;
	v20 =	vmul.f32 v24, v51  }
0x4cf: {  	[tilespmem:v21+s19+$0x0] =	vst.idx.msk $0xffff, v26;
	v19 =	vadd.f32 $-1.000000000e+00, v19  }
0x4d0: {  	[tilespmem:v30+s20+$0x0] =	vst.idx.msk $0xffff, v18;
	v18 =	vadd.f32 $-1.000000000e+00, v20  }
0x4d1: {  	[tilespmem:v22+s20+$0x0] =	vst.idx.msk $0xffff, v19  }
0x4d2: {  	[tilespmem:v21+s20+$0x0] =	vst.idx.msk $0xffff, v18  }
0x4d3: {  	v18 =	vld.idx.msk [tilespmem:v5+s14+$0x0], $0xffff;
	_ =	sdelay $0x2  }
0x4d4: {  	v17 =	vmul.f32 $9.705882660e-01, v17;
	_ =	sdelay $0x1  }
0x4d5: {  	v21 =	vimm.s32 $0x0;
	vm9 =	vle.f32 v18, v17  }
0x4d6: {  	v18 =	vsel vm9, $0x40, v21  }
0x4d7: {  	v19 =	vor.u32 $0x20, v18  }
0x4d8: {  	v19 =	vmin.u32 v19, $0x50  }
0x4d9: {  	v20 =	vshll.u32 v19, $0x4  }
0x4da: {  	v20 =	vor.u32 v0, v20;
	_ =	sdelay $0x4  }
0x4db: {  	v20 =	vld.idx.msk [tilespmem:v20+s14+$0x0], $0xffff;
	_ =	sdelay $0x4  }
0x4dc: {  	vm10 =	vle.f32 v20, v17  }
0x4dd: {  	v18 =	vsel vm10, v19, v18  }
0x4de: {  	v19 =	vmin.u32 v18, $0x40  }
0x4df: {  	v19 =	vadd.s32 $0x10, v19  }
0x4e0: {  	v20 =	vshll.u32 v19, $0x4  }
0x4e1: {  	v22 =	vor.u32 v0, v20  }
0x4e2: {  	v22 =	vand.u32 $0x7F, v22  }
0x4e3: {  	v20 =	vadd.s32 v20, v22;
	_ =	sdelay $0x4  }
0x4e4: {  	v20 =	vld.idx.msk [tilespmem:v20+s14+$0x0], $0xffff;
	_ =	sdelay $0x4  }
0x4e5: {  	vm11 =	vle.f32 v20, v17  }
0x4e6: {  	v18 =	vsel vm11, v19, v18  }
0x4e7: {  	v19 =	vmin.u32 v18, $0x48  }
0x4e8: {  	v19 =	vadd.s32 $0x8, v19  }
0x4e9: {  	v20 =	vshll.u32 v19, $0x4  }
0x4ea: {  	v20 =	vor.u32 v0, v20;
	_ =	sdelay $0x4  }
0x4eb: {  	v20 =	vld.idx.msk [tilespmem:v20+s14+$0x0], $0xffff;
	_ =	sdelay $0x4  }
0x4ec: {  	vm12 =	vle.f32 v20, v17  }
0x4ed: {  	v18 =	vsel vm12, v19, v18  }
0x4ee: {  	v19 =	vmin.u32 v18, $0x4C  }
0x4ef: {  	v19 =	vadd.s32 $0x4, v19  }
0x4f0: {  	v20 =	vshll.u32 v19, $0x4  }
0x4f1: {  	v20 =	vor.u32 v0, v20;
	_ =	sdelay $0x4  }
0x4f2: {  	v20 =	vld.idx.msk [tilespmem:v20+s14+$0x0], $0xffff;
	_ =	sdelay $0x4  }
0x4f3: {  	vm13 =	vle.f32 v20, v17  }
0x4f4: {  	v18 =	vsel vm13, v19, v18  }
0x4f5: {  	v19 =	vmin.u32 v18, $0x4E  }
0x4f6: {  	v19 =	vadd.s32 $0x2, v19  }
0x4f7: {  	v20 =	vshll.u32 v19, $0x4  }
0x4f8: {  	v20 =	vor.u32 v0, v20;
	_ =	sdelay $0x4  }
0x4f9: {  	v20 =	vld.idx.msk [tilespmem:v20+s14+$0x0], $0xffff;
	_ =	sdelay $0x4  }
0x4fa: {  	vm14 =	vle.f32 v20, v17  }
0x4fb: {  	v18 =	vsel vm14, v19, v18  }
0x4fc: {  	v19 =	vmin.u32 v18, $0x4F  }
0x4fd: {  	v19 =	vadd.s32 $0x1, v19  }
0x4fe: {  	v20 =	vshll.u32 v19, $0x4  }
0x4ff: {  	v20 =	vor.u32 v0, v20;
	_ =	sdelay $0x4  }
0x500: {  	v20 =	vld.idx.msk [tilespmem:v20+s14+$0x0], $0xffff;
	_ =	sdelay $0x4  }
0x501: {  	vm15 =	vle.f32 v20, v17  }
0x502: {  	v18 =	vsel vm15, v19, v18  }
0x503: {  	v18 =	vshll.u32 v18, $0x4  }
0x504: {  	v19 =	vor.u32 v0, v18  }
0x505: {  	v23 =	vadd.s32 v16, v18;
	_ =	sdelay $0x1  }
0x506: {  	s13 =	simm.s32 $0x16B80  }
0x507: {  	v24 =	vld [tilespmem:s13+$0x0]  }
0x508: {  	v20 =	vld.idx.msk [tilespmem:v19+s14+$0x0], $0xffff  }
0x509: {  	s30 =	simm.s32 $0x15280;
	v22 =	vld.idx.msk [tilespmem:v23+s14+$0x0], $0xffff  }
0x50a: {  	v18 =	vld.idx.msk [tilespmem:v19+s30+$0x0], $0xffff  }
0x50b: {  	s5 =	simm.s32 $0x16B90;
	v19 =	vld.idx.msk [tilespmem:v23+s30+$0x0], $0xffff  }
0x50c: {  	s4 =	simm.s32 $0x0;
	v23 =	vadd.s32 v21, v24;
	v24 =	vld [tilespmem:s5+$0x0]  }
0x50d: {  	v21 =	vadd.s32 s4, v23  }
0x50e: {  	[tilespmem:s13+$0x0] =	vst v2;
	v21 =	vshll.u32 v21, $0x4  }
0x50f: {  	v25 =	vld [tilespmem:s30+$0x0];
	v21 =	vor.u32 v0, v21;
	_ =	sdelay $0x1  }
0x510: {  	s31 =	simm.s32 $0x1;
	s1 =	simm.s32 $0x16BA0;
	v27 =	vadd.s32 v23, v24  }
0x511: {  	v26 =	vld [tilespmem:s1+$0x0];
	v23 =	vadd.s32 s31, v27  }
0x512: {  	[tilespmem:s5+$0x0] =	vst v2;
	s4 =	simm.s32 $0x15290;
	v23 =	vshll.u32 v23, $0x4  }
0x513: {  	s0 =	simm.s32 $0x15B00;
	[tilespmem:v21+s19+$0x0] =	vst.idx.msk $0xffff, v25;
	v25 =	vld [tilespmem:s4+$0x0];
	v23 =	vor.u32 v0, v23  }
0x514: {  	v24 =	vld [tilespmem:s0+$0x0];
	_ =	sdelay $0x1  }
0x515: {  	s6 =	simm.s32 $0x3;
	s12 =	simm.s32 $0x16BB0;
	s5 =	simm.s32 $0x2;
	v26 =	vadd.s32 v27, v26  }
.LBB2_19:
0x516: {  	v27 =	vld [tilespmem:s12+$0x0];
	[tilespmem:s1+$0x0] =	vst v2;
	v28 =	vadd.s32 s5, v26;
	s5 =	smov.u32 s6;
	s1 =	smov.u32 s12;
	p0 =	sne.s32 s6, $0x4F  }
.Ltmp8:
0x517: {  	s6 =	sadd.s32 $0x1, s6;
	s4 =	sadd.s32 $0x10, s4;
	v28 =	vshll.u32 v28, $0x4;
	[tilespmem:v23+s19+$0x0] =	vst.idx.msk $0xffff, v25;
	(pc) =	sbr.rel @p0 .LBB2_19-.Ltmp8, $3  }
0x518: {  	s0 =	sadd.s32 $0x10, s0;
	v25 =	vld [tilespmem:s4+$0x0];
	[tilespmem:v21+s20+$0x0] =	vst.idx.msk $0xffff, v24;
	v21 =	vmov v23;
	v23 =	vor.u32 v0, v28  }
0x519: {  	v24 =	vld [tilespmem:s0+$0x0];
	_ =	sdelay $0x1  }
0x51a: {  	s12 =	sadd.s32 $0x10, s12;
	v26 =	vadd.s32 v26, v27  }
0x51b: {  	v22 =	vsub.f32 v22, v20  }
0x51c: {  	v26 =	vadd.s32 s5, v26  }
0x51d: {  	[tilespmem:s1+$0x0] =	vst v2;
	s31 =	sadd.s32 $0x10, s4;
	v26 =	vshll.u32 v26, $0x4;
	(erf) = vrcp.f32 v22  }
0x51e: {  	v22 =	vld [tilespmem:s31+$0x0];
	v26 =	vor.u32 v0, v26;
	_ =	sdelay $0x3  }
0x51f: {  	s0 =	sadd.s32 $0x10, s0;
	[tilespmem:v23+s19+$0x0] =	vst.idx.msk $0xffff, v25  }
0x520: {  	v25 =	vld [tilespmem:s0+$0x0];
	s0 =	sadd.s32 $0x10, s0;
	[tilespmem:v26+s19+$0x0] =	vst.idx.msk $0xffff, v22  }
0x521: {  	v22 =	vld [tilespmem:s0+$0x0]  }
0x522: {  	v17 =	vsub.f32 v17, v20  }
0x523: {  	v20 =	vpop (erf)  }
0x524: {  	[tilespmem:v21+s20+$0x0] =	vst.idx.msk $0xffff, v24;
	v17 =	vmul.f32 v20, v17  }
0x525: {  	[tilespmem:v23+s20+$0x0] =	vst.idx.msk $0xffff, v25  }
0x526: {  	v19 =	vsub.f32 v19, v18;
	[tilespmem:v26+s20+$0x0] =	vst.idx.msk $0xffff, v22;
	v17 =	vmax.f32 v17, $0.0e+00  }
0x527: {  	v20 =	vld [tilespmem:$0x15780];
	v17 =	vmin.f32 v17, $1.000000000e+00  }
0x528: {  	v17 =	vmul.f32 v17, v19;
	_ =	sdelay $0x1  }
0x529: {  	v17 =	vadd.f32 v17, v18;
	_ =	sdelay $0x1  }
0x52a: {  	[tilespmem:$0x17080] =	vst v2;
	v17 =	vmax.f32 v20, v17  }
0x52b: {  	s0 =	simm.s32 $0x0;
	[tilespmem:$0x14800] =	vst v17  }
0x52c: {  	v17 =	vld [tilespmem:s0+$0x14200]  }
0x52d: {  	v18 =	vld [tilespmem:s0+$0x14210];
	_ =	sdelay $0x4  }
0x52e: {  	v17 =	vsub.f32 v18, v17;
	_ =	sdelay $0x1  }
0x52f: {  	v18 =	vmul.f32 v17, v9;
	_ =	sdelay $0x1  }
0x530: {  	s1 =	simm.s32 $0x10;
	v17 =	vadd.f32 $9.999999740e-06, v18  }
0x531: {  	v19 =	vld [tilespmem:s1+$0x14200]  }
0x532: {  	(erf) = vrcp.f32 v17;
	v17 =	vld [tilespmem:s1+$0x14210];
	_ =	sdelay $0x1  }
0x533: {  	v20 =	vld [tilespmem:s0+$0x14A90]  }
0x534: {  	v21 =	vld [tilespmem:s0+$0x14A80];
	_ =	sdelay $0x1  }
0x535: {  	v17 =	vsub.f32 v17, v19;
	_ =	sdelay $0x2  }
0x536: {  	v19 =	vsub.f32 v20, v21  }
0x537: {  	v22 =	vmul.f32 v17, v9;
	v17 =	vpop (erf)  }
0x538: {  	v19 =	vmul.f32 v17, v19  }
0x539: {  	v17 =	vimm.f32 $0.0e+00  }
0x53a: {  	s4 =	simm.s32 $0x20;
	v23 =	vadd.f32 $9.999999740e-06, v22;
	v25 =	vmin.f32 v17, v19  }
0x53b: {  	v24 =	vld [tilespmem:s4+$0x14200];
	v25 =	vmax.f32 v25, $-1.000000000e+03  }
0x53c: {  	(erf) = vrcp.f32 v23;
	v23 =	vld [tilespmem:s4+$0x14210];
	v25 =	vmin.f32 v25, $0.0e+00  }
0x53d: {  	v18 =	vmul.f32 v25, v18  }
0x53e: {  	v26 =	vld [tilespmem:s1+$0x14A90]  }
0x53f: {  	v27 =	vld [tilespmem:s1+$0x14A80];
	v18 =	vmul.f32 $5.000000000e-01, v18  }
0x540: {  	v20 =	vadd.f32 v20, v21  }
0x541: {  	v21 =	vsub.f32 v23, v24;
	v23 =	vsub.f32 $0.0e+00, v18  }
0x542: {  	v20 =	vmul.f32 $5.000000000e-01, v20  }
0x543: {  	v21 =	vmul.f32 v21, v9  }
0x544: {  	v24 =	vsub.f32 v26, v27;
	v18 =	vsub.f32 v18, v20  }
0x545: {  	v25 =	vadd.f32 $9.999999740e-06, v21;
	v20 =	vsub.f32 v23, v20;
	v23 =	vpop (erf)  }
0x546: {  	v23 =	vmul.f32 v23, v24  }
0x547: {  	s12 =	simm.s32 $0x30;
	v28 =	vld [tilespmem:s4+$0x14A90];
	v18 =	vmul.f32 $2.560000000e+02, v18;
	(erf) = vrcp.f32 v25  }
0x548: {  	v25 =	vld [tilespmem:s12+$0x14210];
	v20 =	vmul.f32 $2.560000000e+02, v20;
	v19 =	vmin.f32 v19, v23  }
0x549: {  	v18 =	vmin.f32 v18, $4.000000000e+01;
	v24 =	vld [tilespmem:s12+$0x14200];
	v19 =	vmax.f32 v19, $-1.000000000e+03  }
0x54a: {  	v29 =	vld [tilespmem:s4+$0x14A80];
	v18 =	vmul.f32 $1.442695020e+00, v18;
	v20 =	vmin.f32 v20, $4.000000000e+01;
	v19 =	vmin.f32 v19, $0.0e+00  }
0x54b: {  	v20 =	vmul.f32 $1.442695020e+00, v20;
	v19 =	vmul.f32 v19, v22  }
0x54c: {  	(erf) = vpow2.f32 v18;
	v18 =	vadd.f32 v26, v27  }
0x54d: {  	(erf) = vpow2.f32 v20;
	v19 =	vmul.f32 $5.000000000e-01, v19  }
0x54e: {  	v18 =	vmul.f32 $5.000000000e-01, v18;
	v20 =	vsub.f32 v25, v24  }
0x54f: {  	v24 =	vsub.f32 v28, v29;
	v22 =	vsub.f32 $0.0e+00, v19  }
0x550: {  	v20 =	vmul.f32 v20, v9;
	v25 =	vpop (erf);
	v19 =	vsub.f32 v19, v18  }
0x551: {  	v24 =	vmul.f32 v25, v24;
	v18 =	vsub.f32 v22, v18  }
0x552: {  	v22 =	vadd.f32 $9.999999740e-06, v20;
	v19 =	vmul.f32 $2.560000000e+02, v19  }
0x553: {  	s13 =	simm.s32 $0x40;
	v23 =	vmin.f32 v23, v24;
	v18 =	vmul.f32 $2.560000000e+02, v18  }
0x554: {  	v27 =	vld [tilespmem:s13+$0x14210];
	v23 =	vmax.f32 v23, $-1.000000000e+03;
	(erf) = vrcp.f32 v22;
	v19 =	vmin.f32 v19, $4.000000000e+01  }
0x555: {  	v26 =	vpop (erf);
	v23 =	vmin.f32 v23, $0.0e+00;
	v22 =	vld [tilespmem:s13+$0x14200];
	v19 =	vmul.f32 $1.442695020e+00, v19;
	v18 =	vmin.f32 v18, $4.000000000e+01  }
0x556: {  	v31 =	vld [tilespmem:s12+$0x14A80];
	v32 =	vadd.f32 $1.000000000e+00, v26;
	v30 =	vpop (erf);
	v21 =	vmul.f32 v23, v21;
	v18 =	vmul.f32 $1.442695020e+00, v18  }
0x557: {  	v25 =	vld [tilespmem:s12+$0x14A90];
	v23 =	vadd.f32 v28, v29;
	v33 =	vadd.f32 $1.000000000e+00, v30;
	(erf) = vpow2.f32 v19  }
0x558: {  	v21 =	vmul.f32 $5.000000000e-01, v21;
	(erf) = vpow2.f32 v18  }
0x559: {  	v23 =	vmul.f32 $5.000000000e-01, v23;
	v19 =	vmul.f32 v33, v32  }
0x55a: {  	v18 =	vsub.f32 v27, v22  }
0x55b: {  	v28 =	vmul.f32 $9.999999740e-06, v19;
	v19 =	vsub.f32 $0.0e+00, v21;
	v27 =	vsub.f32 v21, v23  }
0x55c: {  	v22 =	vsub.f32 v25, v31;
	v21 =	vmul.f32 v18, v9  }
0x55d: {  	s5 =	simm.s32 $0x50;
	v56 =	vadd.f32 v28, v33;
	v19 =	vsub.f32 v19, v23;
	v23 =	vmul.f32 $2.560000000e+02, v27;
	v29 =	vpop (erf)  }
0x55e: {  	v57 =	vld [tilespmem:s5+$0x14200];
	v26 =	vsub.f32 v30, v26;
	v27 =	vadd.f32 $9.999999740e-06, v21;
	v22 =	vmul.f32 v29, v22  }
0x55f: {  	v34 =	vld [tilespmem:s5+$0x14210];
	(erf) = vrcp.f32 v56;
	v19 =	vmul.f32 $2.560000000e+02, v19;
	v23 =	vmin.f32 v23, $4.000000000e+01  }
0x560: {  	v25 =	vadd.f32 v25, v31;
	v31 =	vld [tilespmem:s13+$0x14A80];
	v23 =	vmul.f32 $1.442695020e+00, v23;
	v24 =	vmin.f32 v24, v22;
	v58 =	vpop (erf)  }
0x561: {  	v29 =	vld [tilespmem:s13+$0x14A90];
	(erf) = vrcp.f32 v27;
	v19 =	vmin.f32 v19, $4.000000000e+01;
	v24 =	vmax.f32 v24, $-1.000000000e+03;
	v30 =	vpop (erf)  }
0x562: {  	v36 =	vadd.f32 $1.000000000e+00, v58;
	v24 =	vmin.f32 v24, $0.0e+00;
	v37 =	vadd.f32 $1.000000000e+00, v30  }
0x563: {  	v35 =	vmul.f32 $1.442695020e+00, v19;
	v20 =	vmul.f32 v24, v20  }
0x564: {  	(erf) = vpow2.f32 v23;
	v19 =	vsub.f32 v30, v58;
	v30 =	vmul.f32 v37, v36  }
0x565: {  	v25 =	vmul.f32 $5.000000000e-01, v25;
	v26 =	vadd.f32 v28, v26;
	v27 =	vld [tilespmem:s5+$0x14A80];
	v20 =	vmul.f32 $5.000000000e-01, v20  }
0x566: {  	v28 =	vsub.f32 v34, v57;
	(erf) = vpow2.f32 v35;
	v24 =	vld [tilespmem:s5+$0x14A90];
	v23 =	vadd.f32 v29, v31  }
0x567: {  	v60 =	vsub.f32 v29, v31;
	v59 =	vsub.f32 $0.0e+00, v20  }
0x568: {  	v29 =	vmul.f32 v28, v9;
	v31 =	vsub.f32 v20, v25;
	v20 =	vmul.f32 $9.999999740e-06, v30;
	v30 =	vpop (erf)  }
0x569: {  	v18 =	vimm.f32 $1.000000000e+00;
	v61 =	vsub.f32 v59, v25;
	v25 =	vmul.f32 v30, v26  }
0x56a: {  	v62 =	vmul.f32 $2.560000000e+02, v31;
	v63 =	vadd.f32 v20, v37;
	v31 =	vadd.f32 $9.999999740e-06, v29;
	v28 =	vpop (erf)  }
0x56b: {  	v26 =	vadd.f32 v24, v27;
	v30 =	vmul.f32 v28, v60;
	v28 =	vmul.f32 v25, v18  }
0x56c: {  	s6 =	simm.s32 $0x180;
	v32 =	vmin.f32 v62, $4.000000000e+01;
	v33 =	vmul.f32 $2.560000000e+02, v61;
	(erf) = vrcp.f32 v63  }
.LBB2_21:
0x56d: {  	s30 =	sshra.s32 s6, $0x2;
	p0 =	sne.s32 s6, $0x1780;
	s6 =	sadd.s32 $0x40, s6;
	v36 =	vmin.f32 v22, v30;
	v34 =	vpop (erf);
	v17 =	vadd.f32 v28, v17;
	v25 =	vsub.f32 $1.000000120e+00, v25  }
0x56e: {  	v22 =	vmovc v30;
	v28 =	vld [tilespmem:s30+$0x14200];
	(erf) = vrcp.f32 v31;
	v31 =	vmax.f32 v36, $-1.000000000e+03;
	v33 =	vmin.f32 v33, $4.000000000e+01  }
0x56f: {  	v32 =	vmul.f32 $1.442695020e+00, v32;
	v30 =	vld [tilespmem:s30+$0x14210];
	v31 =	vmin.f32 v31, $0.0e+00;
	v35 =	vpop (erf);
	v17 =	vadd.f32 $9.999999740e-06, v17  }
0x570: {  	v36 =	vadd.f32 $1.000000000e+00, v34;
	v33 =	vmul.f32 $1.442695020e+00, v33;
	v31 =	vmul.f32 v31, v21;
	v21 =	vmovc v29  }
0x571: {  	v18 =	vmul.f32 v25, v18;
	v37 =	vld [tilespmem:s30+$0x14A90];
	(erf) = vpow2.f32 v32;
	v32 =	vadd.f32 $1.000000000e+00, v35;
	[tilespmem:s0+$0x16310] =	vst v17;
	s0 =	smov.u32 s1;
	s1 =	smov.u32 s4;
	s4 =	smov.u32 s12  }
0x572: {  	v25 =	vmul.f32 $5.000000000e-01, v23;
	v23 =	vmovc v26;
	s12 =	smov.u32 s13;
	s13 =	smov.u32 s5;
	s5 =	smov.u32 s30;
	v38 =	vld [tilespmem:s30+$0x14A80];
	v29 =	vmul.f32 $5.000000000e-01, v31;
	v31 =	vsub.f32 v35, v34  }
0x573: {  	(erf) = vpow2.f32 v33;
	v26 =	vmul.f32 v32, v36;
	v33 =	vadd.f32 v20, v19  }
0x574: {  	v35 =	vsub.f32 v30, v28;
	v30 =	vsub.f32 $0.0e+00, v29;
	v19 =	vmov v31  }
.Ltmp9:
0x575: {  	v36 =	vsub.f32 v24, v27;
	v31 =	vsub.f32 v29, v25;
	v20 =	vmul.f32 $9.999999740e-06, v26;
	v24 =	vpop (erf);
	(pc) =	sbr.rel @p0 .LBB2_21-.Ltmp9, $4  }
0x576: {  	v29 =	vmul.f32 v35, v9;
	v34 =	vsub.f32 v30, v25;
	v25 =	vmul.f32 v24, v33;
	v24 =	vmovc v37  }
0x577: {  	v33 =	vmul.f32 $2.560000000e+02, v31;
	v26 =	vadd.f32 v24, v38;
	v28 =	vpop (erf);
	v35 =	vadd.f32 v20, v32  }
0x578: {  	v27 =	vmovc v38;
	v31 =	vadd.f32 $9.999999740e-06, v29;
	v30 =	vmul.f32 v28, v36;
	v28 =	vmul.f32 v25, v18  }
0x579: {  	v32 =	vmin.f32 v33, $4.000000000e+01;
	v33 =	vmul.f32 $2.560000000e+02, v34;
	(erf) = vrcp.f32 v35  }
0x57a: {  	(erf) = vrcp.f32 v31;
	_ =	sdelay $0x3  }
0x57b: {  	v22 =	vmin.f32 v22, v30  }
0x57c: {  	v32 =	vmul.f32 $1.442695020e+00, v32;
	v31 =	vmin.f32 v33, $4.000000000e+01;
	v22 =	vmax.f32 v22, $-1.000000000e+03  }
0x57d: {  	v38 =	vpop (erf);
	v31 =	vmul.f32 $1.442695020e+00, v31;
	v22 =	vmin.f32 v22, $0.0e+00  }
0x57e: {  	v34 =	vpop (erf);
	(erf) = vpow2.f32 v32  }
0x57f: {  	v24 =	vsub.f32 v24, v27;
	(erf) = vpow2.f32 v31;
	v27 =	vpop (erf)  }
0x580: {  	v21 =	vmul.f32 v22, v21;
	v22 =	vpop (erf)  }
0x581: {  	v22 =	vmul.f32 v22, v24  }
0x582: {  	v31 =	vadd.f32 $1.000000000e+00, v34;
	v24 =	vadd.f32 $1.000000000e+00, v38  }
0x583: {  	v21 =	vmul.f32 $5.000000000e-01, v21;
	v22 =	vmin.f32 v30, v22  }
0x584: {  	v23 =	vmul.f32 $5.000000000e-01, v23;
	v24 =	vmul.f32 v31, v24;
	v22 =	vmax.f32 v22, $-1.000000000e+03  }
0x585: {  	v30 =	vsub.f32 $0.0e+00, v21;
	v22 =	vmin.f32 v22, $0.0e+00  }
0x586: {  	v21 =	vsub.f32 v21, v23;
	v24 =	vmul.f32 $9.999999740e-06, v24;
	v22 =	vmul.f32 v22, v29  }
0x587: {  	v26 =	vmul.f32 $5.000000000e-01, v26;
	v23 =	vsub.f32 v30, v23;
	v29 =	vpop (erf)  }
0x588: {  	v21 =	vmul.f32 $2.560000000e+02, v21;
	v30 =	vadd.f32 v24, v31;
	v31 =	vpop (erf);
	v22 =	vmul.f32 $5.000000000e-01, v22  }
0x589: {  	v23 =	vmul.f32 $2.560000000e+02, v23;
	v39 =	vadd.f32 $1.000000000e+00, v29;
	v35 =	vadd.f32 $1.000000000e+00, v31  }
0x58a: {  	v21 =	vmin.f32 v21, $4.000000000e+01;
	(erf) = vrcp.f32 v30;
	v30 =	vsub.f32 $0.0e+00, v22  }
0x58b: {  	v23 =	vmin.f32 v23, $4.000000000e+01;
	v32 =	vmul.f32 v35, v39;
	v22 =	vsub.f32 v22, v26  }
0x58c: {  	v21 =	vmul.f32 $1.442695020e+00, v21;
	v23 =	vmul.f32 $1.442695020e+00, v23;
	v26 =	vsub.f32 v30, v26  }
0x58d: {  	v30 =	vmul.f32 $9.999999740e-06, v32;
	v22 =	vmul.f32 $2.560000000e+02, v22  }
0x58e: {  	(erf) = vpow2.f32 v21;
	v21 =	vmul.f32 $2.560000000e+02, v26  }
0x58f: {  	(erf) = vpow2.f32 v23;
	v23 =	vadd.f32 v30, v35;
	v22 =	vmin.f32 v22, $4.000000000e+01  }
0x590: {  	v22 =	vmul.f32 $1.442695020e+00, v22;
	v21 =	vmin.f32 v21, $4.000000000e+01  }
0x591: {  	(erf) = vrcp.f32 v23;
	v21 =	vmul.f32 $1.442695020e+00, v21  }
0x592: {  	(erf) = vpow2.f32 v22  }
0x593: {  	(erf) = vpow2.f32 v21;
	_ =	sdelay $0x2  }
0x594: {  	v21 =	vpop (erf)  }
0x595: {  	v22 =	vpop (erf)  }
0x596: {  	v25 =	vsub.f32 $1.000000120e+00, v25;
	v23 =	vpop (erf)  }
0x597: {  	v26 =	vadd.f32 $1.000000000e+00, v22;
	v40 =	vadd.f32 $1.000000000e+00, v23  }
0x598: {  	v19 =	vadd.f32 v20, v19;
	v20 =	vpop (erf)  }
0x599: {  	v26 =	vmul.f32 v40, v26;
	v41 =	vpop (erf)  }
0x59a: {  	v17 =	vadd.f32 v28, v17;
	v18 =	vmul.f32 v25, v18;
	v19 =	vmul.f32 v27, v19;
	v25 =	vpop (erf)  }
0x59b: {  	v27 =	vadd.f32 $1.000000000e+00, v41;
	v26 =	vmul.f32 $9.999999740e-06, v26;
	v28 =	vadd.f32 $1.000000000e+00, v25  }
0x59c: {  	v33 =	vsub.f32 v34, v38  }
0x59d: {  	v32 =	vadd.f32 v26, v40;
	v27 =	vmul.f32 v28, v27  }
0x59e: {  	v42 =	vmul.f32 v19, v18;
	v19 =	vsub.f32 $1.000000120e+00, v19;
	v24 =	vadd.f32 v24, v33  }
0x59f: {  	v17 =	vadd.f32 $9.999999740e-06, v17;
	(erf) = vrcp.f32 v32;
	v27 =	vmul.f32 $9.999999740e-06, v27  }
0x5a0: {  	v18 =	vmul.f32 v19, v18;
	v19 =	vsub.f32 v31, v29;
	v21 =	vmul.f32 v21, v24  }
0x5a1: {  	v43 =	vadd.f32 v42, v17;
	v28 =	vadd.f32 v27, v28  }
0x5a2: {  	v19 =	vadd.f32 v30, v19;
	v29 =	vmul.f32 v21, v18;
	v21 =	vsub.f32 $1.000000120e+00, v21  }
0x5a3: {  	v24 =	vadd.f32 $9.999999740e-06, v43;
	(erf) = vrcp.f32 v28  }
0x5a4: {  	v18 =	vmul.f32 v21, v18;
	v19 =	vmul.f32 v20, v19  }
0x5a5: {  	v20 =	vsub.f32 v23, v22;
	v28 =	vadd.f32 v29, v24  }
0x5a6: {  	v22 =	vmul.f32 v19, v18;
	v19 =	vsub.f32 $1.000000120e+00, v19  }
0x5a7: {  	v20 =	vadd.f32 v26, v20;
	v21 =	vadd.f32 $9.999999740e-06, v28  }
0x5a8: {  	v18 =	vmul.f32 v19, v18;
	v19 =	vsub.f32 v25, v41;
	v23 =	vpop (erf)  }
0x5a9: {  	v22 =	vadd.f32 v22, v21;
	v20 =	vmul.f32 v23, v20  }
0x5aa: {  	v19 =	vadd.f32 v27, v19  }
0x5ab: {  	v22 =	vadd.f32 $9.999999740e-06, v22;
	v23 =	vmul.f32 v20, v18;
	v20 =	vsub.f32 $1.000000120e+00, v20  }
0x5ac: {  	v25 =	vpop (erf)  }
0x5ad: {  	v23 =	vadd.f32 v23, v22;
	v18 =	vmul.f32 v20, v18;
	v19 =	vmul.f32 v25, v19;
	_ =	sdelay $0x1  }
0x5ae: {  	v20 =	vadd.f32 $9.999999740e-06, v23;
	v18 =	vmul.f32 v19, v18;
	_ =	sdelay $0x1  }
0x5af: {  	[tilespmem:s0+$0x16310] =	vst v17;
	v17 =	vadd.f32 v18, v20  }
0x5b0: {  	[tilespmem:s1+$0x16310] =	vst v24  }
0x5b1: {  	[tilespmem:s4+$0x16310] =	vst v21;
	v18 =	vadd.f32 $9.999999740e-06, v17  }
0x5b2: {  	s6 =	simm.s32 $0x0;
	[tilespmem:s12+$0x16310] =	vst v22  }
0x5b3: {  	s4 =	scvt.s32.f32 s6;
	[tilespmem:s13+$0x16310] =	vst v20;
	v17 =	vadd.f32 $9.999999740e-06, v18  }
0x5b4: {  	[tilespmem:s5+$0x16310] =	vst v18  }
0x5b5: {  	s0 =	smul.f32 $5.882352960e-02, s4;
	[tilespmem:$0x16900] =	vst v17  }
0x5b6: {  	v18 =	vld.idx.msk [tilespmem:v5+s14+$0x0], $0xffff  }
0x5b7: {  	s0 =	sadd.f32 $2.941176480e-02, s0;
	_ =	sdelay $0x1  }
0x5b8: {  	v21 =	vmul.f32 s0, v17;
	_ =	sdelay $0x1  }
0x5b9: {  	vm0 =	vle.f32 v18, v21  }
0x5ba: {  	v18 =	vsel vm0, $0x40, v2  }
0x5bb: {  	v19 =	vor.u32 $0x20, v18  }
0x5bc: {  	v20 =	vshll.u32 v19, $0x4  }
0x5bd: {  	v20 =	vor.u32 v0, v20;
	_ =	sdelay $0x4  }
0x5be: {  	v20 =	vld.idx.msk [tilespmem:v20+s14+$0x0], $0xffff;
	_ =	sdelay $0x1  }
0x5bf: {  	s4 =	simm.s32 $0x1  }
0x5c0: {  	s7 =	scvt.s32.f32 s4;
	_ =	sdelay $0x1  }
0x5c1: {  	s0 =	smul.f32 $5.882352960e-02, s7;
	vm10 =	vle.f32 v20, v21  }
0x5c2: {  	v18 =	vsel vm10, v19, v18;
	v19 =	vld.idx.msk [tilespmem:v5+s14+$0x0], $0xffff  }
0x5c3: {  	s0 =	sadd.f32 $2.941176480e-02, s0;
	v20 =	vor.u32 $0x10, v18  }
0x5c4: {  	v22 =	vmin.u32 v20, $0x60  }
0x5c5: {  	v20 =	vmul.f32 s0, v17;
	v23 =	vshll.u32 v22, $0x4  }
0x5c6: {  	v23 =	vor.u32 v0, v23  }
0x5c7: {  	vm11 =	vle.f32 v19, v20  }
0x5c8: {  	v19 =	vsel vm11, $0x40, v2  }
0x5c9: {  	v24 =	vor.u32 $0x20, v19  }
0x5ca: {  	v25 =	vshll.u32 v24, $0x4  }
0x5cb: {  	v23 =	vld.idx.msk [tilespmem:v23+s14+$0x0], $0xffff;
	v25 =	vor.u32 v0, v25;
	_ =	sdelay $0x4  }
0x5cc: {  	vm12 =	vle.f32 v23, v21;
	v23 =	vld.idx.msk [tilespmem:v25+s14+$0x0], $0xffff  }
0x5cd: {  	s13 =	simm.s32 $0x2;
	v18 =	vsel vm12, v22, v18  }
0x5ce: {  	s12 =	scvt.s32.f32 s13;
	v22 =	vor.u32 $0x8, v18  }
0x5cf: {  	v22 =	vmin.u32 v22, $0x60  }
0x5d0: {  	s0 =	smul.f32 $5.882352960e-02, s12;
	v25 =	vshll.u32 v22, $0x4  }
0x5d1: {  	v25 =	vor.u32 v0, v25;
	vm13 =	vle.f32 v23, v20;
	v23 =	vld.idx.msk [tilespmem:v5+s14+$0x0], $0xffff  }
0x5d2: {  	s0 =	sadd.f32 $2.941176480e-02, s0;
	v19 =	vsel vm13, v24, v19  }
0x5d3: {  	v24 =	vor.u32 $0x10, v19  }
0x5d4: {  	v28 =	vmul.f32 s0, v17;
	v24 =	vmin.u32 v24, $0x60  }
0x5d5: {  	v26 =	vshll.u32 v24, $0x4  }
0x5d6: {  	v25 =	vld.idx.msk [tilespmem:v25+s14+$0x0], $0xffff;
	v26 =	vor.u32 v0, v26;
	vm14 =	vle.f32 v23, v28  }
0x5d7: {  	v23 =	vsel vm14, $0x40, v2  }
0x5d8: {  	v27 =	vor.u32 $0x20, v23  }
0x5d9: {  	v29 =	vshll.u32 v27, $0x4  }
0x5da: {  	v29 =	vor.u32 v0, v29  }
0x5db: {  	vm15 =	vle.f32 v25, v21;
	v25 =	vld.idx.msk [tilespmem:v26+s14+$0x0], $0xffff  }
0x5dc: {  	v18 =	vsel vm15, v22, v18  }
0x5dd: {  	v22 =	vmin.u32 v18, $0x5C  }
0x5de: {  	v22 =	vadd.s32 $0x4, v22  }
0x5df: {  	v26 =	vld.idx.msk [tilespmem:v29+s14+$0x0], $0xffff;
	v29 =	vshll.u32 v22, $0x4  }
0x5e0: {  	s12 =	simm.s32 $0x3;
	vm4 =	vle.f32 v25, v20;
	v25 =	vor.u32 v0, v29  }
0x5e1: {  	s1 =	scvt.s32.f32 s12;
	v19 =	vsel vm4, v24, v19  }
0x5e2: {  	v24 =	vor.u32 $0x8, v19  }
0x5e3: {  	s0 =	smul.f32 $5.882352960e-02, s1;
	v24 =	vmin.u32 v24, $0x60  }
0x5e4: {  	v29 =	vshll.u32 v24, $0x4;
	vm5 =	vle.f32 v26, v28;
	v26 =	vld.idx.msk [tilespmem:v5+s14+$0x0], $0xffff  }
0x5e5: {  	s0 =	sadd.f32 $2.941176480e-02, s0;
	v29 =	vor.u32 v0, v29;
	v23 =	vsel vm5, v27, v23;
	v27 =	vld.idx.msk [tilespmem:v25+s14+$0x0], $0xffff  }
0x5e6: {  	v25 =	vor.u32 $0x10, v23  }
0x5e7: {  	v30 =	vmin.u32 v25, $0x60;
	v25 =	vmul.f32 s0, v17;
	_ =	sdelay $0x1  }
0x5e8: {  	v31 =	vshll.u32 v30, $0x4;
	vm6 =	vle.f32 v26, v25  }
0x5e9: {  	v31 =	vor.u32 v0, v31;
	v26 =	vld.idx.msk [tilespmem:v29+s14+$0x0], $0xffff;
	vm1 =	vle.f32 v27, v21;
	v27 =	vsel vm6, $0x40, v2  }
0x5ea: {  	v22 =	vsel vm1, v22, v18;
	v18 =	vor.u32 $0x20, v27  }
0x5eb: {  	v29 =	vmin.u32 v22, $0x5E;
	v44 =	vshll.u32 v18, $0x4  }
0x5ec: {  	v29 =	vadd.s32 $0x2, v29;
	v32 =	vor.u32 v0, v44  }
0x5ed: {  	v45 =	vshll.u32 v29, $0x4  }
0x5ee: {  	v31 =	vld.idx.msk [tilespmem:v31+s14+$0x0], $0xffff;
	vm7 =	vle.f32 v26, v20;
	v26 =	vor.u32 v0, v45;
	_ =	sdelay $0x1  }
0x5ef: {  	v19 =	vsel vm7, v24, v19  }
0x5f0: {  	v24 =	vmin.u32 v19, $0x5C;
	v32 =	vld.idx.msk [tilespmem:v32+s14+$0x0], $0xffff  }
0x5f1: {  	s0 =	simm.s32 $0x4;
	v24 =	vadd.s32 $0x4, v24  }
0x5f2: {  	s5 =	scvt.s32.f32 s0;
	vm8 =	vle.f32 v31, v28;
	v31 =	vshll.u32 v24, $0x4;
	v26 =	vld.idx.msk [tilespmem:v26+s14+$0x0], $0xffff  }
0x5f3: {  	v23 =	vsel vm8, v30, v23;
	v30 =	vor.u32 v0, v31  }
0x5f4: {  	s1 =	smul.f32 $5.882352960e-02, s5  }
0x5f5: {  	v46 =	vld.idx.msk [tilespmem:v5+s14+$0x0], $0xffff;
	v31 =	vor.u32 $0x8, v23;
	vm9 =	vle.f32 v32, v25  }
0x5f6: {  	s1 =	sadd.f32 $2.941176480e-02, s1;
	v31 =	vmin.u32 v31, $0x60;
	v27 =	vsel vm9, v18, v27  }
0x5f7: {  	v47 =	vshll.u32 v31, $0x4;
	vm10 =	vle.f32 v26, v21;
	v26 =	vor.u32 $0x10, v27  }
0x5f8: {  	v48 =	vor.u32 v0, v47;
	v18 =	vmul.f32 s1, v17;
	v30 =	vld.idx.msk [tilespmem:v30+s14+$0x0], $0xffff;
	v26 =	vmin.u32 v26, $0x60  }
0x5f9: {  	v22 =	vsel vm10, v29, v22;
	v29 =	vshll.u32 v26, $0x4  }
0x5fa: {  	vm11 =	vle.f32 v46, v18;
	v49 =	vmin.u32 v22, $0x5F;
	v29 =	vor.u32 v0, v29  }
0x5fb: {  	v51 =	vsel vm11, $0x40, v2;
	v50 =	vadd.s32 $0x1, v49  }
0x5fc: {  	v36 =	vor.u32 $0x20, v51;
	v52 =	vshll.u32 v50, $0x4  }
0x5fd: {  	v32 =	vld.idx.msk [tilespmem:v48+s14+$0x0], $0xffff;
	v35 =	vor.u32 v0, v52;
	vm12 =	vle.f32 v30, v20;
	v30 =	vshll.u32 v36, $0x4  }
0x5fe: {  	v24 =	vsel vm12, v24, v19;
	v19 =	vor.u32 v0, v30  }
0x5ff: {  	v30 =	vmin.u32 v24, $0x5E;
	v29 =	vld.idx.msk [tilespmem:v29+s14+$0x0], $0xffff  }
0x600: {  	v30 =	vadd.s32 $0x2, v30  }
0x601: {  	v37 =	vshll.u32 v30, $0x4  }
0x602: {  	vm13 =	vle.f32 v32, v28;
	v53 =	vld.idx.msk [tilespmem:v35+s14+$0x0], $0xffff;
	v54 =	vor.u32 v0, v37  }
0x603: {  	v23 =	vsel vm13, v31, v23;
	v19 =	vld.idx.msk [tilespmem:v19+s14+$0x0], $0xffff  }
0x604: {  	s1 =	simm.s32 $0x5;
	v31 =	vmin.u32 v23, $0x5C;
	vm14 =	vle.f32 v29, v25  }
0x605: {  	s7 =	scvt.s32.f32 s1;
	v29 =	vadd.s32 $0x4, v31;
	v26 =	vsel vm14, v26, v27  }
0x606: {  	v27 =	vshll.u32 v29, $0x4;
	v31 =	vor.u32 $0x8, v26  }
0x607: {  	s5 =	smul.f32 $5.882352960e-02, s7;
	v35 =	vld.idx.msk [tilespmem:v54+s14+$0x0], $0xffff;
	v27 =	vor.u32 v0, v27;
	v31 =	vmin.u32 v31, $0x60  }
0x608: {  	vm15 =	vle.f32 v53, v21;
	vm4 =	vle.f32 v19, v18;
	v19 =	vshll.u32 v31, $0x4  }
0x609: {  	v56 =	vld.idx.msk [tilespmem:v5+s14+$0x0], $0xffff;
	s5 =	sadd.f32 $2.941176480e-02, s5;
	v22 =	vsel vm15, v50, v22;
	v55 =	vsel vm4, v36, v51;
	v57 =	vor.u32 v0, v19  }
0x60a: {  	v19 =	vshll.u32 v22, $0x4;
	v58 =	vor.u32 $0x10, v55;
	v22 =	vadd.s32 $0x1, v22  }
0x60b: {  	v59 =	vor.u32 v0, v19;
	v38 =	vmin.u32 v58, $0x60;
	v19 =	vmul.f32 s5, v17  }
0x60c: {  	v60 =	vshll.u32 v22, $0x4;
	vm5 =	vle.f32 v35, v20;
	v32 =	vshll.u32 v38, $0x4;
	v27 =	vld.idx.msk [tilespmem:v27+s14+$0x0], $0xffff  }
0x60d: {  	v24 =	vsel vm5, v30, v24;
	v30 =	vor.u32 v0, v32;
	v32 =	vor.u32 v0, v60  }
0x60e: {  	vm6 =	vle.f32 v56, v19;
	v61 =	vmin.u32 v24, $0x5F  }
0x60f: {  	v63 =	vsel vm6, $0x40, v2;
	v62 =	vadd.s32 $0x1, v61  }
0x610: {  	v36 =	vld.idx.msk [tilespmem:v57+s14+$0x0], $0xffff;
	v40 =	vor.u32 $0x20, v63;
	v39 =	vshll.u32 v62, $0x4  }
0x611: {  	v41 =	vld.idx.msk [tilespmem:v59+s14+$0x0], $0xffff;
	v39 =	vor.u32 v0, v39;
	vm7 =	vle.f32 v27, v28;
	v27 =	vshll.u32 v40, $0x4  }
0x612: {  	v29 =	vsel vm7, v29, v23;
	v23 =	vor.u32 v0, v27;
	v27 =	vld.idx.msk [tilespmem:v32+s14+$0x0], $0xffff  }
0x613: {  	v30 =	vld.idx.msk [tilespmem:v30+s14+$0x0], $0xffff;
	v42 =	vmin.u32 v29, $0x5E  }
0x614: {  	v42 =	vadd.s32 $0x2, v42  }
0x615: {  	v43 =	vshll.u32 v42, $0x4  }
0x616: {  	vm8 =	vle.f32 v36, v25;
	v39 =	vld.idx.msk [tilespmem:v39+s14+$0x0], $0xffff;
	v43 =	vor.u32 v0, v43  }
0x617: {  	v26 =	vsel vm8, v31, v26;
	v23 =	vld.idx.msk [tilespmem:v23+s14+$0x0], $0xffff;
	v27 =	vsub.f32 v27, v41  }
0x618: {  	v31 =	vmin.u32 v26, $0x5C;
	vm9 =	vle.f32 v30, v18  }
0x619: {  	v31 =	vadd.s32 $0x4, v31;
	v30 =	vsel vm9, v38, v55;
	(erf) = vrcp.f32 v27  }
0x61a: {  	v46 =	vshll.u32 v31, $0x4;
	v33 =	vor.u32 $0x8, v30  }
0x61b: {  	s30 =	simm.s32 $0x6;
	v38 =	vor.u32 v0, v46;
	v27 =	vmin.u32 v33, $0x60;
	v45 =	vld.idx.msk [tilespmem:v43+s14+$0x0], $0xffff  }
0x61c: {  	s5 =	scvt.s32.f32 s30;
	v33 =	vshll.u32 v27, $0x4;
	vm10 =	vle.f32 v39, v20;
	vm11 =	vle.f32 v23, v19  }
0x61d: {  	v54 =	vld.idx.msk [tilespmem:v5+s14+$0x0], $0xffff;
	v24 =	vsel vm10, v62, v24;
	v47 =	vor.u32 v0, v33;
	v35 =	vsel vm11, v40, v63  }
0x61e: {  	s5 =	smul.f32 $5.882352960e-02, s5;
	v37 =	vld.idx.msk [tilespmem:v59+s19+$0x0], $0xffff;
	v23 =	vadd.s32 $0x1, v24;
	v24 =	vshll.u32 v24, $0x4;
	v48 =	vor.u32 $0x10, v35  }
0x61f: {  	v52 =	vld.idx.msk [tilespmem:v32+s19+$0x0], $0xffff;
	v49 =	vshll.u32 v23, $0x4;
	v24 =	vor.u32 v0, v24;
	v50 =	vmin.u32 v48, $0x60  }
0x620: {  	s5 =	sadd.f32 $2.941176480e-02, s5;
	v38 =	vld.idx.msk [tilespmem:v38+s14+$0x0], $0xffff;
	v33 =	vor.u32 v0, v49;
	vm12 =	vle.f32 v45, v28;
	v51 =	vshll.u32 v50, $0x4  }
0x621: {  	v21 =	vsub.f32 v21, v41;
	v29 =	vsel vm12, v42, v29;
	v36 =	vor.u32 v0, v51  }
0x622: {  	v44 =	vadd.s32 s6, v22;
	v22 =	vmul.f32 s5, v17;
	v34 =	vld.idx.msk [tilespmem:v47+s14+$0x0], $0xffff;
	v53 =	vmin.u32 v29, $0x5F;
	v55 =	vpop (erf)  }
0x623: {  	v41 =	vadd.s32 $0x1, v53;
	v43 =	vmul.f32 v55, v21  }
0x624: {  	vm14 =	vle.f32 v54, v22;
	v56 =	vsub.f32 v52, v37;
	v45 =	vld.idx.msk [tilespmem:v24+s14+$0x0], $0xffff;
	v46 =	vshll.u32 v41, $0x4  }
0x625: {  	vm13 =	vle.f32 v38, v25;
	v47 =	vld.idx.msk [tilespmem:v33+s14+$0x0], $0xffff;
	v46 =	vor.u32 v0, v46;
	v43 =	vmax.f32 v43, $0.0e+00  }
0x626: {  	v26 =	vsel vm13, v31, v26;
	v31 =	vsel vm14, $0x40, v2;
	v36 =	vld.idx.msk [tilespmem:v36+s14+$0x0], $0xffff;
	v57 =	vmin.f32 v43, $1.000000000e+00  }
0x627: {  	v38 =	vor.u32 $0x20, v31;
	vm15 =	vle.f32 v34, v18;
	v58 =	vmul.f32 v57, v56  }
0x628: {  	v44 =	vshll.u32 v44, $0x4;
	v61 =	vshll.u32 v38, $0x4;
	v27 =	vsel vm15, v27, v30  }
0x629: {  	v30 =	vmin.u32 v26, $0x5E;
	v62 =	vor.u32 v0, v61;
	v34 =	vadd.f32 v58, v37  }
0x62a: {  	v30 =	vadd.s32 $0x2, v30;
	v63 =	vmin.u32 v27, $0x5C;
	v60 =	vsub.f32 v47, v45;
	v59 =	vld.idx.msk [tilespmem:v46+s14+$0x0], $0xffff  }
0x62b: {  	v52 =	vshll.u32 v30, $0x4;
	vm4 =	vle.f32 v36, v19;
	v37 =	vmul.f32 v34, v9  }
0x62c: {  	v45 =	vsub.f32 v20, v45;
	v40 =	vadd.s32 $0x4, v63;
	v35 =	vsel vm4, v50, v35  }
0x62d: {  	v42 =	vor.u32 v0, v52;
	v53 =	vor.u32 $0x8, v35;
	v37 =	vadd.f32 v37, v8  }
0x62e: {  	v58 =	vshll.u32 v40, $0x4;
	(erf) = vrcp.f32 v60;
	v43 =	vmin.u32 v53, $0x60  }
0x62f: {  	v36 =	vld.idx.msk [tilespmem:v62+s14+$0x0], $0xffff;
	v20 =	vshll.u32 v43, $0x4;
	vm5 =	vle.f32 v59, v28;
	v54 =	vmul.f32 v37, v15  }
0x630: {  	s31 =	simm.s32 $0x7;
	v55 =	vmul.f32 v37, v14;
	v37 =	vmul.f32 v37, v13;
	v29 =	vsel vm5, v41, v29  }
0x631: {  	s7 =	scvt.s32.f32 s31;
	v20 =	vor.u32 v0, v20;
	v41 =	vadd.s32 $0x1, v29;
	v29 =	vshll.u32 v29, $0x4  }
0x632: {  	v39 =	vadd.f32 v54, v10;
	v57 =	vadd.f32 v55, v11;
	v48 =	vor.u32 v0, v29;
	v29 =	vld.idx.msk [tilespmem:v42+s14+$0x0], $0xffff  }
0x633: {  	s7 =	smul.f32 $5.882352960e-02, s7;
	v23 =	vadd.s32 s4, v23;
	v59 =	vor.u32 v0, v58;
	v37 =	vadd.f32 v37, v12  }
0x634: {  	v62 =	vld.idx.msk [tilespmem:v5+s14+$0x0], $0xffff;
	vm6 =	vle.f32 v36, v22;
	v39 =	vmul.f32 v39, v39;
	v42 =	vmul.f32 v57, v57  }
0x635: {  	s7 =	sadd.f32 $2.941176480e-02, s7;
	v46 =	vld.idx.msk [tilespmem:v24+s19+$0x0], $0xffff;
	v56 =	vshll.u32 v41, $0x4;
	v38 =	vsel vm6, v38, v31;
	v31 =	vmul.f32 v37, v37  }
0x636: {  	v60 =	vor.u32 $0x10, v38;
	v50 =	vld.idx.msk [tilespmem:v20+s14+$0x0], $0xffff;
	v20 =	vor.u32 v0, v56;
	v24 =	vadd.f32 v42, v39  }
0x637: {  	v21 =	vmul.f32 s7, v17;
	vm7 =	vle.f32 v29, v25;
	v29 =	vmin.u32 v60, $0x60  }
0x638: {  	v63 =	vld.idx.msk [tilespmem:v33+s19+$0x0], $0xffff;
	v49 =	vpop (erf);
	v42 =	vsel vm7, v30, v26;
	v26 =	vshll.u32 v29, $0x4;
	v30 =	vadd.f32 v24, v31  }
0x639: {  	vm9 =	vle.f32 v62, v21;
	v45 =	vmul.f32 v49, v45;
	v24 =	vor.u32 v0, v26;
	v26 =	vld.idx.msk [tilespmem:v59+s14+$0x0], $0xffff  }
0x63a: {  	v31 =	vmin.u32 v42, $0x5F;
	v53 =	vshra.s32 v30, $0x1;
	v49 =	vmul.f32 $5.000000000e-01, v30  }
0x63b: {  	vm8 =	vle.f32 v50, v19;
	v36 =	vadd.s32 $0x1, v31;
	v55 =	vld.idx.msk [tilespmem:v20+s14+$0x0], $0xffff;
	v47 =	vsub.s32 $0x5F3759DF, v53  }
0x63c: {  	v31 =	vsel vm8, v43, v35;
	v35 =	vld.idx.msk [tilespmem:v48+s14+$0x0], $0xffff;
	v54 =	vshll.u32 v36, $0x4;
	v51 =	vmul.f32 v47, v49  }
0x63d: {  	v58 =	vsel vm9, $0x40, v2;
	v57 =	vsub.f32 v63, v46;
	v43 =	vor.u32 v0, v54  }
0x63e: {  	v61 =	vmax.f32 v45, $0.0e+00;
	vm10 =	vle.f32 v26, v18;
	v26 =	vmul.f32 v47, v51  }
0x63f: {  	v56 =	vmin.f32 v61, $1.000000000e+00;
	v59 =	vor.u32 $0x20, v58;
	v40 =	vsel vm10, v40, v27;
	v27 =	vld.idx.msk [tilespmem:v24+s14+$0x0], $0xffff  }
0x640: {  	v37 =	vmul.f32 v56, v57;
	v24 =	vshll.u32 v59, $0x4;
	v26 =	vsub.f32 $1.500000000e+00, v26  }
0x641: {  	v60 =	vor.u32 v0, v24;
	v24 =	vshll.u32 v23, $0x4;
	v50 =	vsub.f32 v55, v35  }
0x642: {  	v23 =	vadd.s32 s13, v41;
	v62 =	vmin.u32 v40, $0x5E;
	v56 =	vsub.f32 v28, v35;
	v43 =	vld.idx.msk [tilespmem:v43+s14+$0x0], $0xffff  }
0x643: {  	v23 =	vshll.u32 v23, $0x4;
	v61 =	vmul.f32 v47, v26;
	v47 =	vmin.u32 v31, $0x5C  }
0x644: {  	(erf) = vrcp.f32 v50;
	v26 =	vor.u32 v0, v44;
	vm11 =	vle.f32 v27, v22  }
0x645: {  	v44 =	vadd.s32 $0x2, v62;
	v27 =	vadd.f32 v37, v46;
	v50 =	vsel vm11, v29, v38  }
0x646: {  	v53 =	vmul.f32 v61, v49;
	v29 =	vshll.u32 v44, $0x4;
	v38 =	vor.u32 $0x8, v50  }
0x647: {  	v63 =	vld.idx.msk [tilespmem:v60+s14+$0x0], $0xffff;
	vm12 =	vle.f32 v43, v25;
	v54 =	vmul.f32 v27, v9;
	v29 =	vor.u32 v0, v29  }
0x648: {  	v39 =	vmul.f32 v53, v61;
	v43 =	vmin.u32 v38, $0x60;
	v36 =	vsel vm12, v36, v42  }
0x649: {  	v55 =	vshll.u32 v43, $0x4;
	v52 =	vadd.f32 v54, v8;
	v53 =	vadd.s32 $0x1, v36  }
0x64a: {  	v28 =	vsub.f32 $1.500000000e+00, v39;
	v36 =	vshll.u32 v36, $0x4;
	v42 =	vor.u32 v0, v55  }
0x64b: {  	v39 =	vadd.s32 $0x4, v47;
	v57 =	vshll.u32 v53, $0x4;
	v38 =	vor.u32 v0, v36  }
0x64c: {  	vm13 =	vle.f32 v63, v21;
	v45 =	vmul.f32 v28, v61;
	v28 =	vor.u32 v0, v57  }
0x64d: {  	v61 =	vmul.f32 v52, v14;
	v62 =	vmul.f32 v52, v13;
	v35 =	vsel vm13, v59, v58;
	v59 =	vpop (erf)  }
0x64e: {  	v58 =	vmul.f32 v52, v15;
	v41 =	vld.idx.msk [tilespmem:v29+s14+$0x0], $0xffff;
	v29 =	vadd.s32 s12, v53;
	v60 =	vmul.f32 v59, v56  }
0x64f: {  	v56 =	vadd.f32 v61, v11;
	v49 =	vmul.f32 v45, v49;
	v57 =	vadd.f32 v62, v12;
	v63 =	vld.idx.msk [tilespmem:v42+s14+$0x0], $0xffff  }
0x650: {  	[tilespmem:v32+s16+$0x0] =	vst.idx.add.s32.msk $0xffff, v6;
	v36 =	vadd.f32 v58, v10;
	v58 =	vshll.u32 v39, $0x4;
	v42 =	vmax.f32 v60, $0.0e+00  }
0x651: {  	v59 =	vmul.f32 v49, v45;
	v60 =	vor.u32 v0, v58;
	v61 =	vmul.f32 v56, v56  }
0x652: {  	[tilespmem:v33+s16+$0x0] =	vst.idx.add.s32.msk $0xffff, v6;
	v62 =	vor.u32 $0x10, v35;
	v32 =	vmul.f32 v57, v57;
	v36 =	vmul.f32 v36, v36  }
0x653: {  	[tilespmem:v26+s17+$0x0] =	vst.idx.msk $0xffff, v34;
	vm14 =	vle.f32 v41, v18;
	v37 =	vsub.f32 $1.500000000e+00, v59;
	v41 =	vmin.u32 v62, $0x60  }
0x654: {  	v34 =	vld.idx.msk [tilespmem:v48+s19+$0x0], $0xffff;
	v33 =	vsel vm14, v44, v40;
	v36 =	vadd.f32 v61, v36;
	vm15 =	vle.f32 v63, v22  }
0x655: {  	v44 =	vld.idx.msk [tilespmem:v20+s19+$0x0], $0xffff;
	v45 =	vmul.f32 v37, v45;
	v63 =	vshll.u32 v41, $0x4;
	v40 =	vsel vm15, v43, v50  }
0x656: {  	s4 =	simm.s32 $0x8;
	v36 =	vadd.f32 v36, v32;
	v32 =	vmovc v38;
	v46 =	vor.u32 v0, v63;
	v43 =	vld.idx.msk [tilespmem:v60+s14+$0x0], $0xffff;
	v37 =	vmin.u32 v40, $0x5C  }
.LBB2_23:
0x657: {  	s6 =	scvt.s32.f32 s4  }
0x658: {  	p0 =	sne.s32 s4, $0xF;
	v47 =	vmin.u32 v33, $0x5F;
	v38 =	vld.idx.msk [tilespmem:v38+s14+$0x0], $0xffff;
	v42 =	vmin.f32 v42, $1.000000000e+00;
	v45 =	vmul.f32 v45, v30;
	s5 =	smov.u32 s4;
	s4 =	sadd.s32 $0x1, s4  }
0x659: {  	v47 =	vadd.s32 $0x1, v47;
	v48 =	vld.idx.msk [tilespmem:v28+s14+$0x0], $0xffff;
	v49 =	vshra.s32 v36, $0x1;
	v50 =	vmul.f32 $5.000000000e-01, v36;
	v30 =	vmovc v36  }
0x65a: {  	s6 =	smul.f32 $5.882352960e-02, s6;
	v36 =	vld.idx.msk [tilespmem:v5+s14+$0x0], $0xffff;
	v51 =	vshll.u32 v47, $0x4;
	v49 =	vsub.s32 $0x5F3759DF, v49;
	v45 =	vadd.f32 $-1.000000000e+00, v45  }
0x65b: {  	v29 =	vshll.u32 v29, $0x4;
	v51 =	vor.u32 v0, v51;
	[tilespmem:v20+s16+$0x0] =	vst.idx.add.s32.msk $0xffff, v6;
	v52 =	vmul.f32 v49, v50  }
0x65c: {  	s6 =	sadd.f32 $2.941176480e-02, s6;
	v46 =	vld.idx.msk [tilespmem:v46+s14+$0x0], $0xffff;
	[tilespmem:v26+s18+$0x0] =	vst.idx.msk $0xffff, v45;
	v26 =	vor.u32 v0, v24;
	v24 =	vmov v23;
	v23 =	vmov v29  }
0x65d: {  	v20 =	vmovc v28;
	vm0 =	vle.f32 v43, v19;
	v29 =	vsub.f32 v44, v34;
	v43 =	vmul.f32 v49, v52  }
0x65e: {  	v44 =	vsel vm0, v39, v31;
	v39 =	vsub.f32 v25, v38;
	v25 =	vmovc v18;
	v18 =	vmovc v19;
	v28 =	vmul.f32 s6, v17  }
0x65f: {  	v19 =	vmovc v22;
	v22 =	vmovc v21;
	v52 =	vmin.u32 v44, $0x5E;
	v29 =	vmul.f32 v42, v29;
	v42 =	vsub.f32 $1.500000000e+00, v43  }
0x660: {  	v38 =	vsub.f32 v48, v38;
	vm0 =	vle.f32 v36, v28;
	v36 =	vadd.s32 $0x2, v52;
	v43 =	vld.idx.msk [tilespmem:v51+s14+$0x0], $0xffff;
	v21 =	vmovc v28  }
0x661: {  	v31 =	vmovc v40;
	v45 =	vsel vm0, $0x40, v2;
	v28 =	vshll.u32 v36, $0x4;
	[tilespmem:v26+s17+$0x0] =	vst.idx.msk $0xffff, v27;
	v42 =	vmul.f32 v49, v42  }
0x662: {  	vm0 =	vle.f32 v46, v22;
	v40 =	vor.u32 $0x20, v45;
	(erf) = vrcp.f32 v38  }
0x663: {  	v27 =	vadd.f32 v29, v34;
	v46 =	vsel vm0, v41, v35;
	v38 =	vshll.u32 v40, $0x4  }
0x664: {  	v34 =	vor.u32 $0x8, v46;
	v35 =	vmul.f32 v42, v50;
	v29 =	vor.u32 v0, v38  }
0x665: {  	v28 =	vor.u32 v0, v28;
	v48 =	vmin.u32 v34, $0x60;
	v34 =	vmul.f32 v27, v9  }
0x666: {  	v38 =	vshll.u32 v48, $0x4;
	vm0 =	vle.f32 v43, v25;
	v35 =	vmul.f32 v35, v42  }
0x667: {  	v41 =	vor.u32 v0, v38;
	v33 =	vsel vm0, v47, v33;
	v34 =	vadd.f32 v34, v8  }
0x668: {  	v43 =	vadd.s32 $0x1, v33;
	v33 =	vshll.u32 v33, $0x4;
	v53 =	vsub.f32 $1.500000000e+00, v35  }
0x669: {  	v38 =	vor.u32 v0, v33;
	v33 =	vmul.f32 v34, v15;
	v47 =	vld.idx.msk [tilespmem:v29+s14+$0x0], $0xffff;
	v29 =	vshll.u32 v43, $0x4  }
0x66a: {  	v51 =	vmul.f32 v34, v14;
	v52 =	vmul.f32 v53, v42;
	v49 =	vld.idx.msk [tilespmem:v28+s14+$0x0], $0xffff;
	v28 =	vor.u32 v0, v29  }
0x66b: {  	v34 =	vmul.f32 v34, v13;
	v29 =	vadd.s32 s0, v43;
	v33 =	vadd.f32 v33, v10;
	s0 =	smov.u32 s1;
	s1 =	smov.u32 s30;
	s30 =	smov.u32 s31;
	v35 =	vpop (erf)  }
0x66c: {  	s31 =	smov.u32 s5;
	v50 =	vmul.f32 v52, v50;
	v43 =	vld.idx.msk [tilespmem:v41+s14+$0x0], $0xffff;
	v35 =	vmul.f32 v35, v39;
	v41 =	vadd.f32 v51, v11  }
0x66d: {  	v34 =	vadd.f32 v34, v12;
	v39 =	vadd.s32 $0x4, v37;
	v37 =	vmul.f32 v33, v33  }
0x66e: {  	v33 =	vshll.u32 v39, $0x4;
	v50 =	vmul.f32 v50, v52;
	v42 =	vmax.f32 v35, $0.0e+00  }
0x66f: {  	vm0 =	vle.f32 v47, v21;
	v47 =	vor.u32 v0, v33;
	v51 =	vmul.f32 v41, v41  }
.Ltmp10:
0x670: {  	v35 =	vsel vm0, v40, v45;
	vm0 =	vle.f32 v49, v18;
	v49 =	vmul.f32 v34, v34;
	(pc) =	sbr.rel @p0 .LBB2_23-.Ltmp10, $4  }
0x671: {  	v34 =	vor.u32 $0x10, v35;
	v33 =	vsel vm0, v36, v44;
	v36 =	vsub.f32 $1.500000000e+00, v50  }
0x672: {  	v50 =	vadd.f32 v51, v37;
	v41 =	vmin.u32 v34, $0x60;
	vm0 =	vle.f32 v43, v22;
	v34 =	vld.idx.msk [tilespmem:v32+s19+$0x0], $0xffff;
	v32 =	vmovc v38  }
0x673: {  	v37 =	vshll.u32 v41, $0x4;
	v40 =	vsel vm0, v48, v46;
	v45 =	vmul.f32 v36, v52;
	v44 =	vld.idx.msk [tilespmem:v20+s19+$0x0], $0xffff  }
0x674: {  	v36 =	vadd.f32 v50, v49;
	v46 =	vor.u32 v0, v37;
	v37 =	vmin.u32 v40, $0x5C;
	v43 =	vld.idx.msk [tilespmem:v47+s14+$0x0], $0xffff  }
0x675: {  	_ =	sdelay $0x3  }
0x676: {  	v46 =	vld.idx.msk [tilespmem:v46+s14+$0x0], $0xffff;
	_ =	sdelay $0x4  }
0x677: {  	vm0 =	vle.f32 v46, v21  }
0x678: {  	v35 =	vsel vm0, v41, v35  }
0x679: {  	v41 =	vor.u32 $0x8, v35  }
0x67a: {  	v41 =	vmin.u32 v41, $0x60  }
0x67b: {  	v55 =	vshll.u32 v41, $0x4  }
0x67c: {  	v46 =	vor.u32 v0, v55;
	_ =	sdelay $0x4  }
0x67d: {  	v46 =	vld.idx.msk [tilespmem:v46+s14+$0x0], $0xffff  }
0x67e: {  	vm11 =	vle.f32 v43, v19  }
0x67f: {  	v37 =	vadd.s32 $0x4, v37;
	v48 =	vmin.u32 v33, $0x5F;
	v31 =	vsel vm11, v39, v31  }
0x680: {  	v49 =	vshra.s32 v36, $0x1;
	v58 =	vadd.s32 $0x1, v48;
	v60 =	vmin.u32 v31, $0x5E  }
0x681: {  	v59 =	vsub.s32 $0x5F3759DF, v49;
	v50 =	vshll.u32 v58, $0x4;
	v49 =	vadd.s32 $0x2, v60  }
0x682: {  	v50 =	vor.u32 v0, v50;
	v53 =	vshll.u32 v49, $0x4;
	vm10 =	vle.f32 v46, v21  }
0x683: {  	v56 =	vshll.u32 v37, $0x4;
	v53 =	vor.u32 v0, v53;
	v35 =	vsel vm10, v41, v35  }
0x684: {  	v43 =	vmul.f32 $5.000000000e-01, v36;
	v41 =	vor.u32 v0, v56;
	v57 =	vmin.u32 v35, $0x5C  }
0x685: {  	v38 =	vld.idx.msk [tilespmem:v38+s14+$0x0], $0xffff;
	v46 =	vadd.s32 $0x4, v57  }
0x686: {  	v52 =	vld.idx.msk [tilespmem:v28+s14+$0x0], $0xffff;
	v51 =	vmul.f32 v59, v43;
	v47 =	vshll.u32 v46, $0x4  }
0x687: {  	v63 =	vld.idx.msk [tilespmem:v50+s14+$0x0], $0xffff;
	v47 =	vor.u32 v0, v47  }
0x688: {  	v44 =	vsub.f32 v44, v34;
	v51 =	vmul.f32 v59, v51;
	v50 =	vld.idx.msk [tilespmem:v53+s14+$0x0], $0xffff  }
0x689: {  	v42 =	vmin.f32 v42, $1.000000000e+00;
	v41 =	vld.idx.msk [tilespmem:v41+s14+$0x0], $0xffff  }
0x68a: {  	v62 =	vmul.f32 v42, v44;
	v61 =	vsub.f32 $1.500000000e+00, v51  }
0x68b: {  	v51 =	vsub.f32 v25, v38;
	v38 =	vsub.f32 v52, v38  }
0x68c: {  	v30 =	vmul.f32 v45, v30;
	v25 =	vadd.f32 v62, v34;
	v47 =	vld.idx.msk [tilespmem:v47+s14+$0x0], $0xffff  }
0x68d: {  	v42 =	vmul.f32 v59, v61;
	(erf) = vrcp.f32 v38;
	vm15 =	vle.f32 v50, v19  }
0x68e: {  	v52 =	vmul.f32 v25, v9;
	v48 =	vsel vm15, v49, v31;
	vm12 =	vle.f32 v41, v22  }
0x68f: {  	vm14 =	vle.f32 v63, v18;
	v49 =	vmin.u32 v48, $0x5F;
	v37 =	vsel vm12, v37, v40  }
0x690: {  	v39 =	vsel vm14, v58, v33;
	v49 =	vadd.s32 $0x1, v49;
	v40 =	vmin.u32 v37, $0x5E  }
0x691: {  	v38 =	vadd.s32 $0x2, v40;
	v40 =	vadd.f32 v52, v8;
	vm13 =	vle.f32 v47, v21  }
0x692: {  	v32 =	vld.idx.msk [tilespmem:v32+s19+$0x0], $0xffff;
	v57 =	vshll.u32 v49, $0x4;
	v53 =	vshll.u32 v38, $0x4;
	v35 =	vsel vm13, v46, v35  }
0x693: {  	v62 =	vld.idx.msk [tilespmem:v28+s19+$0x0], $0xffff;
	v44 =	vor.u32 v0, v53;
	v59 =	vmul.f32 v40, v15;
	v54 =	vmin.u32 v35, $0x5E  }
0x694: {  	v60 =	vmul.f32 v40, v14;
	v61 =	vmul.f32 v40, v13;
	v45 =	vadd.s32 $0x2, v54  }
0x695: {  	v41 =	vadd.f32 v59, v10;
	v59 =	vor.u32 v0, v57;
	v55 =	vshll.u32 v45, $0x4  }
0x696: {  	v33 =	vadd.s32 $0x1, v39;
	v39 =	vshll.u32 v39, $0x4;
	v58 =	vpop (erf);
	v56 =	vor.u32 v0, v55  }
0x697: {  	v47 =	vadd.f32 v60, v11;
	v63 =	vadd.f32 v61, v12;
	v61 =	vmul.f32 v58, v51  }
0x698: {  	v40 =	vsub.f32 v62, v32;
	v54 =	vor.u32 v0, v39;
	v44 =	vld.idx.msk [tilespmem:v44+s14+$0x0], $0xffff  }
0x699: {  	v41 =	vmul.f32 v41, v41;
	v47 =	vmul.f32 v47, v47;
	v39 =	vmax.f32 v61, $0.0e+00  }
0x69a: {  	v50 =	vmul.f32 v63, v63;
	v39 =	vmin.f32 v39, $1.000000000e+00;
	v63 =	vld.idx.msk [tilespmem:v59+s14+$0x0], $0xffff  }
0x69b: {  	v41 =	vadd.f32 v47, v41;
	v62 =	vmul.f32 v39, v40;
	v34 =	vld.idx.msk [tilespmem:v56+s14+$0x0], $0xffff  }
0x69c: {  	v46 =	vmul.f32 v42, v43;
	v60 =	vshll.u32 v33, $0x4  }
0x69d: {  	v32 =	vadd.f32 v62, v32;
	vm4 =	vle.f32 v44, v22;
	v44 =	vadd.f32 v41, v50  }
0x69e: {  	v46 =	vmul.f32 v46, v42;
	v31 =	vor.u32 v0, v60;
	v38 =	vsel vm4, v38, v37  }
0x69f: {  	v57 =	vmul.f32 v32, v9;
	v52 =	vmin.u32 v38, $0x5F;
	v53 =	vshra.s32 v44, $0x1  }
0x6a0: {  	vm6 =	vle.f32 v63, v19;
	v40 =	vadd.s32 $0x1, v52;
	vm5 =	vle.f32 v34, v21  }
0x6a1: {  	v61 =	vadd.f32 v57, v8;
	v55 =	vshll.u32 v40, $0x4;
	v35 =	vsel vm5, v45, v35  }
0x6a2: {  	v48 =	vsel vm6, v49, v48;
	v47 =	vor.u32 v0, v55;
	v56 =	vmin.u32 v35, $0x5F  }
0x6a3: {  	v50 =	vsub.s32 $0x5F3759DF, v53;
	v37 =	vadd.s32 $0x1, v48;
	v41 =	vadd.s32 $0x1, v56  }
0x6a4: {  	v51 =	vld.idx.msk [tilespmem:v54+s14+$0x0], $0xffff;
	v48 =	vshll.u32 v48, $0x4;
	v45 =	vmul.f32 $5.000000000e-01, v44;
	v58 =	vshll.u32 v41, $0x4  }
0x6a5: {  	v60 =	vld.idx.msk [tilespmem:v31+s14+$0x0], $0xffff;
	v63 =	vshll.u32 v37, $0x4;
	v55 =	vmul.f32 v61, v15;
	v39 =	vor.u32 v0, v58  }
0x6a6: {  	v34 =	vor.u32 v0, v63;
	v59 =	vmul.f32 v50, v45;
	v56 =	vmul.f32 v61, v14  }
0x6a7: {  	v46 =	vsub.f32 $1.500000000e+00, v46;
	v48 =	vor.u32 v0, v48;
	v47 =	vld.idx.msk [tilespmem:v47+s14+$0x0], $0xffff  }
0x6a8: {  	v62 =	vmul.f32 v50, v59;
	v58 =	vadd.f32 v55, v10;
	v59 =	vadd.f32 v56, v11  }
0x6a9: {  	v46 =	vmul.f32 v46, v42;
	v49 =	vmul.f32 v61, v13  }
0x6aa: {  	v53 =	vsub.f32 v60, v51;
	v52 =	vmul.f32 v58, v58;
	v55 =	vmul.f32 v59, v59;
	v39 =	vld.idx.msk [tilespmem:v39+s14+$0x0], $0xffff  }
0x6ab: {  	v49 =	vadd.f32 v49, v12;
	v57 =	vsub.f32 $1.500000000e+00, v62;
	v62 =	vld.idx.msk [tilespmem:v34+s14+$0x0], $0xffff  }
0x6ac: {  	v43 =	vmul.f32 v46, v43;
	v61 =	vadd.f32 v55, v52;
	v52 =	vld.idx.msk [tilespmem:v48+s14+$0x0], $0xffff;
	vm7 =	vle.f32 v47, v22  }
0x6ad: {  	(erf) = vrcp.f32 v53;
	v60 =	vmul.f32 v49, v49;
	v38 =	vsel vm7, v40, v38  }
0x6ae: {  	v50 =	vmul.f32 v50, v57;
	v40 =	vadd.s32 $0x1, v38;
	v38 =	vshll.u32 v38, $0x4  }
0x6af: {  	v63 =	vshll.u32 v40, $0x4;
	v56 =	vor.u32 v0, v38;
	vm8 =	vle.f32 v39, v21  }
0x6b0: {  	v53 =	vmul.f32 v50, v45;
	v38 =	vor.u32 v0, v63;
	v35 =	vsel vm8, v41, v35  }
0x6b1: {  	v55 =	vsub.f32 v62, v52;
	v39 =	vadd.s32 $0x1, v35;
	v35 =	vshll.u32 v35, $0x4  }
0x6b2: {  	v54 =	vld.idx.msk [tilespmem:v54+s19+$0x0], $0xffff;
	v41 =	vadd.f32 v61, v60;
	v60 =	vshll.u32 v39, $0x4;
	v49 =	vor.u32 v0, v35  }
0x6b3: {  	v43 =	vmul.f32 v43, v46;
	v47 =	vld.idx.msk [tilespmem:v31+s19+$0x0], $0xffff;
	v53 =	vmul.f32 v53, v50;
	v35 =	vor.u32 v0, v60  }
0x6b4: {  	(erf) = vrcp.f32 v55;
	v61 =	vshra.s32 v41, $0x1;
	v42 =	vmul.f32 $5.000000000e-01, v41;
	v57 =	vld.idx.msk [tilespmem:v56+s14+$0x0], $0xffff  }
0x6b5: {  	v18 =	vsub.f32 v18, v51;
	v53 =	vsub.f32 $1.500000000e+00, v53;
	v51 =	vsub.s32 $0x5F3759DF, v61;
	v62 =	vld.idx.msk [tilespmem:v38+s14+$0x0], $0xffff  }
0x6b6: {  	v43 =	vsub.f32 $1.500000000e+00, v43;
	v58 =	vpop (erf);
	v59 =	vmul.f32 v51, v42  }
0x6b7: {  	v18 =	vmul.f32 v58, v18;
	v50 =	vmul.f32 v53, v50;
	v58 =	vld.idx.msk [tilespmem:v49+s14+$0x0], $0xffff  }
0x6b8: {  	v43 =	vmul.f32 v43, v46;
	v63 =	vmul.f32 v51, v59;
	v60 =	vld.idx.msk [tilespmem:v35+s14+$0x0], $0xffff  }
0x6b9: {  	v18 =	vmax.f32 v18, $0.0e+00;
	v47 =	vsub.f32 v47, v54;
	v45 =	vmul.f32 v50, v45  }
0x6ba: {  	v18 =	vmin.f32 v18, $1.000000000e+00;
	v53 =	vsub.f32 $1.500000000e+00, v63;
	v61 =	vsub.f32 v62, v57  }
0x6bb: {  	v48 =	vld.idx.msk [tilespmem:v48+s19+$0x0], $0xffff;
	v18 =	vmul.f32 v18, v47;
	v45 =	vmul.f32 v45, v50  }
0x6bc: {  	v19 =	vsub.f32 v19, v52;
	v47 =	vmul.f32 v51, v53;
	v51 =	vld.idx.msk [tilespmem:v34+s19+$0x0], $0xffff;
	(erf) = vrcp.f32 v61  }
0x6bd: {  	v36 =	vmul.f32 v43, v36;
	v59 =	vpop (erf);
	v62 =	vsub.f32 v60, v58  }
0x6be: {  	v18 =	vadd.f32 v18, v54;
	v45 =	vsub.f32 $1.500000000e+00, v45;
	v19 =	vmul.f32 v59, v19  }
0x6bf: {  	v63 =	vmul.f32 v47, v42;
	(erf) = vrcp.f32 v62  }
0x6c0: {  	v45 =	vmul.f32 v45, v50;
	v60 =	vmul.f32 v18, v9  }
0x6c1: {  	v59 =	vld.idx.msk [tilespmem:v38+s19+$0x0], $0xffff;
	v19 =	vmax.f32 v19, $0.0e+00;
	v61 =	vmul.f32 v63, v47;
	v62 =	vsub.f32 v51, v48  }
0x6c2: {  	v22 =	vsub.f32 v22, v57;
	v19 =	vmin.f32 v19, $1.000000000e+00;
	v46 =	vadd.f32 v60, v8;
	v51 =	vld.idx.msk [tilespmem:v56+s19+$0x0], $0xffff  }
0x6c3: {  	v44 =	vmul.f32 v45, v44;
	v43 =	vsub.f32 $1.500000000e+00, v61;
	v19 =	vmul.f32 v19, v62  }
0x6c4: {  	v49 =	vld.idx.msk [tilespmem:v49+s19+$0x0], $0xffff;
	v21 =	vsub.f32 v21, v58;
	v63 =	vmul.f32 v46, v15;
	v56 =	vmul.f32 v46, v14  }
0x6c5: {  	v46 =	vmul.f32 v46, v13;
	v62 =	vld.idx.msk [tilespmem:v35+s19+$0x0], $0xffff;
	v43 =	vmul.f32 v43, v47;
	v19 =	vadd.f32 v19, v48;
	v61 =	vpop (erf)  }
0x6c6: {  	v60 =	vadd.f32 v63, v10;
	v52 =	vadd.f32 v56, v11;
	v22 =	vmul.f32 v61, v22  }
0x6c7: {  	v46 =	vadd.f32 v46, v12;
	v45 =	vsub.f32 v59, v51;
	v57 =	vmul.f32 v19, v9  }
0x6c8: {  	v47 =	vmul.f32 v60, v60;
	v63 =	vmul.f32 v52, v52;
	v22 =	vmax.f32 v22, $0.0e+00;
	v58 =	vpop (erf)  }
0x6c9: {  	v52 =	vadd.f32 v57, v8;
	v22 =	vmin.f32 v22, $1.000000000e+00;
	v21 =	vmul.f32 v58, v21  }
0x6ca: {  	v46 =	vmul.f32 v46, v46;
	v59 =	vsub.f32 v62, v49;
	v22 =	vmul.f32 v22, v45  }
0x6cb: {  	v47 =	vadd.f32 v63, v47;
	v60 =	vmul.f32 v52, v15;
	v21 =	vmax.f32 v21, $0.0e+00  }
0x6cc: {  	v61 =	vmul.f32 v52, v14;
	v62 =	vmin.f32 v21, $1.000000000e+00;
	v21 =	vadd.f32 v22, v51  }
0x6cd: {  	v52 =	vmul.f32 v52, v13;
	v46 =	vadd.f32 v47, v46;
	v22 =	vmul.f32 v62, v59  }
0x6ce: {  	v63 =	vadd.f32 v60, v10;
	v54 =	vadd.f32 v61, v11;
	v55 =	vmul.f32 v21, v9  }
0x6cf: {  	v48 =	vadd.f32 v52, v12;
	v57 =	vshra.s32 v46, $0x1;
	v22 =	vadd.f32 v22, v49  }
0x6d0: {  	v45 =	vmul.f32 v63, v63;
	v56 =	vmul.f32 v54, v54;
	v47 =	vadd.f32 v55, v8  }
0x6d1: {  	v52 =	vmul.f32 $5.000000000e-01, v46;
	v50 =	vsub.s32 $0x5F3759DF, v57;
	v58 =	vmul.f32 v22, v9  }
0x6d2: {  	v48 =	vmul.f32 v48, v48;
	v45 =	vadd.f32 v56, v45;
	v59 =	vmul.f32 v47, v15  }
0x6d3: {  	v63 =	vmul.f32 v50, v52;
	v60 =	vmul.f32 v47, v14;
	v51 =	vadd.f32 v58, v8  }
0x6d4: {  	v45 =	vadd.f32 v45, v48;
	v47 =	vmul.f32 v47, v13;
	v61 =	vadd.f32 v59, v10  }
0x6d5: {  	v62 =	vadd.f32 v60, v11;
	v15 =	vmul.f32 v51, v15;
	v14 =	vmul.f32 v51, v14  }
0x6d6: {  	v47 =	vadd.f32 v47, v12;
	v13 =	vmul.f32 v51, v13;
	v48 =	vmul.f32 v61, v61  }
0x6d7: {  	v49 =	vmul.f32 v62, v62;
	v10 =	vadd.f32 v15, v10;
	v11 =	vadd.f32 v14, v11  }
0x6d8: {  	v47 =	vmul.f32 v47, v47;
	v15 =	vshra.s32 v45, $0x1;
	v12 =	vadd.f32 v13, v12  }
0x6d9: {  	v48 =	vadd.f32 v49, v48;
	v10 =	vmul.f32 v10, v10;
	v11 =	vmul.f32 v11, v11  }
0x6da: {  	v14 =	vmul.f32 $5.000000000e-01, v45;
	v13 =	vmul.f32 v50, v63;
	v15 =	vsub.s32 $0x5F3759DF, v15  }
0x6db: {  	v12 =	vmul.f32 v12, v12;
	v47 =	vadd.f32 v48, v47;
	v10 =	vadd.f32 v11, v10  }
0x6dc: {  	v29 =	vshll.u32 v29, $0x4;
	v55 =	vmul.f32 v15, v14;
	v11 =	vsub.f32 $1.500000000e+00, v13  }
0x6dd: {  	v13 =	vshra.s32 v47, $0x1;
	v49 =	vmul.f32 $5.000000000e-01, v47;
	v10 =	vadd.f32 v10, v12  }
0x6de: {  	v48 =	vmul.f32 v15, v55;
	v13 =	vsub.s32 $0x5F3759DF, v13;
	v11 =	vmul.f32 v50, v11  }
0x6df: {  	v56 =	vmul.f32 v13, v49;
	v57 =	vshra.s32 v10, $0x1;
	v51 =	vmul.f32 $5.000000000e-01, v10  }
0x6e0: {  	v48 =	vsub.f32 $1.500000000e+00, v48;
	v58 =	vmul.f32 v11, v52;
	v50 =	vsub.s32 $0x5F3759DF, v57  }
0x6e1: {  	v12 =	vadd.f32 $-1.000000000e+00, v30;
	v30 =	vmul.f32 v13, v56;
	v59 =	vmul.f32 v50, v51  }
0x6e2: {  	v24 =	vor.u32 v0, v24;
	v15 =	vmul.f32 v15, v48;
	v53 =	vmul.f32 v58, v11  }
0x6e3: {  	v42 =	vmul.f32 v43, v42;
	v30 =	vsub.f32 $1.500000000e+00, v30;
	v48 =	vmul.f32 v50, v59  }
0x6e4: {  	v23 =	vor.u32 v0, v23;
	[tilespmem:v26+s18+$0x0] =	vst.idx.msk $0xffff, v12;
	v60 =	vmul.f32 v15, v14;
	v12 =	vsub.f32 $1.500000000e+00, v53  }
0x6e5: {  	v61 =	vmul.f32 v42, v43;
	v13 =	vmul.f32 v13, v30;
	v62 =	vsub.f32 $1.500000000e+00, v48  }
0x6e6: {  	v29 =	vor.u32 v0, v29;
	v11 =	vmul.f32 v12, v11;
	v12 =	vmul.f32 v60, v15  }
0x6e7: {  	[tilespmem:v20+s16+$0x0] =	vst.idx.add.s32.msk $0xffff, v6;
	v20 =	vadd.f32 $-1.000000000e+00, v36;
	v42 =	vmul.f32 v13, v49;
	v48 =	vmul.f32 v50, v62  }
0x6e8: {  	[tilespmem:v24+s17+$0x0] =	vst.idx.msk $0xffff, v27;
	v33 =	vadd.s32 s0, v33;
	v52 =	vmul.f32 v11, v52;
	v12 =	vsub.f32 $1.500000000e+00, v12  }
0x6e9: {  	[tilespmem:v24+s18+$0x0] =	vst.idx.msk $0xffff, v20;
	v20 =	vsub.f32 $1.500000000e+00, v61;
	v53 =	vmul.f32 v42, v13;
	v54 =	vmul.f32 v48, v51  }
0x6ea: {  	v63 =	vshll.u32 v33, $0x4;
	v55 =	vmul.f32 v52, v11;
	v12 =	vmul.f32 v12, v15  }
0x6eb: {  	[tilespmem:v28+s16+$0x0] =	vst.idx.add.s32.msk $0xffff, v6;
	v15 =	vmul.f32 v20, v43;
	v20 =	vsub.f32 $1.500000000e+00, v53;
	v56 =	vmul.f32 v54, v48  }
0x6ec: {  	[tilespmem:v23+s17+$0x0] =	vst.idx.msk $0xffff, v25;
	v50 =	vadd.f32 $-1.000000000e+00, v44;
	v58 =	vsub.f32 $1.500000000e+00, v55;
	v14 =	vmul.f32 v12, v14  }
0x6ed: {  	[tilespmem:v29+s17+$0x0] =	vst.idx.msk $0xffff, v32;
	v15 =	vmul.f32 v15, v41;
	v13 =	vmul.f32 v20, v13;
	v20 =	vsub.f32 $1.500000000e+00, v56  }
0x6ee: {  	v57 =	vadd.s32 s1, v37;
	[tilespmem:v23+s18+$0x0] =	vst.idx.msk $0xffff, v50;
	v11 =	vmul.f32 v58, v11;
	v14 =	vmul.f32 v14, v12  }
0x6ef: {  	v23 =	vor.u32 v0, v63;
	v60 =	vmul.f32 v13, v49;
	v20 =	vmul.f32 v20, v48  }
0x6f0: {  	[tilespmem:v31+s16+$0x0] =	vst.idx.add.s32.msk $0xffff, v6;
	v59 =	vshll.u32 v57, $0x4;
	v11 =	vmul.f32 v11, v46;
	v14 =	vsub.f32 $1.500000000e+00, v14  }
0x6f1: {  	[tilespmem:v34+s16+$0x0] =	vst.idx.add.s32.msk $0xffff, v6;
	v15 =	vadd.f32 $-1.000000000e+00, v15;
	v25 =	vmul.f32 v60, v13;
	v61 =	vmul.f32 v20, v51  }
0x6f2: {  	[tilespmem:v38+s16+$0x0] =	vst.idx.add.s32.msk $0xffff, v6;
	v24 =	vor.u32 v0, v59;
	v62 =	vadd.s32 s30, v40;
	v12 =	vmul.f32 v14, v12  }
0x6f3: {  	[tilespmem:v29+s18+$0x0] =	vst.idx.msk $0xffff, v15;
	v11 =	vadd.f32 $-1.000000000e+00, v11;
	v14 =	vsub.f32 $1.500000000e+00, v25;
	v15 =	vmul.f32 v61, v20  }
0x6f4: {  	v63 =	vadd.s32 s31, v39;
	[tilespmem:v23+s17+$0x0] =	vst.idx.msk $0xffff, v18;
	v18 =	vshll.u32 v62, $0x4;
	v12 =	vmul.f32 v12, v45  }
0x6f5: {  	[tilespmem:v23+s18+$0x0] =	vst.idx.msk $0xffff, v11;
	v11 =	vor.u32 v0, v18;
	v13 =	vmul.f32 v14, v13;
	v14 =	vsub.f32 $1.500000000e+00, v15  }
0x6f6: {  	[tilespmem:v35+s16+$0x0] =	vst.idx.add.s32.msk $0xffff, v6;
	v15 =	vshll.u32 v63, $0x4;
	v12 =	vadd.f32 $-1.000000000e+00, v12  }
0x6f7: {  	v13 =	vmul.f32 v13, v47;
	v15 =	vor.u32 v0, v15;
	v14 =	vmul.f32 v14, v20  }
0x6f8: {  	[tilespmem:v24+s17+$0x0] =	vst.idx.msk $0xffff, v19  }
0x6f9: {  	[tilespmem:v24+s18+$0x0] =	vst.idx.msk $0xffff, v12;
	v12 =	vadd.f32 $-1.000000000e+00, v13;
	v10 =	vmul.f32 v14, v10  }
0x6fa: {  	[tilespmem:v11+s17+$0x0] =	vst.idx.msk $0xffff, v21  }
0x6fb: {  	[tilespmem:v11+s18+$0x0] =	vst.idx.msk $0xffff, v12;
	v10 =	vadd.f32 $-1.000000000e+00, v10  }
0x6fc: {  	[tilespmem:v15+s17+$0x0] =	vst.idx.msk $0xffff, v22  }
0x6fd: {  	[tilespmem:v15+s18+$0x0] =	vst.idx.msk $0xffff, v10  }
0x6fe: {  	v11 =	vld.idx.msk [tilespmem:v5+s14+$0x0], $0xffff;
	_ =	sdelay $0x2  }
0x6ff: {  	v10 =	vmul.f32 $9.705882660e-01, v17;
	_ =	sdelay $0x1  }
0x700: {  	v14 =	vimm.s32 $0x0;
	vm9 =	vle.f32 v11, v10  }
0x701: {  	v11 =	vsel vm9, $0x40, v14  }
0x702: {  	v12 =	vor.u32 $0x20, v11  }
0x703: {  	v13 =	vshll.u32 v12, $0x4  }
0x704: {  	v13 =	vor.u32 v0, v13;
	_ =	sdelay $0x4  }
0x705: {  	v13 =	vld.idx.msk [tilespmem:v13+s14+$0x0], $0xffff;
	_ =	sdelay $0x4  }
0x706: {  	vm10 =	vle.f32 v13, v10  }
0x707: {  	v11 =	vsel vm10, v12, v11  }
0x708: {  	v12 =	vor.u32 $0x10, v11  }
0x709: {  	v12 =	vmin.u32 v12, $0x60  }
0x70a: {  	v13 =	vshll.u32 v12, $0x4  }
0x70b: {  	v13 =	vor.u32 v0, v13;
	_ =	sdelay $0x4  }
0x70c: {  	v13 =	vld.idx.msk [tilespmem:v13+s14+$0x0], $0xffff;
	_ =	sdelay $0x4  }
0x70d: {  	vm11 =	vle.f32 v13, v10  }
0x70e: {  	v11 =	vsel vm11, v12, v11  }
0x70f: {  	v12 =	vor.u32 $0x8, v11  }
0x710: {  	v12 =	vmin.u32 v12, $0x60  }
0x711: {  	v13 =	vshll.u32 v12, $0x4  }
0x712: {  	v13 =	vor.u32 v0, v13;
	_ =	sdelay $0x4  }
0x713: {  	v13 =	vld.idx.msk [tilespmem:v13+s14+$0x0], $0xffff;
	_ =	sdelay $0x4  }
0x714: {  	vm12 =	vle.f32 v13, v10  }
0x715: {  	v11 =	vsel vm12, v12, v11  }
0x716: {  	v12 =	vmin.u32 v11, $0x5C  }
0x717: {  	v12 =	vadd.s32 $0x4, v12  }
0x718: {  	v13 =	vshll.u32 v12, $0x4  }
0x719: {  	v13 =	vor.u32 v0, v13;
	_ =	sdelay $0x4  }
0x71a: {  	v13 =	vld.idx.msk [tilespmem:v13+s14+$0x0], $0xffff;
	_ =	sdelay $0x4  }
0x71b: {  	vm13 =	vle.f32 v13, v10  }
0x71c: {  	v11 =	vsel vm13, v12, v11  }
0x71d: {  	v12 =	vmin.u32 v11, $0x5E  }
0x71e: {  	v12 =	vadd.s32 $0x2, v12  }
0x71f: {  	v13 =	vshll.u32 v12, $0x4  }
0x720: {  	v13 =	vor.u32 v0, v13;
	_ =	sdelay $0x4  }
0x721: {  	v13 =	vld.idx.msk [tilespmem:v13+s14+$0x0], $0xffff;
	_ =	sdelay $0x4  }
0x722: {  	vm14 =	vle.f32 v13, v10  }
0x723: {  	v11 =	vsel vm14, v12, v11  }
0x724: {  	v12 =	vmin.u32 v11, $0x5F  }
0x725: {  	v12 =	vadd.s32 $0x1, v12  }
0x726: {  	v13 =	vshll.u32 v12, $0x4  }
0x727: {  	v13 =	vor.u32 v0, v13;
	_ =	sdelay $0x4  }
0x728: {  	v13 =	vld.idx.msk [tilespmem:v13+s14+$0x0], $0xffff;
	_ =	sdelay $0x4  }
0x729: {  	vm15 =	vle.f32 v13, v10  }
0x72a: {  	v11 =	vsel vm15, v12, v11  }
0x72b: {  	v11 =	vshll.u32 v11, $0x4  }
0x72c: {  	v12 =	vor.u32 v0, v11  }
0x72d: {  	v17 =	vadd.s32 v16, v11;
	_ =	sdelay $0x1  }
0x72e: {  	s13 =	simm.s32 $0x16B80  }
0x72f: {  	v18 =	vld [tilespmem:s13+$0x0]  }
0x730: {  	v13 =	vld.idx.msk [tilespmem:v12+s14+$0x0], $0xffff  }
0x731: {  	s30 =	simm.s32 $0x14200;
	v15 =	vld.idx.msk [tilespmem:v17+s14+$0x0], $0xffff  }
0x732: {  	v11 =	vld.idx.msk [tilespmem:v12+s30+$0x0], $0xffff  }
0x733: {  	s5 =	simm.s32 $0x16B90;
	v12 =	vld.idx.msk [tilespmem:v17+s30+$0x0], $0xffff  }
0x734: {  	s4 =	simm.s32 $0x0;
	v17 =	vadd.s32 v14, v18;
	v18 =	vld [tilespmem:s5+$0x0]  }
0x735: {  	v14 =	vadd.s32 s4, v17  }
0x736: {  	[tilespmem:s13+$0x0] =	vst v2;
	v14 =	vshll.u32 v14, $0x4  }
0x737: {  	v19 =	vld [tilespmem:s30+$0x0];
	v14 =	vor.u32 v0, v14;
	_ =	sdelay $0x1  }
0x738: {  	s1 =	simm.s32 $0x16BA0;
	s31 =	simm.s32 $0x1;
	v21 =	vadd.s32 v17, v18  }
0x739: {  	v20 =	vld [tilespmem:s1+$0x0];
	v17 =	vadd.s32 s31, v21  }
0x73a: {  	[tilespmem:s5+$0x0] =	vst v2;
	s4 =	simm.s32 $0x14210;
	v17 =	vshll.u32 v17, $0x4  }
0x73b: {  	s0 =	simm.s32 $0x14A80;
	[tilespmem:v14+s17+$0x0] =	vst.idx.msk $0xffff, v19;
	v19 =	vld [tilespmem:s4+$0x0];
	v17 =	vor.u32 v0, v17  }
0x73c: {  	v18 =	vld [tilespmem:s0+$0x0];
	_ =	sdelay $0x1  }
0x73d: {  	s6 =	simm.s32 $0x3;
	s12 =	simm.s32 $0x16BB0;
	s5 =	simm.s32 $0x2;
	v20 =	vadd.s32 v21, v20  }
.LBB2_25:
0x73e: {  	v21 =	vld [tilespmem:s12+$0x0];
	[tilespmem:s1+$0x0] =	vst v2;
	v22 =	vadd.s32 s5, v20;
	s5 =	smov.u32 s6;
	s1 =	smov.u32 s12;
	p0 =	sne.s32 s6, $0x5F  }
.Ltmp11:
0x73f: {  	s6 =	sadd.s32 $0x1, s6;
	s4 =	sadd.s32 $0x10, s4;
	v22 =	vshll.u32 v22, $0x4;
	[tilespmem:v17+s17+$0x0] =	vst.idx.msk $0xffff, v19;
	(pc) =	sbr.rel @p0 .LBB2_25-.Ltmp11, $3  }
0x740: {  	s0 =	sadd.s32 $0x10, s0;
	v19 =	vld [tilespmem:s4+$0x0];
	[tilespmem:v14+s18+$0x0] =	vst.idx.msk $0xffff, v18;
	v14 =	vmov v17;
	v17 =	vor.u32 v0, v22  }
0x741: {  	v18 =	vld [tilespmem:s0+$0x0];
	_ =	sdelay $0x1  }
0x742: {  	s12 =	sadd.s32 $0x10, s12;
	v20 =	vadd.s32 v20, v21  }
0x743: {  	v15 =	vsub.f32 v15, v13  }
0x744: {  	v20 =	vadd.s32 s5, v20  }
0x745: {  	[tilespmem:s1+$0x0] =	vst v2;
	s31 =	sadd.s32 $0x10, s4;
	v20 =	vshll.u32 v20, $0x4;
	(erf) = vrcp.f32 v15  }
0x746: {  	v15 =	vld [tilespmem:s31+$0x0];
	v20 =	vor.u32 v0, v20;
	_ =	sdelay $0x3  }
0x747: {  	s0 =	sadd.s32 $0x10, s0;
	[tilespmem:v17+s17+$0x0] =	vst.idx.msk $0xffff, v19  }
0x748: {  	v19 =	vld [tilespmem:s0+$0x0];
	s0 =	sadd.s32 $0x10, s0;
	[tilespmem:v20+s17+$0x0] =	vst.idx.msk $0xffff, v15  }
0x749: {  	v15 =	vld [tilespmem:s0+$0x0]  }
0x74a: {  	v10 =	vsub.f32 v10, v13  }
0x74b: {  	v13 =	vpop (erf)  }
0x74c: {  	[tilespmem:v14+s18+$0x0] =	vst.idx.msk $0xffff, v18;
	v10 =	vmul.f32 v13, v10  }
0x74d: {  	[tilespmem:v17+s18+$0x0] =	vst.idx.msk $0xffff, v19  }
0x74e: {  	v12 =	vsub.f32 v12, v11;
	[tilespmem:v20+s18+$0x0] =	vst.idx.msk $0xffff, v15;
	v10 =	vmax.f32 v10, $0.0e+00  }
0x74f: {  	v13 =	vld [tilespmem:$0x14800];
	v10 =	vmin.f32 v10, $1.000000000e+00  }
0x750: {  	v10 =	vmul.f32 v10, v12;
	_ =	sdelay $0x1  }
0x751: {  	v10 =	vadd.f32 v10, v11;
	_ =	sdelay $0x1  }
0x752: {  	[tilespmem:$0x17180] =	vst v2;
	v10 =	vmax.f32 v13, v10  }
0x753: {  	s0 =	simm.s32 $0x0;
	[tilespmem:$0x15980] =	vst v10  }
0x754: {  	v10 =	vld [tilespmem:s0+$0x15280]  }
0x755: {  	v11 =	vld [tilespmem:s0+$0x15290];
	_ =	sdelay $0x4  }
0x756: {  	v10 =	vsub.f32 v11, v10;
	_ =	sdelay $0x1  }
0x757: {  	v11 =	vmul.f32 v10, v9;
	_ =	sdelay $0x1  }
0x758: {  	s1 =	simm.s32 $0x10;
	v10 =	vadd.f32 $9.999999740e-06, v11  }
0x759: {  	v12 =	vld [tilespmem:s1+$0x15280]  }
0x75a: {  	(erf) = vrcp.f32 v10;
	v10 =	vld [tilespmem:s1+$0x15290];
	_ =	sdelay $0x1  }
0x75b: {  	v13 =	vld [tilespmem:s0+$0x15B10]  }
0x75c: {  	v14 =	vld [tilespmem:s0+$0x15B00];
	_ =	sdelay $0x1  }
0x75d: {  	v10 =	vsub.f32 v10, v12;
	_ =	sdelay $0x2  }
0x75e: {  	v12 =	vsub.f32 v13, v14  }
0x75f: {  	v15 =	vmul.f32 v10, v9;
	v10 =	vpop (erf)  }
0x760: {  	v12 =	vmul.f32 v10, v12  }
0x761: {  	v10 =	vimm.f32 $0.0e+00  }
0x762: {  	s4 =	simm.s32 $0x20;
	v17 =	vadd.f32 $9.999999740e-06, v15;
	v19 =	vmin.f32 v10, v12  }
0x763: {  	v18 =	vld [tilespmem:s4+$0x15280];
	v19 =	vmax.f32 v19, $-1.000000000e+03  }
0x764: {  	(erf) = vrcp.f32 v17;
	v17 =	vld [tilespmem:s4+$0x15290];
	v19 =	vmin.f32 v19, $0.0e+00  }
0x765: {  	v11 =	vmul.f32 v19, v11  }
0x766: {  	v20 =	vld [tilespmem:s1+$0x15B10]  }
0x767: {  	v21 =	vld [tilespmem:s1+$0x15B00];
	v11 =	vmul.f32 $5.000000000e-01, v11  }
0x768: {  	v13 =	vadd.f32 v13, v14  }
0x769: {  	v14 =	vsub.f32 v17, v18;
	v17 =	vsub.f32 $0.0e+00, v11  }
0x76a: {  	v13 =	vmul.f32 $5.000000000e-01, v13  }
0x76b: {  	v14 =	vmul.f32 v14, v9  }
0x76c: {  	v18 =	vsub.f32 v20, v21;
	v11 =	vsub.f32 v11, v13  }
0x76d: {  	v19 =	vadd.f32 $9.999999740e-06, v14;
	v13 =	vsub.f32 v17, v13;
	v17 =	vpop (erf)  }
0x76e: {  	v17 =	vmul.f32 v17, v18  }
0x76f: {  	s12 =	simm.s32 $0x30;
	v22 =	vld [tilespmem:s4+$0x15B10];
	v11 =	vmul.f32 $5.120000000e+02, v11;
	(erf) = vrcp.f32 v19  }
0x770: {  	v19 =	vld [tilespmem:s12+$0x15290];
	v13 =	vmul.f32 $5.120000000e+02, v13;
	v12 =	vmin.f32 v12, v17  }
0x771: {  	v11 =	vmin.f32 v11, $4.000000000e+01;
	v18 =	vld [tilespmem:s12+$0x15280];
	v12 =	vmax.f32 v12, $-1.000000000e+03  }
0x772: {  	v23 =	vld [tilespmem:s4+$0x15B00];
	v11 =	vmul.f32 $1.442695020e+00, v11;
	v13 =	vmin.f32 v13, $4.000000000e+01;
	v12 =	vmin.f32 v12, $0.0e+00  }
0x773: {  	v13 =	vmul.f32 $1.442695020e+00, v13;
	v12 =	vmul.f32 v12, v15  }
0x774: {  	(erf) = vpow2.f32 v11;
	v11 =	vadd.f32 v20, v21  }
0x775: {  	(erf) = vpow2.f32 v13;
	v12 =	vmul.f32 $5.000000000e-01, v12  }
0x776: {  	v11 =	vmul.f32 $5.000000000e-01, v11;
	v13 =	vsub.f32 v19, v18  }
0x777: {  	v18 =	vsub.f32 v22, v23;
	v15 =	vsub.f32 $0.0e+00, v12  }
0x778: {  	v13 =	vmul.f32 v13, v9;
	v19 =	vpop (erf);
	v12 =	vsub.f32 v12, v11  }
0x779: {  	v18 =	vmul.f32 v19, v18;
	v11 =	vsub.f32 v15, v11  }
0x77a: {  	v15 =	vadd.f32 $9.999999740e-06, v13;
	v12 =	vmul.f32 $5.120000000e+02, v12  }
0x77b: {  	s13 =	simm.s32 $0x40;
	v17 =	vmin.f32 v17, v18;
	v11 =	vmul.f32 $5.120000000e+02, v11  }
0x77c: {  	v21 =	vld [tilespmem:s13+$0x15290];
	v17 =	vmax.f32 v17, $-1.000000000e+03;
	(erf) = vrcp.f32 v15;
	v12 =	vmin.f32 v12, $4.000000000e+01  }
0x77d: {  	v20 =	vpop (erf);
	v17 =	vmin.f32 v17, $0.0e+00;
	v15 =	vld [tilespmem:s13+$0x15280];
	v12 =	vmul.f32 $1.442695020e+00, v12;
	v11 =	vmin.f32 v11, $4.000000000e+01  }
0x77e: {  	v25 =	vld [tilespmem:s12+$0x15B00];
	v26 =	vadd.f32 $1.000000000e+00, v20;
	v24 =	vpop (erf);
	v14 =	vmul.f32 v17, v14;
	v11 =	vmul.f32 $1.442695020e+00, v11  }
0x77f: {  	v19 =	vld [tilespmem:s12+$0x15B10];
	v17 =	vadd.f32 v22, v23;
	v27 =	vadd.f32 $1.000000000e+00, v24;
	(erf) = vpow2.f32 v12  }
0x780: {  	v14 =	vmul.f32 $5.000000000e-01, v14;
	(erf) = vpow2.f32 v11  }
0x781: {  	v17 =	vmul.f32 $5.000000000e-01, v17;
	v12 =	vmul.f32 v27, v26  }
0x782: {  	v11 =	vsub.f32 v21, v15  }
0x783: {  	v22 =	vmul.f32 $9.999999740e-06, v12;
	v12 =	vsub.f32 $0.0e+00, v14;
	v21 =	vsub.f32 v14, v17  }
0x784: {  	v15 =	vsub.f32 v19, v25;
	v14 =	vmul.f32 v11, v9  }
0x785: {  	s30 =	simm.s32 $0x50;
	v26 =	vadd.f32 v22, v27;
	v12 =	vsub.f32 v12, v17;
	v17 =	vmul.f32 $5.120000000e+02, v21;
	v23 =	vpop (erf)  }
0x786: {  	v28 =	vld [tilespmem:s30+$0x15290];
	v19 =	vadd.f32 v19, v25;
	v21 =	vadd.f32 $9.999999740e-06, v14;
	v15 =	vmul.f32 v23, v15  }
0x787: {  	v25 =	vld [tilespmem:s13+$0x15B00];
	(erf) = vrcp.f32 v26;
	v12 =	vmul.f32 $5.120000000e+02, v12;
	v17 =	vmin.f32 v17, $4.000000000e+01  }
0x788: {  	v20 =	vsub.f32 v24, v20;
	v26 =	vld [tilespmem:s30+$0x15280];
	v17 =	vmul.f32 $1.442695020e+00, v17;
	v18 =	vmin.f32 v18, v15;
	v27 =	vpop (erf)  }
0x789: {  	v23 =	vld [tilespmem:s13+$0x15B10];
	(erf) = vrcp.f32 v21;
	v12 =	vmin.f32 v12, $4.000000000e+01;
	v18 =	vmax.f32 v18, $-1.000000000e+03;
	v24 =	vpop (erf)  }
0x78a: {  	v30 =	vadd.f32 $1.000000000e+00, v27;
	v18 =	vmin.f32 v18, $0.0e+00;
	v31 =	vadd.f32 $1.000000000e+00, v24  }
0x78b: {  	v29 =	vmul.f32 $1.442695020e+00, v12;
	v13 =	vmul.f32 v18, v13  }
0x78c: {  	(erf) = vpow2.f32 v17;
	v12 =	vsub.f32 v24, v27;
	v24 =	vmul.f32 v31, v30  }
0x78d: {  	v19 =	vmul.f32 $5.000000000e-01, v19;
	v20 =	vadd.f32 v22, v20;
	v21 =	vld [tilespmem:s30+$0x15B00];
	v13 =	vmul.f32 $5.000000000e-01, v13  }
0x78e: {  	(erf) = vpow2.f32 v29;
	v22 =	vsub.f32 v28, v26;
	v18 =	vld [tilespmem:s30+$0x15B10];
	v17 =	vadd.f32 v23, v25  }
0x78f: {  	v27 =	vsub.f32 v23, v25;
	v26 =	vsub.f32 $0.0e+00, v13  }
0x790: {  	v23 =	vmul.f32 v22, v9;
	v25 =	vsub.f32 v13, v19;
	v13 =	vmul.f32 $9.999999740e-06, v24;
	v24 =	vpop (erf)  }
0x791: {  	v11 =	vimm.f32 $1.000000000e+00;
	v28 =	vsub.f32 v26, v19;
	v19 =	vmul.f32 v24, v20  }
0x792: {  	v26 =	vmul.f32 $5.120000000e+02, v25;
	v29 =	vadd.f32 v13, v31;
	v25 =	vadd.f32 $9.999999740e-06, v23;
	v22 =	vpop (erf)  }
0x793: {  	v20 =	vadd.f32 v18, v21;
	v24 =	vmul.f32 v22, v27;
	v22 =	vmul.f32 v19, v11  }
0x794: {  	s5 =	simm.s32 $0x180;
	v26 =	vmin.f32 v26, $4.000000000e+01;
	v27 =	vmul.f32 $5.120000000e+02, v28;
	(erf) = vrcp.f32 v29  }
.LBB2_27:
0x795: {  	s6 =	sshra.s32 s5, $0x2;
	p0 =	sne.s32 s5, $0x1B80;
	s5 =	sadd.s32 $0x40, s5;
	v30 =	vmin.f32 v15, v24;
	v28 =	vpop (erf);
	v10 =	vadd.f32 v22, v10;
	v19 =	vsub.f32 $1.000000120e+00, v19  }
0x796: {  	v15 =	vmovc v24;
	v22 =	vld [tilespmem:s6+$0x15280];
	(erf) = vrcp.f32 v25;
	v25 =	vmax.f32 v30, $-1.000000000e+03;
	v27 =	vmin.f32 v27, $4.000000000e+01  }
0x797: {  	v26 =	vmul.f32 $1.442695020e+00, v26;
	v24 =	vld [tilespmem:s6+$0x15290];
	v25 =	vmin.f32 v25, $0.0e+00;
	v29 =	vpop (erf);
	v10 =	vadd.f32 $9.999999740e-06, v10  }
0x798: {  	v30 =	vadd.f32 $1.000000000e+00, v28;
	v27 =	vmul.f32 $1.442695020e+00, v27;
	v25 =	vmul.f32 v25, v14;
	v14 =	vmovc v23  }
0x799: {  	v11 =	vmul.f32 v19, v11;
	v31 =	vld [tilespmem:s6+$0x15B10];
	(erf) = vpow2.f32 v26;
	v26 =	vadd.f32 $1.000000000e+00, v29;
	[tilespmem:s0+$0x16310] =	vst v10;
	s0 =	smov.u32 s1;
	s1 =	smov.u32 s4;
	s4 =	smov.u32 s12  }
0x79a: {  	v19 =	vmul.f32 $5.000000000e-01, v17;
	v17 =	vmovc v20;
	s12 =	smov.u32 s13;
	s13 =	smov.u32 s30;
	s30 =	smov.u32 s6;
	v32 =	vld [tilespmem:s6+$0x15B00];
	v23 =	vmul.f32 $5.000000000e-01, v25;
	v25 =	vsub.f32 v29, v28  }
0x79b: {  	(erf) = vpow2.f32 v27;
	v20 =	vmul.f32 v26, v30;
	v27 =	vadd.f32 v13, v12  }
0x79c: {  	v29 =	vsub.f32 v24, v22;
	v24 =	vsub.f32 $0.0e+00, v23;
	v12 =	vmov v25  }
.Ltmp12:
0x79d: {  	v30 =	vsub.f32 v18, v21;
	v25 =	vsub.f32 v23, v19;
	v13 =	vmul.f32 $9.999999740e-06, v20;
	v18 =	vpop (erf);
	(pc) =	sbr.rel @p0 .LBB2_27-.Ltmp12, $4  }
0x79e: {  	v23 =	vmul.f32 v29, v9;
	v28 =	vsub.f32 v24, v19;
	v19 =	vmul.f32 v18, v27;
	v18 =	vmovc v31  }
0x79f: {  	v27 =	vmul.f32 $5.120000000e+02, v25;
	v20 =	vadd.f32 v18, v32;
	v22 =	vpop (erf);
	v29 =	vadd.f32 v13, v26  }
0x7a0: {  	v21 =	vmovc v32;
	v25 =	vadd.f32 $9.999999740e-06, v23;
	v24 =	vmul.f32 v22, v30;
	v22 =	vmul.f32 v19, v11  }
0x7a1: {  	v26 =	vmin.f32 v27, $4.000000000e+01;
	v27 =	vmul.f32 $5.120000000e+02, v28;
	(erf) = vrcp.f32 v29  }
0x7a2: {  	(erf) = vrcp.f32 v25;
	_ =	sdelay $0x3  }
0x7a3: {  	v15 =	vmin.f32 v15, v24  }
0x7a4: {  	v26 =	vmul.f32 $1.442695020e+00, v26;
	v25 =	vmin.f32 v27, $4.000000000e+01;
	v15 =	vmax.f32 v15, $-1.000000000e+03  }
0x7a5: {  	v27 =	vpop (erf);
	v25 =	vmul.f32 $1.442695020e+00, v25;
	v15 =	vmin.f32 v15, $0.0e+00  }
0x7a6: {  	v28 =	vpop (erf);
	(erf) = vpow2.f32 v26  }
0x7a7: {  	v18 =	vsub.f32 v18, v21;
	(erf) = vpow2.f32 v25;
	v21 =	vpop (erf)  }
0x7a8: {  	v14 =	vmul.f32 v15, v14;
	v15 =	vpop (erf)  }
0x7a9: {  	v15 =	vmul.f32 v15, v18  }
0x7aa: {  	v25 =	vadd.f32 $1.000000000e+00, v28;
	v18 =	vadd.f32 $1.000000000e+00, v27  }
0x7ab: {  	v14 =	vmul.f32 $5.000000000e-01, v14;
	v15 =	vmin.f32 v24, v15  }
0x7ac: {  	v17 =	vmul.f32 $5.000000000e-01, v17;
	v18 =	vmul.f32 v25, v18;
	v15 =	vmax.f32 v15, $-1.000000000e+03  }
0x7ad: {  	v24 =	vsub.f32 $0.0e+00, v14;
	v15 =	vmin.f32 v15, $0.0e+00  }
0x7ae: {  	v14 =	vsub.f32 v14, v17;
	v18 =	vmul.f32 $9.999999740e-06, v18;
	v15 =	vmul.f32 v15, v23  }
0x7af: {  	v20 =	vmul.f32 $5.000000000e-01, v20;
	v17 =	vsub.f32 v24, v17;
	v23 =	vpop (erf)  }
0x7b0: {  	v14 =	vmul.f32 $5.120000000e+02, v14;
	v24 =	vadd.f32 v18, v25;
	v25 =	vpop (erf);
	v15 =	vmul.f32 $5.000000000e-01, v15  }
0x7b1: {  	v17 =	vmul.f32 $5.120000000e+02, v17;
	v26 =	vadd.f32 $1.000000000e+00, v23;
	v29 =	vadd.f32 $1.000000000e+00, v25  }
0x7b2: {  	v14 =	vmin.f32 v14, $4.000000000e+01;
	(erf) = vrcp.f32 v24;
	v24 =	vsub.f32 $0.0e+00, v15  }
0x7b3: {  	v17 =	vmin.f32 v17, $4.000000000e+01;
	v26 =	vmul.f32 v29, v26;
	v15 =	vsub.f32 v15, v20  }
0x7b4: {  	v14 =	vmul.f32 $1.442695020e+00, v14;
	v17 =	vmul.f32 $1.442695020e+00, v17;
	v20 =	vsub.f32 v24, v20  }
0x7b5: {  	v24 =	vmul.f32 $9.999999740e-06, v26;
	v15 =	vmul.f32 $5.120000000e+02, v15  }
0x7b6: {  	(erf) = vpow2.f32 v14;
	v14 =	vmul.f32 $5.120000000e+02, v20  }
0x7b7: {  	(erf) = vpow2.f32 v17;
	v17 =	vadd.f32 v24, v29;
	v15 =	vmin.f32 v15, $4.000000000e+01  }
0x7b8: {  	v15 =	vmul.f32 $1.442695020e+00, v15;
	v14 =	vmin.f32 v14, $4.000000000e+01  }
0x7b9: {  	(erf) = vrcp.f32 v17;
	v14 =	vmul.f32 $1.442695020e+00, v14  }
0x7ba: {  	(erf) = vpow2.f32 v15  }
0x7bb: {  	(erf) = vpow2.f32 v14;
	_ =	sdelay $0x2  }
0x7bc: {  	v14 =	vpop (erf)  }
0x7bd: {  	v15 =	vpop (erf)  }
0x7be: {  	v19 =	vsub.f32 $1.000000120e+00, v19;
	v17 =	vpop (erf)  }
0x7bf: {  	v20 =	vadd.f32 $1.000000000e+00, v15;
	v26 =	vadd.f32 $1.000000000e+00, v17  }
0x7c0: {  	v12 =	vadd.f32 v13, v12;
	v13 =	vpop (erf)  }
0x7c1: {  	v20 =	vmul.f32 v26, v20;
	v29 =	vpop (erf)  }
0x7c2: {  	v10 =	vadd.f32 v22, v10;
	v11 =	vmul.f32 v19, v11;
	v12 =	vmul.f32 v21, v12;
	v19 =	vpop (erf)  }
0x7c3: {  	v21 =	vadd.f32 $1.000000000e+00, v29;
	v20 =	vmul.f32 $9.999999740e-06, v20;
	v22 =	vadd.f32 $1.000000000e+00, v19  }
0x7c4: {  	v27 =	vsub.f32 v28, v27  }
0x7c5: {  	v26 =	vadd.f32 v20, v26;
	v21 =	vmul.f32 v22, v21  }
0x7c6: {  	v28 =	vmul.f32 v12, v11;
	v12 =	vsub.f32 $1.000000120e+00, v12;
	v18 =	vadd.f32 v18, v27  }
0x7c7: {  	v10 =	vadd.f32 $9.999999740e-06, v10;
	(erf) = vrcp.f32 v26;
	v21 =	vmul.f32 $9.999999740e-06, v21  }
0x7c8: {  	v11 =	vmul.f32 v12, v11;
	v12 =	vsub.f32 v25, v23;
	v14 =	vmul.f32 v14, v18  }
0x7c9: {  	v27 =	vadd.f32 v28, v10;
	v22 =	vadd.f32 v21, v22  }
0x7ca: {  	v12 =	vadd.f32 v24, v12;
	v23 =	vmul.f32 v14, v11;
	v14 =	vsub.f32 $1.000000120e+00, v14  }
0x7cb: {  	v18 =	vadd.f32 $9.999999740e-06, v27;
	(erf) = vrcp.f32 v22  }
0x7cc: {  	v11 =	vmul.f32 v14, v11;
	v12 =	vmul.f32 v13, v12  }
0x7cd: {  	v13 =	vsub.f32 v17, v15;
	v22 =	vadd.f32 v23, v18  }
0x7ce: {  	v15 =	vmul.f32 v12, v11;
	v12 =	vsub.f32 $1.000000120e+00, v12  }
0x7cf: {  	v13 =	vadd.f32 v20, v13;
	v14 =	vadd.f32 $9.999999740e-06, v22  }
0x7d0: {  	v11 =	vmul.f32 v12, v11;
	v12 =	vsub.f32 v19, v29;
	v17 =	vpop (erf)  }
0x7d1: {  	v15 =	vadd.f32 v15, v14;
	v13 =	vmul.f32 v17, v13  }
0x7d2: {  	v12 =	vadd.f32 v21, v12  }
0x7d3: {  	v15 =	vadd.f32 $9.999999740e-06, v15;
	v17 =	vmul.f32 v13, v11;
	v13 =	vsub.f32 $1.000000120e+00, v13  }
0x7d4: {  	v19 =	vpop (erf)  }
0x7d5: {  	v17 =	vadd.f32 v17, v15;
	v11 =	vmul.f32 v13, v11;
	v12 =	vmul.f32 v19, v12;
	_ =	sdelay $0x1  }
0x7d6: {  	v13 =	vadd.f32 $9.999999740e-06, v17;
	v11 =	vmul.f32 v12, v11;
	_ =	sdelay $0x1  }
0x7d7: {  	[tilespmem:s0+$0x16310] =	vst v10;
	v10 =	vadd.f32 v11, v13  }
0x7d8: {  	[tilespmem:s1+$0x16310] =	vst v18  }
0x7d9: {  	[tilespmem:s4+$0x16310] =	vst v14;
	v11 =	vadd.f32 $9.999999740e-06, v10  }
0x7da: {  	s5 =	simm.s32 $0x0;
	[tilespmem:s12+$0x16310] =	vst v15  }
0x7db: {  	s1 =	scvt.s32.f32 s5;
	[tilespmem:s13+$0x16310] =	vst v13;
	v10 =	vadd.f32 $9.999999740e-06, v11  }
0x7dc: {  	[tilespmem:s30+$0x16310] =	vst v11  }
0x7dd: {  	s0 =	smul.f32 $5.882352960e-02, s1;
	[tilespmem:$0x16A00] =	vst v10  }
0x7de: {  	v11 =	vld.idx.msk [tilespmem:v5+s14+$0x0], $0xffff  }
0x7df: {  	s0 =	sadd.f32 $2.941176480e-02, s0;
	_ =	sdelay $0x1  }
0x7e0: {  	v12 =	vmul.f32 s0, v10;
	_ =	sdelay $0x1  }
0x7e1: {  	vm0 =	vle.f32 v11, v12  }
0x7e2: {  	v11 =	vsel vm0, $0x40, v2  }
0x7e3: {  	v13 =	vor.u32 $0x20, v11  }
0x7e4: {  	v14 =	vshll.u32 v13, $0x4  }
0x7e5: {  	v14 =	vor.u32 v0, v14;
	_ =	sdelay $0x4  }
0x7e6: {  	s0 =	simm.s32 $0x1;
	v14 =	vld.idx.msk [tilespmem:v14+s14+$0x0], $0xffff  }
0x7e7: {  	s4 =	scvt.s32.f32 s0;
	_ =	sdelay $0x1  }
0x7e8: {  	s1 =	smul.f32 $5.882352960e-02, s4  }
0x7e9: {  	v17 =	vld.idx.msk [tilespmem:v5+s14+$0x0], $0xffff  }
0x7ea: {  	s1 =	sadd.f32 $2.941176480e-02, s1;
	vm0 =	vle.f32 v14, v12  }
0x7eb: {  	v11 =	vsel vm0, v13, v11  }
0x7ec: {  	v15 =	vmul.f32 s1, v10;
	v13 =	vor.u32 $0x10, v11  }
0x7ed: {  	v14 =	vshll.u32 v13, $0x4  }
0x7ee: {  	vm0 =	vle.f32 v17, v15;
	v14 =	vor.u32 v0, v14  }
0x7ef: {  	v17 =	vsel vm0, $0x40, v2  }
0x7f0: {  	v18 =	vor.u32 $0x20, v17  }
0x7f1: {  	v19 =	vshll.u32 v18, $0x4  }
0x7f2: {  	v19 =	vor.u32 v0, v19  }
0x7f3: {  	v14 =	vld.idx.msk [tilespmem:v14+s14+$0x0], $0xffff;
	_ =	sdelay $0x3  }
0x7f4: {  	s1 =	simm.s32 $0x2;
	v19 =	vld.idx.msk [tilespmem:v19+s14+$0x0], $0xffff  }
0x7f5: {  	s6 =	scvt.s32.f32 s1;
	vm0 =	vle.f32 v14, v12  }
0x7f6: {  	v11 =	vsel vm0, v13, v11  }
0x7f7: {  	s4 =	smul.f32 $5.882352960e-02, s6;
	v13 =	vor.u32 $0x8, v11  }
0x7f8: {  	v20 =	vld.idx.msk [tilespmem:v5+s14+$0x0], $0xffff;
	v14 =	vmin.u32 v13, $0x70  }
0x7f9: {  	s4 =	sadd.f32 $2.941176480e-02, s4;
	vm0 =	vle.f32 v19, v15;
	v13 =	vshll.u32 v14, $0x4  }
0x7fa: {  	v17 =	vsel vm0, v18, v17;
	v19 =	vor.u32 v0, v13  }
0x7fb: {  	v18 =	vor.u32 $0x10, v17;
	v13 =	vmul.f32 s4, v10  }
0x7fc: {  	v21 =	vshll.u32 v18, $0x4  }
0x7fd: {  	vm0 =	vle.f32 v20, v13;
	v20 =	vor.u32 v0, v21  }
0x7fe: {  	v21 =	vsel vm0, $0x40, v2  }
0x7ff: {  	v22 =	vor.u32 $0x20, v21;
	v19 =	vld.idx.msk [tilespmem:v19+s14+$0x0], $0xffff  }
0x800: {  	v23 =	vshll.u32 v22, $0x4  }
0x801: {  	v23 =	vor.u32 v0, v23  }
0x802: {  	v20 =	vld.idx.msk [tilespmem:v20+s14+$0x0], $0xffff;
	_ =	sdelay $0x1  }
0x803: {  	vm0 =	vle.f32 v19, v12  }
0x804: {  	v11 =	vsel vm0, v14, v11  }
0x805: {  	s12 =	simm.s32 $0x3;
	v19 =	vld.idx.msk [tilespmem:v23+s14+$0x0], $0xffff;
	v14 =	vmin.u32 v11, $0x6C  }
0x806: {  	s7 =	scvt.s32.f32 s12;
	vm0 =	vle.f32 v20, v15;
	v14 =	vadd.s32 $0x4, v14  }
0x807: {  	v18 =	vsel vm0, v18, v17;
	v20 =	vshll.u32 v14, $0x4  }
0x808: {  	s4 =	smul.f32 $5.882352960e-02, s7;
	v17 =	vor.u32 $0x8, v18;
	v20 =	vor.u32 v0, v20  }
0x809: {  	v23 =	vld.idx.msk [tilespmem:v5+s14+$0x0], $0xffff;
	v24 =	vmin.u32 v17, $0x70  }
0x80a: {  	s4 =	sadd.f32 $2.941176480e-02, s4;
	vm0 =	vle.f32 v19, v13;
	v17 =	vshll.u32 v24, $0x4  }
0x80b: {  	v19 =	vsel vm0, v22, v21;
	v21 =	vor.u32 v0, v17  }
0x80c: {  	v17 =	vmul.f32 s4, v10;
	v22 =	vor.u32 $0x10, v19  }
0x80d: {  	v25 =	vshll.u32 v22, $0x4;
	v20 =	vld.idx.msk [tilespmem:v20+s14+$0x0], $0xffff  }
0x80e: {  	vm0 =	vle.f32 v23, v17;
	v23 =	vor.u32 v0, v25  }
0x80f: {  	v25 =	vsel vm0, $0x40, v2  }
0x810: {  	v26 =	vor.u32 $0x20, v25;
	v21 =	vld.idx.msk [tilespmem:v21+s14+$0x0], $0xffff  }
0x811: {  	v27 =	vshll.u32 v26, $0x4  }
0x812: {  	vm0 =	vle.f32 v20, v12;
	v20 =	vor.u32 v0, v27  }
0x813: {  	v11 =	vsel vm0, v14, v11;
	v14 =	vld.idx.msk [tilespmem:v23+s14+$0x0], $0xffff  }
0x814: {  	v23 =	vmin.u32 v11, $0x6E  }
0x815: {  	vm0 =	vle.f32 v21, v15;
	v23 =	vadd.s32 $0x2, v23  }
0x816: {  	s30 =	simm.s32 $0x4;
	v24 =	vsel vm0, v24, v18;
	v21 =	vshll.u32 v23, $0x4  }
0x817: {  	s13 =	scvt.s32.f32 s30;
	v18 =	vor.u32 v0, v21;
	v20 =	vld.idx.msk [tilespmem:v20+s14+$0x0], $0xffff;
	v21 =	vmin.u32 v24, $0x6C  }
0x818: {  	vm0 =	vle.f32 v14, v13;
	v14 =	vadd.s32 $0x4, v21  }
0x819: {  	s4 =	smul.f32 $5.882352960e-02, s13;
	v19 =	vsel vm0, v22, v19;
	v21 =	vshll.u32 v14, $0x4  }
0x81a: {  	v22 =	vld.idx.msk [tilespmem:v5+s14+$0x0], $0xffff;
	v21 =	vor.u32 v0, v21;
	v27 =	vor.u32 $0x8, v19  }
0x81b: {  	s4 =	sadd.f32 $2.941176480e-02, s4;
	v27 =	vmin.u32 v27, $0x70  }
0x81c: {  	v28 =	vld.idx.msk [tilespmem:v18+s14+$0x0], $0xffff;
	vm0 =	vle.f32 v20, v17;
	v20 =	vshll.u32 v27, $0x4  }
0x81d: {  	v18 =	vmul.f32 s4, v10;
	v25 =	vsel vm0, v26, v25;
	v20 =	vor.u32 v0, v20  }
0x81e: {  	v26 =	vor.u32 $0x10, v25  }
0x81f: {  	vm0 =	vle.f32 v22, v18;
	v21 =	vld.idx.msk [tilespmem:v21+s14+$0x0], $0xffff;
	v22 =	vshll.u32 v26, $0x4  }
0x820: {  	v29 =	vsel vm0, $0x40, v2;
	v22 =	vor.u32 v0, v22  }
0x821: {  	vm0 =	vle.f32 v28, v12;
	v28 =	vor.u32 $0x20, v29  }
0x822: {  	v11 =	vsel vm0, v23, v11;
	v20 =	vld.idx.msk [tilespmem:v20+s14+$0x0], $0xffff;
	v23 =	vshll.u32 v28, $0x4  }
0x823: {  	v30 =	vmin.u32 v11, $0x6F;
	v23 =	vor.u32 v0, v23  }
0x824: {  	v30 =	vadd.s32 $0x1, v30;
	vm0 =	vle.f32 v21, v15  }
0x825: {  	v21 =	vshll.u32 v30, $0x4;
	v22 =	vld.idx.msk [tilespmem:v22+s14+$0x0], $0xffff;
	v14 =	vsel vm0, v14, v24  }
0x826: {  	v21 =	vor.u32 v0, v21;
	v24 =	vmin.u32 v14, $0x6E  }
0x827: {  	s31 =	simm.s32 $0x5;
	vm0 =	vle.f32 v20, v13;
	v20 =	vadd.s32 $0x2, v24  }
0x828: {  	s6 =	scvt.s32.f32 s31;
	v24 =	vsel vm0, v27, v19;
	v19 =	vshll.u32 v20, $0x4;
	v23 =	vld.idx.msk [tilespmem:v23+s14+$0x0], $0xffff  }
0x829: {  	v27 =	vmin.u32 v24, $0x6C;
	v19 =	vor.u32 v0, v19  }
0x82a: {  	s4 =	smul.f32 $5.882352960e-02, s6;
	vm0 =	vle.f32 v22, v17;
	v22 =	vadd.s32 $0x4, v27;
	v27 =	vld.idx.msk [tilespmem:v5+s14+$0x0], $0xffff  }
0x82b: {  	v21 =	vld.idx.msk [tilespmem:v21+s14+$0x0], $0xffff;
	v25 =	vsel vm0, v26, v25;
	v26 =	vshll.u32 v22, $0x4  }
0x82c: {  	s4 =	sadd.f32 $2.941176480e-02, s4;
	v26 =	vor.u32 v0, v26;
	v31 =	vor.u32 $0x8, v25  }
0x82d: {  	v31 =	vmin.u32 v31, $0x70;
	vm0 =	vle.f32 v23, v18  }
0x82e: {  	v23 =	vld.idx.msk [tilespmem:v19+s14+$0x0], $0xffff;
	v32 =	vshll.u32 v31, $0x4;
	v19 =	vmul.f32 s4, v10;
	v28 =	vsel vm0, v28, v29  }
0x82f: {  	v29 =	vor.u32 v0, v32;
	v55 =	vor.u32 $0x10, v28  }
0x830: {  	vm0 =	vle.f32 v21, v12;
	vm1 =	vle.f32 v27, v19;
	v21 =	vshll.u32 v55, $0x4  }
0x831: {  	v11 =	vsel vm0, v30, v11;
	v26 =	vld.idx.msk [tilespmem:v26+s14+$0x0], $0xffff;
	v21 =	vor.u32 v0, v21;
	v27 =	vsel vm1, $0x40, v2  }
0x832: {  	v38 =	vadd.s32 $0x1, v11;
	v11 =	vshll.u32 v11, $0x4;
	v33 =	vor.u32 $0x20, v27  }
0x833: {  	v30 =	vshll.u32 v38, $0x4;
	v34 =	vor.u32 v0, v11;
	vm0 =	vle.f32 v23, v15  }
0x834: {  	v23 =	vshll.u32 v33, $0x4;
	v43 =	vor.u32 v0, v30;
	v14 =	vsel vm0, v20, v14  }
0x835: {  	v11 =	vld.idx.msk [tilespmem:v29+s14+$0x0], $0xffff;
	v20 =	vor.u32 v0, v23;
	v23 =	vmin.u32 v14, $0x6F  }
0x836: {  	vm0 =	vle.f32 v26, v13;
	v23 =	vadd.s32 $0x1, v23  }
0x837: {  	v21 =	vld.idx.msk [tilespmem:v21+s14+$0x0], $0xffff;
	v24 =	vsel vm0, v22, v24;
	v22 =	vshll.u32 v23, $0x4  }
0x838: {  	v26 =	vld.idx.msk [tilespmem:v34+s14+$0x0], $0xffff;
	v22 =	vor.u32 v0, v22  }
0x839: {  	v30 =	vld.idx.msk [tilespmem:v43+s14+$0x0], $0xffff  }
0x83a: {  	s13 =	simm.s32 $0x6;
	v29 =	vmin.u32 v24, $0x6E;
	vm0 =	vle.f32 v11, v17  }
0x83b: {  	s7 =	scvt.s32.f32 s13;
	v29 =	vadd.s32 $0x2, v29;
	v20 =	vld.idx.msk [tilespmem:v20+s14+$0x0], $0xffff;
	v25 =	vsel vm0, v31, v25  }
0x83c: {  	v11 =	vshll.u32 v29, $0x4;
	v31 =	vmin.u32 v25, $0x6C  }
0x83d: {  	s4 =	smul.f32 $5.882352960e-02, s7;
	v35 =	vor.u32 v0, v11;
	vm0 =	vle.f32 v21, v18;
	v31 =	vadd.s32 $0x4, v31;
	v21 =	vld.idx.msk [tilespmem:v22+s14+$0x0], $0xffff  }
0x83e: {  	v28 =	vsel vm0, v55, v28;
	v11 =	vshll.u32 v31, $0x4;
	v22 =	vsub.f32 v30, v26;
	v30 =	vld.idx.msk [tilespmem:v5+s14+$0x0], $0xffff  }
0x83f: {  	s4 =	sadd.f32 $2.941176480e-02, s4;
	v36 =	vor.u32 $0x8, v28;
	v56 =	vor.u32 v0, v11  }
0x840: {  	vm0 =	vle.f32 v20, v19;
	v36 =	vmin.u32 v36, $0x70;
	(erf) = vrcp.f32 v22  }
0x841: {  	v41 =	vld.idx.msk [tilespmem:v34+s17+$0x0], $0xffff;
	v20 =	vmul.f32 s4, v10;
	v37 =	vsel vm0, v33, v27;
	v22 =	vshll.u32 v36, $0x4  }
0x842: {  	v35 =	vld.idx.msk [tilespmem:v35+s14+$0x0], $0xffff;
	v39 =	vor.u32 $0x10, v37;
	v40 =	vor.u32 v0, v22  }
0x843: {  	v57 =	vld.idx.msk [tilespmem:v43+s17+$0x0], $0xffff;
	vm0 =	vle.f32 v21, v15;
	v21 =	vshll.u32 v39, $0x4;
	vm1 =	vle.f32 v30, v20  }
0x844: {  	v32 =	vld.idx.msk [tilespmem:v56+s14+$0x0], $0xffff;
	v14 =	vsel vm0, v23, v14;
	v30 =	vor.u32 v0, v21;
	v33 =	vsel vm1, $0x40, v2  }
0x845: {  	v22 =	vadd.s32 $0x1, v14;
	v14 =	vshll.u32 v14, $0x4;
	v34 =	vor.u32 $0x20, v33  }
0x846: {  	v12 =	vsub.f32 v12, v26;
	v23 =	vor.u32 v0, v14;
	v14 =	vshll.u32 v34, $0x4  }
0x847: {  	v11 =	vmul.u32 $0x81, v0;
	v21 =	vshll.u32 v22, $0x4;
	vm0 =	vle.f32 v35, v13  }
0x848: {  	s6 =	smul.u32 $0x810, s29;
	v35 =	vsub.f32 v57, v41;
	v21 =	vor.u32 v0, v21;
	v27 =	vsel vm0, v29, v24;
	v40 =	vld.idx.msk [tilespmem:v40+s14+$0x0], $0xffff  }
0x849: {  	v24 =	vmin.u32 v27, $0x6F;
	v26 =	vor.u32 v0, v14;
	vm0 =	vle.f32 v32, v17;
	v14 =	vpop (erf)  }
0x84a: {  	s4 =	sadd.s32 s25, s6;
	v29 =	vadd.s32 $0x1, v24;
	v42 =	vld.idx.msk [tilespmem:v30+s14+$0x0], $0xffff;
	v30 =	vsel vm0, v31, v25;
	v12 =	vmul.f32 v14, v12  }
0x84b: {  	v25 =	vshll.u32 v29, $0x4;
	v14 =	vadd.s32 s4, v11;
	v31 =	vmin.u32 v30, $0x6E  }
0x84c: {  	v24 =	vld.idx.msk [tilespmem:v23+s14+$0x0], $0xffff;
	v25 =	vor.u32 v0, v25;
	v31 =	vadd.s32 $0x2, v31;
	v12 =	vmax.f32 v12, $0.0e+00  }
0x84d: {  	v44 =	vld.idx.msk [tilespmem:v21+s14+$0x0], $0xffff;
	vm0 =	vle.f32 v40, v18;
	v60 =	vadd.s32 s5, v14;
	v12 =	vmin.f32 v12, $1.000000000e+00  }
0x84e: {  	v58 =	vshll.u32 v31, $0x4;
	v32 =	vsel vm0, v36, v28;
	v28 =	vmul.f32 v12, v35  }
0x84f: {  	v45 =	vor.u32 v0, v58;
	v59 =	vmin.u32 v32, $0x6C;
	v12 =	vmov s4;
	s4 =	simm.s32 $0x7  }
0x850: {  	v26 =	vld.idx.msk [tilespmem:v26+s14+$0x0], $0xffff;
	vm0 =	vle.f32 v42, v19;
	v35 =	vadd.s32 $0x4, v59;
	s7 =	scvt.s32.f32 s4;
	v28 =	vadd.f32 v28, v41  }
0x851: {  	v36 =	vsel vm0, v39, v37;
	v61 =	vshll.u32 v35, $0x4;
	v37 =	vld.idx.msk [tilespmem:v25+s14+$0x0], $0xffff;
	v25 =	vadd.s32 v38, v60  }
0x852: {  	v62 =	vsub.f32 v44, v24;
	v40 =	vor.u32 v0, v61;
	s5 =	smul.f32 $5.882352960e-02, s7;
	v28 =	vmul.f32 v28, v9  }
0x853: {  	v63 =	vor.u32 $0x8, v36;
	v41 =	vld.idx.msk [tilespmem:v5+s14+$0x0], $0xffff  }
0x854: {  	[tilespmem:v43+s16+$0x0] =	vst.idx.add.s32.msk $0xffff, v6;
	v38 =	vmin.u32 v63, $0x70;
	(erf) = vrcp.f32 v62;
	s6 =	sadd.f32 $2.941176480e-02, s5;
	v28 =	vadd.f32 v28, v8  }
0x855: {  	vm0 =	vle.f32 v26, v20;
	v42 =	vshll.u32 v38, $0x4;
	v39 =	vld.idx.msk [tilespmem:v45+s14+$0x0], $0xffff;
	s5 =	simm.s32 $0x8  }
.LBB2_29:
0x856: {  	p0 =	sne.s32 s5, $0xF;
	v26 =	vmul.f32 s6, v10;
	v43 =	vsel vm0, v34, v33;
	v42 =	vor.u32 v0, v42;
	[tilespmem:v25+s21+$0x0] =	vst.idx.msk $0xffff, v28  }
0x857: {  	vm0 =	vle.f32 v37, v13;
	v25 =	vor.u32 $0x10, v43;
	v28 =	vld.idx.msk [tilespmem:v40+s14+$0x0], $0xffff  }
0x858: {  	v27 =	vsel vm0, v29, v27;
	vm1 =	vle.f32 v41, v26;
	v33 =	vshll.u32 v25, $0x4  }
0x859: {  	v40 =	vadd.s32 $0x1, v27;
	v27 =	vshll.u32 v27, $0x4;
	v29 =	vor.u32 v0, v33;
	v37 =	vld.idx.msk [tilespmem:v23+s17+$0x0], $0xffff  }
0x85a: {  	v33 =	vsel vm1, $0x40, v2;
	v41 =	vshll.u32 v40, $0x4;
	v23 =	vor.u32 v0, v27;
	v44 =	vld.idx.msk [tilespmem:v21+s17+$0x0], $0xffff  }
0x85b: {  	vm0 =	vle.f32 v39, v17;
	v34 =	vor.u32 $0x20, v33;
	v45 =	vor.u32 v0, v41;
	v42 =	vld.idx.msk [tilespmem:v42+s14+$0x0], $0xffff  }
0x85c: {  	v24 =	vsub.f32 v15, v24;
	v15 =	vmovc v13;
	v13 =	vmovc v17;
	v27 =	vsel vm0, v31, v30;
	v39 =	vshll.u32 v34, $0x4  }
0x85d: {  	v31 =	vmin.u32 v27, $0x6F;
	v39 =	vor.u32 v0, v39;
	vm0 =	vle.f32 v28, v18;
	v28 =	vpop (erf)  }
0x85e: {  	v17 =	vmovc v18;
	v30 =	vsel vm0, v35, v32;
	v41 =	vld.idx.msk [tilespmem:v29+s14+$0x0], $0xffff;
	v29 =	vadd.s32 $0x1, v31;
	v28 =	vmul.f32 v28, v24  }
0x85f: {  	v18 =	vmovc v19;
	v19 =	vmovc v20;
	v20 =	vmov v26;
	v31 =	vmin.u32 v30, $0x6E;
	v32 =	vshll.u32 v29, $0x4;
	v24 =	vld.idx.msk [tilespmem:v23+s14+$0x0], $0xffff  }
0x860: {  	v35 =	vsub.f32 v44, v37;
	v26 =	vor.u32 v0, v32;
	v46 =	vld.idx.msk [tilespmem:v45+s14+$0x0], $0xffff;
	v28 =	vmax.f32 v28, $0.0e+00  }
0x861: {  	v31 =	vadd.s32 $0x2, v31;
	vm0 =	vle.f32 v42, v18;
	v28 =	vmin.f32 v28, $1.000000000e+00  }
0x862: {  	v32 =	vsel vm0, v38, v36;
	v36 =	vshll.u32 v31, $0x4;
	v28 =	vmul.f32 v28, v35  }
0x863: {  	v38 =	vadd.s32 s0, v14;
	s0 =	smov.u32 s1;
	s1 =	smov.u32 s12;
	s12 =	smov.u32 s30;
	v35 =	vmin.u32 v32, $0x6C;
	v42 =	vld.idx.msk [tilespmem:v39+s14+$0x0], $0xffff;
	v39 =	vor.u32 v0, v36  }
0x864: {  	s6 =	scvt.s32.f32 s5;
	s30 =	smov.u32 s31;
	s31 =	smov.u32 s13;
	vm0 =	vle.f32 v41, v19;
	v35 =	vadd.s32 $0x4, v35;
	v28 =	vadd.f32 v28, v37  }
.Ltmp13:
0x865: {  	s13 =	smov.u32 s4;
	s4 =	smov.u32 s5;
	v36 =	vsel vm0, v25, v43;
	v43 =	vshll.u32 v35, $0x4;
	v25 =	vadd.s32 v22, v38;
	v22 =	vmovc v40;
	v37 =	vld.idx.msk [tilespmem:v26+s14+$0x0], $0xffff;
	(pc) =	sbr.rel @p0 .LBB2_29-.Ltmp13, $4  }
0x866: {  	s6 =	smul.f32 $5.882352960e-02, s6;
	v40 =	vor.u32 v0, v43;
	v26 =	vsub.f32 v46, v24;
	v41 =	vld.idx.msk [tilespmem:v5+s14+$0x0], $0xffff;
	v28 =	vmul.f32 v28, v9  }
0x867: {  	v38 =	vor.u32 $0x8, v36  }
0x868: {  	s6 =	sadd.f32 $2.941176480e-02, s6;
	v38 =	vmin.u32 v38, $0x70;
	v39 =	vld.idx.msk [tilespmem:v39+s14+$0x0], $0xffff;
	(erf) = vrcp.f32 v26;
	v28 =	vadd.f32 v28, v8  }
0x869: {  	s5 =	sadd.s32 $0x1, s5;
	vm0 =	vle.f32 v42, v20;
	v42 =	vshll.u32 v38, $0x4;
	[tilespmem:v21+s16+$0x0] =	vst.idx.add.s32.msk $0xffff, v6;
	v21 =	vmov v45  }
0x86a: {  	v26 =	vmul.f32 s6, v10;
	_ =	sdelay $0x1  }
0x86b: {  	vm1 =	vle.f32 v41, v26  }
0x86c: {  	v41 =	vsel vm1, $0x40, v2  }
0x86d: {  	v43 =	vor.u32 $0x20, v41  }
0x86e: {  	v44 =	vshll.u32 v43, $0x4  }
0x86f: {  	v44 =	vor.u32 v0, v44;
	_ =	sdelay $0x4  }
0x870: {  	v44 =	vld.idx.msk [tilespmem:v44+s14+$0x0], $0xffff;
	_ =	sdelay $0x2  }
0x871: {  	v33 =	vsel vm0, v34, v33  }
0x872: {  	v34 =	vor.u32 $0x10, v33  }
0x873: {  	v58 =	vshll.u32 v34, $0x4;
	vm12 =	vle.f32 v44, v26  }
0x874: {  	v59 =	vor.u32 v0, v58;
	v41 =	vsel vm12, v43, v41  }
0x875: {  	v60 =	vor.u32 $0x10, v41  }
0x876: {  	v45 =	vshll.u32 v60, $0x4  }
0x877: {  	v45 =	vor.u32 v0, v45;
	_ =	sdelay $0x1  }
0x878: {  	v43 =	vld.idx.msk [tilespmem:v59+s14+$0x0], $0xffff;
	_ =	sdelay $0x2  }
0x879: {  	v45 =	vld.idx.msk [tilespmem:v45+s14+$0x0], $0xffff;
	_ =	sdelay $0x1  }
0x87a: {  	vm13 =	vle.f32 v43, v20  }
0x87b: {  	v33 =	vsel vm13, v34, v33  }
0x87c: {  	v62 =	vor.u32 $0x8, v33  }
0x87d: {  	v61 =	vor.u32 v0, v42;
	v42 =	vmin.u32 v62, $0x70;
	vm14 =	vle.f32 v45, v26  }
0x87e: {  	v63 =	vshll.u32 v42, $0x4;
	v41 =	vsel vm14, v60, v41  }
0x87f: {  	v43 =	vor.u32 v0, v63;
	v44 =	vor.u32 $0x8, v41  }
0x880: {  	v44 =	vmin.u32 v44, $0x70  }
0x881: {  	v48 =	vshll.u32 v44, $0x4  }
0x882: {  	v34 =	vld.idx.msk [tilespmem:v61+s14+$0x0], $0xffff;
	v45 =	vor.u32 v0, v48;
	_ =	sdelay $0x1  }
0x883: {  	v43 =	vld.idx.msk [tilespmem:v43+s14+$0x0], $0xffff;
	_ =	sdelay $0x2  }
0x884: {  	vm15 =	vle.f32 v34, v19;
	v49 =	vld.idx.msk [tilespmem:v45+s14+$0x0], $0xffff  }
0x885: {  	v36 =	vsel vm15, v38, v36  }
0x886: {  	v38 =	vmin.u32 v36, $0x6C;
	vm4 =	vle.f32 v43, v20  }
0x887: {  	v38 =	vadd.s32 $0x4, v38;
	v33 =	vsel vm4, v42, v33  }
0x888: {  	v40 =	vld.idx.msk [tilespmem:v40+s14+$0x0], $0xffff;
	v50 =	vshll.u32 v38, $0x4;
	v52 =	vmin.u32 v33, $0x6C  }
0x889: {  	v51 =	vor.u32 v0, v50;
	v53 =	vadd.s32 $0x4, v52;
	vm5 =	vle.f32 v49, v26  }
0x88a: {  	v43 =	vshll.u32 v53, $0x4;
	v41 =	vsel vm5, v44, v41  }
0x88b: {  	v43 =	vor.u32 v0, v43;
	v44 =	vmin.u32 v41, $0x6C  }
0x88c: {  	v44 =	vadd.s32 $0x4, v44  }
0x88d: {  	vm6 =	vle.f32 v40, v18;
	v54 =	vshll.u32 v44, $0x4  }
0x88e: {  	v32 =	vsel vm6, v35, v32;
	v55 =	vld.idx.msk [tilespmem:v51+s14+$0x0], $0xffff;
	v40 =	vor.u32 v0, v54  }
0x88f: {  	v56 =	vmin.u32 v32, $0x6E  }
0x890: {  	v42 =	vadd.s32 $0x2, v56;
	v43 =	vld.idx.msk [tilespmem:v43+s14+$0x0], $0xffff  }
0x891: {  	v57 =	vshll.u32 v42, $0x4  }
0x892: {  	vm7 =	vle.f32 v39, v17;
	v58 =	vor.u32 v0, v57  }
0x893: {  	v30 =	vsel vm7, v31, v30;
	vm8 =	vle.f32 v55, v19;
	v59 =	vld.idx.msk [tilespmem:v40+s14+$0x0], $0xffff  }
0x894: {  	v60 =	vmin.u32 v30, $0x6F;
	v36 =	vsel vm8, v38, v36  }
0x895: {  	v35 =	vadd.s32 $0x1, v60;
	v38 =	vmin.u32 v36, $0x6E;
	vm9 =	vle.f32 v43, v20  }
0x896: {  	v61 =	vshll.u32 v35, $0x4;
	v38 =	vadd.s32 $0x2, v38;
	v33 =	vsel vm9, v53, v33  }
0x897: {  	v39 =	vld.idx.msk [tilespmem:v58+s14+$0x0], $0xffff;
	v62 =	vshll.u32 v38, $0x4;
	v47 =	vmin.u32 v33, $0x6E;
	v40 =	vor.u32 v0, v61  }
0x898: {  	v63 =	vor.u32 v0, v62;
	v43 =	vadd.s32 $0x2, v47;
	vm10 =	vle.f32 v59, v26  }
0x899: {  	v48 =	vshll.u32 v43, $0x4;
	v41 =	vsel vm10, v44, v41  }
0x89a: {  	v31 =	vor.u32 v0, v48;
	v44 =	vmin.u32 v41, $0x6E  }
0x89b: {  	v44 =	vadd.s32 $0x2, v44  }
0x89c: {  	vm11 =	vle.f32 v39, v18;
	v40 =	vld.idx.msk [tilespmem:v40+s14+$0x0], $0xffff;
	v49 =	vshll.u32 v44, $0x4  }
0x89d: {  	v32 =	vsel vm11, v42, v32;
	v34 =	vld.idx.msk [tilespmem:v63+s14+$0x0], $0xffff;
	v39 =	vor.u32 v0, v49  }
0x89e: {  	vm12 =	vle.f32 v37, v13;
	v42 =	vmin.u32 v32, $0x6F  }
0x89f: {  	v27 =	vsel vm12, v29, v27;
	v50 =	vadd.s32 $0x1, v42;
	v53 =	vld.idx.msk [tilespmem:v31+s14+$0x0], $0xffff  }
0x8a0: {  	v45 =	vadd.s32 $0x1, v27;
	v52 =	vshll.u32 v50, $0x4  }
0x8a1: {  	v27 =	vshll.u32 v27, $0x4;
	v29 =	vor.u32 v0, v52;
	vm13 =	vle.f32 v40, v17  }
0x8a2: {  	v54 =	vshll.u32 v45, $0x4;
	vm14 =	vle.f32 v34, v19;
	v30 =	vsel vm13, v35, v30;
	v55 =	vld.idx.msk [tilespmem:v39+s14+$0x0], $0xffff  }
0x8a3: {  	v35 =	vsel vm14, v38, v36;
	v31 =	vadd.s32 $0x1, v30;
	v30 =	vshll.u32 v30, $0x4  }
0x8a4: {  	v36 =	vmin.u32 v35, $0x6F;
	vm15 =	vle.f32 v53, v20;
	v34 =	vor.u32 v0, v30  }
0x8a5: {  	v36 =	vadd.s32 $0x1, v36;
	v56 =	vshll.u32 v31, $0x4;
	v39 =	vor.u32 v0, v27  }
0x8a6: {  	v57 =	vld.idx.msk [tilespmem:v29+s14+$0x0], $0xffff;
	v33 =	vsel vm15, v43, v33;
	v58 =	vshll.u32 v36, $0x4;
	v27 =	vor.u32 v0, v54  }
0x8a7: {  	v60 =	vmin.u32 v33, $0x6F;
	v59 =	vor.u32 v0, v58;
	vm4 =	vle.f32 v55, v26  }
0x8a8: {  	v29 =	vor.u32 v0, v56;
	v43 =	vadd.s32 $0x1, v60;
	v41 =	vsel vm4, v44, v41  }
0x8a9: {  	v61 =	vshll.u32 v43, $0x4;
	v42 =	vld.idx.msk [tilespmem:v34+s14+$0x0], $0xffff;
	v62 =	vmin.u32 v41, $0x6F  }
0x8aa: {  	v46 =	vor.u32 v0, v61;
	v63 =	vld.idx.msk [tilespmem:v39+s14+$0x0], $0xffff;
	v38 =	vadd.s32 $0x1, v62  }
0x8ab: {  	vm5 =	vle.f32 v57, v18;
	v47 =	vld.idx.msk [tilespmem:v27+s14+$0x0], $0xffff;
	v51 =	vshll.u32 v38, $0x4  }
0x8ac: {  	v32 =	vsel vm5, v50, v32;
	v52 =	vld.idx.msk [tilespmem:v59+s14+$0x0], $0xffff;
	v53 =	vor.u32 v0, v51  }
0x8ad: {  	v48 =	vadd.s32 $0x1, v32;
	v55 =	vld.idx.msk [tilespmem:v29+s14+$0x0], $0xffff  }
0x8ae: {  	v49 =	vshll.u32 v48, $0x4  }
0x8af: {  	v30 =	vor.u32 v0, v49;
	v54 =	vshll.u32 v32, $0x4;
	v46 =	vld.idx.msk [tilespmem:v46+s14+$0x0], $0xffff  }
0x8b0: {  	v50 =	vor.u32 v0, v54  }
0x8b1: {  	v47 =	vsub.f32 v47, v63;
	vm6 =	vle.f32 v52, v19;
	v56 =	vld.idx.msk [tilespmem:v53+s14+$0x0], $0xffff  }
0x8b2: {  	v23 =	vld.idx.msk [tilespmem:v23+s17+$0x0], $0xffff;
	v15 =	vsub.f32 v15, v24;
	v32 =	vsub.f32 v55, v42;
	v57 =	vsel vm6, v36, v35  }
0x8b3: {  	v60 =	vld.idx.msk [tilespmem:v21+s17+$0x0], $0xffff;
	(erf) = vrcp.f32 v47;
	v36 =	vadd.s32 $0x1, v57;
	v24 =	vshll.u32 v57, $0x4  }
0x8b4: {  	v58 =	vld.idx.msk [tilespmem:v30+s14+$0x0], $0xffff;
	vm7 =	vle.f32 v46, v20;
	v59 =	vshll.u32 v36, $0x4;
	v24 =	vor.u32 v0, v24  }
0x8b5: {  	v35 =	vld.idx.msk [tilespmem:v50+s14+$0x0], $0xffff;
	(erf) = vrcp.f32 v32;
	v33 =	vsel vm7, v43, v33;
	v32 =	vor.u32 v0, v59  }
0x8b6: {  	v34 =	vld.idx.msk [tilespmem:v34+s17+$0x0], $0xffff;
	v43 =	vadd.s32 $0x1, v33;
	v33 =	vshll.u32 v33, $0x4;
	vm8 =	vle.f32 v56, v26  }
0x8b7: {  	v39 =	vld.idx.msk [tilespmem:v39+s17+$0x0], $0xffff;
	v62 =	vshll.u32 v43, $0x4;
	v33 =	vor.u32 v0, v33;
	v38 =	vsel vm8, v38, v41  }
0x8b8: {  	v61 =	vld.idx.msk [tilespmem:v27+s17+$0x0], $0xffff;
	v41 =	vor.u32 v0, v62;
	v47 =	vadd.s32 $0x1, v38;
	v38 =	vshll.u32 v38, $0x4  }
0x8b9: {  	v52 =	vpop (erf);
	v13 =	vsub.f32 v13, v63;
	v49 =	vld.idx.msk [tilespmem:v24+s14+$0x0], $0xffff;
	v51 =	vshll.u32 v47, $0x4;
	v38 =	vor.u32 v0, v38  }
0x8ba: {  	v15 =	vmul.f32 v52, v15;
	v40 =	vsub.f32 v58, v35;
	v63 =	vld.idx.msk [tilespmem:v32+s14+$0x0], $0xffff;
	v51 =	vor.u32 v0, v51  }
0x8bb: {  	v53 =	vld.idx.msk [tilespmem:v29+s17+$0x0], $0xffff  }
0x8bc: {  	v46 =	vsub.f32 v60, v23;
	v15 =	vmax.f32 v15, $0.0e+00;
	(erf) = vrcp.f32 v40;
	v40 =	vld.idx.msk [tilespmem:v33+s14+$0x0], $0xffff  }
0x8bd: {  	v15 =	vmin.f32 v15, $1.000000000e+00;
	v57 =	vld.idx.msk [tilespmem:v41+s14+$0x0], $0xffff  }
0x8be: {  	v15 =	vmul.f32 v15, v46;
	v54 =	vld.idx.msk [tilespmem:v38+s14+$0x0], $0xffff  }
0x8bf: {  	v58 =	vsub.f32 v63, v49;
	v59 =	vld.idx.msk [tilespmem:v51+s14+$0x0], $0xffff  }
0x8c0: {  	v37 =	vsub.f32 v61, v39;
	v61 =	vadd.s32 s0, v14;
	v15 =	vadd.f32 v15, v23;
	v23 =	vld.idx.msk [tilespmem:v30+s17+$0x0], $0xffff  }
0x8c1: {  	v17 =	vsub.f32 v17, v42;
	v22 =	vadd.s32 v22, v61;
	v56 =	vpop (erf);
	v62 =	vld.idx.msk [tilespmem:v50+s17+$0x0], $0xffff;
	(erf) = vrcp.f32 v58  }
0x8c2: {  	v18 =	vsub.f32 v18, v35;
	v13 =	vmul.f32 v56, v13;
	v60 =	vpop (erf);
	v63 =	vsub.f32 v57, v40  }
0x8c3: {  	v15 =	vmul.f32 v15, v9;
	v46 =	vsub.f32 v53, v34;
	v17 =	vmul.f32 v60, v17  }
0x8c4: {  	v13 =	vmax.f32 v13, $0.0e+00;
	(erf) = vrcp.f32 v63;
	v52 =	vsub.f32 v59, v54  }
0x8c5: {  	v53 =	vadd.s32 s1, v14;
	v13 =	vmin.f32 v13, $1.000000000e+00;
	v17 =	vmax.f32 v17, $0.0e+00;
	v50 =	vpop (erf)  }
0x8c6: {  	[tilespmem:v21+s16+$0x0] =	vst.idx.add.s32.msk $0xffff, v6;
	v23 =	vsub.f32 v23, v62;
	v18 =	vmul.f32 v50, v18;
	(erf) = vrcp.f32 v52  }
0x8c7: {  	v24 =	vld.idx.msk [tilespmem:v24+s17+$0x0], $0xffff;
	v55 =	vadd.s32 v45, v53;
	v13 =	vmul.f32 v13, v37;
	v17 =	vmin.f32 v17, $1.000000000e+00  }
0x8c8: {  	v15 =	vadd.f32 v15, v8;
	v56 =	vld.idx.msk [tilespmem:v32+s17+$0x0], $0xffff;
	v17 =	vmul.f32 v17, v46;
	v18 =	vmax.f32 v18, $0.0e+00  }
0x8c9: {  	v33 =	vld.idx.msk [tilespmem:v33+s17+$0x0], $0xffff;
	v19 =	vsub.f32 v19, v49;
	v13 =	vadd.f32 v13, v39;
	v18 =	vmin.f32 v18, $1.000000000e+00  }
0x8ca: {  	[tilespmem:v22+s21+$0x0] =	vst.idx.msk $0xffff, v15;
	v22 =	vadd.s32 s31, v14;
	v17 =	vadd.f32 v17, v34;
	v18 =	vmul.f32 v18, v23;
	v23 =	vpop (erf)  }
0x8cb: {  	v20 =	vsub.f32 v20, v40;
	v13 =	vmul.f32 v13, v9;
	v19 =	vmul.f32 v23, v19;
	v23 =	vld.idx.msk [tilespmem:v41+s17+$0x0], $0xffff  }
0x8cc: {  	[tilespmem:v25+s21+$0x0] =	vst.idx.msk $0xffff, v28;
	v58 =	vadd.s32 s30, v14;
	v61 =	vld.idx.msk [tilespmem:v51+s17+$0x0], $0xffff;
	v57 =	vadd.s32 s12, v14;
	v17 =	vmul.f32 v17, v9  }
0x8cd: {  	v28 =	vsub.f32 v56, v24;
	v13 =	vadd.f32 v13, v8;
	v31 =	vadd.s32 v31, v57;
	v59 =	vld.idx.msk [tilespmem:v38+s17+$0x0], $0xffff;
	v60 =	vpop (erf)  }
0x8ce: {  	v17 =	vadd.f32 v17, v8;
	v21 =	vsub.f32 v26, v54;
	v20 =	vmul.f32 v60, v20  }
0x8cf: {  	v18 =	vadd.f32 v18, v62;
	v62 =	vadd.s32 v48, v58;
	v19 =	vmax.f32 v19, $0.0e+00;
	v63 =	vpop (erf)  }
0x8d0: {  	[tilespmem:v27+s16+$0x0] =	vst.idx.add.s32.msk $0xffff, v6;
	v15 =	vmax.f32 v20, $0.0e+00;
	v20 =	vsub.f32 v23, v33;
	v21 =	vmul.f32 v63, v21  }
0x8d1: {  	[tilespmem:v29+s16+$0x0] =	vst.idx.add.s32.msk $0xffff, v6;
	v18 =	vmul.f32 v18, v9;
	v19 =	vmin.f32 v19, $1.000000000e+00;
	v15 =	vmin.f32 v15, $1.000000000e+00  }
0x8d2: {  	[tilespmem:v55+s21+$0x0] =	vst.idx.msk $0xffff, v13;
	v13 =	vmul.f32 v15, v20;
	v20 =	vsub.f32 v61, v59;
	v15 =	vmax.f32 v21, $0.0e+00  }
0x8d3: {  	[tilespmem:v30+s16+$0x0] =	vst.idx.add.s32.msk $0xffff, v6;
	v18 =	vadd.f32 v18, v8;
	v19 =	vmul.f32 v19, v28;
	v15 =	vmin.f32 v15, $1.000000000e+00  }
0x8d4: {  	[tilespmem:v31+s21+$0x0] =	vst.idx.msk $0xffff, v17;
	v17 =	vadd.s32 s13, v14;
	v13 =	vadd.f32 v13, v33;
	v15 =	vmul.f32 v15, v20  }
0x8d5: {  	v17 =	vadd.s32 v43, v17;
	[tilespmem:v62+s21+$0x0] =	vst.idx.msk $0xffff, v18;
	v18 =	vadd.s32 s4, v14;
	v19 =	vadd.f32 v19, v24  }
0x8d6: {  	v21 =	vadd.s32 v36, v22;
	v13 =	vmul.f32 v13, v9;
	v15 =	vadd.f32 v15, v59  }
0x8d7: {  	[tilespmem:v32+s16+$0x0] =	vst.idx.add.s32.msk $0xffff, v6;
	v18 =	vadd.s32 v47, v18;
	v19 =	vmul.f32 v19, v9  }
0x8d8: {  	[tilespmem:v51+s16+$0x0] =	vst.idx.add.s32.msk $0xffff, v6;
	v13 =	vadd.f32 v13, v8;
	v15 =	vmul.f32 v15, v9  }
0x8d9: {  	[tilespmem:v41+s16+$0x0] =	vst.idx.add.s32.msk $0xffff, v6;
	v19 =	vadd.f32 v19, v8  }
0x8da: {  	[tilespmem:v17+s21+$0x0] =	vst.idx.msk $0xffff, v13;
	v13 =	vadd.f32 v15, v8  }
0x8db: {  	[tilespmem:v21+s21+$0x0] =	vst.idx.msk $0xffff, v19  }
0x8dc: {  	[tilespmem:v18+s21+$0x0] =	vst.idx.msk $0xffff, v13  }
0x8dd: {  	v13 =	vld.idx.msk [tilespmem:v5+s14+$0x0], $0xffff;
	_ =	sdelay $0x2  }
0x8de: {  	v10 =	vmul.f32 $9.705882660e-01, v10;
	_ =	sdelay $0x1  }
0x8df: {  	v18 =	vimm.s32 $0x0;
	vm9 =	vle.f32 v13, v10  }
0x8e0: {  	v13 =	vsel vm9, $0x40, v18  }
0x8e1: {  	v15 =	vor.u32 $0x20, v13  }
0x8e2: {  	v17 =	vshll.u32 v15, $0x4  }
0x8e3: {  	v17 =	vor.u32 v0, v17;
	_ =	sdelay $0x4  }
0x8e4: {  	v17 =	vld.idx.msk [tilespmem:v17+s14+$0x0], $0xffff;
	_ =	sdelay $0x4  }
0x8e5: {  	vm10 =	vle.f32 v17, v10  }
0x8e6: {  	v13 =	vsel vm10, v15, v13  }
0x8e7: {  	v15 =	vor.u32 $0x10, v13  }
0x8e8: {  	v17 =	vshll.u32 v15, $0x4  }
0x8e9: {  	v17 =	vor.u32 v0, v17;
	_ =	sdelay $0x4  }
0x8ea: {  	v17 =	vld.idx.msk [tilespmem:v17+s14+$0x0], $0xffff;
	_ =	sdelay $0x4  }
0x8eb: {  	vm11 =	vle.f32 v17, v10  }
0x8ec: {  	v13 =	vsel vm11, v15, v13  }
0x8ed: {  	v15 =	vor.u32 $0x8, v13  }
0x8ee: {  	v15 =	vmin.u32 v15, $0x70  }
0x8ef: {  	v17 =	vshll.u32 v15, $0x4  }
0x8f0: {  	v17 =	vor.u32 v0, v17;
	_ =	sdelay $0x4  }
0x8f1: {  	v17 =	vld.idx.msk [tilespmem:v17+s14+$0x0], $0xffff;
	_ =	sdelay $0x4  }
0x8f2: {  	vm12 =	vle.f32 v17, v10  }
0x8f3: {  	v13 =	vsel vm12, v15, v13  }
0x8f4: {  	v15 =	vmin.u32 v13, $0x6C  }
0x8f5: {  	v15 =	vadd.s32 $0x4, v15  }
0x8f6: {  	v17 =	vshll.u32 v15, $0x4  }
0x8f7: {  	v17 =	vor.u32 v0, v17;
	_ =	sdelay $0x4  }
0x8f8: {  	v17 =	vld.idx.msk [tilespmem:v17+s14+$0x0], $0xffff;
	_ =	sdelay $0x4  }
0x8f9: {  	vm13 =	vle.f32 v17, v10  }
0x8fa: {  	v13 =	vsel vm13, v15, v13  }
0x8fb: {  	v15 =	vmin.u32 v13, $0x6E  }
0x8fc: {  	v15 =	vadd.s32 $0x2, v15  }
0x8fd: {  	v17 =	vshll.u32 v15, $0x4  }
0x8fe: {  	v17 =	vor.u32 v0, v17;
	_ =	sdelay $0x4  }
0x8ff: {  	v17 =	vld.idx.msk [tilespmem:v17+s14+$0x0], $0xffff;
	_ =	sdelay $0x4  }
0x900: {  	vm14 =	vle.f32 v17, v10  }
0x901: {  	v13 =	vsel vm14, v15, v13  }
0x902: {  	v15 =	vmin.u32 v13, $0x6F  }
0x903: {  	v15 =	vadd.s32 $0x1, v15  }
0x904: {  	v17 =	vshll.u32 v15, $0x4  }
0x905: {  	v17 =	vor.u32 v0, v17;
	_ =	sdelay $0x4  }
0x906: {  	v17 =	vld.idx.msk [tilespmem:v17+s14+$0x0], $0xffff;
	_ =	sdelay $0x4  }
0x907: {  	vm15 =	vle.f32 v17, v10  }
0x908: {  	v13 =	vsel vm15, v15, v13  }
0x909: {  	v13 =	vshll.u32 v13, $0x4  }
0x90a: {  	v19 =	vor.u32 v0, v13  }
0x90b: {  	v16 =	vadd.s32 v16, v13;
	_ =	sdelay $0x1  }
0x90c: {  	s30 =	simm.s32 $0x16B80  }
0x90d: {  	v20 =	vld [tilespmem:s30+$0x0]  }
0x90e: {  	v15 =	vld.idx.msk [tilespmem:v19+s14+$0x0], $0xffff  }
0x90f: {  	s0 =	simm.s32 $0x15280;
	v17 =	vld.idx.msk [tilespmem:v16+s14+$0x0], $0xffff  }
0x910: {  	v13 =	vld.idx.msk [tilespmem:v19+s0+$0x0], $0xffff  }
0x911: {  	v16 =	vld.idx.msk [tilespmem:v16+s0+$0x0], $0xffff;
	[tilespmem:s30+$0x0] =	vst v2  }
0x912: {  	v19 =	vld [tilespmem:s0+$0x0];
	_ =	sdelay $0x1  }
0x913: {  	s31 =	simm.s32 $0x0  }
0x914: {  	s1 =	simm.s32 $0x1;
	s4 =	simm.s32 $0x16B90;
	v18 =	vadd.s32 v18, v20;
	v20 =	vadd.s32 s31, v14  }
.LBB2_31:
0x915: {  	v21 =	vld [tilespmem:s4+$0x0];
	p0 =	sne.s32 s1, $0x6F;
	v22 =	vadd.s32 v18, v20;
	s5 =	smov.u32 s1;
	s1 =	sadd.s32 $0x1, s1  }
.Ltmp14:
0x916: {  	s0 =	sadd.s32 $0x10, s0;
	[tilespmem:s4+$0x0] =	vst v2;
	v20 =	vmul.f32 v19, v9;
	(pc) =	sbr.rel @p0 .LBB2_31-.Ltmp14, $3  }
0x917: {  	v19 =	vld [tilespmem:s0+$0x0]  }
0x918: {  	v23 =	vadd.f32 v20, v8;
	_ =	sdelay $0x1  }
0x919: {  	s4 =	sadd.s32 $0x10, s4;
	v20 =	vadd.s32 s5, v14;
	v18 =	vadd.s32 v18, v21;
	[tilespmem:v22+s21+$0x0] =	vst.idx.msk $0xffff, v23  }
0x91a: {  	v14 =	vsub.f32 v17, v15;
	_ =	sdelay $0x1  }
0x91b: {  	(erf) = vrcp.f32 v14;
	_ =	sdelay $0x6  }
0x91c: {  	v58 =	vadd.s32 v18, v20  }
0x91d: {  	v10 =	vsub.f32 v10, v15;
	v59 =	vmul.f32 v19, v9  }
0x91e: {  	v60 =	vpop (erf)  }
0x91f: {  	v17 =	vadd.f32 v59, v8;
	v10 =	vmul.f32 v60, v10;
	_ =	sdelay $0x1  }
0x920: {  	v61 =	vsub.f32 v16, v13;
	[tilespmem:v58+s21+$0x0] =	vst.idx.msk $0xffff, v17;
	v10 =	vmax.f32 v10, $0.0e+00  }
0x921: {  	v62 =	vld [tilespmem:$0x15980];
	v10 =	vmin.f32 v10, $1.000000000e+00  }
0x922: {  	v10 =	vmul.f32 v10, v61;
	_ =	sdelay $0x1  }
0x923: {  	v10 =	vadd.f32 v10, v13  }
0x924: {  	v11 =	vadd.s32 $0x80, v11;
	s29 =	sadd.s32 $0x1, s29  }
0x925: {  	v11 =	vadd.s32 v11, v12;
	p0 =	sne.s32 s29, $0x10;
	v10 =	vmax.f32 v62, v10  }
.Ltmp15:
0x926: {  	v63 =	vmul.f32 v10, v9;
	(pc) =	sbr.rel @p0 .LBB2_6-.Ltmp15, $4  }
0x927: {  	_ = 	snop  }
0x928: {  	v8 =	vadd.f32 v63, v8  }
0x929: {  	[tilespmem:$0x17280] =	vst v2  }
0x92a: {  	[tilespmem:v11+s21+$0x0] =	vst.idx.msk $0xffff, v8  }
0x92b: {  	s0 =	sshll.u32 s24, $0x4;
	s24 =	sadd.s32 $0x1, s24  }
0x92c: {  	p0 =	sne.s32 s24, $0x8  }
.Ltmp16:
0x92d: {  	s0 =	sadd.s32 s8, s0;
	(pc) =	sbr.rel @p0 .LBB2_5-.Ltmp16, $3  }
0x92e: {  	s0 =	smul.u32 $0x102, s0;
	_ =	sdelay $0x1  }
0x92f: {  	s1 =	sadd.s32 $0x4000, s25;
	s0 =	sadd.s32 s2, s0  }
0x930: {  	[hbm4b:s0+s3] =	stream.linear.scatter [tilespmem:s1], [sflag:$0x1], $0x8100, $0x38;
	[tilespmem:$0x17C80] =	vst v63  }
0x931: {  	s23 =	sadd.s32 $0x1, s23  }
0x932: {  	_ =	swait.ge [sflag:s22], $0x8100;
	p0 =	sne.s32 s23, s9  }
.Ltmp17:
0x933: {  	[sflag:s22] =	ssyncset.done $0x0;
	(pc) =	sbr.rel @p0 .LBB2_1-.Ltmp17, $4  }
0x934: {  	[sflag:s22] =	ssyncadd.s32 $0xFFFF7F00  }
0x935: {  	_ =	swait.ge [sflag:s22], $0x8100  }
0x936: {  	[sflag:s22] =	ssyncset.done $0x0  }
0x937: {  	[sflag:s22] =	ssyncadd.s32 $0xFFFF7F00  }
0x938: {  	_ =	sfence.sel $0x180000  }
0x939: {  	[bflag:$0x0] =	sbarrier.arrive $0xFFFF  }
0x93a: {  	_ =	strace $0x90000047  }
0x93b: {  	s0 =	stileid.u32;
	[bflag:$0x2] =	sbarrier.arrive $0xFFFF  }
0x93c: {  	p0 =	sne.s32 s0, $0x0;
	s0 =	rddreg [dreg:$0x4]  }
0x93d: {  	s0 =	sadd.s32 @!p0 $0x100000, s0  }
0x93e: {  	[sflag:s0] =	ssyncadd.tile.s32 @!p0 $0x1;
	_ =	shalt  }
.Lfunc_end2:
_tile_overlayer_lowered:
.L_overlay_start_2:
0x93f: {  	(tag) =	ssettag $0x2  }
0x940: {  	s0 =	rddreg [dreg:$0x0];
	s2 =	stileid.u32  }
0x941: {  	s1 =	rddreg [dreg:$0x1];
	p0 =	sne.s32 s2, $0x0  }
0x942: {  	s3 =	rddreg [dreg:$0x2];
	[bflag:$0x3] =	sbarrier.arrive $0xFFFF;
	s2 =	simm.s32 @!p0 $0x1C02  }
0x943: {  	[timem:s3], [sflag:s2] =	dma.local @!p0 [hbm:s0], s1  }
0x944: {  	s0 =	simm.s32 @!p0 $0x2  }
0x945: {  	_ =	swait.ge @!p0 [sflag:s0], s1  }
0x946: {  	s1 =	ssub.s32 @!p0 $0x0, s1;
	[sflag:s0] =	ssyncset.done @!p0 $0x0  }
0x947: {  	[sflag:s0] =	ssyncadd.s32 @!p0 s1  }
0x948: {  	[bflag:$0x3] =	sbarrier.arrive $0xFFFF  }
0x949: {  	_ =	shalt  }

// kernel: sparse-core-data-format-call.cloned.1.call-start
scs
called_computation_lowered:
.L_overlay_start_0:
0x0: {  	s2 =	sld [smem:$0x3FD9]  }
0x1: {  	s3 =	sld [smem:$0x3FFE];
	_ =	sdelay $0x1  }
0x2: {  	s1 =	srdreg.scid  }
0x3: {  	s0 =	sand.u32 $0x1, s1  }
0x4: {  	s18 =	sshll.u32 s0, $0xA;
	s2 =	sadd.s32 s3, s2  }
0x5: {  	s2 =	sadd.s32 s2, s18  }
0x6: {  	[smem:$0x3FC4] =	sst s2  }
0x7: {  	_ = 	snop  }
0x8: {  	s2 =	sld [smem:$0x3FD0];
	(tm) =	ssettm $0x1  }
0x9: {  	s19 =	sld [smem:$0x3FFB];
	_ =	sdelay $0x3  }
0xa: {  	_ =	strace s19  }
0xb: {  	s3 =	sld [smem:$0x3FFC];
	_ =	sdelay $0x3  }
0xc: {  	_ =	strace s3  }
0xd: {  	s3 =	sld [smem:$0x3FFD];
	_ =	sdelay $0x3  }
0xe: {  	_ =	strace s3  }
0xf: {  	_ =	strace $0x8FFFFFFF  }
0x10: {  	s20 =	sld [smem:$0x3FDB];
	_ =	sdelay $0x1  }
0x11: {  	s4 =	simm.s32 $_scs_section_size  }
0x12: {  	s5 =	simm.s32 $_size__tile_overlayer_lowered;
	s6 =	simm.s32 $_tile_overlayer_lowered  }
0x13: {  	s23 =	simm.s32 $0x1BFF;
	s22 =	sshll.u32 s6, $0x1;
	s3 =	sadd.s32 s4, s20  }
0x14: {  	s7 =	simm.s32 $0x0;
	s21 =	sshll.u32 s5, $0x1;
	s5 =	sadd.s32 s22, s3  }
0x15: {  	[timem:s7], [sflag:s23] =	dma.local [hbm:s5], s21  }
0x16: {  	_ =	swait.ge [sflag:s23], s21  }
0x17: {  	s4 =	ssub.s32 $0x0, s21;
	[sflag:s23] =	ssyncset.done $0x0  }
0x18: {  	[sflag:s23] =	ssyncadd.s32 s4;
	_ =	sdelay $0x1  }
0x19: {  	s24 =	simm.s32 $0x1B8B  }
0x1a: {  	_ =	swait.ge [sflag:s24], $0x1  }
0x1b: {  	[sflag:s24] =	ssyncset.done $0x0  }
0x1c: {  	s26 =	simm.s32 $0x1B8E;
	s25 =	sld [smem:$0x3FFE];
	[sflag:s24] =	ssyncadd.s32 $0xFFFFFFFF  }
0x1d: {  	s27 =	simm.s32 $execute0_lowered;
	[smem:$0x3FD2] =	sst s26  }
0x1e: {  	s5 =	sshll.u32 s27, $0x1;
	_ =	strace $0x80000049;
	[dreg:$0x1] =	wrdreg $0xFFFFFFFF  }
0x1f: {  	s28 =	simm.s32 $_size_execute0_lowered;
	s3 =	sadd.s32 s3, s5;
	[dreg:$0x0] =	wrdreg $0x0  }
0x20: {  	s5 =	sshll.u32 s28, $0x1;
	[dreg:$0x2] =	wrdreg s3  }
0x21: {  	[dreg:$0x3] =	wrdreg s5  }
0x22: {  	[dreg:$0x4] =	wrdreg $0xC0  }
0x23: {  	_ =	task [dreg:s7], $0x5FFFF  }
0x24: {  	[dreg:$0x1] =	wrdreg $0xFFFFFFFF  }
0x25: {  	[dreg:$0x0] =	wrdreg $0x60  }
0x26: {  	[dreg:$0x2] =	wrdreg s25  }
0x27: {  	[dreg:$0x3] =	wrdreg s2  }
0x28: {  	[dreg:$0x4] =	wrdreg $0x9  }
0x29: {  	_ =	task.clear_ibuf [dreg:s7], $0x5FFFF;
	_ =	strace $0x90000049  }
0x2a: {  	s29 =	simm.s32 $0x9;
	_ =	strace $0x8000004B  }
0x2b: {  	_ =	swait.ge [sflag:s29], $0x1  }
0x2c: {  	[sflag:s29] =	ssyncadd.s32 $0xFFFFFFFF  }
0x2d: {  	_ =	strace $0x9000004B  }
0x2e: {  	_ =	sfence  }
0x2f: {  	s30 =	sld [smem:$0x0];
	_ =	sdelay $0x2  }
0x30: {  	s31 =	sshll.u32 s1, $0xD;
	s1 =	sshrl.u32 s1, $0x2  }
0x31: {  	s3 =	sand.u32 $0x4000, s31;
	s1 =	sadd.s32 s1, s30  }
0x32: {  	s0 =	sor.u32 s3, s0;
	s1 =	sshll.u32 s1, $0x11  }
0x33: {  	s0 =	sor.u32 s1, s0  }
0x34: {  	s0 =	sadd.s32 $0x8F2B, s0  }
0x35: {  	[sflag:s0] =	ssyncadd.remote.s32 $0x1  }
0x36: {  	_ =	sfence.sel $0xFFFF  }
0x37: {  	[dreg:$0x0] =	wrdreg $0xFFFFFFFF;
	(pc) =	sbr.abs _section_cstart, $3  }
0x38: {  	[dreg:$0x1] =	wrdreg $0xFFFFFFFF  }
0x39: {  	_ =	task.clear_ibuf [dreg:s7], $0x2FFFF;
	_ =	strace $0x9FFFFFFF  }
0x3a: {  	(tm) =	ssettm $0x7FFFFFFF  }
0x3b: {  	_ =	shalt  }
tec
execute0_lowered:
.L_overlay_start_1:
0x0: {  	(tag) =	ssettag $0x1  }
0x1: {  	s5 =	rddreg [dreg:$0x0]  }
0x2: {  	s0 =	srdreg.scid;
	s3 =	rddreg [dreg:$0x1];
	s7 =	simm.s32 $0x1  }
0x3: {  	s8 =	simm.s32 $0x2;
	s15 =	simm.s32 $0x0;
	s1 =	sshll.u32 s0, $0x4  }
0x4: {  	s14 =	simm.s32 $0x0;
	s0 =	stileid.u32;
	s1 =	sand.u32 $0x10, s1  }
0x5: {  	s9 =	simm.s32 $0x0;
	s10 =	simm.s32 $0x0;
	s1 =	sor.u32 s0, s1  }
0x6: {  	s11 =	simm.s32 $0x0;
	s13 =	simm.s32 $0x0;
	s2 =	sshll.u32 s1, $0x7  }
0x7: {  	s5 =	sadd.s32 $0xA00, s5;
	s1 =	rddreg [dreg:$0x2];
	s6 =	ssub.s32 $0x10000, s2  }
.Ltmp0:
0x8: {  	_ =	strace $0x8000004A;
	s4 =	sand.u32 $0xF80, s6;
	(pc) =	sbr.rel .LBB1_1-.Ltmp0, $4  }
0x9: {  	s12 =	smov.u32 s2;
	p0 =	sne.s32 s4, $0x0;
	s4 =	simm.s32 $0x1  }
0xa: {  	s6 =	sshrl.u32 s6, $0xC;
	s7 =	simm.s32 @!p0 $0x0;
	[sflag:s4] =	ssyncpa.u1 $0x0  }
0xb: {  	p0 =	por $0x0, $0x0;
	s7 =	sadd.s32 s7, s6;
	[sflag:s8] =	ssyncpa.u1 $0x0  }
0xc: {  	s8 =	simm.s32 $0x80000;
	s6 =	sshll.u32 s7, $0x1;
	s7 =	sshllo.u32 s7, $0x1  }
.LBB1_4:
0xd: {  	s21 =	sshll.u32 s9, $0x10;
	s22 =	sshll.u32 s10, $0x3;
	s20 =	sshra.s32 s20, $0x2  }
0xe: {  	s28 =	sand.u32 $0x78, s10;
	s29 =	sshll.u32 s9, $0x7;
	p1 =	sgt.s32 s9, $0x8  }
0xf: {  	s25 =	sshra.s32 s9, $0x1F;
	s31 =	sshra.s32 s10, $0x1F;
	s21 =	sand.u32 $0xFFF80000, s21  }
0x10: {  	s23 =	sand.u32 $0xFFFFFC00, s22;
	s19 =	sadd.s32 s20, s19;
	s22 =	sand.u32 $0xFC00, s22  }
0x11: {  	v5 =	vld [tilespmem:s17+$0xFFFFFFD0];
	[tilespmem:s18+$0x2040 ss:$0x81] =	vst.msk $0xffff, v4;
	s25 =	sand.u32 s25, s9;
	s27 =	sadd.s32 s23, s21;
	s23 =	sand.u32 $0x380, s29  }
0x12: {  	v58 =	vld [tilespmem:s17+$0xFFFFFFE0];
	[tilespmem:s18+$0x2850 ss:$0x81] =	vst.msk $0xffff, v3;
	s21 =	sor.u32 s28, s22;
	s22 =	smov.u32 s9;
	s20 =	sshrl.u32 s27, $0x10  }
0x13: {  	v59 =	vld [tilespmem:s17+$0xFFFFFFF0];
	[tilespmem:s18+$0x3060 ss:$0x81] =	vst.msk $0xffff, v2;
	s22 =	simm.s32 @!p1 $0x8;
	p1 =	sgt.s32 s10, $0xFF80;
	s24 =	smul.u32 $0xF0F1, s20  }
0x14: {  	v60 =	vld [tilespmem:s17+$0x0];
	[tilespmem:s18+$0x0 ss:$0x81] =	vst.msk $0xffff, v1;
	s21 =	sor.u32 s23, s21;
	s30 =	ssub.s32 s22, s25;
	s22 =	smov.u32 s10  }
0x15: {  	v61 =	vld [tilespmem:s17+$0x10];
	[tilespmem:s19+$0x3870 ss:$0x81] =	vst.msk $0xffff, v0;
	s25 =	sand.u32 s31, s10;
	s22 =	simm.s32 @!p1 $0xFF80;
	s24 =	sshrl.u32 s24, $0x17  }
0x16: {  	v62 =	vld [tilespmem:s17+$0x20];
	[tilespmem:s19+$0x810 ss:$0x81] =	vst.msk $0xffff, v5;
	s26 =	sadd.s32 $0xFFFFFFF8, s30;
	s22 =	ssub.s32 s22, s25;
	s24 =	smul.u32 $0x88, s24  }
0x17: {  	v63 =	vld [tilespmem:s17+$0xFFFFFFC0];
	[tilespmem:s19+$0x1020 ss:$0x81] =	vst.msk $0xffff, v58;
	s18 =	ssub.s32 $0x88, s30;
	p1 =	sgt.s32 s26, $0x7F;
	s28 =	sadd.s32 $0xFFFF0080, s22  }
0x18: {  	[tilespmem:s19+$0x1830 ss:$0x81] =	vst.msk $0xffff, v59;
	p2 =	sgt.s32 s28, $0x7F;
	s27 =	ssub.s32 s20, s24;
	s20 =	ssub.s32 $0x10000, s22  }
0x19: {  	s29 =	sshrl.u32 s21, $0x3;
	[tilespmem:s19+$0x2040 ss:$0x81] =	vst.msk $0xffff, v60;
	s18 =	simm.s32 @p1 $0x0;
	s20 =	simm.s32 @p2 $0x0  }
0x1a: {  	[tilespmem:s19+$0x2850 ss:$0x81] =	vst.msk $0xffff, v61;
	s30 =	sand.u32 $0x7, s10;
	s17 =	sand.u32 $0xFFFF, s27;
	s18 =	smul.u32 s20, s18  }
0x1b: {  	[tilespmem:s19+$0x3060 ss:$0x81] =	vst.msk $0xffff, v62;
	s21 =	sshll.u32 s30, $0x12;
	s17 =	sshll.u32 s17, $0xD;
	s20 =	sadd.s32 s3, s29  }
0x1c: {  	[tilespmem:s19+$0x0 ss:$0x81] =	vst.msk $0xffff, v63;
	s31 =	sor.u32 $0x400, s21;
	s17 =	sadd.s32 s17, s20;
	s18 =	sand.u32 $0x3FFFFFFF, s18  }
0x1d: {  	[hbm4b:s17+s31] =	stream.strided.scatter [tilespmem:s16], [sflag:$0x2], s18, s8, s31, $0x20;
	[tilespmem:$0x10100] =	vst v63  }
.LBB1_5:
0x1e: {  	p1 =	slt.u32 s13, $0x2  }
0x1f: {  	s17 =	smov.u32 s15;
	p2 =	sgt.s32 @!p1 s15, $0x8;
	s16 =	sshra.s32 @!p1 s15, $0x1F  }
0x20: {  	p3 =	sgt.s32 @!p1 s14, $0xFF80;
	s18 =	sshra.s32 @!p1 s14, $0x1F;
	p2 =	por !p2, p1  }
0x21: {  	s15 =	sand.u32 @!p1 s16, s15;
	p3 =	por !p3, p1;
	s16 =	smov.u32 s14  }
0x22: {  	s14 =	sand.u32 @!p1 s18, s14;
	s17 =	simm.s32 @p2 $0x8;
	s16 =	simm.s32 @p3 $0xFF80  }
0x23: {  	s15 =	ssub.s32 @!p1 s17, s15;
	s14 =	ssub.s32 @!p1 s16, s14  }
0x24: {  	s18 =	smov.u32 s12;
	s16 =	sadd.s32 @!p1 $0xFFFFFFF8, s15;
	s17 =	sadd.s32 @!p1 $0xFFFF0080, s14  }
0x25: {  	s15 =	ssub.s32 @!p1 $0x88, s15;
	p2 =	sgt.s32 @!p1 s16, $0x7F;
	p3 =	sgt.s32 @!p1 s17, $0x7F  }
0x26: {  	s14 =	ssub.s32 @!p1 $0x10000, s14;
	p2 =	por !p2, p1;
	p3 =	por !p3, p1  }
0x27: {  	s16 =	sadd.s32 $0x80, s11;
	s15 =	simm.s32 @!p2 $0x0;
	s14 =	simm.s32 @!p3 $0x0  }
0x28: {  	p2 =	sgt.s32 s16, $0x80;
	s14 =	smul.u32 @!p1 s14, s15;
	s15 =	sadd.s32 $0x1000, s12  }
0x29: {  	s18 =	smov.u32 @p2 s15  }
0x2a: {  	s16 =	simm.s32 @p2 $0x0;
	p2 =	sgt.s32 s18, $0xFFFF  }
0x2b: {  	s18 =	smov.u32 @p2 s2;
	p2 =	sne.s32 s13, s7  }
.Ltmp1:
0x2c: {  	p0 =	por !p0, !p0;
	s17 =	simm.s32 @!p1 $0x2;
	(pc) =	sbr.rel @!p2 .LBB1_6-.Ltmp1, $4  }
0x2d: {  	s15 =	smov.u32 s9;
	s9 =	smov.u32 s11;
	s14 =	sand.u32 @!p1 $0x3FFFFFFF, s14  }
0x2e: {  	s11 =	smov.u32 s16;
	_ =	swait.ge @!p1 [sflag:s17], s14;
	s19 =	ssub.s32 @!p1 $0x0, s14  }
0x2f: {  	s14 =	smov.u32 s10;
	s13 =	sadd.s32 $0x1, s13;
	[sflag:s17] =	ssyncset.done @!p1 $0x0  }
0x30: {  	s10 =	smov.u32 s12;
	s12 =	smov.u32 s18;
	[sflag:s17] =	ssyncadd.s32 @!p1 s19  }
.LBB1_1:
0x31: {  	p1 =	sge.u32 s13, s6  }
0x32: {  	s31 =	sadd.s32 $0xFFFFFFFF, s13;
	s16 =	sshll.u32 @!p1 s12, $0x8  }
0x33: {  	s17 =	sshll.u32 @!p1 s11, $0x3;
	s18 =	sshll.u32 @!p1 s12, $0x7;
	s16 =	sand.u32 @!p1 $0xFFF800, s16  }
0x34: {  	s19 =	sand.u32 @!p1 $0x78, s11;
	s16 =	sadd.s32 @!p1 s16, s17;
	s17 =	sand.u32 @!p1 $0x380, s18  }
0x35: {  	s18 =	sxor.u32 @!p1 $0xFFFFFFFF, s13;
	s16 =	sand.u32 @!p1 $0xFFFC00, s16;
	s17 =	sor.u32 @!p1 s17, s19  }
0x36: {  	s18 =	sshll.u32 @!p1 s18, $0xE;
	s16 =	sor.u32 @!p1 s16, s17;
	s17 =	sand.u32 @!p1 $0x7, s11  }
0x37: {  	s19 =	simm.s32 @!p1 $0x800;
	s16 =	sshrl.u32 @!p1 s16, $0x3;
	s17 =	sshll.u32 @!p1 s17, $0x12  }
0x38: {  	s18 =	sand.u32 @!p1 $0x4000, s18;
	s16 =	sadd.s32 @!p1 s5, s16;
	s17 =	sor.u32 @!p1 $0x400, s17  }
0x39: {  	[tilespmem:s18], [sflag:$0x1] =	stream.strided.gather @!p1 [hbm4b:s16+s17], $0x4000, s19, s17, $0x38;
	[tilespmem:$0x10100] =	vst v63  }
0x3a: {  	p1 =	sge.u32 s31, s6  }
.Ltmp2:
0x3b: {  	_ = 	snop;
	(pc) =	sbr.rel @p1 .LBB1_5-.Ltmp2, $1  }
0x3c: {  	_ =	sdelay $0x3  }
0x3d: {  	s16 =	simm.s32 $0x1  }
0x3e: {  	_ =	swait.ge [sflag:s4], $0x4000;
	s16 =	simm.s32 @!p0 $0x0  }
0x3f: {  	[sflag:s4] =	ssyncset.done $0x0;
	s17 =	sshll.u32 s16, $0xE  }
0x40: {  	[sflag:s4] =	ssyncadd.s32 $0xFFFFC000;
	s17 =	sor.u32 $0x40, s17  }
0x41: {  	s16 =	smul.u32 $0x10200, s16;
	v0 =	vld [tilespmem:s17+$0x30]  }
0x42: {  	v1 =	vld [tilespmem:s17+$0xFFFFFFD0]  }
0x43: {  	s16 =	sshrl.u32 s16, $0x2;
	v5 =	vld [tilespmem:s17+$0xFFFFFFE0]  }
0x44: {  	v6 =	vld [tilespmem:s17+$0xFFFFFFF0];
	s19 =	sor.u32 $0x8000, s16  }
0x45: {  	s31 =	sand.u32 $0x1, s13;
	v4 =	vld [tilespmem:s17+$0x0];
	s18 =	sadd.s32 $0x0, s19  }
0x46: {  	v3 =	vld [tilespmem:s17+$0x10];
	s16 =	smul.u32 $0x10200, s31;
	[tilespmem:s18+$0x3870 ss:$0x81] =	vst.msk $0xffff, v0  }
0x47: {  	v2 =	vld [tilespmem:s17+$0x20];
	[tilespmem:s18+$0x810 ss:$0x81] =	vst.msk $0xffff, v1  }
0x48: {  	s16 =	sshrl.u32 s16, $0x2;
	v1 =	vld [tilespmem:s17+$0xFFFFFFC0];
	[tilespmem:s18+$0x1020 ss:$0x81] =	vst.msk $0xffff, v5;
	s17 =	sadd.s32 $0x80, s17  }
0x49: {  	s20 =	simm.s32 $0x4;
	s21 =	simm.s32 $0x8;
	s16 =	sor.u32 $0x8000, s16;
	[tilespmem:s18+$0x1830 ss:$0x81] =	vst.msk $0xffff, v6;
	v0 =	vld [tilespmem:s17+$0x30]  }
.LBB1_3:
0x4a: {  	p1 =	sne.s32 s21, $0x1FC;
	v5 =	vld [tilespmem:s17+$0xFFFFFFD0];
	[tilespmem:s18+$0x2040 ss:$0x81] =	vst.msk $0xffff, v4  }
0x4b: {  	v6 =	vld [tilespmem:s17+$0xFFFFFFE0];
	[tilespmem:s18+$0x2850 ss:$0x81] =	vst.msk $0xffff, v3  }
0x4c: {  	s22 =	sshra.s32 s20, $0x2;
	s20 =	smov.u32 s21;
	v7 =	vld [tilespmem:s17+$0xFFFFFFF0];
	[tilespmem:s18+$0x3060 ss:$0x81] =	vst.msk $0xffff, v2  }
.Ltmp3:
0x4d: {  	v4 =	vld [tilespmem:s17+$0x0];
	[tilespmem:s18+$0x0 ss:$0x81] =	vst.msk $0xffff, v1;
	s18 =	sadd.s32 s22, s19;
	(pc) =	sbr.rel @p1 .LBB1_3-.Ltmp3, $4  }
0x4e: {  	v3 =	vld [tilespmem:s17+$0x10];
	[tilespmem:s18+$0x3870 ss:$0x81] =	vst.msk $0xffff, v0  }
0x4f: {  	[tilespmem:s18+$0x810 ss:$0x81] =	vst.msk $0xffff, v5;
	v2 =	vld [tilespmem:s17+$0x20]  }
0x50: {  	v1 =	vld [tilespmem:s17+$0xFFFFFFC0];
	[tilespmem:s18+$0x1020 ss:$0x81] =	vst.msk $0xffff, v6;
	s17 =	sadd.s32 $0x80, s17  }
0x51: {  	s21 =	sadd.s32 $0x4, s21;
	v0 =	vld [tilespmem:s17+$0x30];
	[tilespmem:s18+$0x1830 ss:$0x81] =	vst.msk $0xffff, v7  }
.Ltmp4:
0x52: {  	_ = 	snop;
	(pc) =	sbr.rel .LBB1_4-.Ltmp4, $1  }
0x53: {  	_ =	sdelay $0x3  }
.LBB1_6:
0x54: {  	_ =	sfence.sel $0x180000  }
0x55: {  	s2 =	simm.s32 $0x1;
	[bflag:$0x0] =	sbarrier.arrive $0xFFFF  }
0x56: {  	s31 =	simm.s32 $0x2;
	[sflag:s2] =	ssyncpa.u1 $0x1  }
0x57: {  	[sflag:s31] =	ssyncpa.u1 $0x1  }
0x58: {  	p0 =	sne.s32 s0, $0x0;
	_ =	strace $0x9000004A  }
0x59: {  	s0 =	sadd.s32 @!p0 $0x100000, s1;
	[bflag:$0x2] =	sbarrier.arrive $0xFFFF  }
0x5a: {  	[sflag:s0] =	ssyncadd.tile.s32 @!p0 $0x1;
	_ =	shalt  }
.Lfunc_end1:
_tile_overlayer_lowered:
.L_overlay_start_2:
0x5b: {  	(tag) =	ssettag $0x2  }
0x5c: {  	s0 =	rddreg [dreg:$0x0];
	s2 =	stileid.u32  }
0x5d: {  	s1 =	rddreg [dreg:$0x1];
	p0 =	sne.s32 s2, $0x0  }
0x5e: {  	s3 =	rddreg [dreg:$0x2];
	[bflag:$0x3] =	sbarrier.arrive $0xFFFF;
	s2 =	simm.s32 @!p0 $0x1C01  }
0x5f: {  	[timem:s3], [sflag:s2] =	dma.local @!p0 [hbm:s0], s1  }
0x60: {  	s0 =	simm.s32 @!p0 $0x1  }
0x61: {  	_ =	swait.ge @!p0 [sflag:s0], s1  }
0x62: {  	s1 =	ssub.s32 @!p0 $0x0, s1;
	[sflag:s0] =	ssyncset.done @!p0 $0x0  }
0x63: {  	[sflag:s0] =	ssyncadd.s32 @!p0 s1  }
0x64: {  	[bflag:$0x3] =	sbarrier.arrive $0xFFFF  }
0x65: {  	_ =	shalt  }

</sc_bundles>
